<compile_context>
chip_gen: v7x
topology: tpu7x:2x2x1
jax: 0.10.2.dev20260603
libtpu: 0.0.44.dev20260713+nightly
codegen_flags: <defaults>
</compile_context>

<pallas_src>
import functools

import jax
import jax.numpy as jnp
from jax import lax
from jax.experimental import pallas as pl
from jax.experimental.pallas import tpu as pltpu
from jax.experimental.pallas import tpu_sc as plsc

_BATCH = 16384
_DIM = 32
_NC = 2
_NS = 16
_NW = _NC * _NS
_ROWS_PER_W = _BATCH // _NW
_HALF = 8
_NHALF = _ROWS_PER_W // _HALF
_IDXBUF = _ROWS_PER_W + 32

_mesh = plsc.VectorSubcoreMesh(core_axis_name="c", subcore_axis_name="s")

_scratch = (
    [pltpu.VMEM((_IDXBUF,), jnp.int32)]
    + [pltpu.VMEM((_HALF, _DIM), jnp.float32) for _ in range(2)]
    + [pltpu.VMEM((_DIM, 128), jnp.float32) for _ in range(2 * _HALF)]
    + [pltpu.SemaphoreType.DMA, pltpu.SemaphoreType.DMA,
       pltpu.SemaphoreType.DMA, pltpu.SemaphoreType.DMA]
)


@functools.partial(
    pl.kernel,
    mesh=_mesh,
    out_type=jax.ShapeDtypeStruct((_BATCH, _DIM), jnp.float32),
    scratch_types=_scratch,
    compiler_params=pltpu.CompilerParams(needs_layout_passes=False),
)
def _gather_kernel(idx_hbm, table_t_hbm, out_hbm, idx_v, half_a, half_b,
                   *rest):
    halves = (half_a, half_b)
    bufs = (rest[:_HALF], rest[_HALF:2 * _HALF])
    gsems = rest[2 * _HALF:2 * _HALF + 2]
    osems = rest[2 * _HALF + 2:]
    wid = lax.axis_index("s") * _NC + lax.axis_index("c")
    base = wid * _ROWS_PER_W
    pltpu.sync_copy(
        idx_hbm.at[pl.ds(base, _ROWS_PER_W)], idx_v.at[pl.ds(0, _ROWS_PER_W)]
    )
    zeros = jnp.zeros((16,), jnp.int32)
    idx_v[pl.ds(_ROWS_PER_W, 16)] = zeros
    idx_v[pl.ds(_ROWS_PER_W + 16, 16)] = zeros

    lanes_lo = lax.iota(jnp.int32, 16)
    lanes_hi = lanes_lo + 16

    def fire_half(h, p):
        v = idx_v[pl.ds(h * _HALF, 16)]
        for k in range(_HALF):
            q = pl.multiple_of(
                lax.shift_left(lax.shift_right_logical(v[k], 7), 7), 128
            )
            for g in range(_DIM // 8):
                pltpu.async_copy(
                    table_t_hbm.at[pl.ds(g * 8, 8), pl.ds(q, 128)],
                    bufs[p][k].at[pl.ds(g * 8, 8), :],
                    gsems[p],
                )

    def drain_half(p):
        for k in range(_HALF):
            for g in range(_DIM // 8):
                pltpu.make_async_copy(
                    table_t_hbm.at[pl.ds(g * 8, 8), pl.ds(0, 128)],
                    bufs[p][k].at[pl.ds(g * 8, 8), :],
                    gsems[p],
                ).wait()

    def extract_and_emit(h, p):
        v = idx_v[pl.ds(h * _HALF, 16)]
        for k in range(_HALF):
            r = jnp.full((16,), lax.bitwise_and(v[k], 127), jnp.int32)
            j = jnp.full((16,), k, jnp.int32)
            lo = plsc.load_gather(bufs[p][k], [lanes_lo, r])
            plsc.store_scatter(halves[p], [j, lanes_lo], lo)
            hi = plsc.load_gather(bufs[p][k], [lanes_hi, r])
            plsc.store_scatter(halves[p], [j, lanes_hi], hi)
        pltpu.async_copy(
            halves[p], out_hbm.at[pl.ds(base + h * _HALF, _HALF)], osems[p]
        )

    def drain_out(p):
        pltpu.make_async_copy(
            halves[p], out_hbm.at[pl.ds(base, _HALF)], osems[p]
        ).wait()

    fire_half(0, 0)
    fire_half(1, 1)

    def body(g, started):
        for p in range(2):
            h = 2 * g + p
            drain_half(p)
            @pl.when(started[p] != 0)
            def _():
                drain_out(p)
            extract_and_emit(h, p)
            fire_half(h + 2, p)
        return (jnp.int32(1), jnp.int32(1))

    lax.fori_loop(0, _NHALF // 2, body, (jnp.int32(0), jnp.int32(0)))
    drain_half(0)
    drain_half(1)
    drain_out(0)
    drain_out(1)


def kernel(y_true, proxies):
    return _gather_kernel(y_true.astype(jnp.int32), proxies.T)

# --- scband reference (transcript-rebuilt; emitter-appended) ---
"""Pipeline reference for scband-proxy-net-79731772883626 (READ-ONLY COPY).

The authoritative reference and input builder live on the scoring server;
editing this copy changes nothing except your own understanding.
"""

import jax, jax.numpy as jnp
import numpy as np

N_CLASSES = 1000000
EMBED_DIM = 32
BATCH = 16384


def setup_inputs(seed: int = 0) -> dict:
    key = jax.random.key(seed)
    k_idx, k_tab = jax.random.split(key)
    y_true = jax.random.randint(k_idx, (BATCH,), 0, N_CLASSES, dtype=jnp.int64 if jax.config.jax_enable_x64 else jnp.int32)
    proxies = jax.random.normal(k_tab, (N_CLASSES, EMBED_DIM), dtype=jnp.float32)
    # normalize_proxies: divide each row by its L2 norm (as done in __init__)
    proxies = proxies / jnp.linalg.norm(proxies, ord=2, axis=1, keepdims=True)
    return {"y_true": y_true, "proxies": proxies}


def reference(y_true, proxies):
    # forward: proxies_y_true = self.proxies(y_true)  (embedding gather)
    proxies_y_true = jnp.take(proxies, y_true, axis=0)
    return proxies_y_true

if __name__ == "__main__":
    import jax
    _d = setup_inputs()
    print(jax.jit(kernel)(*tuple(_d.values())))

</pallas_src>

<mosaic_0001>
#map = affine_map<(d0, d1) -> (0)>
#map1 = affine_map<(d0, d1) -> (0, 0)>
module attributes {stable_mosaic.version = 14 : i64} {
  func.func @_gather_kernel(%arg0: i32, %arg1: i32, %arg2: memref<16384xi32, #tpu.memory_space<hbm>>, %arg3: memref<32x1000000xf32, #tpu.memory_space<hbm>>, %arg4: memref<16384x32xf32, #tpu.memory_space<hbm>>, %arg5: memref<544xi32, #tpu.memory_space<vmem>>, %arg6: memref<8x32xf32, #tpu.memory_space<vmem>>, %arg7: memref<8x32xf32, #tpu.memory_space<vmem>>, %arg8: memref<32x128xf32, #tpu.memory_space<vmem>>, %arg9: memref<32x128xf32, #tpu.memory_space<vmem>>, %arg10: memref<32x128xf32, #tpu.memory_space<vmem>>, %arg11: memref<32x128xf32, #tpu.memory_space<vmem>>, %arg12: memref<32x128xf32, #tpu.memory_space<vmem>>, %arg13: memref<32x128xf32, #tpu.memory_space<vmem>>, %arg14: memref<32x128xf32, #tpu.memory_space<vmem>>, %arg15: memref<32x128xf32, #tpu.memory_space<vmem>>, %arg16: memref<32x128xf32, #tpu.memory_space<vmem>>, %arg17: memref<32x128xf32, #tpu.memory_space<vmem>>, %arg18: memref<32x128xf32, #tpu.memory_space<vmem>>, %arg19: memref<32x128xf32, #tpu.memory_space<vmem>>, %arg20: memref<32x128xf32, #tpu.memory_space<vmem>>, %arg21: memref<32x128xf32, #tpu.memory_space<vmem>>, %arg22: memref<32x128xf32, #tpu.memory_space<vmem>>, %arg23: memref<32x128xf32, #tpu.memory_space<vmem>>, %arg24: memref<!tpu.dma_semaphore, #tpu.memory_space<semaphore_mem>>, %arg25: memref<!tpu.dma_semaphore, #tpu.memory_space<semaphore_mem>>, %arg26: memref<!tpu.dma_semaphore, #tpu.memory_space<semaphore_mem>>, %arg27: memref<!tpu.dma_semaphore, #tpu.memory_space<semaphore_mem>>) attributes {dimension_semantics = [#tpu.dimension_semantics<core_parallel>, #tpu.dimension_semantics<subcore_parallel>], iteration_bounds = array<i64: 2, 16>, scalar_prefetch = 0 : i64, scratch_operands = 23 : i64, tpu.core_type = #tpu.core_type<sc_vector_subcore>, window_params = [{transform_indices = #map}, {transform_indices = #map1}, {transform_indices = #map1}]} {
    %mul3A = arith.constant 2 : i32
    %mul3A_0 = arith.muli %arg1, %mul3A : i32
    %add3A = arith.addi %mul3A_0, %arg0 : i32
    %mul3A_1 = arith.constant 512 : i32
    %mul3A_2 = arith.muli %add3A, %mul3A_1 : i32
    "tpu.region"() ({
      %run_scoped3A = tpu.sem_alloc : memref<!tpu.dma_semaphore, #tpu.memory_space<semaphore_mem>>
      %dma_start3A_1541 = arith.constant 0 : i32
      %dma_start3A_1542 = tpu.memref_slice %arg5[%dma_start3A_1541] : memref<544xi32, #tpu.memory_space<vmem>> -> memref<512xi32, #tpu.memory_space<vmem>>
      %dma_start3A_1543 = tpu.memref_slice %arg2[%mul3A_2] : memref<16384xi32, #tpu.memory_space<hbm>> -> memref<512xi32, #tpu.memory_space<hbm>>
      %dma_start3A_1544 = arith.constant 0 : i32
      %dma_start3A_1545 = tpu.memref_slice %arg5[%dma_start3A_1544] : memref<544xi32, #tpu.memory_space<vmem>> -> memref<512xi32, #tpu.memory_space<vmem>>
      %dma_start3A_1546 = tpu.memref_slice %arg2[%mul3A_2] : memref<16384xi32, #tpu.memory_space<hbm>> -> memref<512xi32, #tpu.memory_space<hbm>>
      tpu.enqueue_dma source(%dma_start3A_1546 : memref<512xi32, #tpu.memory_space<hbm>>) target(%dma_start3A_1545 : memref<512xi32, #tpu.memory_space<vmem>>) target_semaphore(%run_scoped3A : memref<!tpu.dma_semaphore, #tpu.memory_space<semaphore_mem>>)
      %dma_wait3A_1547 = arith.constant 0 : i32
      %dma_wait3A_1548 = tpu.memref_slice %arg5[%dma_wait3A_1547] : memref<544xi32, #tpu.memory_space<vmem>> -> memref<512xi32, #tpu.memory_space<vmem>>
      %dma_wait3A_1549 = tpu.memref_slice %arg2[%mul3A_2] : memref<16384xi32, #tpu.memory_space<hbm>> -> memref<512xi32, #tpu.memory_space<hbm>>
      %dma_wait3A_1550 = arith.constant 0 : i32
      %dma_wait3A_1551 = tpu.memref_slice %arg5[%dma_wait3A_1550] : memref<544xi32, #tpu.memory_space<vmem>> -> memref<512xi32, #tpu.memory_space<vmem>>
      %dma_wait3A_1552 = tpu.memref_slice %arg2[%mul3A_2] : memref<16384xi32, #tpu.memory_space<hbm>> -> memref<512xi32, #tpu.memory_space<hbm>>
      tpu.wait_dma2 semaphore(%run_scoped3A : memref<!tpu.dma_semaphore, #tpu.memory_space<semaphore_mem>>) src(%dma_wait3A_1552 : memref<512xi32, #tpu.memory_space<hbm>>) dst(%dma_wait3A_1551 : memref<512xi32, #tpu.memory_space<vmem>>)
      tpu.yield
    }) : () -> ()
    %broadcast_in_dim3A = arith.constant 0 : i32
    %broadcast_in_dim3A_3 = vector.broadcast %broadcast_in_dim3A : i32 to vector<16xi32>
    %swap3A = arith.constant 512 : index
    %swap3A_4 = tpu.vector_load %arg5[%swap3A] {strides = array<i32>} : memref<544xi32, #tpu.memory_space<vmem>>, vector<16xi32>,
    tpu.vector_store %arg5[%swap3A], %broadcast_in_dim3A_3 {strides = array<i32>} : memref<544xi32, #tpu.memory_space<vmem>>, vector<16xi32>,
    %swap3A_5 = arith.constant 528 : index
    %swap3A_6 = tpu.vector_load %arg5[%swap3A_5] {strides = array<i32>} : memref<544xi32, #tpu.memory_space<vmem>>, vector<16xi32>,
    tpu.vector_store %arg5[%swap3A_5], %broadcast_in_dim3A_3 {strides = array<i32>} : memref<544xi32, #tpu.memory_space<vmem>>, vector<16xi32>,
    %iota3A = tpu.iota {dimensions = array<i32: 0>} : vector<16xi32>
    %add3A_7 = arith.constant 16 : i32
    %add3A_8 = vector.broadcast %add3A_7 : i32 to vector<16xi32>
    %add3A_9 = arith.addi %iota3A, %add3A_8 : vector<16xi32>
    %get3A = arith.constant 0 : index
    %get3A_10 = tpu.vector_load %arg5[%get3A] {strides = array<i32>} : memref<544xi32, #tpu.memory_space<vmem>>, vector<16xi32>,
    %slice3A = vector.extract_strided_slice %get3A_10 {offsets = [0], sizes = [1], strides = [1]} : vector<16xi32> to vector<1xi32>
    %squeeze3A = vector.extract %slice3A[0] : i32 from vector<1xi32>
    %shift_right_logical3A = arith.constant 7 : i32
    %shift_right_logical3A_11 = arith.shrui %squeeze3A, %shift_right_logical3A : i32
    %shift_left3A = arith.constant 7 : i32
    %shift_left3A_12 = arith.shli %shift_right_logical3A_11, %shift_left3A : i32
    %multiple_of3A = tpu.assume_multiple %shift_left3A_12, 128 : i32
    %dma_start3A = arith.constant 0 : i32
    %dma_start3A_13 = arith.constant 0 : i32
    %dma_start3A_14 = tpu.memref_slice %arg8[%dma_start3A, %dma_start3A_13] : memref<32x128xf32, #tpu.memory_space<vmem>> -> memref<8x128xf32, #tpu.memory_space<vmem>>
    %dma_start3A_15 = arith.constant 0 : i32
    %dma_start3A_16 = tpu.memref_slice %arg3[%dma_start3A_15, %multiple_of3A] : memref<32x1000000xf32, #tpu.memory_space<hbm>> -> memref<8x128xf32, #tpu.memory_space<hbm>>
    %dma_start3A_17 = arith.constant 0 : i32
    %dma_start3A_18 = arith.constant 0 : i32
    %dma_start3A_19 = tpu.memref_slice %arg8[%dma_start3A_17, %dma_start3A_18] : memref<32x128xf32, #tpu.memory_space<vmem>> -> memref<8x128xf32, #tpu.memory_space<vmem>>
    %dma_start3A_20 = arith.constant 0 : i32
    %dma_start3A_21 = tpu.memref_slice %arg3[%dma_start3A_20, %multiple_of3A] : memref<32x1000000xf32, #tpu.memory_space<hbm>> -> memref<8x128xf32, #tpu.memory_space<hbm>>
    tpu.enqueue_dma source(%dma_start3A_21 : memref<8x128xf32, #tpu.memory_space<hbm>>) target(%dma_start3A_19 : memref<8x128xf32, #tpu.memory_space<vmem>>) target_semaphore(%arg24 : memref<!tpu.dma_semaphore, #tpu.memory_space<semaphore_mem>>)
    %dma_start3A_22 = arith.constant 8 : i32
    %dma_start3A_23 = arith.constant 0 : i32
    %dma_start3A_24 = tpu.memref_slice %arg8[%dma_start3A_22, %dma_start3A_23] : memref<32x128xf32, #tpu.memory_space<vmem>> -> memref<8x128xf32, #tpu.memory_space<vmem>>
    %dma_start3A_25 = arith.constant 8 : i32
    %dma_start3A_26 = tpu.memref_slice %arg3[%dma_start3A_25, %multiple_of3A] : memref<32x1000000xf32, #tpu.memory_space<hbm>> -> memref<8x128xf32, #tpu.memory_space<hbm>>
    %dma_start3A_27 = arith.constant 8 : i32
    %dma_start3A_28 = arith.constant 0 : i32
    %dma_start3A_29 = tpu.memref_slice %arg8[%dma_start3A_27, %dma_start3A_28] : memref<32x128xf32, #tpu.memory_space<vmem>> -> memref<8x128xf32, #tpu.memory_space<vmem>>
    %dma_start3A_30 = arith.constant 8 : i32
    %dma_start3A_31 = tpu.memref_slice %arg3[%dma_start3A_30, %multiple_of3A] : memref<32x1000000xf32, #tpu.memory_space<hbm>> -> memref<8x128xf32, #tpu.memory_space<hbm>>
    tpu.enqueue_dma source(%dma_start3A_31 : memref<8x128xf32, #tpu.memory_space<hbm>>) target(%dma_start3A_29 : memref<8x128xf32, #tpu.memory_space<vmem>>) target_semaphore(%arg24 : memref<!tpu.dma_semaphore, #tpu.memory_space<semaphore_mem>>)
    %dma_start3A_32 = arith.constant 16 : i32
    %dma_start3A_33 = arith.constant 0 : i32
    %dma_start3A_34 = tpu.memref_slice %arg8[%dma_start3A_32, %dma_start3A_33] : memref<32x128xf32, #tpu.memory_space<vmem>> -> memref<8x128xf32, #tpu.memory_space<vmem>>
    %dma_start3A_35 = arith.constant 16 : i32
    %dma_start3A_36 = tpu.memref_slice %arg3[%dma_start3A_35, %multiple_of3A] : memref<32x1000000xf32, #tpu.memory_space<hbm>> -> memref<8x128xf32, #tpu.memory_space<hbm>>
    %dma_start3A_37 = arith.constant 16 : i32
    %dma_start3A_38 = arith.constant 0 : i32
    %dma_start3A_39 = tpu.memref_slice %arg8[%dma_start3A_37, %dma_start3A_38] : memref<32x128xf32, #tpu.memory_space<vmem>> -> memref<8x128xf32, #tpu.memory_space<vmem>>
    %dma_start3A_40 = arith.constant 16 : i32
    %dma_start3A_41 = tpu.memref_slice %arg3[%dma_start3A_40, %multiple_of3A] : memref<32x1000000xf32, #tpu.memory_space<hbm>> -> memref<8x128xf32, #tpu.memory_space<hbm>>
    tpu.enqueue_dma source(%dma_start3A_41 : memref<8x128xf32, #tpu.memory_space<hbm>>) target(%dma_start3A_39 : memref<8x128xf32, #tpu.memory_space<vmem>>) target_semaphore(%arg24 : memref<!tpu.dma_semaphore, #tpu.memory_space<semaphore_mem>>)
    %dma_start3A_42 = arith.constant 24 : i32
    %dma_start3A_43 = arith.constant 0 : i32
    %dma_start3A_44 = tpu.memref_slice %arg8[%dma_start3A_42, %dma_start3A_43] : memref<32x128xf32, #tpu.memory_space<vmem>> -> memref<8x128xf32, #tpu.memory_space<vmem>>
    %dma_start3A_45 = arith.constant 24 : i32
    %dma_start3A_46 = tpu.memref_slice %arg3[%dma_start3A_45, %multiple_of3A] : memref<32x1000000xf32, #tpu.memory_space<hbm>> -> memref<8x128xf32, #tpu.memory_space<hbm>>
    %dma_start3A_47 = arith.constant 24 : i32
    %dma_start3A_48 = arith.constant 0 : i32
    %dma_start3A_49 = tpu.memref_slice %arg8[%dma_start3A_47, %dma_start3A_48] : memref<32x128xf32, #tpu.memory_space<vmem>> -> memref<8x128xf32, #tpu.memory_space<vmem>>
    %dma_start3A_50 = arith.constant 24 : i32
    %dma_start3A_51 = tpu.memref_slice %arg3[%dma_start3A_50, %multiple_of3A] : memref<32x1000000xf32, #tpu.memory_space<hbm>> -> memref<8x128xf32, #tpu.memory_space<hbm>>
    tpu.enqueue_dma source(%dma_start3A_51 : memref<8x128xf32, #tpu.memory_space<hbm>>) target(%dma_start3A_49 : memref<8x128xf32, #tpu.memory_space<vmem>>) target_semaphore(%arg24 : memref<!tpu.dma_semaphore, #tpu.memory_space<semaphore_mem>>)
    %slice3A_52 = vector.extract_strided_slice %get3A_10 {offsets = [1], sizes = [1], strides = [1]} : vector<16xi32> to vector<1xi32>
    %squeeze3A_53 = vector.extract %slice3A_52[0] : i32 from vector<1xi32>
    %shift_right_logical3A_54 = arith.constant 7 : i32
    %shift_right_logical3A_55 = arith.shrui %squeeze3A_53, %shift_right_logical3A_54 : i32
    %shift_left3A_56 = arith.constant 7 : i32
    %shift_left3A_57 = arith.shli %shift_right_logical3A_55, %shift_left3A_56 : i32
    %multiple_of3A_58 = tpu.assume_multiple %shift_left3A_57, 128 : i32
    %dma_start3A_59 = arith.constant 0 : i32
    %dma_start3A_60 = arith.constant 0 : i32
    %dma_start3A_61 = tpu.memref_slice %arg9[%dma_start3A_59, %dma_start3A_60] : memref<32x128xf32, #tpu.memory_space<vmem>> -> memref<8x128xf32, #tpu.memory_space<vmem>>
    %dma_start3A_62 = arith.constant 0 : i32
    %dma_start3A_63 = tpu.memref_slice %arg3[%dma_start3A_62, %multiple_of3A_58] : memref<32x1000000xf32, #tpu.memory_space<hbm>> -> memref<8x128xf32, #tpu.memory_space<hbm>>
    %dma_start3A_64 = arith.constant 0 : i32
    %dma_start3A_65 = arith.constant 0 : i32
    %dma_start3A_66 = tpu.memref_slice %arg9[%dma_start3A_64, %dma_start3A_65] : memref<32x128xf32, #tpu.memory_space<vmem>> -> memref<8x128xf32, #tpu.memory_space<vmem>>
    %dma_start3A_67 = arith.constant 0 : i32
    %dma_start3A_68 = tpu.memref_slice %arg3[%dma_start3A_67, %multiple_of3A_58] : memref<32x1000000xf32, #tpu.memory_space<hbm>> -> memref<8x128xf32, #tpu.memory_space<hbm>>
    tpu.enqueue_dma source(%dma_start3A_68 : memref<8x128xf32, #tpu.memory_space<hbm>>) target(%dma_start3A_66 : memref<8x128xf32, #tpu.memory_space<vmem>>) target_semaphore(%arg24 : memref<!tpu.dma_semaphore, #tpu.memory_space<semaphore_mem>>)
    %dma_start3A_69 = arith.constant 8 : i32
    %dma_start3A_70 = arith.constant 0 : i32
    %dma_start3A_71 = tpu.memref_slice %arg9[%dma_start3A_69, %dma_start3A_70] : memref<32x128xf32, #tpu.memory_space<vmem>> -> memref<8x128xf32, #tpu.memory_space<vmem>>
    %dma_start3A_72 = arith.constant 8 : i32
    %dma_start3A_73 = tpu.memref_slice %arg3[%dma_start3A_72, %multiple_of3A_58] : memref<32x1000000xf32, #tpu.memory_space<hbm>> -> memref<8x128xf32, #tpu.memory_space<hbm>>
    %dma_start3A_74 = arith.constant 8 : i32
    %dma_start3A_75 = arith.constant 0 : i32
    %dma_start3A_76 = tpu.memref_slice %arg9[%dma_start3A_74, %dma_start3A_75] : memref<32x128xf32, #tpu.memory_space<vmem>> -> memref<8x128xf32, #tpu.memory_space<vmem>>
    %dma_start3A_77 = arith.constant 8 : i32
    %dma_start3A_78 = tpu.memref_slice %arg3[%dma_start3A_77, %multiple_of3A_58] : memref<32x1000000xf32, #tpu.memory_space<hbm>> -> memref<8x128xf32, #tpu.memory_space<hbm>>
    tpu.enqueue_dma source(%dma_start3A_78 : memref<8x128xf32, #tpu.memory_space<hbm>>) target(%dma_start3A_76 : memref<8x128xf32, #tpu.memory_space<vmem>>) target_semaphore(%arg24 : memref<!tpu.dma_semaphore, #tpu.memory_space<semaphore_mem>>)
    %dma_start3A_79 = arith.constant 16 : i32
    %dma_start3A_80 = arith.constant 0 : i32
    %dma_start3A_81 = tpu.memref_slice %arg9[%dma_start3A_79, %dma_start3A_80] : memref<32x128xf32, #tpu.memory_space<vmem>> -> memref<8x128xf32, #tpu.memory_space<vmem>>
    %dma_start3A_82 = arith.constant 16 : i32
    %dma_start3A_83 = tpu.memref_slice %arg3[%dma_start3A_82, %multiple_of3A_58] : memref<32x1000000xf32, #tpu.memory_space<hbm>> -> memref<8x128xf32, #tpu.memory_space<hbm>>
    %dma_start3A_84 = arith.constant 16 : i32
    %dma_start3A_85 = arith.constant 0 : i32
    %dma_start3A_86 = tpu.memref_slice %arg9[%dma_start3A_84, %dma_start3A_85] : memref<32x128xf32, #tpu.memory_space<vmem>> -> memref<8x128xf32, #tpu.memory_space<vmem>>
    %dma_start3A_87 = arith.constant 16 : i32
    %dma_start3A_88 = tpu.memref_slice %arg3[%dma_start3A_87, %multiple_of3A_58] : memref<32x1000000xf32, #tpu.memory_space<hbm>> -> memref<8x128xf32, #tpu.memory_space<hbm>>
    tpu.enqueue_dma source(%dma_start3A_88 : memref<8x128xf32, #tpu.memory_space<hbm>>) target(%dma_start3A_86 : memref<8x128xf32, #tpu.memory_space<vmem>>) target_semaphore(%arg24 : memref<!tpu.dma_semaphore, #tpu.memory_space<semaphore_mem>>)
    %dma_start3A_89 = arith.constant 24 : i32
    %dma_start3A_90 = arith.constant 0 : i32
    %dma_start3A_91 = tpu.memref_slice %arg9[%dma_start3A_89, %dma_start3A_90] : memref<32x128xf32, #tpu.memory_space<vmem>> -> memref<8x128xf32, #tpu.memory_space<vmem>>
    %dma_start3A_92 = arith.constant 24 : i32
    %dma_start3A_93 = tpu.memref_slice %arg3[%dma_start3A_92, %multiple_of3A_58] : memref<32x1000000xf32, #tpu.memory_space<hbm>> -> memref<8x128xf32, #tpu.memory_space<hbm>>
    %dma_start3A_94 = arith.constant 24 : i32
    %dma_start3A_95 = arith.constant 0 : i32
    %dma_start3A_96 = tpu.memref_slice %arg9[%dma_start3A_94, %dma_start3A_95] : memref<32x128xf32, #tpu.memory_space<vmem>> -> memref<8x128xf32, #tpu.memory_space<vmem>>
    %dma_start3A_97 = arith.constant 24 : i32
    %dma_start3A_98 = tpu.memref_slice %arg3[%dma_start3A_97, %multiple_of3A_58] : memref<32x1000000xf32, #tpu.memory_space<hbm>> -> memref<8x128xf32, #tpu.memory_space<hbm>>
    tpu.enqueue_dma source(%dma_start3A_98 : memref<8x128xf32, #tpu.memory_space<hbm>>) target(%dma_start3A_96 : memref<8x128xf32, #tpu.memory_space<vmem>>) target_semaphore(%arg24 : memref<!tpu.dma_semaphore, #tpu.memory_space<semaphore_mem>>)
    %slice3A_99 = vector.extract_strided_slice %get3A_10 {offsets = [2], sizes = [1], strides = [1]} : vector<16xi32> to vector<1xi32>
    %squeeze3A_100 = vector.extract %slice3A_99[0] : i32 from vector<1xi32>
    %shift_right_logical3A_101 = arith.constant 7 : i32
    %shift_right_logical3A_102 = arith.shrui %squeeze3A_100, %shift_right_logical3A_101 : i32
    %shift_left3A_103 = arith.constant 7 : i32
    %shift_left3A_104 = arith.shli %shift_right_logical3A_102, %shift_left3A_103 : i32
    %multiple_of3A_105 = tpu.assume_multiple %shift_left3A_104, 128 : i32
    %dma_start3A_106 = arith.constant 0 : i32
    %dma_start3A_107 = arith.constant 0 : i32
    %dma_start3A_108 = tpu.memref_slice %arg10[%dma_start3A_106, %dma_start3A_107] : memref<32x128xf32, #tpu.memory_space<vmem>> -> memref<8x128xf32, #tpu.memory_space<vmem>>
    %dma_start3A_109 = arith.constant 0 : i32
    %dma_start3A_110 = tpu.memref_slice %arg3[%dma_start3A_109, %multiple_of3A_105] : memref<32x1000000xf32, #tpu.memory_space<hbm>> -> memref<8x128xf32, #tpu.memory_space<hbm>>
    %dma_start3A_111 = arith.constant 0 : i32
    %dma_start3A_112 = arith.constant 0 : i32
    %dma_start3A_113 = tpu.memref_slice %arg10[%dma_start3A_111, %dma_start3A_112] : memref<32x128xf32, #tpu.memory_space<vmem>> -> memref<8x128xf32, #tpu.memory_space<vmem>>
    %dma_start3A_114 = arith.constant 0 : i32
    %dma_start3A_115 = tpu.memref_slice %arg3[%dma_start3A_114, %multiple_of3A_105] : memref<32x1000000xf32, #tpu.memory_space<hbm>> -> memref<8x128xf32, #tpu.memory_space<hbm>>
    tpu.enqueue_dma source(%dma_start3A_115 : memref<8x128xf32, #tpu.memory_space<hbm>>) target(%dma_start3A_113 : memref<8x128xf32, #tpu.memory_space<vmem>>) target_semaphore(%arg24 : memref<!tpu.dma_semaphore, #tpu.memory_space<semaphore_mem>>)
    %dma_start3A_116 = arith.constant 8 : i32
    %dma_start3A_117 = arith.constant 0 : i32
    %dma_start3A_118 = tpu.memref_slice %arg10[%dma_start3A_116, %dma_start3A_117] : memref<32x128xf32, #tpu.memory_space<vmem>> -> memref<8x128xf32, #tpu.memory_space<vmem>>
    %dma_start3A_119 = arith.constant 8 : i32
    %dma_start3A_120 = tpu.memref_slice %arg3[%dma_start3A_119, %multiple_of3A_105] : memref<32x1000000xf32, #tpu.memory_space<hbm>> -> memref<8x128xf32, #tpu.memory_space<hbm>>
    %dma_start3A_121 = arith.constant 8 : i32
    %dma_start3A_122 = arith.constant 0 : i32
    %dma_start3A_123 = tpu.memref_slice %arg10[%dma_start3A_121, %dma_start3A_122] : memref<32x128xf32, #tpu.memory_space<vmem>> -> memref<8x128xf32, #tpu.memory_space<vmem>>
    %dma_start3A_124 = arith.constant 8 : i32
    %dma_start3A_125 = tpu.memref_slice %arg3[%dma_start3A_124, %multiple_of3A_105] : memref<32x1000000xf32, #tpu.memory_space<hbm>> -> memref<8x128xf32, #tpu.memory_space<hbm>>
    tpu.enqueue_dma source(%dma_start3A_125 : memref<8x128xf32, #tpu.memory_space<hbm>>) target(%dma_start3A_123 : memref<8x128xf32, #tpu.memory_space<vmem>>) target_semaphore(%arg24 : memref<!tpu.dma_semaphore, #tpu.memory_space<semaphore_mem>>)
    %dma_start3A_126 = arith.constant 16 : i32
    %dma_start3A_127 = arith.constant 0 : i32
    %dma_start3A_128 = tpu.memref_slice %arg10[%dma_start3A_126, %dma_start3A_127] : memref<32x128xf32, #tpu.memory_space<vmem>> -> memref<8x128xf32, #tpu.memory_space<vmem>>
    %dma_start3A_129 = arith.constant 16 : i32
    %dma_start3A_130 = tpu.memref_slice %arg3[%dma_start3A_129, %multiple_of3A_105] : memref<32x1000000xf32, #tpu.memory_space<hbm>> -> memref<8x128xf32, #tpu.memory_space<hbm>>
    %dma_start3A_131 = arith.constant 16 : i32
    %dma_start3A_132 = arith.constant 0 : i32
    %dma_start3A_133 = tpu.memref_slice %arg10[%dma_start3A_131, %dma_start3A_132] : memref<32x128xf32, #tpu.memory_space<vmem>> -> memref<8x128xf32, #tpu.memory_space<vmem>>
    %dma_start3A_134 = arith.constant 16 : i32
    %dma_start3A_135 = tpu.memref_slice %arg3[%dma_start3A_134, %multiple_of3A_105] : memref<32x1000000xf32, #tpu.memory_space<hbm>> -> memref<8x128xf32, #tpu.memory_space<hbm>>
    tpu.enqueue_dma source(%dma_start3A_135 : memref<8x128xf32, #tpu.memory_space<hbm>>) target(%dma_start3A_133 : memref<8x128xf32, #tpu.memory_space<vmem>>) target_semaphore(%arg24 : memref<!tpu.dma_semaphore, #tpu.memory_space<semaphore_mem>>)
    %dma_start3A_136 = arith.constant 24 : i32
    %dma_start3A_137 = arith.constant 0 : i32
    %dma_start3A_138 = tpu.memref_slice %arg10[%dma_start3A_136, %dma_start3A_137] : memref<32x128xf32, #tpu.memory_space<vmem>> -> memref<8x128xf32, #tpu.memory_space<vmem>>
    %dma_start3A_139 = arith.constant 24 : i32
    %dma_start3A_140 = tpu.memref_slice %arg3[%dma_start3A_139, %multiple_of3A_105] : memref<32x1000000xf32, #tpu.memory_space<hbm>> -> memref<8x128xf32, #tpu.memory_space<hbm>>
    %dma_start3A_141 = arith.constant 24 : i32
    %dma_start3A_142 = arith.constant 0 : i32
    %dma_start3A_143 = tpu.memref_slice %arg10[%dma_start3A_141, %dma_start3A_142] : memref<32x128xf32, #tpu.memory_space<vmem>> -> memref<8x128xf32, #tpu.memory_space<vmem>>
    %dma_start3A_144 = arith.constant 24 : i32
    %dma_start3A_145 = tpu.memref_slice %arg3[%dma_start3A_144, %multiple_of3A_105] : memref<32x1000000xf32, #tpu.memory_space<hbm>> -> memref<8x128xf32, #tpu.memory_space<hbm>>
    tpu.enqueue_dma source(%dma_start3A_145 : memref<8x128xf32, #tpu.memory_space<hbm>>) target(%dma_start3A_143 : memref<8x128xf32, #tpu.memory_space<vmem>>) target_semaphore(%arg24 : memref<!tpu.dma_semaphore, #tpu.memory_space<semaphore_mem>>)
    %slice3A_146 = vector.extract_strided_slice %get3A_10 {offsets = [3], sizes = [1], strides = [1]} : vector<16xi32> to vector<1xi32>
    %squeeze3A_147 = vector.extract %slice3A_146[0] : i32 from vector<1xi32>
    %shift_right_logical3A_148 = arith.constant 7 : i32
    %shift_right_logical3A_149 = arith.shrui %squeeze3A_147, %shift_right_logical3A_148 : i32
    %shift_left3A_150 = arith.constant 7 : i32
    %shift_left3A_151 = arith.shli %shift_right_logical3A_149, %shift_left3A_150 : i32
    %multiple_of3A_152 = tpu.assume_multiple %shift_left3A_151, 128 : i32
    %dma_start3A_153 = arith.constant 0 : i32
    %dma_start3A_154 = arith.constant 0 : i32
    %dma_start3A_155 = tpu.memref_slice %arg11[%dma_start3A_153, %dma_start3A_154] : memref<32x128xf32, #tpu.memory_space<vmem>> -> memref<8x128xf32, #tpu.memory_space<vmem>>
    %dma_start3A_156 = arith.constant 0 : i32
    %dma_start3A_157 = tpu.memref_slice %arg3[%dma_start3A_156, %multiple_of3A_152] : memref<32x1000000xf32, #tpu.memory_space<hbm>> -> memref<8x128xf32, #tpu.memory_space<hbm>>
    %dma_start3A_158 = arith.constant 0 : i32
    %dma_start3A_159 = arith.constant 0 : i32
    %dma_start3A_160 = tpu.memref_slice %arg11[%dma_start3A_158, %dma_start3A_159] : memref<32x128xf32, #tpu.memory_space<vmem>> -> memref<8x128xf32, #tpu.memory_space<vmem>>
    %dma_start3A_161 = arith.constant 0 : i32
    %dma_start3A_162 = tpu.memref_slice %arg3[%dma_start3A_161, %multiple_of3A_152] : memref<32x1000000xf32, #tpu.memory_space<hbm>> -> memref<8x128xf32, #tpu.memory_space<hbm>>
    tpu.enqueue_dma source(%dma_start3A_162 : memref<8x128xf32, #tpu.memory_space<hbm>>) target(%dma_start3A_160 : memref<8x128xf32, #tpu.memory_space<vmem>>) target_semaphore(%arg24 : memref<!tpu.dma_semaphore, #tpu.memory_space<semaphore_mem>>)
    %dma_start3A_163 = arith.constant 8 : i32
    %dma_start3A_164 = arith.constant 0 : i32
    %dma_start3A_165 = tpu.memref_slice %arg11[%dma_start3A_163, %dma_start3A_164] : memref<32x128xf32, #tpu.memory_space<vmem>> -> memref<8x128xf32, #tpu.memory_space<vmem>>
    %dma_start3A_166 = arith.constant 8 : i32
    %dma_start3A_167 = tpu.memref_slice %arg3[%dma_start3A_166, %multiple_of3A_152] : memref<32x1000000xf32, #tpu.memory_space<hbm>> -> memref<8x128xf32, #tpu.memory_space<hbm>>
    %dma_start3A_168 = arith.constant 8 : i32
    %dma_start3A_169 = arith.constant 0 : i32
    %dma_start3A_170 = tpu.memref_slice %arg11[%dma_start3A_168, %dma_start3A_169] : memref<32x128xf32, #tpu.memory_space<vmem>> -> memref<8x128xf32, #tpu.memory_space<vmem>>
    %dma_start3A_171 = arith.constant 8 : i32
    %dma_start3A_172 = tpu.memref_slice %arg3[%dma_start3A_171, %multiple_of3A_152] : memref<32x1000000xf32, #tpu.memory_space<hbm>> -> memref<8x128xf32, #tpu.memory_space<hbm>>
    tpu.enqueue_dma source(%dma_start3A_172 : memref<8x128xf32, #tpu.memory_space<hbm>>) target(%dma_start3A_170 : memref<8x128xf32, #tpu.memory_space<vmem>>) target_semaphore(%arg24 : memref<!tpu.dma_semaphore, #tpu.memory_space<semaphore_mem>>)
    %dma_start3A_173 = arith.constant 16 : i32
    %dma_start3A_174 = arith.constant 0 : i32
    %dma_start3A_175 = tpu.memref_slice %arg11[%dma_start3A_173, %dma_start3A_174] : memref<32x128xf32, #tpu.memory_space<vmem>> -> memref<8x128xf32, #tpu.memory_space<vmem>>
    %dma_start3A_176 = arith.constant 16 : i32
    %dma_start3A_177 = tpu.memref_slice %arg3[%dma_start3A_176, %multiple_of3A_152] : memref<32x1000000xf32, #tpu.memory_space<hbm>> -> memref<8x128xf32, #tpu.memory_space<hbm>>
    %dma_start3A_178 = arith.constant 16 : i32
    %dma_start3A_179 = arith.constant 0 : i32
    %dma_start3A_180 = tpu.memref_slice %arg11[%dma_start3A_178, %dma_start3A_179] : memref<32x128xf32, #tpu.memory_space<vmem>> -> memref<8x128xf32, #tpu.memory_space<vmem>>
    %dma_start3A_181 = arith.constant 16 : i32
    %dma_start3A_182 = tpu.memref_slice %arg3[%dma_start3A_181, %multiple_of3A_152] : memref<32x1000000xf32, #tpu.memory_space<hbm>> -> memref<8x128xf32, #tpu.memory_space<hbm>>
    tpu.enqueue_dma source(%dma_start3A_182 : memref<8x128xf32, #tpu.memory_space<hbm>>) target(%dma_start3A_180 : memref<8x128xf32, #tpu.memory_space<vmem>>) target_semaphore(%arg24 : memref<!tpu.dma_semaphore, #tpu.memory_space<semaphore_mem>>)
    %dma_start3A_183 = arith.constant 24 : i32
    %dma_start3A_184 = arith.constant 0 : i32
    %dma_start3A_185 = tpu.memref_slice %arg11[%dma_start3A_183, %dma_start3A_184] : memref<32x128xf32, #tpu.memory_space<vmem>> -> memref<8x128xf32, #tpu.memory_space<vmem>>
    %dma_start3A_186 = arith.constant 24 : i32
    %dma_start3A_187 = tpu.memref_slice %arg3[%dma_start3A_186, %multiple_of3A_152] : memref<32x1000000xf32, #tpu.memory_space<hbm>> -> memref<8x128xf32, #tpu.memory_space<hbm>>
    %dma_start3A_188 = arith.constant 24 : i32
    %dma_start3A_189 = arith.constant 0 : i32
    %dma_start3A_190 = tpu.memref_slice %arg11[%dma_start3A_188, %dma_start3A_189] : memref<32x128xf32, #tpu.memory_space<vmem>> -> memref<8x128xf32, #tpu.memory_space<vmem>>
    %dma_start3A_191 = arith.constant 24 : i32
    %dma_start3A_192 = tpu.memref_slice %arg3[%dma_start3A_191, %multiple_of3A_152] : memref<32x1000000xf32, #tpu.memory_space<hbm>> -> memref<8x128xf32, #tpu.memory_space<hbm>>
    tpu.enqueue_dma source(%dma_start3A_192 : memref<8x128xf32, #tpu.memory_space<hbm>>) target(%dma_start3A_190 : memref<8x128xf32, #tpu.memory_space<vmem>>) target_semaphore(%arg24 : memref<!tpu.dma_semaphore, #tpu.memory_space<semaphore_mem>>)
    %slice3A_193 = vector.extract_strided_slice %get3A_10 {offsets = [4], sizes = [1], strides = [1]} : vector<16xi32> to vector<1xi32>
    %squeeze3A_194 = vector.extract %slice3A_193[0] : i32 from vector<1xi32>
    %shift_right_logical3A_195 = arith.constant 7 : i32
    %shift_right_logical3A_196 = arith.shrui %squeeze3A_194, %shift_right_logical3A_195 : i32
    %shift_left3A_197 = arith.constant 7 : i32
    %shift_left3A_198 = arith.shli %shift_right_logical3A_196, %shift_left3A_197 : i32
    %multiple_of3A_199 = tpu.assume_multiple %shift_left3A_198, 128 : i32
    %dma_start3A_200 = arith.constant 0 : i32
    %dma_start3A_201 = arith.constant 0 : i32
    %dma_start3A_202 = tpu.memref_slice %arg12[%dma_start3A_200, %dma_start3A_201] : memref<32x128xf32, #tpu.memory_space<vmem>> -> memref<8x128xf32, #tpu.memory_space<vmem>>
    %dma_start3A_203 = arith.constant 0 : i32
    %dma_start3A_204 = tpu.memref_slice %arg3[%dma_start3A_203, %multiple_of3A_199] : memref<32x1000000xf32, #tpu.memory_space<hbm>> -> memref<8x128xf32, #tpu.memory_space<hbm>>
    %dma_start3A_205 = arith.constant 0 : i32
    %dma_start3A_206 = arith.constant 0 : i32
    %dma_start3A_207 = tpu.memref_slice %arg12[%dma_start3A_205, %dma_start3A_206] : memref<32x128xf32, #tpu.memory_space<vmem>> -> memref<8x128xf32, #tpu.memory_space<vmem>>
    %dma_start3A_208 = arith.constant 0 : i32
    %dma_start3A_209 = tpu.memref_slice %arg3[%dma_start3A_208, %multiple_of3A_199] : memref<32x1000000xf32, #tpu.memory_space<hbm>> -> memref<8x128xf32, #tpu.memory_space<hbm>>
    tpu.enqueue_dma source(%dma_start3A_209 : memref<8x128xf32, #tpu.memory_space<hbm>>) target(%dma_start3A_207 : memref<8x128xf32, #tpu.memory_space<vmem>>) target_semaphore(%arg24 : memref<!tpu.dma_semaphore, #tpu.memory_space<semaphore_mem>>)
    %dma_start3A_210 = arith.constant 8 : i32
    %dma_start3A_211 = arith.constant 0 : i32
    %dma_start3A_212 = tpu.memref_slice %arg12[%dma_start3A_210, %dma_start3A_211] : memref<32x128xf32, #tpu.memory_space<vmem>> -> memref<8x128xf32, #tpu.memory_space<vmem>>
    %dma_start3A_213 = arith.constant 8 : i32
    %dma_start3A_214 = tpu.memref_slice %arg3[%dma_start3A_213, %multiple_of3A_199] : memref<32x1000000xf32, #tpu.memory_space<hbm>> -> memref<8x128xf32, #tpu.memory_space<hbm>>
    %dma_start3A_215 = arith.constant 8 : i32
    %dma_start3A_216 = arith.constant 0 : i32
    %dma_start3A_217 = tpu.memref_slice %arg12[%dma_start3A_215, %dma_start3A_216] : memref<32x128xf32, #tpu.memory_space<vmem>> -> memref<8x128xf32, #tpu.memory_space<vmem>>
    %dma_start3A_218 = arith.constant 8 : i32
    %dma_start3A_219 = tpu.memref_slice %arg3[%dma_start3A_218, %multiple_of3A_199] : memref<32x1000000xf32, #tpu.memory_space<hbm>> -> memref<8x128xf32, #tpu.memory_space<hbm>>
    tpu.enqueue_dma source(%dma_start3A_219 : memref<8x128xf32, #tpu.memory_space<hbm>>) target(%dma_start3A_217 : memref<8x128xf32, #tpu.memory_space<vmem>>) target_semaphore(%arg24 : memref<!tpu.dma_semaphore, #tpu.memory_space<semaphore_mem>>)
    %dma_start3A_220 = arith.constant 16 : i32
    %dma_start3A_221 = arith.constant 0 : i32
    %dma_start3A_222 = tpu.memref_slice %arg12[%dma_start3A_220, %dma_start3A_221] : memref<32x128xf32, #tpu.memory_space<vmem>> -> memref<8x128xf32, #tpu.memory_space<vmem>>
    %dma_start3A_223 = arith.constant 16 : i32
    %dma_start3A_224 = tpu.memref_slice %arg3[%dma_start3A_223, %multiple_of3A_199] : memref<32x1000000xf32, #tpu.memory_space<hbm>> -> memref<8x128xf32, #tpu.memory_space<hbm>>
    %dma_start3A_225 = arith.constant 16 : i32
    %dma_start3A_226 = arith.constant 0 : i32
    %dma_start3A_227 = tpu.memref_slice %arg12[%dma_start3A_225, %dma_start3A_226] : memref<32x128xf32, #tpu.memory_space<vmem>> -> memref<8x128xf32, #tpu.memory_space<vmem>>
    %dma_start3A_228 = arith.constant 16 : i32
    %dma_start3A_229 = tpu.memref_slice %arg3[%dma_start3A_228, %multiple_of3A_199] : memref<32x1000000xf32, #tpu.memory_space<hbm>> -> memref<8x128xf32, #tpu.memory_space<hbm>>
    tpu.enqueue_dma source(%dma_start3A_229 : memref<8x128xf32, #tpu.memory_space<hbm>>) target(%dma_start3A_227 : memref<8x128xf32, #tpu.memory_space<vmem>>) target_semaphore(%arg24 : memref<!tpu.dma_semaphore, #tpu.memory_space<semaphore_mem>>)
    %dma_start3A_230 = arith.constant 24 : i32
    %dma_start3A_231 = arith.constant 0 : i32
    %dma_start3A_232 = tpu.memref_slice %arg12[%dma_start3A_230, %dma_start3A_231] : memref<32x128xf32, #tpu.memory_space<vmem>> -> memref<8x128xf32, #tpu.memory_space<vmem>>
    %dma_start3A_233 = arith.constant 24 : i32
    %dma_start3A_234 = tpu.memref_slice %arg3[%dma_start3A_233, %multiple_of3A_199] : memref<32x1000000xf32, #tpu.memory_space<hbm>> -> memref<8x128xf32, #tpu.memory_space<hbm>>
    %dma_start3A_235 = arith.constant 24 : i32
    %dma_start3A_236 = arith.constant 0 : i32
    %dma_start3A_237 = tpu.memref_slice %arg12[%dma_start3A_235, %dma_start3A_236] : memref<32x128xf32, #tpu.memory_space<vmem>> -> memref<8x128xf32, #tpu.memory_space<vmem>>
    %dma_start3A_238 = arith.constant 24 : i32
    %dma_start3A_239 = tpu.memref_slice %arg3[%dma_start3A_238, %multiple_of3A_199] : memref<32x1000000xf32, #tpu.memory_space<hbm>> -> memref<8x128xf32, #tpu.memory_space<hbm>>
    tpu.enqueue_dma source(%dma_start3A_239 : memref<8x128xf32, #tpu.memory_space<hbm>>) target(%dma_start3A_237 : memref<8x128xf32, #tpu.memory_space<vmem>>) target_semaphore(%arg24 : memref<!tpu.dma_semaphore, #tpu.memory_space<semaphore_mem>>)
    %slice3A_240 = vector.extract_strided_slice %get3A_10 {offsets = [5], sizes = [1], strides = [1]} : vector<16xi32> to vector<1xi32>
    %squeeze3A_241 = vector.extract %slice3A_240[0] : i32 from vector<1xi32>
    %shift_right_logical3A_242 = arith.constant 7 : i32
    %shift_right_logical3A_243 = arith.shrui %squeeze3A_241, %shift_right_logical3A_242 : i32
    %shift_left3A_244 = arith.constant 7 : i32
    %shift_left3A_245 = arith.shli %shift_right_logical3A_243, %shift_left3A_244 : i32
    %multiple_of3A_246 = tpu.assume_multiple %shift_left3A_245, 128 : i32
    %dma_start3A_247 = arith.constant 0 : i32
    %dma_start3A_248 = arith.constant 0 : i32
    %dma_start3A_249 = tpu.memref_slice %arg13[%dma_start3A_247, %dma_start3A_248] : memref<32x128xf32, #tpu.memory_space<vmem>> -> memref<8x128xf32, #tpu.memory_space<vmem>>
    %dma_start3A_250 = arith.constant 0 : i32
    %dma_start3A_251 = tpu.memref_slice %arg3[%dma_start3A_250, %multiple_of3A_246] : memref<32x1000000xf32, #tpu.memory_space<hbm>> -> memref<8x128xf32, #tpu.memory_space<hbm>>
    %dma_start3A_252 = arith.constant 0 : i32
    %dma_start3A_253 = arith.constant 0 : i32
    %dma_start3A_254 = tpu.memref_slice %arg13[%dma_start3A_252, %dma_start3A_253] : memref<32x128xf32, #tpu.memory_space<vmem>> -> memref<8x128xf32, #tpu.memory_space<vmem>>
    %dma_start3A_255 = arith.constant 0 : i32
    %dma_start3A_256 = tpu.memref_slice %arg3[%dma_start3A_255, %multiple_of3A_246] : memref<32x1000000xf32, #tpu.memory_space<hbm>> -> memref<8x128xf32, #tpu.memory_space<hbm>>
    tpu.enqueue_dma source(%dma_start3A_256 : memref<8x128xf32, #tpu.memory_space<hbm>>) target(%dma_start3A_254 : memref<8x128xf32, #tpu.memory_space<vmem>>) target_semaphore(%arg24 : memref<!tpu.dma_semaphore, #tpu.memory_space<semaphore_mem>>)
    %dma_start3A_257 = arith.constant 8 : i32
    %dma_start3A_258 = arith.constant 0 : i32
    %dma_start3A_259 = tpu.memref_slice %arg13[%dma_start3A_257, %dma_start3A_258] : memref<32x128xf32, #tpu.memory_space<vmem>> -> memref<8x128xf32, #tpu.memory_space<vmem>>
    %dma_start3A_260 = arith.constant 8 : i32
    %dma_start3A_261 = tpu.memref_slice %arg3[%dma_start3A_260, %multiple_of3A_246] : memref<32x1000000xf32, #tpu.memory_space<hbm>> -> memref<8x128xf32, #tpu.memory_space<hbm>>
    %dma_start3A_262 = arith.constant 8 : i32
    %dma_start3A_263 = arith.constant 0 : i32
    %dma_start3A_264 = tpu.memref_slice %arg13[%dma_start3A_262, %dma_start3A_263] : memref<32x128xf32, #tpu.memory_space<vmem>> -> memref<8x128xf32, #tpu.memory_space<vmem>>
    %dma_start3A_265 = arith.constant 8 : i32
    %dma_start3A_266 = tpu.memref_slice %arg3[%dma_start3A_265, %multiple_of3A_246] : memref<32x1000000xf32, #tpu.memory_space<hbm>> -> memref<8x128xf32, #tpu.memory_space<hbm>>
    tpu.enqueue_dma source(%dma_start3A_266 : memref<8x128xf32, #tpu.memory_space<hbm>>) target(%dma_start3A_264 : memref<8x128xf32, #tpu.memory_space<vmem>>) target_semaphore(%arg24 : memref<!tpu.dma_semaphore, #tpu.memory_space<semaphore_mem>>)
    %dma_start3A_267 = arith.constant 16 : i32
    %dma_start3A_268 = arith.constant 0 : i32
    %dma_start3A_269 = tpu.memref_slice %arg13[%dma_start3A_267, %dma_start3A_268] : memref<32x128xf32, #tpu.memory_space<vmem>> -> memref<8x128xf32, #tpu.memory_space<vmem>>
    %dma_start3A_270 = arith.constant 16 : i32
    %dma_start3A_271 = tpu.memref_slice %arg3[%dma_start3A_270, %multiple_of3A_246] : memref<32x1000000xf32, #tpu.memory_space<hbm>> -> memref<8x128xf32, #tpu.memory_space<hbm>>
    %dma_start3A_272 = arith.constant 16 : i32
    %dma_start3A_273 = arith.constant 0 : i32
    %dma_start3A_274 = tpu.memref_slice %arg13[%dma_start3A_272, %dma_start3A_273] : memref<32x128xf32, #tpu.memory_space<vmem>> -> memref<8x128xf32, #tpu.memory_space<vmem>>
    %dma_start3A_275 = arith.constant 16 : i32
    %dma_start3A_276 = tpu.memref_slice %arg3[%dma_start3A_275, %multiple_of3A_246] : memref<32x1000000xf32, #tpu.memory_space<hbm>> -> memref<8x128xf32, #tpu.memory_space<hbm>>
    tpu.enqueue_dma source(%dma_start3A_276 : memref<8x128xf32, #tpu.memory_space<hbm>>) target(%dma_start3A_274 : memref<8x128xf32, #tpu.memory_space<vmem>>) target_semaphore(%arg24 : memref<!tpu.dma_semaphore, #tpu.memory_space<semaphore_mem>>)
    %dma_start3A_277 = arith.constant 24 : i32
    %dma_start3A_278 = arith.constant 0 : i32
    %dma_start3A_279 = tpu.memref_slice %arg13[%dma_start3A_277, %dma_start3A_278] : memref<32x128xf32, #tpu.memory_space<vmem>> -> memref<8x128xf32, #tpu.memory_space<vmem>>
    %dma_start3A_280 = arith.constant 24 : i32
    %dma_start3A_281 = tpu.memref_slice %arg3[%dma_start3A_280, %multiple_of3A_246] : memref<32x1000000xf32, #tpu.memory_space<hbm>> -> memref<8x128xf32, #tpu.memory_space<hbm>>
    %dma_start3A_282 = arith.constant 24 : i32
    %dma_start3A_283 = arith.constant 0 : i32
    %dma_start3A_284 = tpu.memref_slice %arg13[%dma_start3A_282, %dma_start3A_283] : memref<32x128xf32, #tpu.memory_space<vmem>> -> memref<8x128xf32, #tpu.memory_space<vmem>>
    %dma_start3A_285 = arith.constant 24 : i32
    %dma_start3A_286 = tpu.memref_slice %arg3[%dma_start3A_285, %multiple_of3A_246] : memref<32x1000000xf32, #tpu.memory_space<hbm>> -> memref<8x128xf32, #tpu.memory_space<hbm>>
    tpu.enqueue_dma source(%dma_start3A_286 : memref<8x128xf32, #tpu.memory_space<hbm>>) target(%dma_start3A_284 : memref<8x128xf32, #tpu.memory_space<vmem>>) target_semaphore(%arg24 : memref<!tpu.dma_semaphore, #tpu.memory_space<semaphore_mem>>)
    %slice3A_287 = vector.extract_strided_slice %get3A_10 {offsets = [6], sizes = [1], strides = [1]} : vector<16xi32> to vector<1xi32>
    %squeeze3A_288 = vector.extract %slice3A_287[0] : i32 from vector<1xi32>
    %shift_right_logical3A_289 = arith.constant 7 : i32
    %shift_right_logical3A_290 = arith.shrui %squeeze3A_288, %shift_right_logical3A_289 : i32
    %shift_left3A_291 = arith.constant 7 : i32
    %shift_left3A_292 = arith.shli %shift_right_logical3A_290, %shift_left3A_291 : i32
    %multiple_of3A_293 = tpu.assume_multiple %shift_left3A_292, 128 : i32
    %dma_start3A_294 = arith.constant 0 : i32
    %dma_start3A_295 = arith.constant 0 : i32
    %dma_start3A_296 = tpu.memref_slice %arg14[%dma_start3A_294, %dma_start3A_295] : memref<32x128xf32, #tpu.memory_space<vmem>> -> memref<8x128xf32, #tpu.memory_space<vmem>>
    %dma_start3A_297 = arith.constant 0 : i32
    %dma_start3A_298 = tpu.memref_slice %arg3[%dma_start3A_297, %multiple_of3A_293] : memref<32x1000000xf32, #tpu.memory_space<hbm>> -> memref<8x128xf32, #tpu.memory_space<hbm>>
    %dma_start3A_299 = arith.constant 0 : i32
    %dma_start3A_300 = arith.constant 0 : i32
    %dma_start3A_301 = tpu.memref_slice %arg14[%dma_start3A_299, %dma_start3A_300] : memref<32x128xf32, #tpu.memory_space<vmem>> -> memref<8x128xf32, #tpu.memory_space<vmem>>
    %dma_start3A_302 = arith.constant 0 : i32
    %dma_start3A_303 = tpu.memref_slice %arg3[%dma_start3A_302, %multiple_of3A_293] : memref<32x1000000xf32, #tpu.memory_space<hbm>> -> memref<8x128xf32, #tpu.memory_space<hbm>>
    tpu.enqueue_dma source(%dma_start3A_303 : memref<8x128xf32, #tpu.memory_space<hbm>>) target(%dma_start3A_301 : memref<8x128xf32, #tpu.memory_space<vmem>>) target_semaphore(%arg24 : memref<!tpu.dma_semaphore, #tpu.memory_space<semaphore_mem>>)
    %dma_start3A_304 = arith.constant 8 : i32
    %dma_start3A_305 = arith.constant 0 : i32
    %dma_start3A_306 = tpu.memref_slice %arg14[%dma_start3A_304, %dma_start3A_305] : memref<32x128xf32, #tpu.memory_space<vmem>> -> memref<8x128xf32, #tpu.memory_space<vmem>>
    %dma_start3A_307 = arith.constant 8 : i32
    %dma_start3A_308 = tpu.memref_slice %arg3[%dma_start3A_307, %multiple_of3A_293] : memref<32x1000000xf32, #tpu.memory_space<hbm>> -> memref<8x128xf32, #tpu.memory_space<hbm>>
    %dma_start3A_309 = arith.constant 8 : i32
    %dma_start3A_310 = arith.constant 0 : i32
    %dma_start3A_311 = tpu.memref_slice %arg14[%dma_start3A_309, %dma_start3A_310] : memref<32x128xf32, #tpu.memory_space<vmem>> -> memref<8x128xf32, #tpu.memory_space<vmem>>
    %dma_start3A_312 = arith.constant 8 : i32
    %dma_start3A_313 = tpu.memref_slice %arg3[%dma_start3A_312, %multiple_of3A_293] : memref<32x1000000xf32, #tpu.memory_space<hbm>> -> memref<8x128xf32, #tpu.memory_space<hbm>>
    tpu.enqueue_dma source(%dma_start3A_313 : memref<8x128xf32, #tpu.memory_space<hbm>>) target(%dma_start3A_311 : memref<8x128xf32, #tpu.memory_space<vmem>>) target_semaphore(%arg24 : memref<!tpu.dma_semaphore, #tpu.memory_space<semaphore_mem>>)
    %dma_start3A_314 = arith.constant 16 : i32
    %dma_start3A_315 = arith.constant 0 : i32
    %dma_start3A_316 = tpu.memref_slice %arg14[%dma_start3A_314, %dma_start3A_315] : memref<32x128xf32, #tpu.memory_space<vmem>> -> memref<8x128xf32, #tpu.memory_space<vmem>>
    %dma_start3A_317 = arith.constant 16 : i32
    %dma_start3A_318 = tpu.memref_slice %arg3[%dma_start3A_317, %multiple_of3A_293] : memref<32x1000000xf32, #tpu.memory_space<hbm>> -> memref<8x128xf32, #tpu.memory_space<hbm>>
    %dma_start3A_319 = arith.constant 16 : i32
    %dma_start3A_320 = arith.constant 0 : i32
    %dma_start3A_321 = tpu.memref_slice %arg14[%dma_start3A_319, %dma_start3A_320] : memref<32x128xf32, #tpu.memory_space<vmem>> -> memref<8x128xf32, #tpu.memory_space<vmem>>
    %dma_start3A_322 = arith.constant 16 : i32
    %dma_start3A_323 = tpu.memref_slice %arg3[%dma_start3A_322, %multiple_of3A_293] : memref<32x1000000xf32, #tpu.memory_space<hbm>> -> memref<8x128xf32, #tpu.memory_space<hbm>>
    tpu.enqueue_dma source(%dma_start3A_323 : memref<8x128xf32, #tpu.memory_space<hbm>>) target(%dma_start3A_321 : memref<8x128xf32, #tpu.memory_space<vmem>>) target_semaphore(%arg24 : memref<!tpu.dma_semaphore, #tpu.memory_space<semaphore_mem>>)
    %dma_start3A_324 = arith.constant 24 : i32
    %dma_start3A_325 = arith.constant 0 : i32
    %dma_start3A_326 = tpu.memref_slice %arg14[%dma_start3A_324, %dma_start3A_325] : memref<32x128xf32, #tpu.memory_space<vmem>> -> memref<8x128xf32, #tpu.memory_space<vmem>>
    %dma_start3A_327 = arith.constant 24 : i32
    %dma_start3A_328 = tpu.memref_slice %arg3[%dma_start3A_327, %multiple_of3A_293] : memref<32x1000000xf32, #tpu.memory_space<hbm>> -> memref<8x128xf32, #tpu.memory_space<hbm>>
    %dma_start3A_329 = arith.constant 24 : i32
    %dma_start3A_330 = arith.constant 0 : i32
    %dma_start3A_331 = tpu.memref_slice %arg14[%dma_start3A_329, %dma_start3A_330] : memref<32x128xf32, #tpu.memory_space<vmem>> -> memref<8x128xf32, #tpu.memory_space<vmem>>
    %dma_start3A_332 = arith.constant 24 : i32
    %dma_start3A_333 = tpu.memref_slice %arg3[%dma_start3A_332, %multiple_of3A_293] : memref<32x1000000xf32, #tpu.memory_space<hbm>> -> memref<8x128xf32, #tpu.memory_space<hbm>>
    tpu.enqueue_dma source(%dma_start3A_333 : memref<8x128xf32, #tpu.memory_space<hbm>>) target(%dma_start3A_331 : memref<8x128xf32, #tpu.memory_space<vmem>>) target_semaphore(%arg24 : memref<!tpu.dma_semaphore, #tpu.memory_space<semaphore_mem>>)
    %slice3A_334 = vector.extract_strided_slice %get3A_10 {offsets = [7], sizes = [1], strides = [1]} : vector<16xi32> to vector<1xi32>
    %squeeze3A_335 = vector.extract %slice3A_334[0] : i32 from vector<1xi32>
    %shift_right_logical3A_336 = arith.constant 7 : i32
    %shift_right_logical3A_337 = arith.shrui %squeeze3A_335, %shift_right_logical3A_336 : i32
    %shift_left3A_338 = arith.constant 7 : i32
    %shift_left3A_339 = arith.shli %shift_right_logical3A_337, %shift_left3A_338 : i32
    %multiple_of3A_340 = tpu.assume_multiple %shift_left3A_339, 128 : i32
    %dma_start3A_341 = arith.constant 0 : i32
    %dma_start3A_342 = arith.constant 0 : i32
    %dma_start3A_343 = tpu.memref_slice %arg15[%dma_start3A_341, %dma_start3A_342] : memref<32x128xf32, #tpu.memory_space<vmem>> -> memref<8x128xf32, #tpu.memory_space<vmem>>
    %dma_start3A_344 = arith.constant 0 : i32
    %dma_start3A_345 = tpu.memref_slice %arg3[%dma_start3A_344, %multiple_of3A_340] : memref<32x1000000xf32, #tpu.memory_space<hbm>> -> memref<8x128xf32, #tpu.memory_space<hbm>>
    %dma_start3A_346 = arith.constant 0 : i32
    %dma_start3A_347 = arith.constant 0 : i32
    %dma_start3A_348 = tpu.memref_slice %arg15[%dma_start3A_346, %dma_start3A_347] : memref<32x128xf32, #tpu.memory_space<vmem>> -> memref<8x128xf32, #tpu.memory_space<vmem>>
    %dma_start3A_349 = arith.constant 0 : i32
    %dma_start3A_350 = tpu.memref_slice %arg3[%dma_start3A_349, %multiple_of3A_340] : memref<32x1000000xf32, #tpu.memory_space<hbm>> -> memref<8x128xf32, #tpu.memory_space<hbm>>
    tpu.enqueue_dma source(%dma_start3A_350 : memref<8x128xf32, #tpu.memory_space<hbm>>) target(%dma_start3A_348 : memref<8x128xf32, #tpu.memory_space<vmem>>) target_semaphore(%arg24 : memref<!tpu.dma_semaphore, #tpu.memory_space<semaphore_mem>>)
    %dma_start3A_351 = arith.constant 8 : i32
    %dma_start3A_352 = arith.constant 0 : i32
    %dma_start3A_353 = tpu.memref_slice %arg15[%dma_start3A_351, %dma_start3A_352] : memref<32x128xf32, #tpu.memory_space<vmem>> -> memref<8x128xf32, #tpu.memory_space<vmem>>
    %dma_start3A_354 = arith.constant 8 : i32
    %dma_start3A_355 = tpu.memref_slice %arg3[%dma_start3A_354, %multiple_of3A_340] : memref<32x1000000xf32, #tpu.memory_space<hbm>> -> memref<8x128xf32, #tpu.memory_space<hbm>>
    %dma_start3A_356 = arith.constant 8 : i32
    %dma_start3A_357 = arith.constant 0 : i32
    %dma_start3A_358 = tpu.memref_slice %arg15[%dma_start3A_356, %dma_start3A_357] : memref<32x128xf32, #tpu.memory_space<vmem>> -> memref<8x128xf32, #tpu.memory_space<vmem>>
    %dma_start3A_359 = arith.constant 8 : i32
    %dma_start3A_360 = tpu.memref_slice %arg3[%dma_start3A_359, %multiple_of3A_340] : memref<32x1000000xf32, #tpu.memory_space<hbm>> -> memref<8x128xf32, #tpu.memory_space<hbm>>
    tpu.enqueue_dma source(%dma_start3A_360 : memref<8x128xf32, #tpu.memory_space<hbm>>) target(%dma_start3A_358 : memref<8x128xf32, #tpu.memory_space<vmem>>) target_semaphore(%arg24 : memref<!tpu.dma_semaphore, #tpu.memory_space<semaphore_mem>>)
    %dma_start3A_361 = arith.constant 16 : i32
    %dma_start3A_362 = arith.constant 0 : i32
    %dma_start3A_363 = tpu.memref_slice %arg15[%dma_start3A_361, %dma_start3A_362] : memref<32x128xf32, #tpu.memory_space<vmem>> -> memref<8x128xf32, #tpu.memory_space<vmem>>
    %dma_start3A_364 = arith.constant 16 : i32
    %dma_start3A_365 = tpu.memref_slice %arg3[%dma_start3A_364, %multiple_of3A_340] : memref<32x1000000xf32, #tpu.memory_space<hbm>> -> memref<8x128xf32, #tpu.memory_space<hbm>>
    %dma_start3A_366 = arith.constant 16 : i32
    %dma_start3A_367 = arith.constant 0 : i32
    %dma_start3A_368 = tpu.memref_slice %arg15[%dma_start3A_366, %dma_start3A_367] : memref<32x128xf32, #tpu.memory_space<vmem>> -> memref<8x128xf32, #tpu.memory_space<vmem>>
    %dma_start3A_369 = arith.constant 16 : i32
    %dma_start3A_370 = tpu.memref_slice %arg3[%dma_start3A_369, %multiple_of3A_340] : memref<32x1000000xf32, #tpu.memory_space<hbm>> -> memref<8x128xf32, #tpu.memory_space<hbm>>
    tpu.enqueue_dma source(%dma_start3A_370 : memref<8x128xf32, #tpu.memory_space<hbm>>) target(%dma_start3A_368 : memref<8x128xf32, #tpu.memory_space<vmem>>) target_semaphore(%arg24 : memref<!tpu.dma_semaphore, #tpu.memory_space<semaphore_mem>>)
    %dma_start3A_371 = arith.constant 24 : i32
    %dma_start3A_372 = arith.constant 0 : i32
    %dma_start3A_373 = tpu.memref_slice %arg15[%dma_start3A_371, %dma_start3A_372] : memref<32x128xf32, #tpu.memory_space<vmem>> -> memref<8x128xf32, #tpu.memory_space<vmem>>
    %dma_start3A_374 = arith.constant 24 : i32
    %dma_start3A_375 = tpu.memref_slice %arg3[%dma_start3A_374, %multiple_of3A_340] : memref<32x1000000xf32, #tpu.memory_space<hbm>> -> memref<8x128xf32, #tpu.memory_space<hbm>>
    %dma_start3A_376 = arith.constant 24 : i32
    %dma_start3A_377 = arith.constant 0 : i32
    %dma_start3A_378 = tpu.memref_slice %arg15[%dma_start3A_376, %dma_start3A_377] : memref<32x128xf32, #tpu.memory_space<vmem>> -> memref<8x128xf32, #tpu.memory_space<vmem>>
    %dma_start3A_379 = arith.constant 24 : i32
    %dma_start3A_380 = tpu.memref_slice %arg3[%dma_start3A_379, %multiple_of3A_340] : memref<32x1000000xf32, #tpu.memory_space<hbm>> -> memref<8x128xf32, #tpu.memory_space<hbm>>
    tpu.enqueue_dma source(%dma_start3A_380 : memref<8x128xf32, #tpu.memory_space<hbm>>) target(%dma_start3A_378 : memref<8x128xf32, #tpu.memory_space<vmem>>) target_semaphore(%arg24 : memref<!tpu.dma_semaphore, #tpu.memory_space<semaphore_mem>>)
    %get3A_381 = arith.constant 8 : index
    %get3A_382 = tpu.vector_load %arg5[%get3A_381] {strides = array<i32>} : memref<544xi32, #tpu.memory_space<vmem>>, vector<16xi32>,
    %slice3A_383 = vector.extract_strided_slice %get3A_382 {offsets = [0], sizes = [1], strides = [1]} : vector<16xi32> to vector<1xi32>
    %squeeze3A_384 = vector.extract %slice3A_383[0] : i32 from vector<1xi32>
    %shift_right_logical3A_385 = arith.constant 7 : i32
    %shift_right_logical3A_386 = arith.shrui %squeeze3A_384, %shift_right_logical3A_385 : i32
    %shift_left3A_387 = arith.constant 7 : i32
    %shift_left3A_388 = arith.shli %shift_right_logical3A_386, %shift_left3A_387 : i32
    %multiple_of3A_389 = tpu.assume_multiple %shift_left3A_388, 128 : i32
    %dma_start3A_390 = arith.constant 0 : i32
    %dma_start3A_391 = arith.constant 0 : i32
    %dma_start3A_392 = tpu.memref_slice %arg16[%dma_start3A_390, %dma_start3A_391] : memref<32x128xf32, #tpu.memory_space<vmem>> -> memref<8x128xf32, #tpu.memory_space<vmem>>
    %dma_start3A_393 = arith.constant 0 : i32
    %dma_start3A_394 = tpu.memref_slice %arg3[%dma_start3A_393, %multiple_of3A_389] : memref<32x1000000xf32, #tpu.memory_space<hbm>> -> memref<8x128xf32, #tpu.memory_space<hbm>>
    %dma_start3A_395 = arith.constant 0 : i32
    %dma_start3A_396 = arith.constant 0 : i32
    %dma_start3A_397 = tpu.memref_slice %arg16[%dma_start3A_395, %dma_start3A_396] : memref<32x128xf32, #tpu.memory_space<vmem>> -> memref<8x128xf32, #tpu.memory_space<vmem>>
    %dma_start3A_398 = arith.constant 0 : i32
    %dma_start3A_399 = tpu.memref_slice %arg3[%dma_start3A_398, %multiple_of3A_389] : memref<32x1000000xf32, #tpu.memory_space<hbm>> -> memref<8x128xf32, #tpu.memory_space<hbm>>
    tpu.enqueue_dma source(%dma_start3A_399 : memref<8x128xf32, #tpu.memory_space<hbm>>) target(%dma_start3A_397 : memref<8x128xf32, #tpu.memory_space<vmem>>) target_semaphore(%arg25 : memref<!tpu.dma_semaphore, #tpu.memory_space<semaphore_mem>>)
    %dma_start3A_400 = arith.constant 8 : i32
    %dma_start3A_401 = arith.constant 0 : i32
    %dma_start3A_402 = tpu.memref_slice %arg16[%dma_start3A_400, %dma_start3A_401] : memref<32x128xf32, #tpu.memory_space<vmem>> -> memref<8x128xf32, #tpu.memory_space<vmem>>
    %dma_start3A_403 = arith.constant 8 : i32
    %dma_start3A_404 = tpu.memref_slice %arg3[%dma_start3A_403, %multiple_of3A_389] : memref<32x1000000xf32, #tpu.memory_space<hbm>> -> memref<8x128xf32, #tpu.memory_space<hbm>>
    %dma_start3A_405 = arith.constant 8 : i32
    %dma_start3A_406 = arith.constant 0 : i32
    %dma_start3A_407 = tpu.memref_slice %arg16[%dma_start3A_405, %dma_start3A_406] : memref<32x128xf32, #tpu.memory_space<vmem>> -> memref<8x128xf32, #tpu.memory_space<vmem>>
    %dma_start3A_408 = arith.constant 8 : i32
    %dma_start3A_409 = tpu.memref_slice %arg3[%dma_start3A_408, %multiple_of3A_389] : memref<32x1000000xf32, #tpu.memory_space<hbm>> -> memref<8x128xf32, #tpu.memory_space<hbm>>
    tpu.enqueue_dma source(%dma_start3A_409 : memref<8x128xf32, #tpu.memory_space<hbm>>) target(%dma_start3A_407 : memref<8x128xf32, #tpu.memory_space<vmem>>) target_semaphore(%arg25 : memref<!tpu.dma_semaphore, #tpu.memory_space<semaphore_mem>>)
    %dma_start3A_410 = arith.constant 16 : i32
    %dma_start3A_411 = arith.constant 0 : i32
    %dma_start3A_412 = tpu.memref_slice %arg16[%dma_start3A_410, %dma_start3A_411] : memref<32x128xf32, #tpu.memory_space<vmem>> -> memref<8x128xf32, #tpu.memory_space<vmem>>
    %dma_start3A_413 = arith.constant 16 : i32
    %dma_start3A_414 = tpu.memref_slice %arg3[%dma_start3A_413, %multiple_of3A_389] : memref<32x1000000xf32, #tpu.memory_space<hbm>> -> memref<8x128xf32, #tpu.memory_space<hbm>>
    %dma_start3A_415 = arith.constant 16 : i32
    %dma_start3A_416 = arith.constant 0 : i32
    %dma_start3A_417 = tpu.memref_slice %arg16[%dma_start3A_415, %dma_start3A_416] : memref<32x128xf32, #tpu.memory_space<vmem>> -> memref<8x128xf32, #tpu.memory_space<vmem>>
    %dma_start3A_418 = arith.constant 16 : i32
    %dma_start3A_419 = tpu.memref_slice %arg3[%dma_start3A_418, %multiple_of3A_389] : memref<32x1000000xf32, #tpu.memory_space<hbm>> -> memref<8x128xf32, #tpu.memory_space<hbm>>
    tpu.enqueue_dma source(%dma_start3A_419 : memref<8x128xf32, #tpu.memory_space<hbm>>) target(%dma_start3A_417 : memref<8x128xf32, #tpu.memory_space<vmem>>) target_semaphore(%arg25 : memref<!tpu.dma_semaphore, #tpu.memory_space<semaphore_mem>>)
    %dma_start3A_420 = arith.constant 24 : i32
    %dma_start3A_421 = arith.constant 0 : i32
    %dma_start3A_422 = tpu.memref_slice %arg16[%dma_start3A_420, %dma_start3A_421] : memref<32x128xf32, #tpu.memory_space<vmem>> -> memref<8x128xf32, #tpu.memory_space<vmem>>
    %dma_start3A_423 = arith.constant 24 : i32
    %dma_start3A_424 = tpu.memref_slice %arg3[%dma_start3A_423, %multiple_of3A_389] : memref<32x1000000xf32, #tpu.memory_space<hbm>> -> memref<8x128xf32, #tpu.memory_space<hbm>>
    %dma_start3A_425 = arith.constant 24 : i32
    %dma_start3A_426 = arith.constant 0 : i32
    %dma_start3A_427 = tpu.memref_slice %arg16[%dma_start3A_425, %dma_start3A_426] : memref<32x128xf32, #tpu.memory_space<vmem>> -> memref<8x128xf32, #tpu.memory_space<vmem>>
    %dma_start3A_428 = arith.constant 24 : i32
    %dma_start3A_429 = tpu.memref_slice %arg3[%dma_start3A_428, %multiple_of3A_389] : memref<32x1000000xf32, #tpu.memory_space<hbm>> -> memref<8x128xf32, #tpu.memory_space<hbm>>
    tpu.enqueue_dma source(%dma_start3A_429 : memref<8x128xf32, #tpu.memory_space<hbm>>) target(%dma_start3A_427 : memref<8x128xf32, #tpu.memory_space<vmem>>) target_semaphore(%arg25 : memref<!tpu.dma_semaphore, #tpu.memory_space<semaphore_mem>>)
    %slice3A_430 = vector.extract_strided_slice %get3A_382 {offsets = [1], sizes = [1], strides = [1]} : vector<16xi32> to vector<1xi32>
    %squeeze3A_431 = vector.extract %slice3A_430[0] : i32 from vector<1xi32>
    %shift_right_logical3A_432 = arith.constant 7 : i32
    %shift_right_logical3A_433 = arith.shrui %squeeze3A_431, %shift_right_logical3A_432 : i32
    %shift_left3A_434 = arith.constant 7 : i32
    %shift_left3A_435 = arith.shli %shift_right_logical3A_433, %shift_left3A_434 : i32
    %multiple_of3A_436 = tpu.assume_multiple %shift_left3A_435, 128 : i32
    %dma_start3A_437 = arith.constant 0 : i32
    %dma_start3A_438 = arith.constant 0 : i32
    %dma_start3A_439 = tpu.memref_slice %arg17[%dma_start3A_437, %dma_start3A_438] : memref<32x128xf32, #tpu.memory_space<vmem>> -> memref<8x128xf32, #tpu.memory_space<vmem>>
    %dma_start3A_440 = arith.constant 0 : i32
    %dma_start3A_441 = tpu.memref_slice %arg3[%dma_start3A_440, %multiple_of3A_436] : memref<32x1000000xf32, #tpu.memory_space<hbm>> -> memref<8x128xf32, #tpu.memory_space<hbm>>
    %dma_start3A_442 = arith.constant 0 : i32
    %dma_start3A_443 = arith.constant 0 : i32
    %dma_start3A_444 = tpu.memref_slice %arg17[%dma_start3A_442, %dma_start3A_443] : memref<32x128xf32, #tpu.memory_space<vmem>> -> memref<8x128xf32, #tpu.memory_space<vmem>>
    %dma_start3A_445 = arith.constant 0 : i32
    %dma_start3A_446 = tpu.memref_slice %arg3[%dma_start3A_445, %multiple_of3A_436] : memref<32x1000000xf32, #tpu.memory_space<hbm>> -> memref<8x128xf32, #tpu.memory_space<hbm>>
    tpu.enqueue_dma source(%dma_start3A_446 : memref<8x128xf32, #tpu.memory_space<hbm>>) target(%dma_start3A_444 : memref<8x128xf32, #tpu.memory_space<vmem>>) target_semaphore(%arg25 : memref<!tpu.dma_semaphore, #tpu.memory_space<semaphore_mem>>)
    %dma_start3A_447 = arith.constant 8 : i32
    %dma_start3A_448 = arith.constant 0 : i32
    %dma_start3A_449 = tpu.memref_slice %arg17[%dma_start3A_447, %dma_start3A_448] : memref<32x128xf32, #tpu.memory_space<vmem>> -> memref<8x128xf32, #tpu.memory_space<vmem>>
    %dma_start3A_450 = arith.constant 8 : i32
    %dma_start3A_451 = tpu.memref_slice %arg3[%dma_start3A_450, %multiple_of3A_436] : memref<32x1000000xf32, #tpu.memory_space<hbm>> -> memref<8x128xf32, #tpu.memory_space<hbm>>
    %dma_start3A_452 = arith.constant 8 : i32
    %dma_start3A_453 = arith.constant 0 : i32
    %dma_start3A_454 = tpu.memref_slice %arg17[%dma_start3A_452, %dma_start3A_453] : memref<32x128xf32, #tpu.memory_space<vmem>> -> memref<8x128xf32, #tpu.memory_space<vmem>>
    %dma_start3A_455 = arith.constant 8 : i32
    %dma_start3A_456 = tpu.memref_slice %arg3[%dma_start3A_455, %multiple_of3A_436] : memref<32x1000000xf32, #tpu.memory_space<hbm>> -> memref<8x128xf32, #tpu.memory_space<hbm>>
    tpu.enqueue_dma source(%dma_start3A_456 : memref<8x128xf32, #tpu.memory_space<hbm>>) target(%dma_start3A_454 : memref<8x128xf32, #tpu.memory_space<vmem>>) target_semaphore(%arg25 : memref<!tpu.dma_semaphore, #tpu.memory_space<semaphore_mem>>)
    %dma_start3A_457 = arith.constant 16 : i32
    %dma_start3A_458 = arith.constant 0 : i32
    %dma_start3A_459 = tpu.memref_slice %arg17[%dma_start3A_457, %dma_start3A_458] : memref<32x128xf32, #tpu.memory_space<vmem>> -> memref<8x128xf32, #tpu.memory_space<vmem>>
    %dma_start3A_460 = arith.constant 16 : i32
    %dma_start3A_461 = tpu.memref_slice %arg3[%dma_start3A_460, %multiple_of3A_436] : memref<32x1000000xf32, #tpu.memory_space<hbm>> -> memref<8x128xf32, #tpu.memory_space<hbm>>
    %dma_start3A_462 = arith.constant 16 : i32
    %dma_start3A_463 = arith.constant 0 : i32
    %dma_start3A_464 = tpu.memref_slice %arg17[%dma_start3A_462, %dma_start3A_463] : memref<32x128xf32, #tpu.memory_space<vmem>> -> memref<8x128xf32, #tpu.memory_space<vmem>>
    %dma_start3A_465 = arith.constant 16 : i32
    %dma_start3A_466 = tpu.memref_slice %arg3[%dma_start3A_465, %multiple_of3A_436] : memref<32x1000000xf32, #tpu.memory_space<hbm>> -> memref<8x128xf32, #tpu.memory_space<hbm>>
    tpu.enqueue_dma source(%dma_start3A_466 : memref<8x128xf32, #tpu.memory_space<hbm>>) target(%dma_start3A_464 : memref<8x128xf32, #tpu.memory_space<vmem>>) target_semaphore(%arg25 : memref<!tpu.dma_semaphore, #tpu.memory_space<semaphore_mem>>)
    %dma_start3A_467 = arith.constant 24 : i32
    %dma_start3A_468 = arith.constant 0 : i32
    %dma_start3A_469 = tpu.memref_slice %arg17[%dma_start3A_467, %dma_start3A_468] : memref<32x128xf32, #tpu.memory_space<vmem>> -> memref<8x128xf32, #tpu.memory_space<vmem>>
    %dma_start3A_470 = arith.constant 24 : i32
    %dma_start3A_471 = tpu.memref_slice %arg3[%dma_start3A_470, %multiple_of3A_436] : memref<32x1000000xf32, #tpu.memory_space<hbm>> -> memref<8x128xf32, #tpu.memory_space<hbm>>
    %dma_start3A_472 = arith.constant 24 : i32
    %dma_start3A_473 = arith.constant 0 : i32
    %dma_start3A_474 = tpu.memref_slice %arg17[%dma_start3A_472, %dma_start3A_473] : memref<32x128xf32, #tpu.memory_space<vmem>> -> memref<8x128xf32, #tpu.memory_space<vmem>>
    %dma_start3A_475 = arith.constant 24 : i32
    %dma_start3A_476 = tpu.memref_slice %arg3[%dma_start3A_475, %multiple_of3A_436] : memref<32x1000000xf32, #tpu.memory_space<hbm>> -> memref<8x128xf32, #tpu.memory_space<hbm>>
    tpu.enqueue_dma source(%dma_start3A_476 : memref<8x128xf32, #tpu.memory_space<hbm>>) target(%dma_start3A_474 : memref<8x128xf32, #tpu.memory_space<vmem>>) target_semaphore(%arg25 : memref<!tpu.dma_semaphore, #tpu.memory_space<semaphore_mem>>)
    %slice3A_477 = vector.extract_strided_slice %get3A_382 {offsets = [2], sizes = [1], strides = [1]} : vector<16xi32> to vector<1xi32>
    %squeeze3A_478 = vector.extract %slice3A_477[0] : i32 from vector<1xi32>
    %shift_right_logical3A_479 = arith.constant 7 : i32
    %shift_right_logical3A_480 = arith.shrui %squeeze3A_478, %shift_right_logical3A_479 : i32
    %shift_left3A_481 = arith.constant 7 : i32
    %shift_left3A_482 = arith.shli %shift_right_logical3A_480, %shift_left3A_481 : i32
    %multiple_of3A_483 = tpu.assume_multiple %shift_left3A_482, 128 : i32
    %dma_start3A_484 = arith.constant 0 : i32
    %dma_start3A_485 = arith.constant 0 : i32
    %dma_start3A_486 = tpu.memref_slice %arg18[%dma_start3A_484, %dma_start3A_485] : memref<32x128xf32, #tpu.memory_space<vmem>> -> memref<8x128xf32, #tpu.memory_space<vmem>>
    %dma_start3A_487 = arith.constant 0 : i32
    %dma_start3A_488 = tpu.memref_slice %arg3[%dma_start3A_487, %multiple_of3A_483] : memref<32x1000000xf32, #tpu.memory_space<hbm>> -> memref<8x128xf32, #tpu.memory_space<hbm>>
    %dma_start3A_489 = arith.constant 0 : i32
    %dma_start3A_490 = arith.constant 0 : i32
    %dma_start3A_491 = tpu.memref_slice %arg18[%dma_start3A_489, %dma_start3A_490] : memref<32x128xf32, #tpu.memory_space<vmem>> -> memref<8x128xf32, #tpu.memory_space<vmem>>
    %dma_start3A_492 = arith.constant 0 : i32
    %dma_start3A_493 = tpu.memref_slice %arg3[%dma_start3A_492, %multiple_of3A_483] : memref<32x1000000xf32, #tpu.memory_space<hbm>> -> memref<8x128xf32, #tpu.memory_space<hbm>>
    tpu.enqueue_dma source(%dma_start3A_493 : memref<8x128xf32, #tpu.memory_space<hbm>>) target(%dma_start3A_491 : memref<8x128xf32, #tpu.memory_space<vmem>>) target_semaphore(%arg25 : memref<!tpu.dma_semaphore, #tpu.memory_space<semaphore_mem>>)
    %dma_start3A_494 = arith.constant 8 : i32
    %dma_start3A_495 = arith.constant 0 : i32
    %dma_start3A_496 = tpu.memref_slice %arg18[%dma_start3A_494, %dma_start3A_495] : memref<32x128xf32, #tpu.memory_space<vmem>> -> memref<8x128xf32, #tpu.memory_space<vmem>>
    %dma_start3A_497 = arith.constant 8 : i32
    %dma_start3A_498 = tpu.memref_slice %arg3[%dma_start3A_497, %multiple_of3A_483] : memref<32x1000000xf32, #tpu.memory_space<hbm>> -> memref<8x128xf32, #tpu.memory_space<hbm>>
    %dma_start3A_499 = arith.constant 8 : i32
    %dma_start3A_500 = arith.constant 0 : i32
    %dma_start3A_501 = tpu.memref_slice %arg18[%dma_start3A_499, %dma_start3A_500] : memref<32x128xf32, #tpu.memory_space<vmem>> -> memref<8x128xf32, #tpu.memory_space<vmem>>
    %dma_start3A_502 = arith.constant 8 : i32
    %dma_start3A_503 = tpu.memref_slice %arg3[%dma_start3A_502, %multiple_of3A_483] : memref<32x1000000xf32, #tpu.memory_space<hbm>> -> memref<8x128xf32, #tpu.memory_space<hbm>>
    tpu.enqueue_dma source(%dma_start3A_503 : memref<8x128xf32, #tpu.memory_space<hbm>>) target(%dma_start3A_501 : memref<8x128xf32, #tpu.memory_space<vmem>>) target_semaphore(%arg25 : memref<!tpu.dma_semaphore, #tpu.memory_space<semaphore_mem>>)
    %dma_start3A_504 = arith.constant 16 : i32
    %dma_start3A_505 = arith.constant 0 : i32
    %dma_start3A_506 = tpu.memref_slice %arg18[%dma_start3A_504, %dma_start3A_505] : memref<32x128xf32, #tpu.memory_space<vmem>> -> memref<8x128xf32, #tpu.memory_space<vmem>>
    %dma_start3A_507 = arith.constant 16 : i32
    %dma_start3A_508 = tpu.memref_slice %arg3[%dma_start3A_507, %multiple_of3A_483] : memref<32x1000000xf32, #tpu.memory_space<hbm>> -> memref<8x128xf32, #tpu.memory_space<hbm>>
    %dma_start3A_509 = arith.constant 16 : i32
    %dma_start3A_510 = arith.constant 0 : i32
    %dma_start3A_511 = tpu.memref_slice %arg18[%dma_start3A_509, %dma_start3A_510] : memref<32x128xf32, #tpu.memory_space<vmem>> -> memref<8x128xf32, #tpu.memory_space<vmem>>
    %dma_start3A_512 = arith.constant 16 : i32
    %dma_start3A_513 = tpu.memref_slice %arg3[%dma_start3A_512, %multiple_of3A_483] : memref<32x1000000xf32, #tpu.memory_space<hbm>> -> memref<8x128xf32, #tpu.memory_space<hbm>>
    tpu.enqueue_dma source(%dma_start3A_513 : memref<8x128xf32, #tpu.memory_space<hbm>>) target(%dma_start3A_511 : memref<8x128xf32, #tpu.memory_space<vmem>>) target_semaphore(%arg25 : memref<!tpu.dma_semaphore, #tpu.memory_space<semaphore_mem>>)
    %dma_start3A_514 = arith.constant 24 : i32
    %dma_start3A_515 = arith.constant 0 : i32
    %dma_start3A_516 = tpu.memref_slice %arg18[%dma_start3A_514, %dma_start3A_515] : memref<32x128xf32, #tpu.memory_space<vmem>> -> memref<8x128xf32, #tpu.memory_space<vmem>>
    %dma_start3A_517 = arith.constant 24 : i32
    %dma_start3A_518 = tpu.memref_slice %arg3[%dma_start3A_517, %multiple_of3A_483] : memref<32x1000000xf32, #tpu.memory_space<hbm>> -> memref<8x128xf32, #tpu.memory_space<hbm>>
    %dma_start3A_519 = arith.constant 24 : i32
    %dma_start3A_520 = arith.constant 0 : i32
    %dma_start3A_521 = tpu.memref_slice %arg18[%dma_start3A_519, %dma_start3A_520] : memref<32x128xf32, #tpu.memory_space<vmem>> -> memref<8x128xf32, #tpu.memory_space<vmem>>
    %dma_start3A_522 = arith.constant 24 : i32
    %dma_start3A_523 = tpu.memref_slice %arg3[%dma_start3A_522, %multiple_of3A_483] : memref<32x1000000xf32, #tpu.memory_space<hbm>> -> memref<8x128xf32, #tpu.memory_space<hbm>>
    tpu.enqueue_dma source(%dma_start3A_523 : memref<8x128xf32, #tpu.memory_space<hbm>>) target(%dma_start3A_521 : memref<8x128xf32, #tpu.memory_space<vmem>>) target_semaphore(%arg25 : memref<!tpu.dma_semaphore, #tpu.memory_space<semaphore_mem>>)
    %slice3A_524 = vector.extract_strided_slice %get3A_382 {offsets = [3], sizes = [1], strides = [1]} : vector<16xi32> to vector<1xi32>
    %squeeze3A_525 = vector.extract %slice3A_524[0] : i32 from vector<1xi32>
    %shift_right_logical3A_526 = arith.constant 7 : i32
    %shift_right_logical3A_527 = arith.shrui %squeeze3A_525, %shift_right_logical3A_526 : i32
    %shift_left3A_528 = arith.constant 7 : i32
    %shift_left3A_529 = arith.shli %shift_right_logical3A_527, %shift_left3A_528 : i32
    %multiple_of3A_530 = tpu.assume_multiple %shift_left3A_529, 128 : i32
    %dma_start3A_531 = arith.constant 0 : i32
    %dma_start3A_532 = arith.constant 0 : i32
    %dma_start3A_533 = tpu.memref_slice %arg19[%dma_start3A_531, %dma_start3A_532] : memref<32x128xf32, #tpu.memory_space<vmem>> -> memref<8x128xf32, #tpu.memory_space<vmem>>
    %dma_start3A_534 = arith.constant 0 : i32
    %dma_start3A_535 = tpu.memref_slice %arg3[%dma_start3A_534, %multiple_of3A_530] : memref<32x1000000xf32, #tpu.memory_space<hbm>> -> memref<8x128xf32, #tpu.memory_space<hbm>>
    %dma_start3A_536 = arith.constant 0 : i32
    %dma_start3A_537 = arith.constant 0 : i32
    %dma_start3A_538 = tpu.memref_slice %arg19[%dma_start3A_536, %dma_start3A_537] : memref<32x128xf32, #tpu.memory_space<vmem>> -> memref<8x128xf32, #tpu.memory_space<vmem>>
    %dma_start3A_539 = arith.constant 0 : i32
    %dma_start3A_540 = tpu.memref_slice %arg3[%dma_start3A_539, %multiple_of3A_530] : memref<32x1000000xf32, #tpu.memory_space<hbm>> -> memref<8x128xf32, #tpu.memory_space<hbm>>
    tpu.enqueue_dma source(%dma_start3A_540 : memref<8x128xf32, #tpu.memory_space<hbm>>) target(%dma_start3A_538 : memref<8x128xf32, #tpu.memory_space<vmem>>) target_semaphore(%arg25 : memref<!tpu.dma_semaphore, #tpu.memory_space<semaphore_mem>>)
    %dma_start3A_541 = arith.constant 8 : i32
    %dma_start3A_542 = arith.constant 0 : i32
    %dma_start3A_543 = tpu.memref_slice %arg19[%dma_start3A_541, %dma_start3A_542] : memref<32x128xf32, #tpu.memory_space<vmem>> -> memref<8x128xf32, #tpu.memory_space<vmem>>
    %dma_start3A_544 = arith.constant 8 : i32
    %dma_start3A_545 = tpu.memref_slice %arg3[%dma_start3A_544, %multiple_of3A_530] : memref<32x1000000xf32, #tpu.memory_space<hbm>> -> memref<8x128xf32, #tpu.memory_space<hbm>>
    %dma_start3A_546 = arith.constant 8 : i32
    %dma_start3A_547 = arith.constant 0 : i32
    %dma_start3A_548 = tpu.memref_slice %arg19[%dma_start3A_546, %dma_start3A_547] : memref<32x128xf32, #tpu.memory_space<vmem>> -> memref<8x128xf32, #tpu.memory_space<vmem>>
    %dma_start3A_549 = arith.constant 8 : i32
    %dma_start3A_550 = tpu.memref_slice %arg3[%dma_start3A_549, %multiple_of3A_530] : memref<32x1000000xf32, #tpu.memory_space<hbm>> -> memref<8x128xf32, #tpu.memory_space<hbm>>
    tpu.enqueue_dma source(%dma_start3A_550 : memref<8x128xf32, #tpu.memory_space<hbm>>) target(%dma_start3A_548 : memref<8x128xf32, #tpu.memory_space<vmem>>) target_semaphore(%arg25 : memref<!tpu.dma_semaphore, #tpu.memory_space<semaphore_mem>>)
    %dma_start3A_551 = arith.constant 16 : i32
    %dma_start3A_552 = arith.constant 0 : i32
    %dma_start3A_553 = tpu.memref_slice %arg19[%dma_start3A_551, %dma_start3A_552] : memref<32x128xf32, #tpu.memory_space<vmem>> -> memref<8x128xf32, #tpu.memory_space<vmem>>
    %dma_start3A_554 = arith.constant 16 : i32
    %dma_start3A_555 = tpu.memref_slice %arg3[%dma_start3A_554, %multiple_of3A_530] : memref<32x1000000xf32, #tpu.memory_space<hbm>> -> memref<8x128xf32, #tpu.memory_space<hbm>>
    %dma_start3A_556 = arith.constant 16 : i32
    %dma_start3A_557 = arith.constant 0 : i32
    %dma_start3A_558 = tpu.memref_slice %arg19[%dma_start3A_556, %dma_start3A_557] : memref<32x128xf32, #tpu.memory_space<vmem>> -> memref<8x128xf32, #tpu.memory_space<vmem>>
    %dma_start3A_559 = arith.constant 16 : i32
    %dma_start3A_560 = tpu.memref_slice %arg3[%dma_start3A_559, %multiple_of3A_530] : memref<32x1000000xf32, #tpu.memory_space<hbm>> -> memref<8x128xf32, #tpu.memory_space<hbm>>
    tpu.enqueue_dma source(%dma_start3A_560 : memref<8x128xf32, #tpu.memory_space<hbm>>) target(%dma_start3A_558 : memref<8x128xf32, #tpu.memory_space<vmem>>) target_semaphore(%arg25 : memref<!tpu.dma_semaphore, #tpu.memory_space<semaphore_mem>>)
    %dma_start3A_561 = arith.constant 24 : i32
    %dma_start3A_562 = arith.constant 0 : i32
    %dma_start3A_563 = tpu.memref_slice %arg19[%dma_start3A_561, %dma_start3A_562] : memref<32x128xf32, #tpu.memory_space<vmem>> -> memref<8x128xf32, #tpu.memory_space<vmem>>
    %dma_start3A_564 = arith.constant 24 : i32
    %dma_start3A_565 = tpu.memref_slice %arg3[%dma_start3A_564, %multiple_of3A_530] : memref<32x1000000xf32, #tpu.memory_space<hbm>> -> memref<8x128xf32, #tpu.memory_space<hbm>>
    %dma_start3A_566 = arith.constant 24 : i32
    %dma_start3A_567 = arith.constant 0 : i32
    %dma_start3A_568 = tpu.memref_slice %arg19[%dma_start3A_566, %dma_start3A_567] : memref<32x128xf32, #tpu.memory_space<vmem>> -> memref<8x128xf32, #tpu.memory_space<vmem>>
    %dma_start3A_569 = arith.constant 24 : i32
    %dma_start3A_570 = tpu.memref_slice %arg3[%dma_start3A_569, %multiple_of3A_530] : memref<32x1000000xf32, #tpu.memory_space<hbm>> -> memref<8x128xf32, #tpu.memory_space<hbm>>
    tpu.enqueue_dma source(%dma_start3A_570 : memref<8x128xf32, #tpu.memory_space<hbm>>) target(%dma_start3A_568 : memref<8x128xf32, #tpu.memory_space<vmem>>) target_semaphore(%arg25 : memref<!tpu.dma_semaphore, #tpu.memory_space<semaphore_mem>>)
    %slice3A_571 = vector.extract_strided_slice %get3A_382 {offsets = [4], sizes = [1], strides = [1]} : vector<16xi32> to vector<1xi32>
    %squeeze3A_572 = vector.extract %slice3A_571[0] : i32 from vector<1xi32>
    %shift_right_logical3A_573 = arith.constant 7 : i32
    %shift_right_logical3A_574 = arith.shrui %squeeze3A_572, %shift_right_logical3A_573 : i32
    %shift_left3A_575 = arith.constant 7 : i32
    %shift_left3A_576 = arith.shli %shift_right_logical3A_574, %shift_left3A_575 : i32
    %multiple_of3A_577 = tpu.assume_multiple %shift_left3A_576, 128 : i32
    %dma_start3A_578 = arith.constant 0 : i32
    %dma_start3A_579 = arith.constant 0 : i32
    %dma_start3A_580 = tpu.memref_slice %arg20[%dma_start3A_578, %dma_start3A_579] : memref<32x128xf32, #tpu.memory_space<vmem>> -> memref<8x128xf32, #tpu.memory_space<vmem>>
    %dma_start3A_581 = arith.constant 0 : i32
    %dma_start3A_582 = tpu.memref_slice %arg3[%dma_start3A_581, %multiple_of3A_577] : memref<32x1000000xf32, #tpu.memory_space<hbm>> -> memref<8x128xf32, #tpu.memory_space<hbm>>
    %dma_start3A_583 = arith.constant 0 : i32
    %dma_start3A_584 = arith.constant 0 : i32
    %dma_start3A_585 = tpu.memref_slice %arg20[%dma_start3A_583, %dma_start3A_584] : memref<32x128xf32, #tpu.memory_space<vmem>> -> memref<8x128xf32, #tpu.memory_space<vmem>>
    %dma_start3A_586 = arith.constant 0 : i32
    %dma_start3A_587 = tpu.memref_slice %arg3[%dma_start3A_586, %multiple_of3A_577] : memref<32x1000000xf32, #tpu.memory_space<hbm>> -> memref<8x128xf32, #tpu.memory_space<hbm>>
    tpu.enqueue_dma source(%dma_start3A_587 : memref<8x128xf32, #tpu.memory_space<hbm>>) target(%dma_start3A_585 : memref<8x128xf32, #tpu.memory_space<vmem>>) target_semaphore(%arg25 : memref<!tpu.dma_semaphore, #tpu.memory_space<semaphore_mem>>)
    %dma_start3A_588 = arith.constant 8 : i32
    %dma_start3A_589 = arith.constant 0 : i32
    %dma_start3A_590 = tpu.memref_slice %arg20[%dma_start3A_588, %dma_start3A_589] : memref<32x128xf32, #tpu.memory_space<vmem>> -> memref<8x128xf32, #tpu.memory_space<vmem>>
    %dma_start3A_591 = arith.constant 8 : i32
    %dma_start3A_592 = tpu.memref_slice %arg3[%dma_start3A_591, %multiple_of3A_577] : memref<32x1000000xf32, #tpu.memory_space<hbm>> -> memref<8x128xf32, #tpu.memory_space<hbm>>
    %dma_start3A_593 = arith.constant 8 : i32
    %dma_start3A_594 = arith.constant 0 : i32
    %dma_start3A_595 = tpu.memref_slice %arg20[%dma_start3A_593, %dma_start3A_594] : memref<32x128xf32, #tpu.memory_space<vmem>> -> memref<8x128xf32, #tpu.memory_space<vmem>>
    %dma_start3A_596 = arith.constant 8 : i32
    %dma_start3A_597 = tpu.memref_slice %arg3[%dma_start3A_596, %multiple_of3A_577] : memref<32x1000000xf32, #tpu.memory_space<hbm>> -> memref<8x128xf32, #tpu.memory_space<hbm>>
    tpu.enqueue_dma source(%dma_start3A_597 : memref<8x128xf32, #tpu.memory_space<hbm>>) target(%dma_start3A_595 : memref<8x128xf32, #tpu.memory_space<vmem>>) target_semaphore(%arg25 : memref<!tpu.dma_semaphore, #tpu.memory_space<semaphore_mem>>)
    %dma_start3A_598 = arith.constant 16 : i32
    %dma_start3A_599 = arith.constant 0 : i32
    %dma_start3A_600 = tpu.memref_slice %arg20[%dma_start3A_598, %dma_start3A_599] : memref<32x128xf32, #tpu.memory_space<vmem>> -> memref<8x128xf32, #tpu.memory_space<vmem>>
    %dma_start3A_601 = arith.constant 16 : i32
    %dma_start3A_602 = tpu.memref_slice %arg3[%dma_start3A_601, %multiple_of3A_577] : memref<32x1000000xf32, #tpu.memory_space<hbm>> -> memref<8x128xf32, #tpu.memory_space<hbm>>
    %dma_start3A_603 = arith.constant 16 : i32
    %dma_start3A_604 = arith.constant 0 : i32
    %dma_start3A_605 = tpu.memref_slice %arg20[%dma_start3A_603, %dma_start3A_604] : memref<32x128xf32, #tpu.memory_space<vmem>> -> memref<8x128xf32, #tpu.memory_space<vmem>>
    %dma_start3A_606 = arith.constant 16 : i32
    %dma_start3A_607 = tpu.memref_slice %arg3[%dma_start3A_606, %multiple_of3A_577] : memref<32x1000000xf32, #tpu.memory_space<hbm>> -> memref<8x128xf32, #tpu.memory_space<hbm>>
    tpu.enqueue_dma source(%dma_start3A_607 : memref<8x128xf32, #tpu.memory_space<hbm>>) target(%dma_start3A_605 : memref<8x128xf32, #tpu.memory_space<vmem>>) target_semaphore(%arg25 : memref<!tpu.dma_semaphore, #tpu.memory_space<semaphore_mem>>)
    %dma_start3A_608 = arith.constant 24 : i32
    %dma_start3A_609 = arith.constant 0 : i32
    %dma_start3A_610 = tpu.memref_slice %arg20[%dma_start3A_608, %dma_start3A_609] : memref<32x128xf32, #tpu.memory_space<vmem>> -> memref<8x128xf32, #tpu.memory_space<vmem>>
    %dma_start3A_611 = arith.constant 24 : i32
    %dma_start3A_612 = tpu.memref_slice %arg3[%dma_start3A_611, %multiple_of3A_577] : memref<32x1000000xf32, #tpu.memory_space<hbm>> -> memref<8x128xf32, #tpu.memory_space<hbm>>
    %dma_start3A_613 = arith.constant 24 : i32
    %dma_start3A_614 = arith.constant 0 : i32
    %dma_start3A_615 = tpu.memref_slice %arg20[%dma_start3A_613, %dma_start3A_614] : memref<32x128xf32, #tpu.memory_space<vmem>> -> memref<8x128xf32, #tpu.memory_space<vmem>>
    %dma_start3A_616 = arith.constant 24 : i32
    %dma_start3A_617 = tpu.memref_slice %arg3[%dma_start3A_616, %multiple_of3A_577] : memref<32x1000000xf32, #tpu.memory_space<hbm>> -> memref<8x128xf32, #tpu.memory_space<hbm>>
    tpu.enqueue_dma source(%dma_start3A_617 : memref<8x128xf32, #tpu.memory_space<hbm>>) target(%dma_start3A_615 : memref<8x128xf32, #tpu.memory_space<vmem>>) target_semaphore(%arg25 : memref<!tpu.dma_semaphore, #tpu.memory_space<semaphore_mem>>)
    %slice3A_618 = vector.extract_strided_slice %get3A_382 {offsets = [5], sizes = [1], strides = [1]} : vector<16xi32> to vector<1xi32>
    %squeeze3A_619 = vector.extract %slice3A_618[0] : i32 from vector<1xi32>
    %shift_right_logical3A_620 = arith.constant 7 : i32
    %shift_right_logical3A_621 = arith.shrui %squeeze3A_619, %shift_right_logical3A_620 : i32
    %shift_left3A_622 = arith.constant 7 : i32
    %shift_left3A_623 = arith.shli %shift_right_logical3A_621, %shift_left3A_622 : i32
    %multiple_of3A_624 = tpu.assume_multiple %shift_left3A_623, 128 : i32
    %dma_start3A_625 = arith.constant 0 : i32
    %dma_start3A_626 = arith.constant 0 : i32
    %dma_start3A_627 = tpu.memref_slice %arg21[%dma_start3A_625, %dma_start3A_626] : memref<32x128xf32, #tpu.memory_space<vmem>> -> memref<8x128xf32, #tpu.memory_space<vmem>>
    %dma_start3A_628 = arith.constant 0 : i32
    %dma_start3A_629 = tpu.memref_slice %arg3[%dma_start3A_628, %multiple_of3A_624] : memref<32x1000000xf32, #tpu.memory_space<hbm>> -> memref<8x128xf32, #tpu.memory_space<hbm>>
    %dma_start3A_630 = arith.constant 0 : i32
    %dma_start3A_631 = arith.constant 0 : i32
    %dma_start3A_632 = tpu.memref_slice %arg21[%dma_start3A_630, %dma_start3A_631] : memref<32x128xf32, #tpu.memory_space<vmem>> -> memref<8x128xf32, #tpu.memory_space<vmem>>
    %dma_start3A_633 = arith.constant 0 : i32
    %dma_start3A_634 = tpu.memref_slice %arg3[%dma_start3A_633, %multiple_of3A_624] : memref<32x1000000xf32, #tpu.memory_space<hbm>> -> memref<8x128xf32, #tpu.memory_space<hbm>>
    tpu.enqueue_dma source(%dma_start3A_634 : memref<8x128xf32, #tpu.memory_space<hbm>>) target(%dma_start3A_632 : memref<8x128xf32, #tpu.memory_space<vmem>>) target_semaphore(%arg25 : memref<!tpu.dma_semaphore, #tpu.memory_space<semaphore_mem>>)
    %dma_start3A_635 = arith.constant 8 : i32
    %dma_start3A_636 = arith.constant 0 : i32
    %dma_start3A_637 = tpu.memref_slice %arg21[%dma_start3A_635, %dma_start3A_636] : memref<32x128xf32, #tpu.memory_space<vmem>> -> memref<8x128xf32, #tpu.memory_space<vmem>>
    %dma_start3A_638 = arith.constant 8 : i32
    %dma_start3A_639 = tpu.memref_slice %arg3[%dma_start3A_638, %multiple_of3A_624] : memref<32x1000000xf32, #tpu.memory_space<hbm>> -> memref<8x128xf32, #tpu.memory_space<hbm>>
    %dma_start3A_640 = arith.constant 8 : i32
    %dma_start3A_641 = arith.constant 0 : i32
    %dma_start3A_642 = tpu.memref_slice %arg21[%dma_start3A_640, %dma_start3A_641] : memref<32x128xf32, #tpu.memory_space<vmem>> -> memref<8x128xf32, #tpu.memory_space<vmem>>
    %dma_start3A_643 = arith.constant 8 : i32
    %dma_start3A_644 = tpu.memref_slice %arg3[%dma_start3A_643, %multiple_of3A_624] : memref<32x1000000xf32, #tpu.memory_space<hbm>> -> memref<8x128xf32, #tpu.memory_space<hbm>>
    tpu.enqueue_dma source(%dma_start3A_644 : memref<8x128xf32, #tpu.memory_space<hbm>>) target(%dma_start3A_642 : memref<8x128xf32, #tpu.memory_space<vmem>>) target_semaphore(%arg25 : memref<!tpu.dma_semaphore, #tpu.memory_space<semaphore_mem>>)
    %dma_start3A_645 = arith.constant 16 : i32
    %dma_start3A_646 = arith.constant 0 : i32
    %dma_start3A_647 = tpu.memref_slice %arg21[%dma_start3A_645, %dma_start3A_646] : memref<32x128xf32, #tpu.memory_space<vmem>> -> memref<8x128xf32, #tpu.memory_space<vmem>>
    %dma_start3A_648 = arith.constant 16 : i32
    %dma_start3A_649 = tpu.memref_slice %arg3[%dma_start3A_648, %multiple_of3A_624] : memref<32x1000000xf32, #tpu.memory_space<hbm>> -> memref<8x128xf32, #tpu.memory_space<hbm>>
    %dma_start3A_650 = arith.constant 16 : i32
    %dma_start3A_651 = arith.constant 0 : i32
    %dma_start3A_652 = tpu.memref_slice %arg21[%dma_start3A_650, %dma_start3A_651] : memref<32x128xf32, #tpu.memory_space<vmem>> -> memref<8x128xf32, #tpu.memory_space<vmem>>
    %dma_start3A_653 = arith.constant 16 : i32
    %dma_start3A_654 = tpu.memref_slice %arg3[%dma_start3A_653, %multiple_of3A_624] : memref<32x1000000xf32, #tpu.memory_space<hbm>> -> memref<8x128xf32, #tpu.memory_space<hbm>>
    tpu.enqueue_dma source(%dma_start3A_654 : memref<8x128xf32, #tpu.memory_space<hbm>>) target(%dma_start3A_652 : memref<8x128xf32, #tpu.memory_space<vmem>>) target_semaphore(%arg25 : memref<!tpu.dma_semaphore, #tpu.memory_space<semaphore_mem>>)
    %dma_start3A_655 = arith.constant 24 : i32
    %dma_start3A_656 = arith.constant 0 : i32
    %dma_start3A_657 = tpu.memref_slice %arg21[%dma_start3A_655, %dma_start3A_656] : memref<32x128xf32, #tpu.memory_space<vmem>> -> memref<8x128xf32, #tpu.memory_space<vmem>>
    %dma_start3A_658 = arith.constant 24 : i32
    %dma_start3A_659 = tpu.memref_slice %arg3[%dma_start3A_658, %multiple_of3A_624] : memref<32x1000000xf32, #tpu.memory_space<hbm>> -> memref<8x128xf32, #tpu.memory_space<hbm>>
    %dma_start3A_660 = arith.constant 24 : i32
    %dma_start3A_661 = arith.constant 0 : i32
    %dma_start3A_662 = tpu.memref_slice %arg21[%dma_start3A_660, %dma_start3A_661] : memref<32x128xf32, #tpu.memory_space<vmem>> -> memref<8x128xf32, #tpu.memory_space<vmem>>
    %dma_start3A_663 = arith.constant 24 : i32
    %dma_start3A_664 = tpu.memref_slice %arg3[%dma_start3A_663, %multiple_of3A_624] : memref<32x1000000xf32, #tpu.memory_space<hbm>> -> memref<8x128xf32, #tpu.memory_space<hbm>>
    tpu.enqueue_dma source(%dma_start3A_664 : memref<8x128xf32, #tpu.memory_space<hbm>>) target(%dma_start3A_662 : memref<8x128xf32, #tpu.memory_space<vmem>>) target_semaphore(%arg25 : memref<!tpu.dma_semaphore, #tpu.memory_space<semaphore_mem>>)
    %slice3A_665 = vector.extract_strided_slice %get3A_382 {offsets = [6], sizes = [1], strides = [1]} : vector<16xi32> to vector<1xi32>
    %squeeze3A_666 = vector.extract %slice3A_665[0] : i32 from vector<1xi32>
    %shift_right_logical3A_667 = arith.constant 7 : i32
    %shift_right_logical3A_668 = arith.shrui %squeeze3A_666, %shift_right_logical3A_667 : i32
    %shift_left3A_669 = arith.constant 7 : i32
    %shift_left3A_670 = arith.shli %shift_right_logical3A_668, %shift_left3A_669 : i32
    %multiple_of3A_671 = tpu.assume_multiple %shift_left3A_670, 128 : i32
    %dma_start3A_672 = arith.constant 0 : i32
    %dma_start3A_673 = arith.constant 0 : i32
    %dma_start3A_674 = tpu.memref_slice %arg22[%dma_start3A_672, %dma_start3A_673] : memref<32x128xf32, #tpu.memory_space<vmem>> -> memref<8x128xf32, #tpu.memory_space<vmem>>
    %dma_start3A_675 = arith.constant 0 : i32
    %dma_start3A_676 = tpu.memref_slice %arg3[%dma_start3A_675, %multiple_of3A_671] : memref<32x1000000xf32, #tpu.memory_space<hbm>> -> memref<8x128xf32, #tpu.memory_space<hbm>>
    %dma_start3A_677 = arith.constant 0 : i32
    %dma_start3A_678 = arith.constant 0 : i32
    %dma_start3A_679 = tpu.memref_slice %arg22[%dma_start3A_677, %dma_start3A_678] : memref<32x128xf32, #tpu.memory_space<vmem>> -> memref<8x128xf32, #tpu.memory_space<vmem>>
    %dma_start3A_680 = arith.constant 0 : i32
    %dma_start3A_681 = tpu.memref_slice %arg3[%dma_start3A_680, %multiple_of3A_671] : memref<32x1000000xf32, #tpu.memory_space<hbm>> -> memref<8x128xf32, #tpu.memory_space<hbm>>
    tpu.enqueue_dma source(%dma_start3A_681 : memref<8x128xf32, #tpu.memory_space<hbm>>) target(%dma_start3A_679 : memref<8x128xf32, #tpu.memory_space<vmem>>) target_semaphore(%arg25 : memref<!tpu.dma_semaphore, #tpu.memory_space<semaphore_mem>>)
    %dma_start3A_682 = arith.constant 8 : i32
    %dma_start3A_683 = arith.constant 0 : i32
    %dma_start3A_684 = tpu.memref_slice %arg22[%dma_start3A_682, %dma_start3A_683] : memref<32x128xf32, #tpu.memory_space<vmem>> -> memref<8x128xf32, #tpu.memory_space<vmem>>
    %dma_start3A_685 = arith.constant 8 : i32
    %dma_start3A_686 = tpu.memref_slice %arg3[%dma_start3A_685, %multiple_of3A_671] : memref<32x1000000xf32, #tpu.memory_space<hbm>> -> memref<8x128xf32, #tpu.memory_space<hbm>>
    %dma_start3A_687 = arith.constant 8 : i32
    %dma_start3A_688 = arith.constant 0 : i32
    %dma_start3A_689 = tpu.memref_slice %arg22[%dma_start3A_687, %dma_start3A_688] : memref<32x128xf32, #tpu.memory_space<vmem>> -> memref<8x128xf32, #tpu.memory_space<vmem>>
    %dma_start3A_690 = arith.constant 8 : i32
    %dma_start3A_691 = tpu.memref_slice %arg3[%dma_start3A_690, %multiple_of3A_671] : memref<32x1000000xf32, #tpu.memory_space<hbm>> -> memref<8x128xf32, #tpu.memory_space<hbm>>
    tpu.enqueue_dma source(%dma_start3A_691 : memref<8x128xf32, #tpu.memory_space<hbm>>) target(%dma_start3A_689 : memref<8x128xf32, #tpu.memory_space<vmem>>) target_semaphore(%arg25 : memref<!tpu.dma_semaphore, #tpu.memory_space<semaphore_mem>>)
    %dma_start3A_692 = arith.constant 16 : i32
    %dma_start3A_693 = arith.constant 0 : i32
    %dma_start3A_694 = tpu.memref_slice %arg22[%dma_start3A_692, %dma_start3A_693] : memref<32x128xf32, #tpu.memory_space<vmem>> -> memref<8x128xf32, #tpu.memory_space<vmem>>
    %dma_start3A_695 = arith.constant 16 : i32
    %dma_start3A_696 = tpu.memref_slice %arg3[%dma_start3A_695, %multiple_of3A_671] : memref<32x1000000xf32, #tpu.memory_space<hbm>> -> memref<8x128xf32, #tpu.memory_space<hbm>>
    %dma_start3A_697 = arith.constant 16 : i32
    %dma_start3A_698 = arith.constant 0 : i32
    %dma_start3A_699 = tpu.memref_slice %arg22[%dma_start3A_697, %dma_start3A_698] : memref<32x128xf32, #tpu.memory_space<vmem>> -> memref<8x128xf32, #tpu.memory_space<vmem>>
    %dma_start3A_700 = arith.constant 16 : i32
    %dma_start3A_701 = tpu.memref_slice %arg3[%dma_start3A_700, %multiple_of3A_671] : memref<32x1000000xf32, #tpu.memory_space<hbm>> -> memref<8x128xf32, #tpu.memory_space<hbm>>
    tpu.enqueue_dma source(%dma_start3A_701 : memref<8x128xf32, #tpu.memory_space<hbm>>) target(%dma_start3A_699 : memref<8x128xf32, #tpu.memory_space<vmem>>) target_semaphore(%arg25 : memref<!tpu.dma_semaphore, #tpu.memory_space<semaphore_mem>>)
    %dma_start3A_702 = arith.constant 24 : i32
    %dma_start3A_703 = arith.constant 0 : i32
    %dma_start3A_704 = tpu.memref_slice %arg22[%dma_start3A_702, %dma_start3A_703] : memref<32x128xf32, #tpu.memory_space<vmem>> -> memref<8x128xf32, #tpu.memory_space<vmem>>
    %dma_start3A_705 = arith.constant 24 : i32
    %dma_start3A_706 = tpu.memref_slice %arg3[%dma_start3A_705, %multiple_of3A_671] : memref<32x1000000xf32, #tpu.memory_space<hbm>> -> memref<8x128xf32, #tpu.memory_space<hbm>>
    %dma_start3A_707 = arith.constant 24 : i32
    %dma_start3A_708 = arith.constant 0 : i32
    %dma_start3A_709 = tpu.memref_slice %arg22[%dma_start3A_707, %dma_start3A_708] : memref<32x128xf32, #tpu.memory_space<vmem>> -> memref<8x128xf32, #tpu.memory_space<vmem>>
    %dma_start3A_710 = arith.constant 24 : i32
    %dma_start3A_711 = tpu.memref_slice %arg3[%dma_start3A_710, %multiple_of3A_671] : memref<32x1000000xf32, #tpu.memory_space<hbm>> -> memref<8x128xf32, #tpu.memory_space<hbm>>
    tpu.enqueue_dma source(%dma_start3A_711 : memref<8x128xf32, #tpu.memory_space<hbm>>) target(%dma_start3A_709 : memref<8x128xf32, #tpu.memory_space<vmem>>) target_semaphore(%arg25 : memref<!tpu.dma_semaphore, #tpu.memory_space<semaphore_mem>>)
    %slice3A_712 = vector.extract_strided_slice %get3A_382 {offsets = [7], sizes = [1], strides = [1]} : vector<16xi32> to vector<1xi32>
    %squeeze3A_713 = vector.extract %slice3A_712[0] : i32 from vector<1xi32>
    %shift_right_logical3A_714 = arith.constant 7 : i32
    %shift_right_logical3A_715 = arith.shrui %squeeze3A_713, %shift_right_logical3A_714 : i32
    %shift_left3A_716 = arith.constant 7 : i32
    %shift_left3A_717 = arith.shli %shift_right_logical3A_715, %shift_left3A_716 : i32
    %multiple_of3A_718 = tpu.assume_multiple %shift_left3A_717, 128 : i32
    %dma_start3A_719 = arith.constant 0 : i32
    %dma_start3A_720 = arith.constant 0 : i32
    %dma_start3A_721 = tpu.memref_slice %arg23[%dma_start3A_719, %dma_start3A_720] : memref<32x128xf32, #tpu.memory_space<vmem>> -> memref<8x128xf32, #tpu.memory_space<vmem>>
    %dma_start3A_722 = arith.constant 0 : i32
    %dma_start3A_723 = tpu.memref_slice %arg3[%dma_start3A_722, %multiple_of3A_718] : memref<32x1000000xf32, #tpu.memory_space<hbm>> -> memref<8x128xf32, #tpu.memory_space<hbm>>
    %dma_start3A_724 = arith.constant 0 : i32
    %dma_start3A_725 = arith.constant 0 : i32
    %dma_start3A_726 = tpu.memref_slice %arg23[%dma_start3A_724, %dma_start3A_725] : memref<32x128xf32, #tpu.memory_space<vmem>> -> memref<8x128xf32, #tpu.memory_space<vmem>>
    %dma_start3A_727 = arith.constant 0 : i32
    %dma_start3A_728 = tpu.memref_slice %arg3[%dma_start3A_727, %multiple_of3A_718] : memref<32x1000000xf32, #tpu.memory_space<hbm>> -> memref<8x128xf32, #tpu.memory_space<hbm>>
    tpu.enqueue_dma source(%dma_start3A_728 : memref<8x128xf32, #tpu.memory_space<hbm>>) target(%dma_start3A_726 : memref<8x128xf32, #tpu.memory_space<vmem>>) target_semaphore(%arg25 : memref<!tpu.dma_semaphore, #tpu.memory_space<semaphore_mem>>)
    %dma_start3A_729 = arith.constant 8 : i32
    %dma_start3A_730 = arith.constant 0 : i32
    %dma_start3A_731 = tpu.memref_slice %arg23[%dma_start3A_729, %dma_start3A_730] : memref<32x128xf32, #tpu.memory_space<vmem>> -> memref<8x128xf32, #tpu.memory_space<vmem>>
    %dma_start3A_732 = arith.constant 8 : i32
    %dma_start3A_733 = tpu.memref_slice %arg3[%dma_start3A_732, %multiple_of3A_718] : memref<32x1000000xf32, #tpu.memory_space<hbm>> -> memref<8x128xf32, #tpu.memory_space<hbm>>
    %dma_start3A_734 = arith.constant 8 : i32
    %dma_start3A_735 = arith.constant 0 : i32
    %dma_start3A_736 = tpu.memref_slice %arg23[%dma_start3A_734, %dma_start3A_735] : memref<32x128xf32, #tpu.memory_space<vmem>> -> memref<8x128xf32, #tpu.memory_space<vmem>>
    %dma_start3A_737 = arith.constant 8 : i32
    %dma_start3A_738 = tpu.memref_slice %arg3[%dma_start3A_737, %multiple_of3A_718] : memref<32x1000000xf32, #tpu.memory_space<hbm>> -> memref<8x128xf32, #tpu.memory_space<hbm>>
    tpu.enqueue_dma source(%dma_start3A_738 : memref<8x128xf32, #tpu.memory_space<hbm>>) target(%dma_start3A_736 : memref<8x128xf32, #tpu.memory_space<vmem>>) target_semaphore(%arg25 : memref<!tpu.dma_semaphore, #tpu.memory_space<semaphore_mem>>)
    %dma_start3A_739 = arith.constant 16 : i32
    %dma_start3A_740 = arith.constant 0 : i32
    %dma_start3A_741 = tpu.memref_slice %arg23[%dma_start3A_739, %dma_start3A_740] : memref<32x128xf32, #tpu.memory_space<vmem>> -> memref<8x128xf32, #tpu.memory_space<vmem>>
    %dma_start3A_742 = arith.constant 16 : i32
    %dma_start3A_743 = tpu.memref_slice %arg3[%dma_start3A_742, %multiple_of3A_718] : memref<32x1000000xf32, #tpu.memory_space<hbm>> -> memref<8x128xf32, #tpu.memory_space<hbm>>
    %dma_start3A_744 = arith.constant 16 : i32
    %dma_start3A_745 = arith.constant 0 : i32
    %dma_start3A_746 = tpu.memref_slice %arg23[%dma_start3A_744, %dma_start3A_745] : memref<32x128xf32, #tpu.memory_space<vmem>> -> memref<8x128xf32, #tpu.memory_space<vmem>>
    %dma_start3A_747 = arith.constant 16 : i32
    %dma_start3A_748 = tpu.memref_slice %arg3[%dma_start3A_747, %multiple_of3A_718] : memref<32x1000000xf32, #tpu.memory_space<hbm>> -> memref<8x128xf32, #tpu.memory_space<hbm>>
    tpu.enqueue_dma source(%dma_start3A_748 : memref<8x128xf32, #tpu.memory_space<hbm>>) target(%dma_start3A_746 : memref<8x128xf32, #tpu.memory_space<vmem>>) target_semaphore(%arg25 : memref<!tpu.dma_semaphore, #tpu.memory_space<semaphore_mem>>)
    %dma_start3A_749 = arith.constant 24 : i32
    %dma_start3A_750 = arith.constant 0 : i32
    %dma_start3A_751 = tpu.memref_slice %arg23[%dma_start3A_749, %dma_start3A_750] : memref<32x128xf32, #tpu.memory_space<vmem>> -> memref<8x128xf32, #tpu.memory_space<vmem>>
    %dma_start3A_752 = arith.constant 24 : i32
    %dma_start3A_753 = tpu.memref_slice %arg3[%dma_start3A_752, %multiple_of3A_718] : memref<32x1000000xf32, #tpu.memory_space<hbm>> -> memref<8x128xf32, #tpu.memory_space<hbm>>
    %dma_start3A_754 = arith.constant 24 : i32
    %dma_start3A_755 = arith.constant 0 : i32
    %dma_start3A_756 = tpu.memref_slice %arg23[%dma_start3A_754, %dma_start3A_755] : memref<32x128xf32, #tpu.memory_space<vmem>> -> memref<8x128xf32, #tpu.memory_space<vmem>>
    %dma_start3A_757 = arith.constant 24 : i32
    %dma_start3A_758 = tpu.memref_slice %arg3[%dma_start3A_757, %multiple_of3A_718] : memref<32x1000000xf32, #tpu.memory_space<hbm>> -> memref<8x128xf32, #tpu.memory_space<hbm>>
    tpu.enqueue_dma source(%dma_start3A_758 : memref<8x128xf32, #tpu.memory_space<hbm>>) target(%dma_start3A_756 : memref<8x128xf32, #tpu.memory_space<vmem>>) target_semaphore(%arg25 : memref<!tpu.dma_semaphore, #tpu.memory_space<semaphore_mem>>)
    %scan3A = arith.constant 0 : i32
    %scan3A_759 = arith.constant 0 : i32
    %scan3A_760 = arith.constant 0 : i32
    %scan3A_761 = arith.constant 32 : i32
    %scan3A_762 = arith.addi %scan3A_760, %scan3A_761 : i32
    %scan3A_763 = arith.constant 1 : i32
    %scan3A_764:2 = scf.for %scan3A_1541 = %scan3A_760 to %scan3A_762 step %scan3A_763 iter_args(%scan3A_1542 = %scan3A, %scan3A_1543 = %scan3A_759) -> (i32, i32)  : i32 {
      %mul3A_1544 = arith.constant 2 : i32
      %mul3A_1545 = arith.muli %mul3A_1544, %scan3A_1541 : i32
      %add3A_1546 = arith.constant 0 : i32
      %add3A_1547 = arith.addi %mul3A_1545, %add3A_1546 : i32
      %dma_wait3A_1548 = arith.constant 0 : i32
      %dma_wait3A_1549 = arith.constant 0 : i32
      %dma_wait3A_1550 = tpu.memref_slice %arg8[%dma_wait3A_1548, %dma_wait3A_1549] : memref<32x128xf32, #tpu.memory_space<vmem>> -> memref<8x128xf32, #tpu.memory_space<vmem>>
      %dma_wait3A_1551 = arith.constant 0 : i32
      %dma_wait3A_1552 = arith.constant 0 : i32
      %dma_wait3A_1553 = tpu.memref_slice %arg3[%dma_wait3A_1551, %dma_wait3A_1552] : memref<32x1000000xf32, #tpu.memory_space<hbm>> -> memref<8x128xf32, #tpu.memory_space<hbm>>
      %dma_wait3A_1554 = arith.constant 0 : i32
      %dma_wait3A_1555 = arith.constant 0 : i32
      %dma_wait3A_1556 = tpu.memref_slice %arg8[%dma_wait3A_1554, %dma_wait3A_1555] : memref<32x128xf32, #tpu.memory_space<vmem>> -> memref<8x128xf32, #tpu.memory_space<vmem>>
      %dma_wait3A_1557 = arith.constant 0 : i32
      %dma_wait3A_1558 = arith.constant 0 : i32
      %dma_wait3A_1559 = tpu.memref_slice %arg3[%dma_wait3A_1557, %dma_wait3A_1558] : memref<32x1000000xf32, #tpu.memory_space<hbm>> -> memref<8x128xf32, #tpu.memory_space<hbm>>
      tpu.wait_dma2 semaphore(%arg24 : memref<!tpu.dma_semaphore, #tpu.memory_space<semaphore_mem>>) src(%dma_wait3A_1559 : memref<8x128xf32, #tpu.memory_space<hbm>>) dst(%dma_wait3A_1556 : memref<8x128xf32, #tpu.memory_space<vmem>>)
      %dma_wait3A_1560 = arith.constant 8 : i32
      %dma_wait3A_1561 = arith.constant 0 : i32
      %dma_wait3A_1562 = tpu.memref_slice %arg8[%dma_wait3A_1560, %dma_wait3A_1561] : memref<32x128xf32, #tpu.memory_space<vmem>> -> memref<8x128xf32, #tpu.memory_space<vmem>>
      %dma_wait3A_1563 = arith.constant 8 : i32
      %dma_wait3A_1564 = arith.constant 0 : i32
      %dma_wait3A_1565 = tpu.memref_slice %arg3[%dma_wait3A_1563, %dma_wait3A_1564] : memref<32x1000000xf32, #tpu.memory_space<hbm>> -> memref<8x128xf32, #tpu.memory_space<hbm>>
      %dma_wait3A_1566 = arith.constant 8 : i32
      %dma_wait3A_1567 = arith.constant 0 : i32
      %dma_wait3A_1568 = tpu.memref_slice %arg8[%dma_wait3A_1566, %dma_wait3A_1567] : memref<32x128xf32, #tpu.memory_space<vmem>> -> memref<8x128xf32, #tpu.memory_space<vmem>>
      %dma_wait3A_1569 = arith.constant 8 : i32
      %dma_wait3A_1570 = arith.constant 0 : i32
      %dma_wait3A_1571 = tpu.memref_slice %arg3[%dma_wait3A_1569, %dma_wait3A_1570] : memref<32x1000000xf32, #tpu.memory_space<hbm>> -> memref<8x128xf32, #tpu.memory_space<hbm>>
      tpu.wait_dma2 semaphore(%arg24 : memref<!tpu.dma_semaphore, #tpu.memory_space<semaphore_mem>>) src(%dma_wait3A_1571 : memref<8x128xf32, #tpu.memory_space<hbm>>) dst(%dma_wait3A_1568 : memref<8x128xf32, #tpu.memory_space<vmem>>)
      %dma_wait3A_1572 = arith.constant 16 : i32
      %dma_wait3A_1573 = arith.constant 0 : i32
      %dma_wait3A_1574 = tpu.memref_slice %arg8[%dma_wait3A_1572, %dma_wait3A_1573] : memref<32x128xf32, #tpu.memory_space<vmem>> -> memref<8x128xf32, #tpu.memory_space<vmem>>
      %dma_wait3A_1575 = arith.constant 16 : i32
      %dma_wait3A_1576 = arith.constant 0 : i32
      %dma_wait3A_1577 = tpu.memref_slice %arg3[%dma_wait3A_1575, %dma_wait3A_1576] : memref<32x1000000xf32, #tpu.memory_space<hbm>> -> memref<8x128xf32, #tpu.memory_space<hbm>>
      %dma_wait3A_1578 = arith.constant 16 : i32
      %dma_wait3A_1579 = arith.constant 0 : i32
      %dma_wait3A_1580 = tpu.memref_slice %arg8[%dma_wait3A_1578, %dma_wait3A_1579] : memref<32x128xf32, #tpu.memory_space<vmem>> -> memref<8x128xf32, #tpu.memory_space<vmem>>
      %dma_wait3A_1581 = arith.constant 16 : i32
      %dma_wait3A_1582 = arith.constant 0 : i32
      %dma_wait3A_1583 = tpu.memref_slice %arg3[%dma_wait3A_1581, %dma_wait3A_1582] : memref<32x1000000xf32, #tpu.memory_space<hbm>> -> memref<8x128xf32, #tpu.memory_space<hbm>>
      tpu.wait_dma2 semaphore(%arg24 : memref<!tpu.dma_semaphore, #tpu.memory_space<semaphore_mem>>) src(%dma_wait3A_1583 : memref<8x128xf32, #tpu.memory_space<hbm>>) dst(%dma_wait3A_1580 : memref<8x128xf32, #tpu.memory_space<vmem>>)
      %dma_wait3A_1584 = arith.constant 24 : i32
      %dma_wait3A_1585 = arith.constant 0 : i32
      %dma_wait3A_1586 = tpu.memref_slice %arg8[%dma_wait3A_1584, %dma_wait3A_1585] : memref<32x128xf32, #tpu.memory_space<vmem>> -> memref<8x128xf32, #tpu.memory_space<vmem>>
      %dma_wait3A_1587 = arith.constant 24 : i32
      %dma_wait3A_1588 = arith.constant 0 : i32
      %dma_wait3A_1589 = tpu.memref_slice %arg3[%dma_wait3A_1587, %dma_wait3A_1588] : memref<32x1000000xf32, #tpu.memory_space<hbm>> -> memref<8x128xf32, #tpu.memory_space<hbm>>
      %dma_wait3A_1590 = arith.constant 24 : i32
      %dma_wait3A_1591 = arith.constant 0 : i32
      %dma_wait3A_1592 = tpu.memref_slice %arg8[%dma_wait3A_1590, %dma_wait3A_1591] : memref<32x128xf32, #tpu.memory_space<vmem>> -> memref<8x128xf32, #tpu.memory_space<vmem>>
      %dma_wait3A_1593 = arith.constant 24 : i32
      %dma_wait3A_1594 = arith.constant 0 : i32
      %dma_wait3A_1595 = tpu.memref_slice %arg3[%dma_wait3A_1593, %dma_wait3A_1594] : memref<32x1000000xf32, #tpu.memory_space<hbm>> -> memref<8x128xf32, #tpu.memory_space<hbm>>
      tpu.wait_dma2 semaphore(%arg24 : memref<!tpu.dma_semaphore, #tpu.memory_space<semaphore_mem>>) src(%dma_wait3A_1595 : memref<8x128xf32, #tpu.memory_space<hbm>>) dst(%dma_wait3A_1592 : memref<8x128xf32, #tpu.memory_space<vmem>>)
      %dma_wait3A_1596 = arith.constant 0 : i32
      %dma_wait3A_1597 = arith.constant 0 : i32
      %dma_wait3A_1598 = tpu.memref_slice %arg9[%dma_wait3A_1596, %dma_wait3A_1597] : memref<32x128xf32, #tpu.memory_space<vmem>> -> memref<8x128xf32, #tpu.memory_space<vmem>>
      %dma_wait3A_1599 = arith.constant 0 : i32
      %dma_wait3A_1600 = arith.constant 0 : i32
      %dma_wait3A_1601 = tpu.memref_slice %arg3[%dma_wait3A_1599, %dma_wait3A_1600] : memref<32x1000000xf32, #tpu.memory_space<hbm>> -> memref<8x128xf32, #tpu.memory_space<hbm>>
      %dma_wait3A_1602 = arith.constant 0 : i32
      %dma_wait3A_1603 = arith.constant 0 : i32
      %dma_wait3A_1604 = tpu.memref_slice %arg9[%dma_wait3A_1602, %dma_wait3A_1603] : memref<32x128xf32, #tpu.memory_space<vmem>> -> memref<8x128xf32, #tpu.memory_space<vmem>>
      %dma_wait3A_1605 = arith.constant 0 : i32
      %dma_wait3A_1606 = arith.constant 0 : i32
      %dma_wait3A_1607 = tpu.memref_slice %arg3[%dma_wait3A_1605, %dma_wait3A_1606] : memref<32x1000000xf32, #tpu.memory_space<hbm>> -> memref<8x128xf32, #tpu.memory_space<hbm>>
      tpu.wait_dma2 semaphore(%arg24 : memref<!tpu.dma_semaphore, #tpu.memory_space<semaphore_mem>>) src(%dma_wait3A_1607 : memref<8x128xf32, #tpu.memory_space<hbm>>) dst(%dma_wait3A_1604 : memref<8x128xf32, #tpu.memory_space<vmem>>)
      %dma_wait3A_1608 = arith.constant 8 : i32
      %dma_wait3A_1609 = arith.constant 0 : i32
      %dma_wait3A_1610 = tpu.memref_slice %arg9[%dma_wait3A_1608, %dma_wait3A_1609] : memref<32x128xf32, #tpu.memory_space<vmem>> -> memref<8x128xf32, #tpu.memory_space<vmem>>
      %dma_wait3A_1611 = arith.constant 8 : i32
      %dma_wait3A_1612 = arith.constant 0 : i32
      %dma_wait3A_1613 = tpu.memref_slice %arg3[%dma_wait3A_1611, %dma_wait3A_1612] : memref<32x1000000xf32, #tpu.memory_space<hbm>> -> memref<8x128xf32, #tpu.memory_space<hbm>>
      %dma_wait3A_1614 = arith.constant 8 : i32
      %dma_wait3A_1615 = arith.constant 0 : i32
      %dma_wait3A_1616 = tpu.memref_slice %arg9[%dma_wait3A_1614, %dma_wait3A_1615] : memref<32x128xf32, #tpu.memory_space<vmem>> -> memref<8x128xf32, #tpu.memory_space<vmem>>
      %dma_wait3A_1617 = arith.constant 8 : i32
      %dma_wait3A_1618 = arith.constant 0 : i32
      %dma_wait3A_1619 = tpu.memref_slice %arg3[%dma_wait3A_1617, %dma_wait3A_1618] : memref<32x1000000xf32, #tpu.memory_space<hbm>> -> memref<8x128xf32, #tpu.memory_space<hbm>>
      tpu.wait_dma2 semaphore(%arg24 : memref<!tpu.dma_semaphore, #tpu.memory_space<semaphore_mem>>) src(%dma_wait3A_1619 : memref<8x128xf32, #tpu.memory_space<hbm>>) dst(%dma_wait3A_1616 : memref<8x128xf32, #tpu.memory_space<vmem>>)
      %dma_wait3A_1620 = arith.constant 16 : i32
      %dma_wait3A_1621 = arith.constant 0 : i32
      %dma_wait3A_1622 = tpu.memref_slice %arg9[%dma_wait3A_1620, %dma_wait3A_1621] : memref<32x128xf32, #tpu.memory_space<vmem>> -> memref<8x128xf32, #tpu.memory_space<vmem>>
      %dma_wait3A_1623 = arith.constant 16 : i32
      %dma_wait3A_1624 = arith.constant 0 : i32
      %dma_wait3A_1625 = tpu.memref_slice %arg3[%dma_wait3A_1623, %dma_wait3A_1624] : memref<32x1000000xf32, #tpu.memory_space<hbm>> -> memref<8x128xf32, #tpu.memory_space<hbm>>
      %dma_wait3A_1626 = arith.constant 16 : i32
      %dma_wait3A_1627 = arith.constant 0 : i32
      %dma_wait3A_1628 = tpu.memref_slice %arg9[%dma_wait3A_1626, %dma_wait3A_1627] : memref<32x128xf32, #tpu.memory_space<vmem>> -> memref<8x128xf32, #tpu.memory_space<vmem>>
      %dma_wait3A_1629 = arith.constant 16 : i32
      %dma_wait3A_1630 = arith.constant 0 : i32
      %dma_wait3A_1631 = tpu.memref_slice %arg3[%dma_wait3A_1629, %dma_wait3A_1630] : memref<32x1000000xf32, #tpu.memory_space<hbm>> -> memref<8x128xf32, #tpu.memory_space<hbm>>
      tpu.wait_dma2 semaphore(%arg24 : memref<!tpu.dma_semaphore, #tpu.memory_space<semaphore_mem>>) src(%dma_wait3A_1631 : memref<8x128xf32, #tpu.memory_space<hbm>>) dst(%dma_wait3A_1628 : memref<8x128xf32, #tpu.memory_space<vmem>>)
      %dma_wait3A_1632 = arith.constant 24 : i32
      %dma_wait3A_1633 = arith.constant 0 : i32
      %dma_wait3A_1634 = tpu.memref_slice %arg9[%dma_wait3A_1632, %dma_wait3A_1633] : memref<32x128xf32, #tpu.memory_space<vmem>> -> memref<8x128xf32, #tpu.memory_space<vmem>>
      %dma_wait3A_1635 = arith.constant 24 : i32
      %dma_wait3A_1636 = arith.constant 0 : i32
      %dma_wait3A_1637 = tpu.memref_slice %arg3[%dma_wait3A_1635, %dma_wait3A_1636] : memref<32x1000000xf32, #tpu.memory_space<hbm>> -> memref<8x128xf32, #tpu.memory_space<hbm>>
      %dma_wait3A_1638 = arith.constant 24 : i32
      %dma_wait3A_1639 = arith.constant 0 : i32
      %dma_wait3A_1640 = tpu.memref_slice %arg9[%dma_wait3A_1638, %dma_wait3A_1639] : memref<32x128xf32, #tpu.memory_space<vmem>> -> memref<8x128xf32, #tpu.memory_space<vmem>>
      %dma_wait3A_1641 = arith.constant 24 : i32
      %dma_wait3A_1642 = arith.constant 0 : i32
      %dma_wait3A_1643 = tpu.memref_slice %arg3[%dma_wait3A_1641, %dma_wait3A_1642] : memref<32x1000000xf32, #tpu.memory_space<hbm>> -> memref<8x128xf32, #tpu.memory_space<hbm>>
      tpu.wait_dma2 semaphore(%arg24 : memref<!tpu.dma_semaphore, #tpu.memory_space<semaphore_mem>>) src(%dma_wait3A_1643 : memref<8x128xf32, #tpu.memory_space<hbm>>) dst(%dma_wait3A_1640 : memref<8x128xf32, #tpu.memory_space<vmem>>)
      %dma_wait3A_1644 = arith.constant 0 : i32
      %dma_wait3A_1645 = arith.constant 0 : i32
      %dma_wait3A_1646 = tpu.memref_slice %arg10[%dma_wait3A_1644, %dma_wait3A_1645] : memref<32x128xf32, #tpu.memory_space<vmem>> -> memref<8x128xf32, #tpu.memory_space<vmem>>
      %dma_wait3A_1647 = arith.constant 0 : i32
      %dma_wait3A_1648 = arith.constant 0 : i32
      %dma_wait3A_1649 = tpu.memref_slice %arg3[%dma_wait3A_1647, %dma_wait3A_1648] : memref<32x1000000xf32, #tpu.memory_space<hbm>> -> memref<8x128xf32, #tpu.memory_space<hbm>>
      %dma_wait3A_1650 = arith.constant 0 : i32
      %dma_wait3A_1651 = arith.constant 0 : i32
      %dma_wait3A_1652 = tpu.memref_slice %arg10[%dma_wait3A_1650, %dma_wait3A_1651] : memref<32x128xf32, #tpu.memory_space<vmem>> -> memref<8x128xf32, #tpu.memory_space<vmem>>
      %dma_wait3A_1653 = arith.constant 0 : i32
      %dma_wait3A_1654 = arith.constant 0 : i32
      %dma_wait3A_1655 = tpu.memref_slice %arg3[%dma_wait3A_1653, %dma_wait3A_1654] : memref<32x1000000xf32, #tpu.memory_space<hbm>> -> memref<8x128xf32, #tpu.memory_space<hbm>>
      tpu.wait_dma2 semaphore(%arg24 : memref<!tpu.dma_semaphore, #tpu.memory_space<semaphore_mem>>) src(%dma_wait3A_1655 : memref<8x128xf32, #tpu.memory_space<hbm>>) dst(%dma_wait3A_1652 : memref<8x128xf32, #tpu.memory_space<vmem>>)
      %dma_wait3A_1656 = arith.constant 8 : i32
      %dma_wait3A_1657 = arith.constant 0 : i32
      %dma_wait3A_1658 = tpu.memref_slice %arg10[%dma_wait3A_1656, %dma_wait3A_1657] : memref<32x128xf32, #tpu.memory_space<vmem>> -> memref<8x128xf32, #tpu.memory_space<vmem>>
      %dma_wait3A_1659 = arith.constant 8 : i32
      %dma_wait3A_1660 = arith.constant 0 : i32
      %dma_wait3A_1661 = tpu.memref_slice %arg3[%dma_wait3A_1659, %dma_wait3A_1660] : memref<32x1000000xf32, #tpu.memory_space<hbm>> -> memref<8x128xf32, #tpu.memory_space<hbm>>
      %dma_wait3A_1662 = arith.constant 8 : i32
      %dma_wait3A_1663 = arith.constant 0 : i32
      %dma_wait3A_1664 = tpu.memref_slice %arg10[%dma_wait3A_1662, %dma_wait3A_1663] : memref<32x128xf32, #tpu.memory_space<vmem>> -> memref<8x128xf32, #tpu.memory_space<vmem>>
      %dma_wait3A_1665 = arith.constant 8 : i32
      %dma_wait3A_1666 = arith.constant 0 : i32
      %dma_wait3A_1667 = tpu.memref_slice %arg3[%dma_wait3A_1665, %dma_wait3A_1666] : memref<32x1000000xf32, #tpu.memory_space<hbm>> -> memref<8x128xf32, #tpu.memory_space<hbm>>
      tpu.wait_dma2 semaphore(%arg24 : memref<!tpu.dma_semaphore, #tpu.memory_space<semaphore_mem>>) src(%dma_wait3A_1667 : memref<8x128xf32, #tpu.memory_space<hbm>>) dst(%dma_wait3A_1664 : memref<8x128xf32, #tpu.memory_space<vmem>>)
      %dma_wait3A_1668 = arith.constant 16 : i32
      %dma_wait3A_1669 = arith.constant 0 : i32
      %dma_wait3A_1670 = tpu.memref_slice %arg10[%dma_wait3A_1668, %dma_wait3A_1669] : memref<32x128xf32, #tpu.memory_space<vmem>> -> memref<8x128xf32, #tpu.memory_space<vmem>>
      %dma_wait3A_1671 = arith.constant 16 : i32
      %dma_wait3A_1672 = arith.constant 0 : i32
      %dma_wait3A_1673 = tpu.memref_slice %arg3[%dma_wait3A_1671, %dma_wait3A_1672] : memref<32x1000000xf32, #tpu.memory_space<hbm>> -> memref<8x128xf32, #tpu.memory_space<hbm>>
      %dma_wait3A_1674 = arith.constant 16 : i32
      %dma_wait3A_1675 = arith.constant 0 : i32
      %dma_wait3A_1676 = tpu.memref_slice %arg10[%dma_wait3A_1674, %dma_wait3A_1675] : memref<32x128xf32, #tpu.memory_space<vmem>> -> memref<8x128xf32, #tpu.memory_space<vmem>>
      %dma_wait3A_1677 = arith.constant 16 : i32
      %dma_wait3A_1678 = arith.constant 0 : i32
      %dma_wait3A_1679 = tpu.memref_slice %arg3[%dma_wait3A_1677, %dma_wait3A_1678] : memref<32x1000000xf32, #tpu.memory_space<hbm>> -> memref<8x128xf32, #tpu.memory_space<hbm>>
      tpu.wait_dma2 semaphore(%arg24 : memref<!tpu.dma_semaphore, #tpu.memory_space<semaphore_mem>>) src(%dma_wait3A_1679 : memref<8x128xf32, #tpu.memory_space<hbm>>) dst(%dma_wait3A_1676 : memref<8x128xf32, #tpu.memory_space<vmem>>)
      %dma_wait3A_1680 = arith.constant 24 : i32
      %dma_wait3A_1681 = arith.constant 0 : i32
      %dma_wait3A_1682 = tpu.memref_slice %arg10[%dma_wait3A_1680, %dma_wait3A_1681] : memref<32x128xf32, #tpu.memory_space<vmem>> -> memref<8x128xf32, #tpu.memory_space<vmem>>
      %dma_wait3A_1683 = arith.constant 24 : i32
      %dma_wait3A_1684 = arith.constant 0 : i32
      %dma_wait3A_1685 = tpu.memref_slice %arg3[%dma_wait3A_1683, %dma_wait3A_1684] : memref<32x1000000xf32, #tpu.memory_space<hbm>> -> memref<8x128xf32, #tpu.memory_space<hbm>>
      %dma_wait3A_1686 = arith.constant 24 : i32
      %dma_wait3A_1687 = arith.constant 0 : i32
      %dma_wait3A_1688 = tpu.memref_slice %arg10[%dma_wait3A_1686, %dma_wait3A_1687] : memref<32x128xf32, #tpu.memory_space<vmem>> -> memref<8x128xf32, #tpu.memory_space<vmem>>
      %dma_wait3A_1689 = arith.constant 24 : i32
      %dma_wait3A_1690 = arith.constant 0 : i32
      %dma_wait3A_1691 = tpu.memref_slice %arg3[%dma_wait3A_1689, %dma_wait3A_1690] : memref<32x1000000xf32, #tpu.memory_space<hbm>> -> memref<8x128xf32, #tpu.memory_space<hbm>>
      tpu.wait_dma2 semaphore(%arg24 : memref<!tpu.dma_semaphore, #tpu.memory_space<semaphore_mem>>) src(%dma_wait3A_1691 : memref<8x128xf32, #tpu.memory_space<hbm>>) dst(%dma_wait3A_1688 : memref<8x128xf32, #tpu.memory_space<vmem>>)
      %dma_wait3A_1692 = arith.constant 0 : i32
      %dma_wait3A_1693 = arith.constant 0 : i32
      %dma_wait3A_1694 = tpu.memref_slice %arg11[%dma_wait3A_1692, %dma_wait3A_1693] : memref<32x128xf32, #tpu.memory_space<vmem>> -> memref<8x128xf32, #tpu.memory_space<vmem>>
      %dma_wait3A_1695 = arith.constant 0 : i32
      %dma_wait3A_1696 = arith.constant 0 : i32
      %dma_wait3A_1697 = tpu.memref_slice %arg3[%dma_wait3A_1695, %dma_wait3A_1696] : memref<32x1000000xf32, #tpu.memory_space<hbm>> -> memref<8x128xf32, #tpu.memory_space<hbm>>
      %dma_wait3A_1698 = arith.constant 0 : i32
      %dma_wait3A_1699 = arith.constant 0 : i32
      %dma_wait3A_1700 = tpu.memref_slice %arg11[%dma_wait3A_1698, %dma_wait3A_1699] : memref<32x128xf32, #tpu.memory_space<vmem>> -> memref<8x128xf32, #tpu.memory_space<vmem>>
      %dma_wait3A_1701 = arith.constant 0 : i32
      %dma_wait3A_1702 = arith.constant 0 : i32
      %dma_wait3A_1703 = tpu.memref_slice %arg3[%dma_wait3A_1701, %dma_wait3A_1702] : memref<32x1000000xf32, #tpu.memory_space<hbm>> -> memref<8x128xf32, #tpu.memory_space<hbm>>
      tpu.wait_dma2 semaphore(%arg24 : memref<!tpu.dma_semaphore, #tpu.memory_space<semaphore_mem>>) src(%dma_wait3A_1703 : memref<8x128xf32, #tpu.memory_space<hbm>>) dst(%dma_wait3A_1700 : memref<8x128xf32, #tpu.memory_space<vmem>>)
      %dma_wait3A_1704 = arith.constant 8 : i32
      %dma_wait3A_1705 = arith.constant 0 : i32
      %dma_wait3A_1706 = tpu.memref_slice %arg11[%dma_wait3A_1704, %dma_wait3A_1705] : memref<32x128xf32, #tpu.memory_space<vmem>> -> memref<8x128xf32, #tpu.memory_space<vmem>>
      %dma_wait3A_1707 = arith.constant 8 : i32
      %dma_wait3A_1708 = arith.constant 0 : i32
      %dma_wait3A_1709 = tpu.memref_slice %arg3[%dma_wait3A_1707, %dma_wait3A_1708] : memref<32x1000000xf32, #tpu.memory_space<hbm>> -> memref<8x128xf32, #tpu.memory_space<hbm>>
      %dma_wait3A_1710 = arith.constant 8 : i32
      %dma_wait3A_1711 = arith.constant 0 : i32
      %dma_wait3A_1712 = tpu.memref_slice %arg11[%dma_wait3A_1710, %dma_wait3A_1711] : memref<32x128xf32, #tpu.memory_space<vmem>> -> memref<8x128xf32, #tpu.memory_space<vmem>>
      %dma_wait3A_1713 = arith.constant 8 : i32
      %dma_wait3A_1714 = arith.constant 0 : i32
      %dma_wait3A_1715 = tpu.memref_slice %arg3[%dma_wait3A_1713, %dma_wait3A_1714] : memref<32x1000000xf32, #tpu.memory_space<hbm>> -> memref<8x128xf32, #tpu.memory_space<hbm>>
      tpu.wait_dma2 semaphore(%arg24 : memref<!tpu.dma_semaphore, #tpu.memory_space<semaphore_mem>>) src(%dma_wait3A_1715 : memref<8x128xf32, #tpu.memory_space<hbm>>) dst(%dma_wait3A_1712 : memref<8x128xf32, #tpu.memory_space<vmem>>)
      %dma_wait3A_1716 = arith.constant 16 : i32
      %dma_wait3A_1717 = arith.constant 0 : i32
      %dma_wait3A_1718 = tpu.memref_slice %arg11[%dma_wait3A_1716, %dma_wait3A_1717] : memref<32x128xf32, #tpu.memory_space<vmem>> -> memref<8x128xf32, #tpu.memory_space<vmem>>
      %dma_wait3A_1719 = arith.constant 16 : i32
      %dma_wait3A_1720 = arith.constant 0 : i32
      %dma_wait3A_1721 = tpu.memref_slice %arg3[%dma_wait3A_1719, %dma_wait3A_1720] : memref<32x1000000xf32, #tpu.memory_space<hbm>> -> memref<8x128xf32, #tpu.memory_space<hbm>>
      %dma_wait3A_1722 = arith.constant 16 : i32
      %dma_wait3A_1723 = arith.constant 0 : i32
      %dma_wait3A_1724 = tpu.memref_slice %arg11[%dma_wait3A_1722, %dma_wait3A_1723] : memref<32x128xf32, #tpu.memory_space<vmem>> -> memref<8x128xf32, #tpu.memory_space<vmem>>
      %dma_wait3A_1725 = arith.constant 16 : i32
      %dma_wait3A_1726 = arith.constant 0 : i32
      %dma_wait3A_1727 = tpu.memref_slice %arg3[%dma_wait3A_1725, %dma_wait3A_1726] : memref<32x1000000xf32, #tpu.memory_space<hbm>> -> memref<8x128xf32, #tpu.memory_space<hbm>>
      tpu.wait_dma2 semaphore(%arg24 : memref<!tpu.dma_semaphore, #tpu.memory_space<semaphore_mem>>) src(%dma_wait3A_1727 : memref<8x128xf32, #tpu.memory_space<hbm>>) dst(%dma_wait3A_1724 : memref<8x128xf32, #tpu.memory_space<vmem>>)
      %dma_wait3A_1728 = arith.constant 24 : i32
      %dma_wait3A_1729 = arith.constant 0 : i32
      %dma_wait3A_1730 = tpu.memref_slice %arg11[%dma_wait3A_1728, %dma_wait3A_1729] : memref<32x128xf32, #tpu.memory_space<vmem>> -> memref<8x128xf32, #tpu.memory_space<vmem>>
      %dma_wait3A_1731 = arith.constant 24 : i32
      %dma_wait3A_1732 = arith.constant 0 : i32
      %dma_wait3A_1733 = tpu.memref_slice %arg3[%dma_wait3A_1731, %dma_wait3A_1732] : memref<32x1000000xf32, #tpu.memory_space<hbm>> -> memref<8x128xf32, #tpu.memory_space<hbm>>
      %dma_wait3A_1734 = arith.constant 24 : i32
      %dma_wait3A_1735 = arith.constant 0 : i32
      %dma_wait3A_1736 = tpu.memref_slice %arg11[%dma_wait3A_1734, %dma_wait3A_1735] : memref<32x128xf32, #tpu.memory_space<vmem>> -> memref<8x128xf32, #tpu.memory_space<vmem>>
      %dma_wait3A_1737 = arith.constant 24 : i32
      %dma_wait3A_1738 = arith.constant 0 : i32
      %dma_wait3A_1739 = tpu.memref_slice %arg3[%dma_wait3A_1737, %dma_wait3A_1738] : memref<32x1000000xf32, #tpu.memory_space<hbm>> -> memref<8x128xf32, #tpu.memory_space<hbm>>
      tpu.wait_dma2 semaphore(%arg24 : memref<!tpu.dma_semaphore, #tpu.memory_space<semaphore_mem>>) src(%dma_wait3A_1739 : memref<8x128xf32, #tpu.memory_space<hbm>>) dst(%dma_wait3A_1736 : memref<8x128xf32, #tpu.memory_space<vmem>>)
      %dma_wait3A_1740 = arith.constant 0 : i32
      %dma_wait3A_1741 = arith.constant 0 : i32
      %dma_wait3A_1742 = tpu.memref_slice %arg12[%dma_wait3A_1740, %dma_wait3A_1741] : memref<32x128xf32, #tpu.memory_space<vmem>> -> memref<8x128xf32, #tpu.memory_space<vmem>>
      %dma_wait3A_1743 = arith.constant 0 : i32
      %dma_wait3A_1744 = arith.constant 0 : i32
      %dma_wait3A_1745 = tpu.memref_slice %arg3[%dma_wait3A_1743, %dma_wait3A_1744] : memref<32x1000000xf32, #tpu.memory_space<hbm>> -> memref<8x128xf32, #tpu.memory_space<hbm>>
      %dma_wait3A_1746 = arith.constant 0 : i32
      %dma_wait3A_1747 = arith.constant 0 : i32
      %dma_wait3A_1748 = tpu.memref_slice %arg12[%dma_wait3A_1746, %dma_wait3A_1747] : memref<32x128xf32, #tpu.memory_space<vmem>> -> memref<8x128xf32, #tpu.memory_space<vmem>>
      %dma_wait3A_1749 = arith.constant 0 : i32
      %dma_wait3A_1750 = arith.constant 0 : i32
      %dma_wait3A_1751 = tpu.memref_slice %arg3[%dma_wait3A_1749, %dma_wait3A_1750] : memref<32x1000000xf32, #tpu.memory_space<hbm>> -> memref<8x128xf32, #tpu.memory_space<hbm>>
      tpu.wait_dma2 semaphore(%arg24 : memref<!tpu.dma_semaphore, #tpu.memory_space<semaphore_mem>>) src(%dma_wait3A_1751 : memref<8x128xf32, #tpu.memory_space<hbm>>) dst(%dma_wait3A_1748 : memref<8x128xf32, #tpu.memory_space<vmem>>)
      %dma_wait3A_1752 = arith.constant 8 : i32
      %dma_wait3A_1753 = arith.constant 0 : i32
      %dma_wait3A_1754 = tpu.memref_slice %arg12[%dma_wait3A_1752, %dma_wait3A_1753] : memref<32x128xf32, #tpu.memory_space<vmem>> -> memref<8x128xf32, #tpu.memory_space<vmem>>
      %dma_wait3A_1755 = arith.constant 8 : i32
      %dma_wait3A_1756 = arith.constant 0 : i32
      %dma_wait3A_1757 = tpu.memref_slice %arg3[%dma_wait3A_1755, %dma_wait3A_1756] : memref<32x1000000xf32, #tpu.memory_space<hbm>> -> memref<8x128xf32, #tpu.memory_space<hbm>>
      %dma_wait3A_1758 = arith.constant 8 : i32
      %dma_wait3A_1759 = arith.constant 0 : i32
      %dma_wait3A_1760 = tpu.memref_slice %arg12[%dma_wait3A_1758, %dma_wait3A_1759] : memref<32x128xf32, #tpu.memory_space<vmem>> -> memref<8x128xf32, #tpu.memory_space<vmem>>
      %dma_wait3A_1761 = arith.constant 8 : i32
      %dma_wait3A_1762 = arith.constant 0 : i32
      %dma_wait3A_1763 = tpu.memref_slice %arg3[%dma_wait3A_1761, %dma_wait3A_1762] : memref<32x1000000xf32, #tpu.memory_space<hbm>> -> memref<8x128xf32, #tpu.memory_space<hbm>>
      tpu.wait_dma2 semaphore(%arg24 : memref<!tpu.dma_semaphore, #tpu.memory_space<semaphore_mem>>) src(%dma_wait3A_1763 : memref<8x128xf32, #tpu.memory_space<hbm>>) dst(%dma_wait3A_1760 : memref<8x128xf32, #tpu.memory_space<vmem>>)
      %dma_wait3A_1764 = arith.constant 16 : i32
      %dma_wait3A_1765 = arith.constant 0 : i32
      %dma_wait3A_1766 = tpu.memref_slice %arg12[%dma_wait3A_1764, %dma_wait3A_1765] : memref<32x128xf32, #tpu.memory_space<vmem>> -> memref<8x128xf32, #tpu.memory_space<vmem>>
      %dma_wait3A_1767 = arith.constant 16 : i32
      %dma_wait3A_1768 = arith.constant 0 : i32
      %dma_wait3A_1769 = tpu.memref_slice %arg3[%dma_wait3A_1767, %dma_wait3A_1768] : memref<32x1000000xf32, #tpu.memory_space<hbm>> -> memref<8x128xf32, #tpu.memory_space<hbm>>
      %dma_wait3A_1770 = arith.constant 16 : i32
      %dma_wait3A_1771 = arith.constant 0 : i32
      %dma_wait3A_1772 = tpu.memref_slice %arg12[%dma_wait3A_1770, %dma_wait3A_1771] : memref<32x128xf32, #tpu.memory_space<vmem>> -> memref<8x128xf32, #tpu.memory_space<vmem>>
      %dma_wait3A_1773 = arith.constant 16 : i32
      %dma_wait3A_1774 = arith.constant 0 : i32
      %dma_wait3A_1775 = tpu.memref_slice %arg3[%dma_wait3A_1773, %dma_wait3A_1774] : memref<32x1000000xf32, #tpu.memory_space<hbm>> -> memref<8x128xf32, #tpu.memory_space<hbm>>
      tpu.wait_dma2 semaphore(%arg24 : memref<!tpu.dma_semaphore, #tpu.memory_space<semaphore_mem>>) src(%dma_wait3A_1775 : memref<8x128xf32, #tpu.memory_space<hbm>>) dst(%dma_wait3A_1772 : memref<8x128xf32, #tpu.memory_space<vmem>>)
      %dma_wait3A_1776 = arith.constant 24 : i32
      %dma_wait3A_1777 = arith.constant 0 : i32
      %dma_wait3A_1778 = tpu.memref_slice %arg12[%dma_wait3A_1776, %dma_wait3A_1777] : memref<32x128xf32, #tpu.memory_space<vmem>> -> memref<8x128xf32, #tpu.memory_space<vmem>>
      %dma_wait3A_1779 = arith.constant 24 : i32
      %dma_wait3A_1780 = arith.constant 0 : i32
      %dma_wait3A_1781 = tpu.memref_slice %arg3[%dma_wait3A_1779, %dma_wait3A_1780] : memref<32x1000000xf32, #tpu.memory_space<hbm>> -> memref<8x128xf32, #tpu.memory_space<hbm>>
      %dma_wait3A_1782 = arith.constant 24 : i32
      %dma_wait3A_1783 = arith.constant 0 : i32
      %dma_wait3A_1784 = tpu.memref_slice %arg12[%dma_wait3A_1782, %dma_wait3A_1783] : memref<32x128xf32, #tpu.memory_space<vmem>> -> memref<8x128xf32, #tpu.memory_space<vmem>>
      %dma_wait3A_1785 = arith.constant 24 : i32
      %dma_wait3A_1786 = arith.constant 0 : i32
      %dma_wait3A_1787 = tpu.memref_slice %arg3[%dma_wait3A_1785, %dma_wait3A_1786] : memref<32x1000000xf32, #tpu.memory_space<hbm>> -> memref<8x128xf32, #tpu.memory_space<hbm>>
      tpu.wait_dma2 semaphore(%arg24 : memref<!tpu.dma_semaphore, #tpu.memory_space<semaphore_mem>>) src(%dma_wait3A_1787 : memref<8x128xf32, #tpu.memory_space<hbm>>) dst(%dma_wait3A_1784 : memref<8x128xf32, #tpu.memory_space<vmem>>)
      %dma_wait3A_1788 = arith.constant 0 : i32
      %dma_wait3A_1789 = arith.constant 0 : i32
      %dma_wait3A_1790 = tpu.memref_slice %arg13[%dma_wait3A_1788, %dma_wait3A_1789] : memref<32x128xf32, #tpu.memory_space<vmem>> -> memref<8x128xf32, #tpu.memory_space<vmem>>
      %dma_wait3A_1791 = arith.constant 0 : i32
      %dma_wait3A_1792 = arith.constant 0 : i32
      %dma_wait3A_1793 = tpu.memref_slice %arg3[%dma_wait3A_1791, %dma_wait3A_1792] : memref<32x1000000xf32, #tpu.memory_space<hbm>> -> memref<8x128xf32, #tpu.memory_space<hbm>>
      %dma_wait3A_1794 = arith.constant 0 : i32
      %dma_wait3A_1795 = arith.constant 0 : i32
      %dma_wait3A_1796 = tpu.memref_slice %arg13[%dma_wait3A_1794, %dma_wait3A_1795] : memref<32x128xf32, #tpu.memory_space<vmem>> -> memref<8x128xf32, #tpu.memory_space<vmem>>
      %dma_wait3A_1797 = arith.constant 0 : i32
      %dma_wait3A_1798 = arith.constant 0 : i32
      %dma_wait3A_1799 = tpu.memref_slice %arg3[%dma_wait3A_1797, %dma_wait3A_1798] : memref<32x1000000xf32, #tpu.memory_space<hbm>> -> memref<8x128xf32, #tpu.memory_space<hbm>>
      tpu.wait_dma2 semaphore(%arg24 : memref<!tpu.dma_semaphore, #tpu.memory_space<semaphore_mem>>) src(%dma_wait3A_1799 : memref<8x128xf32, #tpu.memory_space<hbm>>) dst(%dma_wait3A_1796 : memref<8x128xf32, #tpu.memory_space<vmem>>)
      %dma_wait3A_1800 = arith.constant 8 : i32
      %dma_wait3A_1801 = arith.constant 0 : i32
      %dma_wait3A_1802 = tpu.memref_slice %arg13[%dma_wait3A_1800, %dma_wait3A_1801] : memref<32x128xf32, #tpu.memory_space<vmem>> -> memref<8x128xf32, #tpu.memory_space<vmem>>
      %dma_wait3A_1803 = arith.constant 8 : i32
      %dma_wait3A_1804 = arith.constant 0 : i32
      %dma_wait3A_1805 = tpu.memref_slice %arg3[%dma_wait3A_1803, %dma_wait3A_1804] : memref<32x1000000xf32, #tpu.memory_space<hbm>> -> memref<8x128xf32, #tpu.memory_space<hbm>>
      %dma_wait3A_1806 = arith.constant 8 : i32
      %dma_wait3A_1807 = arith.constant 0 : i32
      %dma_wait3A_1808 = tpu.memref_slice %arg13[%dma_wait3A_1806, %dma_wait3A_1807] : memref<32x128xf32, #tpu.memory_space<vmem>> -> memref<8x128xf32, #tpu.memory_space<vmem>>
      %dma_wait3A_1809 = arith.constant 8 : i32
      %dma_wait3A_1810 = arith.constant 0 : i32
      %dma_wait3A_1811 = tpu.memref_slice %arg3[%dma_wait3A_1809, %dma_wait3A_1810] : memref<32x1000000xf32, #tpu.memory_space<hbm>> -> memref<8x128xf32, #tpu.memory_space<hbm>>
      tpu.wait_dma2 semaphore(%arg24 : memref<!tpu.dma_semaphore, #tpu.memory_space<semaphore_mem>>) src(%dma_wait3A_1811 : memref<8x128xf32, #tpu.memory_space<hbm>>) dst(%dma_wait3A_1808 : memref<8x128xf32, #tpu.memory_space<vmem>>)
      %dma_wait3A_1812 = arith.constant 16 : i32
      %dma_wait3A_1813 = arith.constant 0 : i32
      %dma_wait3A_1814 = tpu.memref_slice %arg13[%dma_wait3A_1812, %dma_wait3A_1813] : memref<32x128xf32, #tpu.memory_space<vmem>> -> memref<8x128xf32, #tpu.memory_space<vmem>>
      %dma_wait3A_1815 = arith.constant 16 : i32
      %dma_wait3A_1816 = arith.constant 0 : i32
      %dma_wait3A_1817 = tpu.memref_slice %arg3[%dma_wait3A_1815, %dma_wait3A_1816] : memref<32x1000000xf32, #tpu.memory_space<hbm>> -> memref<8x128xf32, #tpu.memory_space<hbm>>
      %dma_wait3A_1818 = arith.constant 16 : i32
      %dma_wait3A_1819 = arith.constant 0 : i32
      %dma_wait3A_1820 = tpu.memref_slice %arg13[%dma_wait3A_1818, %dma_wait3A_1819] : memref<32x128xf32, #tpu.memory_space<vmem>> -> memref<8x128xf32, #tpu.memory_space<vmem>>
      %dma_wait3A_1821 = arith.constant 16 : i32
      %dma_wait3A_1822 = arith.constant 0 : i32
      %dma_wait3A_1823 = tpu.memref_slice %arg3[%dma_wait3A_1821, %dma_wait3A_1822] : memref<32x1000000xf32, #tpu.memory_space<hbm>> -> memref<8x128xf32, #tpu.memory_space<hbm>>
      tpu.wait_dma2 semaphore(%arg24 : memref<!tpu.dma_semaphore, #tpu.memory_space<semaphore_mem>>) src(%dma_wait3A_1823 : memref<8x128xf32, #tpu.memory_space<hbm>>) dst(%dma_wait3A_1820 : memref<8x128xf32, #tpu.memory_space<vmem>>)
      %dma_wait3A_1824 = arith.constant 24 : i32
      %dma_wait3A_1825 = arith.constant 0 : i32
      %dma_wait3A_1826 = tpu.memref_slice %arg13[%dma_wait3A_1824, %dma_wait3A_1825] : memref<32x128xf32, #tpu.memory_space<vmem>> -> memref<8x128xf32, #tpu.memory_space<vmem>>
      %dma_wait3A_1827 = arith.constant 24 : i32
      %dma_wait3A_1828 = arith.constant 0 : i32
      %dma_wait3A_1829 = tpu.memref_slice %arg3[%dma_wait3A_1827, %dma_wait3A_1828] : memref<32x1000000xf32, #tpu.memory_space<hbm>> -> memref<8x128xf32, #tpu.memory_space<hbm>>
      %dma_wait3A_1830 = arith.constant 24 : i32
      %dma_wait3A_1831 = arith.constant 0 : i32
      %dma_wait3A_1832 = tpu.memref_slice %arg13[%dma_wait3A_1830, %dma_wait3A_1831] : memref<32x128xf32, #tpu.memory_space<vmem>> -> memref<8x128xf32, #tpu.memory_space<vmem>>
      %dma_wait3A_1833 = arith.constant 24 : i32
      %dma_wait3A_1834 = arith.constant 0 : i32
      %dma_wait3A_1835 = tpu.memref_slice %arg3[%dma_wait3A_1833, %dma_wait3A_1834] : memref<32x1000000xf32, #tpu.memory_space<hbm>> -> memref<8x128xf32, #tpu.memory_space<hbm>>
      tpu.wait_dma2 semaphore(%arg24 : memref<!tpu.dma_semaphore, #tpu.memory_space<semaphore_mem>>) src(%dma_wait3A_1835 : memref<8x128xf32, #tpu.memory_space<hbm>>) dst(%dma_wait3A_1832 : memref<8x128xf32, #tpu.memory_space<vmem>>)
      %dma_wait3A_1836 = arith.constant 0 : i32
      %dma_wait3A_1837 = arith.constant 0 : i32
      %dma_wait3A_1838 = tpu.memref_slice %arg14[%dma_wait3A_1836, %dma_wait3A_1837] : memref<32x128xf32, #tpu.memory_space<vmem>> -> memref<8x128xf32, #tpu.memory_space<vmem>>
      %dma_wait3A_1839 = arith.constant 0 : i32
      %dma_wait3A_1840 = arith.constant 0 : i32
      %dma_wait3A_1841 = tpu.memref_slice %arg3[%dma_wait3A_1839, %dma_wait3A_1840] : memref<32x1000000xf32, #tpu.memory_space<hbm>> -> memref<8x128xf32, #tpu.memory_space<hbm>>
      %dma_wait3A_1842 = arith.constant 0 : i32
      %dma_wait3A_1843 = arith.constant 0 : i32
      %dma_wait3A_1844 = tpu.memref_slice %arg14[%dma_wait3A_1842, %dma_wait3A_1843] : memref<32x128xf32, #tpu.memory_space<vmem>> -> memref<8x128xf32, #tpu.memory_space<vmem>>
      %dma_wait3A_1845 = arith.constant 0 : i32
      %dma_wait3A_1846 = arith.constant 0 : i32
      %dma_wait3A_1847 = tpu.memref_slice %arg3[%dma_wait3A_1845, %dma_wait3A_1846] : memref<32x1000000xf32, #tpu.memory_space<hbm>> -> memref<8x128xf32, #tpu.memory_space<hbm>>
      tpu.wait_dma2 semaphore(%arg24 : memref<!tpu.dma_semaphore, #tpu.memory_space<semaphore_mem>>) src(%dma_wait3A_1847 : memref<8x128xf32, #tpu.memory_space<hbm>>) dst(%dma_wait3A_1844 : memref<8x128xf32, #tpu.memory_space<vmem>>)
      %dma_wait3A_1848 = arith.constant 8 : i32
      %dma_wait3A_1849 = arith.constant 0 : i32
      %dma_wait3A_1850 = tpu.memref_slice %arg14[%dma_wait3A_1848, %dma_wait3A_1849] : memref<32x128xf32, #tpu.memory_space<vmem>> -> memref<8x128xf32, #tpu.memory_space<vmem>>
      %dma_wait3A_1851 = arith.constant 8 : i32
      %dma_wait3A_1852 = arith.constant 0 : i32
      %dma_wait3A_1853 = tpu.memref_slice %arg3[%dma_wait3A_1851, %dma_wait3A_1852] : memref<32x1000000xf32, #tpu.memory_space<hbm>> -> memref<8x128xf32, #tpu.memory_space<hbm>>
      %dma_wait3A_1854 = arith.constant 8 : i32
      %dma_wait3A_1855 = arith.constant 0 : i32
      %dma_wait3A_1856 = tpu.memref_slice %arg14[%dma_wait3A_1854, %dma_wait3A_1855] : memref<32x128xf32, #tpu.memory_space<vmem>> -> memref<8x128xf32, #tpu.memory_space<vmem>>
      %dma_wait3A_1857 = arith.constant 8 : i32
      %dma_wait3A_1858 = arith.constant 0 : i32
      %dma_wait3A_1859 = tpu.memref_slice %arg3[%dma_wait3A_1857, %dma_wait3A_1858] : memref<32x1000000xf32, #tpu.memory_space<hbm>> -> memref<8x128xf32, #tpu.memory_space<hbm>>
      tpu.wait_dma2 semaphore(%arg24 : memref<!tpu.dma_semaphore, #tpu.memory_space<semaphore_mem>>) src(%dma_wait3A_1859 : memref<8x128xf32, #tpu.memory_space<hbm>>) dst(%dma_wait3A_1856 : memref<8x128xf32, #tpu.memory_space<vmem>>)
      %dma_wait3A_1860 = arith.constant 16 : i32
      %dma_wait3A_1861 = arith.constant 0 : i32
      %dma_wait3A_1862 = tpu.memref_slice %arg14[%dma_wait3A_1860, %dma_wait3A_1861] : memref<32x128xf32, #tpu.memory_space<vmem>> -> memref<8x128xf32, #tpu.memory_space<vmem>>
      %dma_wait3A_1863 = arith.constant 16 : i32
      %dma_wait3A_1864 = arith.constant 0 : i32
      %dma_wait3A_1865 = tpu.memref_slice %arg3[%dma_wait3A_1863, %dma_wait3A_1864] : memref<32x1000000xf32, #tpu.memory_space<hbm>> -> memref<8x128xf32, #tpu.memory_space<hbm>>
      %dma_wait3A_1866 = arith.constant 16 : i32
      %dma_wait3A_1867 = arith.constant 0 : i32
      %dma_wait3A_1868 = tpu.memref_slice %arg14[%dma_wait3A_1866, %dma_wait3A_1867] : memref<32x128xf32, #tpu.memory_space<vmem>> -> memref<8x128xf32, #tpu.memory_space<vmem>>
      %dma_wait3A_1869 = arith.constant 16 : i32
      %dma_wait3A_1870 = arith.constant 0 : i32
      %dma_wait3A_1871 = tpu.memref_slice %arg3[%dma_wait3A_1869, %dma_wait3A_1870] : memref<32x1000000xf32, #tpu.memory_space<hbm>> -> memref<8x128xf32, #tpu.memory_space<hbm>>
      tpu.wait_dma2 semaphore(%arg24 : memref<!tpu.dma_semaphore, #tpu.memory_space<semaphore_mem>>) src(%dma_wait3A_1871 : memref<8x128xf32, #tpu.memory_space<hbm>>) dst(%dma_wait3A_1868 : memref<8x128xf32, #tpu.memory_space<vmem>>)
      %dma_wait3A_1872 = arith.constant 24 : i32
      %dma_wait3A_1873 = arith.constant 0 : i32
      %dma_wait3A_1874 = tpu.memref_slice %arg14[%dma_wait3A_1872, %dma_wait3A_1873] : memref<32x128xf32, #tpu.memory_space<vmem>> -> memref<8x128xf32, #tpu.memory_space<vmem>>
      %dma_wait3A_1875 = arith.constant 24 : i32
      %dma_wait3A_1876 = arith.constant 0 : i32
      %dma_wait3A_1877 = tpu.memref_slice %arg3[%dma_wait3A_1875, %dma_wait3A_1876] : memref<32x1000000xf32, #tpu.memory_space<hbm>> -> memref<8x128xf32, #tpu.memory_space<hbm>>
      %dma_wait3A_1878 = arith.constant 24 : i32
      %dma_wait3A_1879 = arith.constant 0 : i32
      %dma_wait3A_1880 = tpu.memref_slice %arg14[%dma_wait3A_1878, %dma_wait3A_1879] : memref<32x128xf32, #tpu.memory_space<vmem>> -> memref<8x128xf32, #tpu.memory_space<vmem>>
      %dma_wait3A_1881 = arith.constant 24 : i32
      %dma_wait3A_1882 = arith.constant 0 : i32
      %dma_wait3A_1883 = tpu.memref_slice %arg3[%dma_wait3A_1881, %dma_wait3A_1882] : memref<32x1000000xf32, #tpu.memory_space<hbm>> -> memref<8x128xf32, #tpu.memory_space<hbm>>
      tpu.wait_dma2 semaphore(%arg24 : memref<!tpu.dma_semaphore, #tpu.memory_space<semaphore_mem>>) src(%dma_wait3A_1883 : memref<8x128xf32, #tpu.memory_space<hbm>>) dst(%dma_wait3A_1880 : memref<8x128xf32, #tpu.memory_space<vmem>>)
      %dma_wait3A_1884 = arith.constant 0 : i32
      %dma_wait3A_1885 = arith.constant 0 : i32
      %dma_wait3A_1886 = tpu.memref_slice %arg15[%dma_wait3A_1884, %dma_wait3A_1885] : memref<32x128xf32, #tpu.memory_space<vmem>> -> memref<8x128xf32, #tpu.memory_space<vmem>>
      %dma_wait3A_1887 = arith.constant 0 : i32
      %dma_wait3A_1888 = arith.constant 0 : i32
      %dma_wait3A_1889 = tpu.memref_slice %arg3[%dma_wait3A_1887, %dma_wait3A_1888] : memref<32x1000000xf32, #tpu.memory_space<hbm>> -> memref<8x128xf32, #tpu.memory_space<hbm>>
      %dma_wait3A_1890 = arith.constant 0 : i32
      %dma_wait3A_1891 = arith.constant 0 : i32
      %dma_wait3A_1892 = tpu.memref_slice %arg15[%dma_wait3A_1890, %dma_wait3A_1891] : memref<32x128xf32, #tpu.memory_space<vmem>> -> memref<8x128xf32, #tpu.memory_space<vmem>>
      %dma_wait3A_1893 = arith.constant 0 : i32
      %dma_wait3A_1894 = arith.constant 0 : i32
      %dma_wait3A_1895 = tpu.memref_slice %arg3[%dma_wait3A_1893, %dma_wait3A_1894] : memref<32x1000000xf32, #tpu.memory_space<hbm>> -> memref<8x128xf32, #tpu.memory_space<hbm>>
      tpu.wait_dma2 semaphore(%arg24 : memref<!tpu.dma_semaphore, #tpu.memory_space<semaphore_mem>>) src(%dma_wait3A_1895 : memref<8x128xf32, #tpu.memory_space<hbm>>) dst(%dma_wait3A_1892 : memref<8x128xf32, #tpu.memory_space<vmem>>)
      %dma_wait3A_1896 = arith.constant 8 : i32
      %dma_wait3A_1897 = arith.constant 0 : i32
      %dma_wait3A_1898 = tpu.memref_slice %arg15[%dma_wait3A_1896, %dma_wait3A_1897] : memref<32x128xf32, #tpu.memory_space<vmem>> -> memref<8x128xf32, #tpu.memory_space<vmem>>
      %dma_wait3A_1899 = arith.constant 8 : i32
      %dma_wait3A_1900 = arith.constant 0 : i32
      %dma_wait3A_1901 = tpu.memref_slice %arg3[%dma_wait3A_1899, %dma_wait3A_1900] : memref<32x1000000xf32, #tpu.memory_space<hbm>> -> memref<8x128xf32, #tpu.memory_space<hbm>>
      %dma_wait3A_1902 = arith.constant 8 : i32
      %dma_wait3A_1903 = arith.constant 0 : i32
      %dma_wait3A_1904 = tpu.memref_slice %arg15[%dma_wait3A_1902, %dma_wait3A_1903] : memref<32x128xf32, #tpu.memory_space<vmem>> -> memref<8x128xf32, #tpu.memory_space<vmem>>
      %dma_wait3A_1905 = arith.constant 8 : i32
      %dma_wait3A_1906 = arith.constant 0 : i32
      %dma_wait3A_1907 = tpu.memref_slice %arg3[%dma_wait3A_1905, %dma_wait3A_1906] : memref<32x1000000xf32, #tpu.memory_space<hbm>> -> memref<8x128xf32, #tpu.memory_space<hbm>>
      tpu.wait_dma2 semaphore(%arg24 : memref<!tpu.dma_semaphore, #tpu.memory_space<semaphore_mem>>) src(%dma_wait3A_1907 : memref<8x128xf32, #tpu.memory_space<hbm>>) dst(%dma_wait3A_1904 : memref<8x128xf32, #tpu.memory_space<vmem>>)
      %dma_wait3A_1908 = arith.constant 16 : i32
      %dma_wait3A_1909 = arith.constant 0 : i32
      %dma_wait3A_1910 = tpu.memref_slice %arg15[%dma_wait3A_1908, %dma_wait3A_1909] : memref<32x128xf32, #tpu.memory_space<vmem>> -> memref<8x128xf32, #tpu.memory_space<vmem>>
      %dma_wait3A_1911 = arith.constant 16 : i32
      %dma_wait3A_1912 = arith.constant 0 : i32
      %dma_wait3A_1913 = tpu.memref_slice %arg3[%dma_wait3A_1911, %dma_wait3A_1912] : memref<32x1000000xf32, #tpu.memory_space<hbm>> -> memref<8x128xf32, #tpu.memory_space<hbm>>
      %dma_wait3A_1914 = arith.constant 16 : i32
      %dma_wait3A_1915 = arith.constant 0 : i32
      %dma_wait3A_1916 = tpu.memref_slice %arg15[%dma_wait3A_1914, %dma_wait3A_1915] : memref<32x128xf32, #tpu.memory_space<vmem>> -> memref<8x128xf32, #tpu.memory_space<vmem>>
      %dma_wait3A_1917 = arith.constant 16 : i32
      %dma_wait3A_1918 = arith.constant 0 : i32
      %dma_wait3A_1919 = tpu.memref_slice %arg3[%dma_wait3A_1917, %dma_wait3A_1918] : memref<32x1000000xf32, #tpu.memory_space<hbm>> -> memref<8x128xf32, #tpu.memory_space<hbm>>
      tpu.wait_dma2 semaphore(%arg24 : memref<!tpu.dma_semaphore, #tpu.memory_space<semaphore_mem>>) src(%dma_wait3A_1919 : memref<8x128xf32, #tpu.memory_space<hbm>>) dst(%dma_wait3A_1916 : memref<8x128xf32, #tpu.memory_space<vmem>>)
      %dma_wait3A_1920 = arith.constant 24 : i32
      %dma_wait3A_1921 = arith.constant 0 : i32
      %dma_wait3A_1922 = tpu.memref_slice %arg15[%dma_wait3A_1920, %dma_wait3A_1921] : memref<32x128xf32, #tpu.memory_space<vmem>> -> memref<8x128xf32, #tpu.memory_space<vmem>>
      %dma_wait3A_1923 = arith.constant 24 : i32
      %dma_wait3A_1924 = arith.constant 0 : i32
      %dma_wait3A_1925 = tpu.memref_slice %arg3[%dma_wait3A_1923, %dma_wait3A_1924] : memref<32x1000000xf32, #tpu.memory_space<hbm>> -> memref<8x128xf32, #tpu.memory_space<hbm>>
      %dma_wait3A_1926 = arith.constant 24 : i32
      %dma_wait3A_1927 = arith.constant 0 : i32
      %dma_wait3A_1928 = tpu.memref_slice %arg15[%dma_wait3A_1926, %dma_wait3A_1927] : memref<32x128xf32, #tpu.memory_space<vmem>> -> memref<8x128xf32, #tpu.memory_space<vmem>>
      %dma_wait3A_1929 = arith.constant 24 : i32
      %dma_wait3A_1930 = arith.constant 0 : i32
      %dma_wait3A_1931 = tpu.memref_slice %arg3[%dma_wait3A_1929, %dma_wait3A_1930] : memref<32x1000000xf32, #tpu.memory_space<hbm>> -> memref<8x128xf32, #tpu.memory_space<hbm>>
      tpu.wait_dma2 semaphore(%arg24 : memref<!tpu.dma_semaphore, #tpu.memory_space<semaphore_mem>>) src(%dma_wait3A_1931 : memref<8x128xf32, #tpu.memory_space<hbm>>) dst(%dma_wait3A_1928 : memref<8x128xf32, #tpu.memory_space<vmem>>)
      %ne3A = arith.constant 0 : i32
      %ne3A_1932 = arith.cmpi ne, %scan3A_1542, %ne3A : i32
      %convert_element_type3A = arith.extui %ne3A_1932 : i1 to i32
      %cond3A = arith.constant 0 : i32
      %cond3A_1933 = arith.cmpi ne, %convert_element_type3A, %cond3A : i32
      scf.if %cond3A_1933 {
        %dma_wait3A_3257 = arith.constant 0 : i32
        %dma_wait3A_3258 = tpu.memref_slice %arg4[%mul3A_2, %dma_wait3A_3257] : memref<16384x32xf32, #tpu.memory_space<hbm>> -> memref<8x32xf32, #tpu.memory_space<hbm>>
        %dma_wait3A_3259 = arith.constant 0 : i32
        %dma_wait3A_3260 = tpu.memref_slice %arg4[%mul3A_2, %dma_wait3A_3259] : memref<16384x32xf32, #tpu.memory_space<hbm>> -> memref<8x32xf32, #tpu.memory_space<hbm>>
        tpu.wait_dma2 semaphore(%arg26 : memref<!tpu.dma_semaphore, #tpu.memory_space<semaphore_mem>>) src(%arg6 : memref<8x32xf32, #tpu.memory_space<vmem>>) dst(%dma_wait3A_3260 : memref<8x32xf32, #tpu.memory_space<hbm>>)
      } else {
      }
      %mul3A_1934 = arith.constant 8 : i32
      %mul3A_1935 = arith.muli %add3A_1547, %mul3A_1934 : i32
      %get3A_1936 = arith.index_cast %mul3A_1935 : i32 to index
      %get3A_1937 = tpu.vector_load %arg5[%get3A_1936] {strides = array<i32>} : memref<544xi32, #tpu.memory_space<vmem>>, vector<16xi32>,
      %slice3A_1938 = vector.extract_strided_slice %get3A_1937 {offsets = [0], sizes = [1], strides = [1]} : vector<16xi32> to vector<1xi32>
      %squeeze3A_1939 = vector.extract %slice3A_1938[0] : i32 from vector<1xi32>
      %and3A = arith.constant 127 : i32
      %and3A_1940 = arith.andi %squeeze3A_1939, %and3A : i32
      %broadcast_in_dim3A_1941 = vector.broadcast %and3A_1940 : i32 to vector<16xi32>
      %broadcast_in_dim3A_1942 = arith.constant 0 : i32
      %broadcast_in_dim3A_1943 = vector.broadcast %broadcast_in_dim3A_1942 : i32 to vector<16xi32>
      %gather3A = tpu.vector_load_idx %arg8[%iota3A, %broadcast_in_dim3A_1941] : memref<32x128xf32, #tpu.memory_space<vmem>>[vector<16xi32>, vector<16xi32>], vector<16xf32>,
      tpu.vector_store_idx %arg6[%broadcast_in_dim3A_1943, %iota3A], %gather3A : memref<8x32xf32, #tpu.memory_space<vmem>>[vector<16xi32>, vector<16xi32>], vector<16xf32>,
      %gather3A_1944 = tpu.vector_load_idx %arg8[%add3A_9, %broadcast_in_dim3A_1941] : memref<32x128xf32, #tpu.memory_space<vmem>>[vector<16xi32>, vector<16xi32>], vector<16xf32>,
      tpu.vector_store_idx %arg6[%broadcast_in_dim3A_1943, %add3A_9], %gather3A_1944 : memref<8x32xf32, #tpu.memory_space<vmem>>[vector<16xi32>, vector<16xi32>], vector<16xf32>,
      %slice3A_1945 = vector.extract_strided_slice %get3A_1937 {offsets = [1], sizes = [1], strides = [1]} : vector<16xi32> to vector<1xi32>
      %squeeze3A_1946 = vector.extract %slice3A_1945[0] : i32 from vector<1xi32>
      %and3A_1947 = arith.constant 127 : i32
      %and3A_1948 = arith.andi %squeeze3A_1946, %and3A_1947 : i32
      %broadcast_in_dim3A_1949 = vector.broadcast %and3A_1948 : i32 to vector<16xi32>
      %broadcast_in_dim3A_1950 = arith.constant 1 : i32
      %broadcast_in_dim3A_1951 = vector.broadcast %broadcast_in_dim3A_1950 : i32 to vector<16xi32>
      %gather3A_1952 = tpu.vector_load_idx %arg9[%iota3A, %broadcast_in_dim3A_1949] : memref<32x128xf32, #tpu.memory_space<vmem>>[vector<16xi32>, vector<16xi32>], vector<16xf32>,
      tpu.vector_store_idx %arg6[%broadcast_in_dim3A_1951, %iota3A], %gather3A_1952 : memref<8x32xf32, #tpu.memory_space<vmem>>[vector<16xi32>, vector<16xi32>], vector<16xf32>,
      %gather3A_1953 = tpu.vector_load_idx %arg9[%add3A_9, %broadcast_in_dim3A_1949] : memref<32x128xf32, #tpu.memory_space<vmem>>[vector<16xi32>, vector<16xi32>], vector<16xf32>,
      tpu.vector_store_idx %arg6[%broadcast_in_dim3A_1951, %add3A_9], %gather3A_1953 : memref<8x32xf32, #tpu.memory_space<vmem>>[vector<16xi32>, vector<16xi32>], vector<16xf32>,
      %slice3A_1954 = vector.extract_strided_slice %get3A_1937 {offsets = [2], sizes = [1], strides = [1]} : vector<16xi32> to vector<1xi32>
      %squeeze3A_1955 = vector.extract %slice3A_1954[0] : i32 from vector<1xi32>
      %and3A_1956 = arith.constant 127 : i32
      %and3A_1957 = arith.andi %squeeze3A_1955, %and3A_1956 : i32
      %broadcast_in_dim3A_1958 = vector.broadcast %and3A_1957 : i32 to vector<16xi32>
      %broadcast_in_dim3A_1959 = arith.constant 2 : i32
      %broadcast_in_dim3A_1960 = vector.broadcast %broadcast_in_dim3A_1959 : i32 to vector<16xi32>
      %gather3A_1961 = tpu.vector_load_idx %arg10[%iota3A, %broadcast_in_dim3A_1958] : memref<32x128xf32, #tpu.memory_space<vmem>>[vector<16xi32>, vector<16xi32>], vector<16xf32>,
      tpu.vector_store_idx %arg6[%broadcast_in_dim3A_1960, %iota3A], %gather3A_1961 : memref<8x32xf32, #tpu.memory_space<vmem>>[vector<16xi32>, vector<16xi32>], vector<16xf32>,
      %gather3A_1962 = tpu.vector_load_idx %arg10[%add3A_9, %broadcast_in_dim3A_1958] : memref<32x128xf32, #tpu.memory_space<vmem>>[vector<16xi32>, vector<16xi32>], vector<16xf32>,
      tpu.vector_store_idx %arg6[%broadcast_in_dim3A_1960, %add3A_9], %gather3A_1962 : memref<8x32xf32, #tpu.memory_space<vmem>>[vector<16xi32>, vector<16xi32>], vector<16xf32>,
      %slice3A_1963 = vector.extract_strided_slice %get3A_1937 {offsets = [3], sizes = [1], strides = [1]} : vector<16xi32> to vector<1xi32>
      %squeeze3A_1964 = vector.extract %slice3A_1963[0] : i32 from vector<1xi32>
      %and3A_1965 = arith.constant 127 : i32
      %and3A_1966 = arith.andi %squeeze3A_1964, %and3A_1965 : i32
      %broadcast_in_dim3A_1967 = vector.broadcast %and3A_1966 : i32 to vector<16xi32>
      %broadcast_in_dim3A_1968 = arith.constant 3 : i32
      %broadcast_in_dim3A_1969 = vector.broadcast %broadcast_in_dim3A_1968 : i32 to vector<16xi32>
      %gather3A_1970 = tpu.vector_load_idx %arg11[%iota3A, %broadcast_in_dim3A_1967] : memref<32x128xf32, #tpu.memory_space<vmem>>[vector<16xi32>, vector<16xi32>], vector<16xf32>,
      tpu.vector_store_idx %arg6[%broadcast_in_dim3A_1969, %iota3A], %gather3A_1970 : memref<8x32xf32, #tpu.memory_space<vmem>>[vector<16xi32>, vector<16xi32>], vector<16xf32>,
      %gather3A_1971 = tpu.vector_load_idx %arg11[%add3A_9, %broadcast_in_dim3A_1967] : memref<32x128xf32, #tpu.memory_space<vmem>>[vector<16xi32>, vector<16xi32>], vector<16xf32>,
      tpu.vector_store_idx %arg6[%broadcast_in_dim3A_1969, %add3A_9], %gather3A_1971 : memref<8x32xf32, #tpu.memory_space<vmem>>[vector<16xi32>, vector<16xi32>], vector<16xf32>,
      %slice3A_1972 = vector.extract_strided_slice %get3A_1937 {offsets = [4], sizes = [1], strides = [1]} : vector<16xi32> to vector<1xi32>
      %squeeze3A_1973 = vector.extract %slice3A_1972[0] : i32 from vector<1xi32>
      %and3A_1974 = arith.constant 127 : i32
      %and3A_1975 = arith.andi %squeeze3A_1973, %and3A_1974 : i32
      %broadcast_in_dim3A_1976 = vector.broadcast %and3A_1975 : i32 to vector<16xi32>
      %broadcast_in_dim3A_1977 = arith.constant 4 : i32
      %broadcast_in_dim3A_1978 = vector.broadcast %broadcast_in_dim3A_1977 : i32 to vector<16xi32>
      %gather3A_1979 = tpu.vector_load_idx %arg12[%iota3A, %broadcast_in_dim3A_1976] : memref<32x128xf32, #tpu.memory_space<vmem>>[vector<16xi32>, vector<16xi32>], vector<16xf32>,
      tpu.vector_store_idx %arg6[%broadcast_in_dim3A_1978, %iota3A], %gather3A_1979 : memref<8x32xf32, #tpu.memory_space<vmem>>[vector<16xi32>, vector<16xi32>], vector<16xf32>,
      %gather3A_1980 = tpu.vector_load_idx %arg12[%add3A_9, %broadcast_in_dim3A_1976] : memref<32x128xf32, #tpu.memory_space<vmem>>[vector<16xi32>, vector<16xi32>], vector<16xf32>,
      tpu.vector_store_idx %arg6[%broadcast_in_dim3A_1978, %add3A_9], %gather3A_1980 : memref<8x32xf32, #tpu.memory_space<vmem>>[vector<16xi32>, vector<16xi32>], vector<16xf32>,
      %slice3A_1981 = vector.extract_strided_slice %get3A_1937 {offsets = [5], sizes = [1], strides = [1]} : vector<16xi32> to vector<1xi32>
      %squeeze3A_1982 = vector.extract %slice3A_1981[0] : i32 from vector<1xi32>
      %and3A_1983 = arith.constant 127 : i32
      %and3A_1984 = arith.andi %squeeze3A_1982, %and3A_1983 : i32
      %broadcast_in_dim3A_1985 = vector.broadcast %and3A_1984 : i32 to vector<16xi32>
      %broadcast_in_dim3A_1986 = arith.constant 5 : i32
      %broadcast_in_dim3A_1987 = vector.broadcast %broadcast_in_dim3A_1986 : i32 to vector<16xi32>
      %gather3A_1988 = tpu.vector_load_idx %arg13[%iota3A, %broadcast_in_dim3A_1985] : memref<32x128xf32, #tpu.memory_space<vmem>>[vector<16xi32>, vector<16xi32>], vector<16xf32>,
      tpu.vector_store_idx %arg6[%broadcast_in_dim3A_1987, %iota3A], %gather3A_1988 : memref<8x32xf32, #tpu.memory_space<vmem>>[vector<16xi32>, vector<16xi32>], vector<16xf32>,
      %gather3A_1989 = tpu.vector_load_idx %arg13[%add3A_9, %broadcast_in_dim3A_1985] : memref<32x128xf32, #tpu.memory_space<vmem>>[vector<16xi32>, vector<16xi32>], vector<16xf32>,
      tpu.vector_store_idx %arg6[%broadcast_in_dim3A_1987, %add3A_9], %gather3A_1989 : memref<8x32xf32, #tpu.memory_space<vmem>>[vector<16xi32>, vector<16xi32>], vector<16xf32>,
      %slice3A_1990 = vector.extract_strided_slice %get3A_1937 {offsets = [6], sizes = [1], strides = [1]} : vector<16xi32> to vector<1xi32>
      %squeeze3A_1991 = vector.extract %slice3A_1990[0] : i32 from vector<1xi32>
      %and3A_1992 = arith.constant 127 : i32
      %and3A_1993 = arith.andi %squeeze3A_1991, %and3A_1992 : i32
      %broadcast_in_dim3A_1994 = vector.broadcast %and3A_1993 : i32 to vector<16xi32>
      %broadcast_in_dim3A_1995 = arith.constant 6 : i32
      %broadcast_in_dim3A_1996 = vector.broadcast %broadcast_in_dim3A_1995 : i32 to vector<16xi32>
      %gather3A_1997 = tpu.vector_load_idx %arg14[%iota3A, %broadcast_in_dim3A_1994] : memref<32x128xf32, #tpu.memory_space<vmem>>[vector<16xi32>, vector<16xi32>], vector<16xf32>,
      tpu.vector_store_idx %arg6[%broadcast_in_dim3A_1996, %iota3A], %gather3A_1997 : memref<8x32xf32, #tpu.memory_space<vmem>>[vector<16xi32>, vector<16xi32>], vector<16xf32>,
      %gather3A_1998 = tpu.vector_load_idx %arg14[%add3A_9, %broadcast_in_dim3A_1994] : memref<32x128xf32, #tpu.memory_space<vmem>>[vector<16xi32>, vector<16xi32>], vector<16xf32>,
      tpu.vector_store_idx %arg6[%broadcast_in_dim3A_1996, %add3A_9], %gather3A_1998 : memref<8x32xf32, #tpu.memory_space<vmem>>[vector<16xi32>, vector<16xi32>], vector<16xf32>,
      %slice3A_1999 = vector.extract_strided_slice %get3A_1937 {offsets = [7], sizes = [1], strides = [1]} : vector<16xi32> to vector<1xi32>
      %squeeze3A_2000 = vector.extract %slice3A_1999[0] : i32 from vector<1xi32>
      %and3A_2001 = arith.constant 127 : i32
      %and3A_2002 = arith.andi %squeeze3A_2000, %and3A_2001 : i32
      %broadcast_in_dim3A_2003 = vector.broadcast %and3A_2002 : i32 to vector<16xi32>
      %broadcast_in_dim3A_2004 = arith.constant 7 : i32
      %broadcast_in_dim3A_2005 = vector.broadcast %broadcast_in_dim3A_2004 : i32 to vector<16xi32>
      %gather3A_2006 = tpu.vector_load_idx %arg15[%iota3A, %broadcast_in_dim3A_2003] : memref<32x128xf32, #tpu.memory_space<vmem>>[vector<16xi32>, vector<16xi32>], vector<16xf32>,
      tpu.vector_store_idx %arg6[%broadcast_in_dim3A_2005, %iota3A], %gather3A_2006 : memref<8x32xf32, #tpu.memory_space<vmem>>[vector<16xi32>, vector<16xi32>], vector<16xf32>,
      %gather3A_2007 = tpu.vector_load_idx %arg15[%add3A_9, %broadcast_in_dim3A_2003] : memref<32x128xf32, #tpu.memory_space<vmem>>[vector<16xi32>, vector<16xi32>], vector<16xf32>,
      tpu.vector_store_idx %arg6[%broadcast_in_dim3A_2005, %add3A_9], %gather3A_2007 : memref<8x32xf32, #tpu.memory_space<vmem>>[vector<16xi32>, vector<16xi32>], vector<16xf32>,
      %mul3A_2008 = arith.constant 8 : i32
      %mul3A_2009 = arith.muli %add3A_1547, %mul3A_2008 : i32
      %add3A_2010 = arith.addi %mul3A_2, %mul3A_2009 : i32
      %dma_start3A_2011 = arith.constant 0 : i32
      %dma_start3A_2012 = tpu.memref_slice %arg4[%add3A_2010, %dma_start3A_2011] : memref<16384x32xf32, #tpu.memory_space<hbm>> -> memref<8x32xf32, #tpu.memory_space<hbm>>
      %dma_start3A_2013 = arith.constant 0 : i32
      %dma_start3A_2014 = tpu.memref_slice %arg4[%add3A_2010, %dma_start3A_2013] : memref<16384x32xf32, #tpu.memory_space<hbm>> -> memref<8x32xf32, #tpu.memory_space<hbm>>
      tpu.enqueue_dma source(%arg6 : memref<8x32xf32, #tpu.memory_space<vmem>>) target(%dma_start3A_2014 : memref<8x32xf32, #tpu.memory_space<hbm>>) target_semaphore(%arg26 : memref<!tpu.dma_semaphore, #tpu.memory_space<semaphore_mem>>)
      %add3A_2015 = arith.constant 2 : i32
      %add3A_2016 = arith.addi %add3A_1547, %add3A_2015 : i32
      %mul3A_2017 = arith.constant 8 : i32
      %mul3A_2018 = arith.muli %add3A_2016, %mul3A_2017 : i32
      %get3A_2019 = arith.index_cast %mul3A_2018 : i32 to index
      %get3A_2020 = tpu.vector_load %arg5[%get3A_2019] {strides = array<i32>} : memref<544xi32, #tpu.memory_space<vmem>>, vector<16xi32>,
      %slice3A_2021 = vector.extract_strided_slice %get3A_2020 {offsets = [0], sizes = [1], strides = [1]} : vector<16xi32> to vector<1xi32>
      %squeeze3A_2022 = vector.extract %slice3A_2021[0] : i32 from vector<1xi32>
      %shift_right_logical3A_2023 = arith.constant 7 : i32
      %shift_right_logical3A_2024 = arith.shrui %squeeze3A_2022, %shift_right_logical3A_2023 : i32
      %shift_left3A_2025 = arith.constant 7 : i32
      %shift_left3A_2026 = arith.shli %shift_right_logical3A_2024, %shift_left3A_2025 : i32
      %multiple_of3A_2027 = tpu.assume_multiple %shift_left3A_2026, 128 : i32
      %dma_start3A_2028 = arith.constant 0 : i32
      %dma_start3A_2029 = arith.constant 0 : i32
      %dma_start3A_2030 = tpu.memref_slice %arg8[%dma_start3A_2028, %dma_start3A_2029] : memref<32x128xf32, #tpu.memory_space<vmem>> -> memref<8x128xf32, #tpu.memory_space<vmem>>
      %dma_start3A_2031 = arith.constant 0 : i32
      %dma_start3A_2032 = tpu.memref_slice %arg3[%dma_start3A_2031, %multiple_of3A_2027] : memref<32x1000000xf32, #tpu.memory_space<hbm>> -> memref<8x128xf32, #tpu.memory_space<hbm>>
      %dma_start3A_2033 = arith.constant 0 : i32
      %dma_start3A_2034 = arith.constant 0 : i32
      %dma_start3A_2035 = tpu.memref_slice %arg8[%dma_start3A_2033, %dma_start3A_2034] : memref<32x128xf32, #tpu.memory_space<vmem>> -> memref<8x128xf32, #tpu.memory_space<vmem>>
      %dma_start3A_2036 = arith.constant 0 : i32
      %dma_start3A_2037 = tpu.memref_slice %arg3[%dma_start3A_2036, %multiple_of3A_2027] : memref<32x1000000xf32, #tpu.memory_space<hbm>> -> memref<8x128xf32, #tpu.memory_space<hbm>>
      tpu.enqueue_dma source(%dma_start3A_2037 : memref<8x128xf32, #tpu.memory_space<hbm>>) target(%dma_start3A_2035 : memref<8x128xf32, #tpu.memory_space<vmem>>) target_semaphore(%arg24 : memref<!tpu.dma_semaphore, #tpu.memory_space<semaphore_mem>>)
      %dma_start3A_2038 = arith.constant 8 : i32
      %dma_start3A_2039 = arith.constant 0 : i32
      %dma_start3A_2040 = tpu.memref_slice %arg8[%dma_start3A_2038, %dma_start3A_2039] : memref<32x128xf32, #tpu.memory_space<vmem>> -> memref<8x128xf32, #tpu.memory_space<vmem>>
      %dma_start3A_2041 = arith.constant 8 : i32
      %dma_start3A_2042 = tpu.memref_slice %arg3[%dma_start3A_2041, %multiple_of3A_2027] : memref<32x1000000xf32, #tpu.memory_space<hbm>> -> memref<8x128xf32, #tpu.memory_space<hbm>>
      %dma_start3A_2043 = arith.constant 8 : i32
      %dma_start3A_2044 = arith.constant 0 : i32
      %dma_start3A_2045 = tpu.memref_slice %arg8[%dma_start3A_2043, %dma_start3A_2044] : memref<32x128xf32, #tpu.memory_space<vmem>> -> memref<8x128xf32, #tpu.memory_space<vmem>>
      %dma_start3A_2046 = arith.constant 8 : i32
      %dma_start3A_2047 = tpu.memref_slice %arg3[%dma_start3A_2046, %multiple_of3A_2027] : memref<32x1000000xf32, #tpu.memory_space<hbm>> -> memref<8x128xf32, #tpu.memory_space<hbm>>
      tpu.enqueue_dma source(%dma_start3A_2047 : memref<8x128xf32, #tpu.memory_space<hbm>>) target(%dma_start3A_2045 : memref<8x128xf32, #tpu.memory_space<vmem>>) target_semaphore(%arg24 : memref<!tpu.dma_semaphore, #tpu.memory_space<semaphore_mem>>)
      %dma_start3A_2048 = arith.constant 16 : i32
      %dma_start3A_2049 = arith.constant 0 : i32
      %dma_start3A_2050 = tpu.memref_slice %arg8[%dma_start3A_2048, %dma_start3A_2049] : memref<32x128xf32, #tpu.memory_space<vmem>> -> memref<8x128xf32, #tpu.memory_space<vmem>>
      %dma_start3A_2051 = arith.constant 16 : i32
      %dma_start3A_2052 = tpu.memref_slice %arg3[%dma_start3A_2051, %multiple_of3A_2027] : memref<32x1000000xf32, #tpu.memory_space<hbm>> -> memref<8x128xf32, #tpu.memory_space<hbm>>
      %dma_start3A_2053 = arith.constant 16 : i32
      %dma_start3A_2054 = arith.constant 0 : i32
      %dma_start3A_2055 = tpu.memref_slice %arg8[%dma_start3A_2053, %dma_start3A_2054] : memref<32x128xf32, #tpu.memory_space<vmem>> -> memref<8x128xf32, #tpu.memory_space<vmem>>
      %dma_start3A_2056 = arith.constant 16 : i32
      %dma_start3A_2057 = tpu.memref_slice %arg3[%dma_start3A_2056, %multiple_of3A_2027] : memref<32x1000000xf32, #tpu.memory_space<hbm>> -> memref<8x128xf32, #tpu.memory_space<hbm>>
      tpu.enqueue_dma source(%dma_start3A_2057 : memref<8x128xf32, #tpu.memory_space<hbm>>) target(%dma_start3A_2055 : memref<8x128xf32, #tpu.memory_space<vmem>>) target_semaphore(%arg24 : memref<!tpu.dma_semaphore, #tpu.memory_space<semaphore_mem>>)
      %dma_start3A_2058 = arith.constant 24 : i32
      %dma_start3A_2059 = arith.constant 0 : i32
      %dma_start3A_2060 = tpu.memref_slice %arg8[%dma_start3A_2058, %dma_start3A_2059] : memref<32x128xf32, #tpu.memory_space<vmem>> -> memref<8x128xf32, #tpu.memory_space<vmem>>
      %dma_start3A_2061 = arith.constant 24 : i32
      %dma_start3A_2062 = tpu.memref_slice %arg3[%dma_start3A_2061, %multiple_of3A_2027] : memref<32x1000000xf32, #tpu.memory_space<hbm>> -> memref<8x128xf32, #tpu.memory_space<hbm>>
      %dma_start3A_2063 = arith.constant 24 : i32
      %dma_start3A_2064 = arith.constant 0 : i32
      %dma_start3A_2065 = tpu.memref_slice %arg8[%dma_start3A_2063, %dma_start3A_2064] : memref<32x128xf32, #tpu.memory_space<vmem>> -> memref<8x128xf32, #tpu.memory_space<vmem>>
      %dma_start3A_2066 = arith.constant 24 : i32
      %dma_start3A_2067 = tpu.memref_slice %arg3[%dma_start3A_2066, %multiple_of3A_2027] : memref<32x1000000xf32, #tpu.memory_space<hbm>> -> memref<8x128xf32, #tpu.memory_space<hbm>>
      tpu.enqueue_dma source(%dma_start3A_2067 : memref<8x128xf32, #tpu.memory_space<hbm>>) target(%dma_start3A_2065 : memref<8x128xf32, #tpu.memory_space<vmem>>) target_semaphore(%arg24 : memref<!tpu.dma_semaphore, #tpu.memory_space<semaphore_mem>>)
      %slice3A_2068 = vector.extract_strided_slice %get3A_2020 {offsets = [1], sizes = [1], strides = [1]} : vector<16xi32> to vector<1xi32>
      %squeeze3A_2069 = vector.extract %slice3A_2068[0] : i32 from vector<1xi32>
      %shift_right_logical3A_2070 = arith.constant 7 : i32
      %shift_right_logical3A_2071 = arith.shrui %squeeze3A_2069, %shift_right_logical3A_2070 : i32
      %shift_left3A_2072 = arith.constant 7 : i32
      %shift_left3A_2073 = arith.shli %shift_right_logical3A_2071, %shift_left3A_2072 : i32
      %multiple_of3A_2074 = tpu.assume_multiple %shift_left3A_2073, 128 : i32
      %dma_start3A_2075 = arith.constant 0 : i32
      %dma_start3A_2076 = arith.constant 0 : i32
      %dma_start3A_2077 = tpu.memref_slice %arg9[%dma_start3A_2075, %dma_start3A_2076] : memref<32x128xf32, #tpu.memory_space<vmem>> -> memref<8x128xf32, #tpu.memory_space<vmem>>
      %dma_start3A_2078 = arith.constant 0 : i32
      %dma_start3A_2079 = tpu.memref_slice %arg3[%dma_start3A_2078, %multiple_of3A_2074] : memref<32x1000000xf32, #tpu.memory_space<hbm>> -> memref<8x128xf32, #tpu.memory_space<hbm>>
      %dma_start3A_2080 = arith.constant 0 : i32
      %dma_start3A_2081 = arith.constant 0 : i32
      %dma_start3A_2082 = tpu.memref_slice %arg9[%dma_start3A_2080, %dma_start3A_2081] : memref<32x128xf32, #tpu.memory_space<vmem>> -> memref<8x128xf32, #tpu.memory_space<vmem>>
      %dma_start3A_2083 = arith.constant 0 : i32
      %dma_start3A_2084 = tpu.memref_slice %arg3[%dma_start3A_2083, %multiple_of3A_2074] : memref<32x1000000xf32, #tpu.memory_space<hbm>> -> memref<8x128xf32, #tpu.memory_space<hbm>>
      tpu.enqueue_dma source(%dma_start3A_2084 : memref<8x128xf32, #tpu.memory_space<hbm>>) target(%dma_start3A_2082 : memref<8x128xf32, #tpu.memory_space<vmem>>) target_semaphore(%arg24 : memref<!tpu.dma_semaphore, #tpu.memory_space<semaphore_mem>>)
      %dma_start3A_2085 = arith.constant 8 : i32
      %dma_start3A_2086 = arith.constant 0 : i32
      %dma_start3A_2087 = tpu.memref_slice %arg9[%dma_start3A_2085, %dma_start3A_2086] : memref<32x128xf32, #tpu.memory_space<vmem>> -> memref<8x128xf32, #tpu.memory_space<vmem>>
      %dma_start3A_2088 = arith.constant 8 : i32
      %dma_start3A_2089 = tpu.memref_slice %arg3[%dma_start3A_2088, %multiple_of3A_2074] : memref<32x1000000xf32, #tpu.memory_space<hbm>> -> memref<8x128xf32, #tpu.memory_space<hbm>>
      %dma_start3A_2090 = arith.constant 8 : i32
      %dma_start3A_2091 = arith.constant 0 : i32
      %dma_start3A_2092 = tpu.memref_slice %arg9[%dma_start3A_2090, %dma_start3A_2091] : memref<32x128xf32, #tpu.memory_space<vmem>> -> memref<8x128xf32, #tpu.memory_space<vmem>>
      %dma_start3A_2093 = arith.constant 8 : i32
      %dma_start3A_2094 = tpu.memref_slice %arg3[%dma_start3A_2093, %multiple_of3A_2074] : memref<32x1000000xf32, #tpu.memory_space<hbm>> -> memref<8x128xf32, #tpu.memory_space<hbm>>
      tpu.enqueue_dma source(%dma_start3A_2094 : memref<8x128xf32, #tpu.memory_space<hbm>>) target(%dma_start3A_2092 : memref<8x128xf32, #tpu.memory_space<vmem>>) target_semaphore(%arg24 : memref<!tpu.dma_semaphore, #tpu.memory_space<semaphore_mem>>)
      %dma_start3A_2095 = arith.constant 16 : i32
      %dma_start3A_2096 = arith.constant 0 : i32
      %dma_start3A_2097 = tpu.memref_slice %arg9[%dma_start3A_2095, %dma_start3A_2096] : memref<32x128xf32, #tpu.memory_space<vmem>> -> memref<8x128xf32, #tpu.memory_space<vmem>>
      %dma_start3A_2098 = arith.constant 16 : i32
      %dma_start3A_2099 = tpu.memref_slice %arg3[%dma_start3A_2098, %multiple_of3A_2074] : memref<32x1000000xf32, #tpu.memory_space<hbm>> -> memref<8x128xf32, #tpu.memory_space<hbm>>
      %dma_start3A_2100 = arith.constant 16 : i32
      %dma_start3A_2101 = arith.constant 0 : i32
      %dma_start3A_2102 = tpu.memref_slice %arg9[%dma_start3A_2100, %dma_start3A_2101] : memref<32x128xf32, #tpu.memory_space<vmem>> -> memref<8x128xf32, #tpu.memory_space<vmem>>
      %dma_start3A_2103 = arith.constant 16 : i32
      %dma_start3A_2104 = tpu.memref_slice %arg3[%dma_start3A_2103, %multiple_of3A_2074] : memref<32x1000000xf32, #tpu.memory_space<hbm>> -> memref<8x128xf32, #tpu.memory_space<hbm>>
      tpu.enqueue_dma source(%dma_start3A_2104 : memref<8x128xf32, #tpu.memory_space<hbm>>) target(%dma_start3A_2102 : memref<8x128xf32, #tpu.memory_space<vmem>>) target_semaphore(%arg24 : memref<!tpu.dma_semaphore, #tpu.memory_space<semaphore_mem>>)
      %dma_start3A_2105 = arith.constant 24 : i32
      %dma_start3A_2106 = arith.constant 0 : i32
      %dma_start3A_2107 = tpu.memref_slice %arg9[%dma_start3A_2105, %dma_start3A_2106] : memref<32x128xf32, #tpu.memory_space<vmem>> -> memref<8x128xf32, #tpu.memory_space<vmem>>
      %dma_start3A_2108 = arith.constant 24 : i32
      %dma_start3A_2109 = tpu.memref_slice %arg3[%dma_start3A_2108, %multiple_of3A_2074] : memref<32x1000000xf32, #tpu.memory_space<hbm>> -> memref<8x128xf32, #tpu.memory_space<hbm>>
      %dma_start3A_2110 = arith.constant 24 : i32
      %dma_start3A_2111 = arith.constant 0 : i32
      %dma_start3A_2112 = tpu.memref_slice %arg9[%dma_start3A_2110, %dma_start3A_2111] : memref<32x128xf32, #tpu.memory_space<vmem>> -> memref<8x128xf32, #tpu.memory_space<vmem>>
      %dma_start3A_2113 = arith.constant 24 : i32
      %dma_start3A_2114 = tpu.memref_slice %arg3[%dma_start3A_2113, %multiple_of3A_2074] : memref<32x1000000xf32, #tpu.memory_space<hbm>> -> memref<8x128xf32, #tpu.memory_space<hbm>>
      tpu.enqueue_dma source(%dma_start3A_2114 : memref<8x128xf32, #tpu.memory_space<hbm>>) target(%dma_start3A_2112 : memref<8x128xf32, #tpu.memory_space<vmem>>) target_semaphore(%arg24 : memref<!tpu.dma_semaphore, #tpu.memory_space<semaphore_mem>>)
      %slice3A_2115 = vector.extract_strided_slice %get3A_2020 {offsets = [2], sizes = [1], strides = [1]} : vector<16xi32> to vector<1xi32>
      %squeeze3A_2116 = vector.extract %slice3A_2115[0] : i32 from vector<1xi32>
      %shift_right_logical3A_2117 = arith.constant 7 : i32
      %shift_right_logical3A_2118 = arith.shrui %squeeze3A_2116, %shift_right_logical3A_2117 : i32
      %shift_left3A_2119 = arith.constant 7 : i32
      %shift_left3A_2120 = arith.shli %shift_right_logical3A_2118, %shift_left3A_2119 : i32
      %multiple_of3A_2121 = tpu.assume_multiple %shift_left3A_2120, 128 : i32
      %dma_start3A_2122 = arith.constant 0 : i32
      %dma_start3A_2123 = arith.constant 0 : i32
      %dma_start3A_2124 = tpu.memref_slice %arg10[%dma_start3A_2122, %dma_start3A_2123] : memref<32x128xf32, #tpu.memory_space<vmem>> -> memref<8x128xf32, #tpu.memory_space<vmem>>
      %dma_start3A_2125 = arith.constant 0 : i32
      %dma_start3A_2126 = tpu.memref_slice %arg3[%dma_start3A_2125, %multiple_of3A_2121] : memref<32x1000000xf32, #tpu.memory_space<hbm>> -> memref<8x128xf32, #tpu.memory_space<hbm>>
      %dma_start3A_2127 = arith.constant 0 : i32
      %dma_start3A_2128 = arith.constant 0 : i32
      %dma_start3A_2129 = tpu.memref_slice %arg10[%dma_start3A_2127, %dma_start3A_2128] : memref<32x128xf32, #tpu.memory_space<vmem>> -> memref<8x128xf32, #tpu.memory_space<vmem>>
      %dma_start3A_2130 = arith.constant 0 : i32
      %dma_start3A_2131 = tpu.memref_slice %arg3[%dma_start3A_2130, %multiple_of3A_2121] : memref<32x1000000xf32, #tpu.memory_space<hbm>> -> memref<8x128xf32, #tpu.memory_space<hbm>>
      tpu.enqueue_dma source(%dma_start3A_2131 : memref<8x128xf32, #tpu.memory_space<hbm>>) target(%dma_start3A_2129 : memref<8x128xf32, #tpu.memory_space<vmem>>) target_semaphore(%arg24 : memref<!tpu.dma_semaphore, #tpu.memory_space<semaphore_mem>>)
      %dma_start3A_2132 = arith.constant 8 : i32
      %dma_start3A_2133 = arith.constant 0 : i32
      %dma_start3A_2134 = tpu.memref_slice %arg10[%dma_start3A_2132, %dma_start3A_2133] : memref<32x128xf32, #tpu.memory_space<vmem>> -> memref<8x128xf32, #tpu.memory_space<vmem>>
      %dma_start3A_2135 = arith.constant 8 : i32
      %dma_start3A_2136 = tpu.memref_slice %arg3[%dma_start3A_2135, %multiple_of3A_2121] : memref<32x1000000xf32, #tpu.memory_space<hbm>> -> memref<8x128xf32, #tpu.memory_space<hbm>>
      %dma_start3A_2137 = arith.constant 8 : i32
      %dma_start3A_2138 = arith.constant 0 : i32
      %dma_start3A_2139 = tpu.memref_slice %arg10[%dma_start3A_2137, %dma_start3A_2138] : memref<32x128xf32, #tpu.memory_space<vmem>> -> memref<8x128xf32, #tpu.memory_space<vmem>>
      %dma_start3A_2140 = arith.constant 8 : i32
      %dma_start3A_2141 = tpu.memref_slice %arg3[%dma_start3A_2140, %multiple_of3A_2121] : memref<32x1000000xf32, #tpu.memory_space<hbm>> -> memref<8x128xf32, #tpu.memory_space<hbm>>
      tpu.enqueue_dma source(%dma_start3A_2141 : memref<8x128xf32, #tpu.memory_space<hbm>>) target(%dma_start3A_2139 : memref<8x128xf32, #tpu.memory_space<vmem>>) target_semaphore(%arg24 : memref<!tpu.dma_semaphore, #tpu.memory_space<semaphore_mem>>)
      %dma_start3A_2142 = arith.constant 16 : i32
      %dma_start3A_2143 = arith.constant 0 : i32
      %dma_start3A_2144 = tpu.memref_slice %arg10[%dma_start3A_2142, %dma_start3A_2143] : memref<32x128xf32, #tpu.memory_space<vmem>> -> memref<8x128xf32, #tpu.memory_space<vmem>>
      %dma_start3A_2145 = arith.constant 16 : i32
      %dma_start3A_2146 = tpu.memref_slice %arg3[%dma_start3A_2145, %multiple_of3A_2121] : memref<32x1000000xf32, #tpu.memory_space<hbm>> -> memref<8x128xf32, #tpu.memory_space<hbm>>
      %dma_start3A_2147 = arith.constant 16 : i32
      %dma_start3A_2148 = arith.constant 0 : i32
      %dma_start3A_2149 = tpu.memref_slice %arg10[%dma_start3A_2147, %dma_start3A_2148] : memref<32x128xf32, #tpu.memory_space<vmem>> -> memref<8x128xf32, #tpu.memory_space<vmem>>
      %dma_start3A_2150 = arith.constant 16 : i32
      %dma_start3A_2151 = tpu.memref_slice %arg3[%dma_start3A_2150, %multiple_of3A_2121] : memref<32x1000000xf32, #tpu.memory_space<hbm>> -> memref<8x128xf32, #tpu.memory_space<hbm>>
      tpu.enqueue_dma source(%dma_start3A_2151 : memref<8x128xf32, #tpu.memory_space<hbm>>) target(%dma_start3A_2149 : memref<8x128xf32, #tpu.memory_space<vmem>>) target_semaphore(%arg24 : memref<!tpu.dma_semaphore, #tpu.memory_space<semaphore_mem>>)
      %dma_start3A_2152 = arith.constant 24 : i32
      %dma_start3A_2153 = arith.constant 0 : i32
      %dma_start3A_2154 = tpu.memref_slice %arg10[%dma_start3A_2152, %dma_start3A_2153] : memref<32x128xf32, #tpu.memory_space<vmem>> -> memref<8x128xf32, #tpu.memory_space<vmem>>
      %dma_start3A_2155 = arith.constant 24 : i32
      %dma_start3A_2156 = tpu.memref_slice %arg3[%dma_start3A_2155, %multiple_of3A_2121] : memref<32x1000000xf32, #tpu.memory_space<hbm>> -> memref<8x128xf32, #tpu.memory_space<hbm>>
      %dma_start3A_2157 = arith.constant 24 : i32
      %dma_start3A_2158 = arith.constant 0 : i32
      %dma_start3A_2159 = tpu.memref_slice %arg10[%dma_start3A_2157, %dma_start3A_2158] : memref<32x128xf32, #tpu.memory_space<vmem>> -> memref<8x128xf32, #tpu.memory_space<vmem>>
      %dma_start3A_2160 = arith.constant 24 : i32
      %dma_start3A_2161 = tpu.memref_slice %arg3[%dma_start3A_2160, %multiple_of3A_2121] : memref<32x1000000xf32, #tpu.memory_space<hbm>> -> memref<8x128xf32, #tpu.memory_space<hbm>>
      tpu.enqueue_dma source(%dma_start3A_2161 : memref<8x128xf32, #tpu.memory_space<hbm>>) target(%dma_start3A_2159 : memref<8x128xf32, #tpu.memory_space<vmem>>) target_semaphore(%arg24 : memref<!tpu.dma_semaphore, #tpu.memory_space<semaphore_mem>>)
      %slice3A_2162 = vector.extract_strided_slice %get3A_2020 {offsets = [3], sizes = [1], strides = [1]} : vector<16xi32> to vector<1xi32>
      %squeeze3A_2163 = vector.extract %slice3A_2162[0] : i32 from vector<1xi32>
      %shift_right_logical3A_2164 = arith.constant 7 : i32
      %shift_right_logical3A_2165 = arith.shrui %squeeze3A_2163, %shift_right_logical3A_2164 : i32
      %shift_left3A_2166 = arith.constant 7 : i32
      %shift_left3A_2167 = arith.shli %shift_right_logical3A_2165, %shift_left3A_2166 : i32
      %multiple_of3A_2168 = tpu.assume_multiple %shift_left3A_2167, 128 : i32
      %dma_start3A_2169 = arith.constant 0 : i32
      %dma_start3A_2170 = arith.constant 0 : i32
      %dma_start3A_2171 = tpu.memref_slice %arg11[%dma_start3A_2169, %dma_start3A_2170] : memref<32x128xf32, #tpu.memory_space<vmem>> -> memref<8x128xf32, #tpu.memory_space<vmem>>
      %dma_start3A_2172 = arith.constant 0 : i32
      %dma_start3A_2173 = tpu.memref_slice %arg3[%dma_start3A_2172, %multiple_of3A_2168] : memref<32x1000000xf32, #tpu.memory_space<hbm>> -> memref<8x128xf32, #tpu.memory_space<hbm>>
      %dma_start3A_2174 = arith.constant 0 : i32
      %dma_start3A_2175 = arith.constant 0 : i32
      %dma_start3A_2176 = tpu.memref_slice %arg11[%dma_start3A_2174, %dma_start3A_2175] : memref<32x128xf32, #tpu.memory_space<vmem>> -> memref<8x128xf32, #tpu.memory_space<vmem>>
      %dma_start3A_2177 = arith.constant 0 : i32
      %dma_start3A_2178 = tpu.memref_slice %arg3[%dma_start3A_2177, %multiple_of3A_2168] : memref<32x1000000xf32, #tpu.memory_space<hbm>> -> memref<8x128xf32, #tpu.memory_space<hbm>>
      tpu.enqueue_dma source(%dma_start3A_2178 : memref<8x128xf32, #tpu.memory_space<hbm>>) target(%dma_start3A_2176 : memref<8x128xf32, #tpu.memory_space<vmem>>) target_semaphore(%arg24 : memref<!tpu.dma_semaphore, #tpu.memory_space<semaphore_mem>>)
      %dma_start3A_2179 = arith.constant 8 : i32
      %dma_start3A_2180 = arith.constant 0 : i32
      %dma_start3A_2181 = tpu.memref_slice %arg11[%dma_start3A_2179, %dma_start3A_2180] : memref<32x128xf32, #tpu.memory_space<vmem>> -> memref<8x128xf32, #tpu.memory_space<vmem>>
      %dma_start3A_2182 = arith.constant 8 : i32
      %dma_start3A_2183 = tpu.memref_slice %arg3[%dma_start3A_2182, %multiple_of3A_2168] : memref<32x1000000xf32, #tpu.memory_space<hbm>> -> memref<8x128xf32, #tpu.memory_space<hbm>>
      %dma_start3A_2184 = arith.constant 8 : i32
      %dma_start3A_2185 = arith.constant 0 : i32
      %dma_start3A_2186 = tpu.memref_slice %arg11[%dma_start3A_2184, %dma_start3A_2185] : memref<32x128xf32, #tpu.memory_space<vmem>> -> memref<8x128xf32, #tpu.memory_space<vmem>>
      %dma_start3A_2187 = arith.constant 8 : i32
      %dma_start3A_2188 = tpu.memref_slice %arg3[%dma_start3A_2187, %multiple_of3A_2168] : memref<32x1000000xf32, #tpu.memory_space<hbm>> -> memref<8x128xf32, #tpu.memory_space<hbm>>
      tpu.enqueue_dma source(%dma_start3A_2188 : memref<8x128xf32, #tpu.memory_space<hbm>>) target(%dma_start3A_2186 : memref<8x128xf32, #tpu.memory_space<vmem>>) target_semaphore(%arg24 : memref<!tpu.dma_semaphore, #tpu.memory_space<semaphore_mem>>)
      %dma_start3A_2189 = arith.constant 16 : i32
      %dma_start3A_2190 = arith.constant 0 : i32
      %dma_start3A_2191 = tpu.memref_slice %arg11[%dma_start3A_2189, %dma_start3A_2190] : memref<32x128xf32, #tpu.memory_space<vmem>> -> memref<8x128xf32, #tpu.memory_space<vmem>>
      %dma_start3A_2192 = arith.constant 16 : i32
      %dma_start3A_2193 = tpu.memref_slice %arg3[%dma_start3A_2192, %multiple_of3A_2168] : memref<32x1000000xf32, #tpu.memory_space<hbm>> -> memref<8x128xf32, #tpu.memory_space<hbm>>
      %dma_start3A_2194 = arith.constant 16 : i32
      %dma_start3A_2195 = arith.constant 0 : i32
      %dma_start3A_2196 = tpu.memref_slice %arg11[%dma_start3A_2194, %dma_start3A_2195] : memref<32x128xf32, #tpu.memory_space<vmem>> -> memref<8x128xf32, #tpu.memory_space<vmem>>
      %dma_start3A_2197 = arith.constant 16 : i32
      %dma_start3A_2198 = tpu.memref_slice %arg3[%dma_start3A_2197, %multiple_of3A_2168] : memref<32x1000000xf32, #tpu.memory_space<hbm>> -> memref<8x128xf32, #tpu.memory_space<hbm>>
      tpu.enqueue_dma source(%dma_start3A_2198 : memref<8x128xf32, #tpu.memory_space<hbm>>) target(%dma_start3A_2196 : memref<8x128xf32, #tpu.memory_space<vmem>>) target_semaphore(%arg24 : memref<!tpu.dma_semaphore, #tpu.memory_space<semaphore_mem>>)
      %dma_start3A_2199 = arith.constant 24 : i32
      %dma_start3A_2200 = arith.constant 0 : i32
      %dma_start3A_2201 = tpu.memref_slice %arg11[%dma_start3A_2199, %dma_start3A_2200] : memref<32x128xf32, #tpu.memory_space<vmem>> -> memref<8x128xf32, #tpu.memory_space<vmem>>
      %dma_start3A_2202 = arith.constant 24 : i32
      %dma_start3A_2203 = tpu.memref_slice %arg3[%dma_start3A_2202, %multiple_of3A_2168] : memref<32x1000000xf32, #tpu.memory_space<hbm>> -> memref<8x128xf32, #tpu.memory_space<hbm>>
      %dma_start3A_2204 = arith.constant 24 : i32
      %dma_start3A_2205 = arith.constant 0 : i32
      %dma_start3A_2206 = tpu.memref_slice %arg11[%dma_start3A_2204, %dma_start3A_2205] : memref<32x128xf32, #tpu.memory_space<vmem>> -> memref<8x128xf32, #tpu.memory_space<vmem>>
      %dma_start3A_2207 = arith.constant 24 : i32
      %dma_start3A_2208 = tpu.memref_slice %arg3[%dma_start3A_2207, %multiple_of3A_2168] : memref<32x1000000xf32, #tpu.memory_space<hbm>> -> memref<8x128xf32, #tpu.memory_space<hbm>>
      tpu.enqueue_dma source(%dma_start3A_2208 : memref<8x128xf32, #tpu.memory_space<hbm>>) target(%dma_start3A_2206 : memref<8x128xf32, #tpu.memory_space<vmem>>) target_semaphore(%arg24 : memref<!tpu.dma_semaphore, #tpu.memory_space<semaphore_mem>>)
      %slice3A_2209 = vector.extract_strided_slice %get3A_2020 {offsets = [4], sizes = [1], strides = [1]} : vector<16xi32> to vector<1xi32>
      %squeeze3A_2210 = vector.extract %slice3A_2209[0] : i32 from vector<1xi32>
      %shift_right_logical3A_2211 = arith.constant 7 : i32
      %shift_right_logical3A_2212 = arith.shrui %squeeze3A_2210, %shift_right_logical3A_2211 : i32
      %shift_left3A_2213 = arith.constant 7 : i32
      %shift_left3A_2214 = arith.shli %shift_right_logical3A_2212, %shift_left3A_2213 : i32
      %multiple_of3A_2215 = tpu.assume_multiple %shift_left3A_2214, 128 : i32
      %dma_start3A_2216 = arith.constant 0 : i32
      %dma_start3A_2217 = arith.constant 0 : i32
      %dma_start3A_2218 = tpu.memref_slice %arg12[%dma_start3A_2216, %dma_start3A_2217] : memref<32x128xf32, #tpu.memory_space<vmem>> -> memref<8x128xf32, #tpu.memory_space<vmem>>
      %dma_start3A_2219 = arith.constant 0 : i32
      %dma_start3A_2220 = tpu.memref_slice %arg3[%dma_start3A_2219, %multiple_of3A_2215] : memref<32x1000000xf32, #tpu.memory_space<hbm>> -> memref<8x128xf32, #tpu.memory_space<hbm>>
      %dma_start3A_2221 = arith.constant 0 : i32
      %dma_start3A_2222 = arith.constant 0 : i32
      %dma_start3A_2223 = tpu.memref_slice %arg12[%dma_start3A_2221, %dma_start3A_2222] : memref<32x128xf32, #tpu.memory_space<vmem>> -> memref<8x128xf32, #tpu.memory_space<vmem>>
      %dma_start3A_2224 = arith.constant 0 : i32
      %dma_start3A_2225 = tpu.memref_slice %arg3[%dma_start3A_2224, %multiple_of3A_2215] : memref<32x1000000xf32, #tpu.memory_space<hbm>> -> memref<8x128xf32, #tpu.memory_space<hbm>>
      tpu.enqueue_dma source(%dma_start3A_2225 : memref<8x128xf32, #tpu.memory_space<hbm>>) target(%dma_start3A_2223 : memref<8x128xf32, #tpu.memory_space<vmem>>) target_semaphore(%arg24 : memref<!tpu.dma_semaphore, #tpu.memory_space<semaphore_mem>>)
      %dma_start3A_2226 = arith.constant 8 : i32
      %dma_start3A_2227 = arith.constant 0 : i32
      %dma_start3A_2228 = tpu.memref_slice %arg12[%dma_start3A_2226, %dma_start3A_2227] : memref<32x128xf32, #tpu.memory_space<vmem>> -> memref<8x128xf32, #tpu.memory_space<vmem>>
      %dma_start3A_2229 = arith.constant 8 : i32
      %dma_start3A_2230 = tpu.memref_slice %arg3[%dma_start3A_2229, %multiple_of3A_2215] : memref<32x1000000xf32, #tpu.memory_space<hbm>> -> memref<8x128xf32, #tpu.memory_space<hbm>>
      %dma_start3A_2231 = arith.constant 8 : i32
      %dma_start3A_2232 = arith.constant 0 : i32
      %dma_start3A_2233 = tpu.memref_slice %arg12[%dma_start3A_2231, %dma_start3A_2232] : memref<32x128xf32, #tpu.memory_space<vmem>> -> memref<8x128xf32, #tpu.memory_space<vmem>>
      %dma_start3A_2234 = arith.constant 8 : i32
      %dma_start3A_2235 = tpu.memref_slice %arg3[%dma_start3A_2234, %multiple_of3A_2215] : memref<32x1000000xf32, #tpu.memory_space<hbm>> -> memref<8x128xf32, #tpu.memory_space<hbm>>
      tpu.enqueue_dma source(%dma_start3A_2235 : memref<8x128xf32, #tpu.memory_space<hbm>>) target(%dma_start3A_2233 : memref<8x128xf32, #tpu.memory_space<vmem>>) target_semaphore(%arg24 : memref<!tpu.dma_semaphore, #tpu.memory_space<semaphore_mem>>)
      %dma_start3A_2236 = arith.constant 16 : i32
      %dma_start3A_2237 = arith.constant 0 : i32
      %dma_start3A_2238 = tpu.memref_slice %arg12[%dma_start3A_2236, %dma_start3A_2237] : memref<32x128xf32, #tpu.memory_space<vmem>> -> memref<8x128xf32, #tpu.memory_space<vmem>>
      %dma_start3A_2239 = arith.constant 16 : i32
      %dma_start3A_2240 = tpu.memref_slice %arg3[%dma_start3A_2239, %multiple_of3A_2215] : memref<32x1000000xf32, #tpu.memory_space<hbm>> -> memref<8x128xf32, #tpu.memory_space<hbm>>
      %dma_start3A_2241 = arith.constant 16 : i32
      %dma_start3A_2242 = arith.constant 0 : i32
      %dma_start3A_2243 = tpu.memref_slice %arg12[%dma_start3A_2241, %dma_start3A_2242] : memref<32x128xf32, #tpu.memory_space<vmem>> -> memref<8x128xf32, #tpu.memory_space<vmem>>
      %dma_start3A_2244 = arith.constant 16 : i32
      %dma_start3A_2245 = tpu.memref_slice %arg3[%dma_start3A_2244, %multiple_of3A_2215] : memref<32x1000000xf32, #tpu.memory_space<hbm>> -> memref<8x128xf32, #tpu.memory_space<hbm>>
      tpu.enqueue_dma source(%dma_start3A_2245 : memref<8x128xf32, #tpu.memory_space<hbm>>) target(%dma_start3A_2243 : memref<8x128xf32, #tpu.memory_space<vmem>>) target_semaphore(%arg24 : memref<!tpu.dma_semaphore, #tpu.memory_space<semaphore_mem>>)
      %dma_start3A_2246 = arith.constant 24 : i32
      %dma_start3A_2247 = arith.constant 0 : i32
      %dma_start3A_2248 = tpu.memref_slice %arg12[%dma_start3A_2246, %dma_start3A_2247] : memref<32x128xf32, #tpu.memory_space<vmem>> -> memref<8x128xf32, #tpu.memory_space<vmem>>
      %dma_start3A_2249 = arith.constant 24 : i32
      %dma_start3A_2250 = tpu.memref_slice %arg3[%dma_start3A_2249, %multiple_of3A_2215] : memref<32x1000000xf32, #tpu.memory_space<hbm>> -> memref<8x128xf32, #tpu.memory_space<hbm>>
      %dma_start3A_2251 = arith.constant 24 : i32
      %dma_start3A_2252 = arith.constant 0 : i32
      %dma_start3A_2253 = tpu.memref_slice %arg12[%dma_start3A_2251, %dma_start3A_2252] : memref<32x128xf32, #tpu.memory_space<vmem>> -> memref<8x128xf32, #tpu.memory_space<vmem>>
      %dma_start3A_2254 = arith.constant 24 : i32
      %dma_start3A_2255 = tpu.memref_slice %arg3[%dma_start3A_2254, %multiple_of3A_2215] : memref<32x1000000xf32, #tpu.memory_space<hbm>> -> memref<8x128xf32, #tpu.memory_space<hbm>>
      tpu.enqueue_dma source(%dma_start3A_2255 : memref<8x128xf32, #tpu.memory_space<hbm>>) target(%dma_start3A_2253 : memref<8x128xf32, #tpu.memory_space<vmem>>) target_semaphore(%arg24 : memref<!tpu.dma_semaphore, #tpu.memory_space<semaphore_mem>>)
      %slice3A_2256 = vector.extract_strided_slice %get3A_2020 {offsets = [5], sizes = [1], strides = [1]} : vector<16xi32> to vector<1xi32>
      %squeeze3A_2257 = vector.extract %slice3A_2256[0] : i32 from vector<1xi32>
      %shift_right_logical3A_2258 = arith.constant 7 : i32
      %shift_right_logical3A_2259 = arith.shrui %squeeze3A_2257, %shift_right_logical3A_2258 : i32
      %shift_left3A_2260 = arith.constant 7 : i32
      %shift_left3A_2261 = arith.shli %shift_right_logical3A_2259, %shift_left3A_2260 : i32
      %multiple_of3A_2262 = tpu.assume_multiple %shift_left3A_2261, 128 : i32
      %dma_start3A_2263 = arith.constant 0 : i32
      %dma_start3A_2264 = arith.constant 0 : i32
      %dma_start3A_2265 = tpu.memref_slice %arg13[%dma_start3A_2263, %dma_start3A_2264] : memref<32x128xf32, #tpu.memory_space<vmem>> -> memref<8x128xf32, #tpu.memory_space<vmem>>
      %dma_start3A_2266 = arith.constant 0 : i32
      %dma_start3A_2267 = tpu.memref_slice %arg3[%dma_start3A_2266, %multiple_of3A_2262] : memref<32x1000000xf32, #tpu.memory_space<hbm>> -> memref<8x128xf32, #tpu.memory_space<hbm>>
      %dma_start3A_2268 = arith.constant 0 : i32
      %dma_start3A_2269 = arith.constant 0 : i32
      %dma_start3A_2270 = tpu.memref_slice %arg13[%dma_start3A_2268, %dma_start3A_2269] : memref<32x128xf32, #tpu.memory_space<vmem>> -> memref<8x128xf32, #tpu.memory_space<vmem>>
      %dma_start3A_2271 = arith.constant 0 : i32
      %dma_start3A_2272 = tpu.memref_slice %arg3[%dma_start3A_2271, %multiple_of3A_2262] : memref<32x1000000xf32, #tpu.memory_space<hbm>> -> memref<8x128xf32, #tpu.memory_space<hbm>>
      tpu.enqueue_dma source(%dma_start3A_2272 : memref<8x128xf32, #tpu.memory_space<hbm>>) target(%dma_start3A_2270 : memref<8x128xf32, #tpu.memory_space<vmem>>) target_semaphore(%arg24 : memref<!tpu.dma_semaphore, #tpu.memory_space<semaphore_mem>>)
      %dma_start3A_2273 = arith.constant 8 : i32
      %dma_start3A_2274 = arith.constant 0 : i32
      %dma_start3A_2275 = tpu.memref_slice %arg13[%dma_start3A_2273, %dma_start3A_2274] : memref<32x128xf32, #tpu.memory_space<vmem>> -> memref<8x128xf32, #tpu.memory_space<vmem>>
      %dma_start3A_2276 = arith.constant 8 : i32
      %dma_start3A_2277 = tpu.memref_slice %arg3[%dma_start3A_2276, %multiple_of3A_2262] : memref<32x1000000xf32, #tpu.memory_space<hbm>> -> memref<8x128xf32, #tpu.memory_space<hbm>>
      %dma_start3A_2278 = arith.constant 8 : i32
      %dma_start3A_2279 = arith.constant 0 : i32
      %dma_start3A_2280 = tpu.memref_slice %arg13[%dma_start3A_2278, %dma_start3A_2279] : memref<32x128xf32, #tpu.memory_space<vmem>> -> memref<8x128xf32, #tpu.memory_space<vmem>>
      %dma_start3A_2281 = arith.constant 8 : i32
      %dma_start3A_2282 = tpu.memref_slice %arg3[%dma_start3A_2281, %multiple_of3A_2262] : memref<32x1000000xf32, #tpu.memory_space<hbm>> -> memref<8x128xf32, #tpu.memory_space<hbm>>
      tpu.enqueue_dma source(%dma_start3A_2282 : memref<8x128xf32, #tpu.memory_space<hbm>>) target(%dma_start3A_2280 : memref<8x128xf32, #tpu.memory_space<vmem>>) target_semaphore(%arg24 : memref<!tpu.dma_semaphore, #tpu.memory_space<semaphore_mem>>)
      %dma_start3A_2283 = arith.constant 16 : i32
      %dma_start3A_2284 = arith.constant 0 : i32
      %dma_start3A_2285 = tpu.memref_slice %arg13[%dma_start3A_2283, %dma_start3A_2284] : memref<32x128xf32, #tpu.memory_space<vmem>> -> memref<8x128xf32, #tpu.memory_space<vmem>>
      %dma_start3A_2286 = arith.constant 16 : i32
      %dma_start3A_2287 = tpu.memref_slice %arg3[%dma_start3A_2286, %multiple_of3A_2262] : memref<32x1000000xf32, #tpu.memory_space<hbm>> -> memref<8x128xf32, #tpu.memory_space<hbm>>
      %dma_start3A_2288 = arith.constant 16 : i32
      %dma_start3A_2289 = arith.constant 0 : i32
      %dma_start3A_2290 = tpu.memref_slice %arg13[%dma_start3A_2288, %dma_start3A_2289] : memref<32x128xf32, #tpu.memory_space<vmem>> -> memref<8x128xf32, #tpu.memory_space<vmem>>
      %dma_start3A_2291 = arith.constant 16 : i32
      %dma_start3A_2292 = tpu.memref_slice %arg3[%dma_start3A_2291, %multiple_of3A_2262] : memref<32x1000000xf32, #tpu.memory_space<hbm>> -> memref<8x128xf32, #tpu.memory_space<hbm>>
      tpu.enqueue_dma source(%dma_start3A_2292 : memref<8x128xf32, #tpu.memory_space<hbm>>) target(%dma_start3A_2290 : memref<8x128xf32, #tpu.memory_space<vmem>>) target_semaphore(%arg24 : memref<!tpu.dma_semaphore, #tpu.memory_space<semaphore_mem>>)
      %dma_start3A_2293 = arith.constant 24 : i32
      %dma_start3A_2294 = arith.constant 0 : i32
      %dma_start3A_2295 = tpu.memref_slice %arg13[%dma_start3A_2293, %dma_start3A_2294] : memref<32x128xf32, #tpu.memory_space<vmem>> -> memref<8x128xf32, #tpu.memory_space<vmem>>
      %dma_start3A_2296 = arith.constant 24 : i32
      %dma_start3A_2297 = tpu.memref_slice %arg3[%dma_start3A_2296, %multiple_of3A_2262] : memref<32x1000000xf32, #tpu.memory_space<hbm>> -> memref<8x128xf32, #tpu.memory_space<hbm>>
      %dma_start3A_2298 = arith.constant 24 : i32
      %dma_start3A_2299 = arith.constant 0 : i32
      %dma_start3A_2300 = tpu.memref_slice %arg13[%dma_start3A_2298, %dma_start3A_2299] : memref<32x128xf32, #tpu.memory_space<vmem>> -> memref<8x128xf32, #tpu.memory_space<vmem>>
      %dma_start3A_2301 = arith.constant 24 : i32
      %dma_start3A_2302 = tpu.memref_slice %arg3[%dma_start3A_2301, %multiple_of3A_2262] : memref<32x1000000xf32, #tpu.memory_space<hbm>> -> memref<8x128xf32, #tpu.memory_space<hbm>>
      tpu.enqueue_dma source(%dma_start3A_2302 : memref<8x128xf32, #tpu.memory_space<hbm>>) target(%dma_start3A_2300 : memref<8x128xf32, #tpu.memory_space<vmem>>) target_semaphore(%arg24 : memref<!tpu.dma_semaphore, #tpu.memory_space<semaphore_mem>>)
      %slice3A_2303 = vector.extract_strided_slice %get3A_2020 {offsets = [6], sizes = [1], strides = [1]} : vector<16xi32> to vector<1xi32>
      %squeeze3A_2304 = vector.extract %slice3A_2303[0] : i32 from vector<1xi32>
      %shift_right_logical3A_2305 = arith.constant 7 : i32
      %shift_right_logical3A_2306 = arith.shrui %squeeze3A_2304, %shift_right_logical3A_2305 : i32
      %shift_left3A_2307 = arith.constant 7 : i32
      %shift_left3A_2308 = arith.shli %shift_right_logical3A_2306, %shift_left3A_2307 : i32
      %multiple_of3A_2309 = tpu.assume_multiple %shift_left3A_2308, 128 : i32
      %dma_start3A_2310 = arith.constant 0 : i32
      %dma_start3A_2311 = arith.constant 0 : i32
      %dma_start3A_2312 = tpu.memref_slice %arg14[%dma_start3A_2310, %dma_start3A_2311] : memref<32x128xf32, #tpu.memory_space<vmem>> -> memref<8x128xf32, #tpu.memory_space<vmem>>
      %dma_start3A_2313 = arith.constant 0 : i32
      %dma_start3A_2314 = tpu.memref_slice %arg3[%dma_start3A_2313, %multiple_of3A_2309] : memref<32x1000000xf32, #tpu.memory_space<hbm>> -> memref<8x128xf32, #tpu.memory_space<hbm>>
      %dma_start3A_2315 = arith.constant 0 : i32
      %dma_start3A_2316 = arith.constant 0 : i32
      %dma_start3A_2317 = tpu.memref_slice %arg14[%dma_start3A_2315, %dma_start3A_2316] : memref<32x128xf32, #tpu.memory_space<vmem>> -> memref<8x128xf32, #tpu.memory_space<vmem>>
      %dma_start3A_2318 = arith.constant 0 : i32
      %dma_start3A_2319 = tpu.memref_slice %arg3[%dma_start3A_2318, %multiple_of3A_2309] : memref<32x1000000xf32, #tpu.memory_space<hbm>> -> memref<8x128xf32, #tpu.memory_space<hbm>>
      tpu.enqueue_dma source(%dma_start3A_2319 : memref<8x128xf32, #tpu.memory_space<hbm>>) target(%dma_start3A_2317 : memref<8x128xf32, #tpu.memory_space<vmem>>) target_semaphore(%arg24 : memref<!tpu.dma_semaphore, #tpu.memory_space<semaphore_mem>>)
      %dma_start3A_2320 = arith.constant 8 : i32
      %dma_start3A_2321 = arith.constant 0 : i32
      %dma_start3A_2322 = tpu.memref_slice %arg14[%dma_start3A_2320, %dma_start3A_2321] : memref<32x128xf32, #tpu.memory_space<vmem>> -> memref<8x128xf32, #tpu.memory_space<vmem>>
      %dma_start3A_2323 = arith.constant 8 : i32
      %dma_start3A_2324 = tpu.memref_slice %arg3[%dma_start3A_2323, %multiple_of3A_2309] : memref<32x1000000xf32, #tpu.memory_space<hbm>> -> memref<8x128xf32, #tpu.memory_space<hbm>>
      %dma_start3A_2325 = arith.constant 8 : i32
      %dma_start3A_2326 = arith.constant 0 : i32
      %dma_start3A_2327 = tpu.memref_slice %arg14[%dma_start3A_2325, %dma_start3A_2326] : memref<32x128xf32, #tpu.memory_space<vmem>> -> memref<8x128xf32, #tpu.memory_space<vmem>>
      %dma_start3A_2328 = arith.constant 8 : i32
      %dma_start3A_2329 = tpu.memref_slice %arg3[%dma_start3A_2328, %multiple_of3A_2309] : memref<32x1000000xf32, #tpu.memory_space<hbm>> -> memref<8x128xf32, #tpu.memory_space<hbm>>
      tpu.enqueue_dma source(%dma_start3A_2329 : memref<8x128xf32, #tpu.memory_space<hbm>>) target(%dma_start3A_2327 : memref<8x128xf32, #tpu.memory_space<vmem>>) target_semaphore(%arg24 : memref<!tpu.dma_semaphore, #tpu.memory_space<semaphore_mem>>)
      %dma_start3A_2330 = arith.constant 16 : i32
      %dma_start3A_2331 = arith.constant 0 : i32
      %dma_start3A_2332 = tpu.memref_slice %arg14[%dma_start3A_2330, %dma_start3A_2331] : memref<32x128xf32, #tpu.memory_space<vmem>> -> memref<8x128xf32, #tpu.memory_space<vmem>>
      %dma_start3A_2333 = arith.constant 16 : i32
      %dma_start3A_2334 = tpu.memref_slice %arg3[%dma_start3A_2333, %multiple_of3A_2309] : memref<32x1000000xf32, #tpu.memory_space<hbm>> -> memref<8x128xf32, #tpu.memory_space<hbm>>
      %dma_start3A_2335 = arith.constant 16 : i32
      %dma_start3A_2336 = arith.constant 0 : i32
      %dma_start3A_2337 = tpu.memref_slice %arg14[%dma_start3A_2335, %dma_start3A_2336] : memref<32x128xf32, #tpu.memory_space<vmem>> -> memref<8x128xf32, #tpu.memory_space<vmem>>
      %dma_start3A_2338 = arith.constant 16 : i32
      %dma_start3A_2339 = tpu.memref_slice %arg3[%dma_start3A_2338, %multiple_of3A_2309] : memref<32x1000000xf32, #tpu.memory_space<hbm>> -> memref<8x128xf32, #tpu.memory_space<hbm>>
      tpu.enqueue_dma source(%dma_start3A_2339 : memref<8x128xf32, #tpu.memory_space<hbm>>) target(%dma_start3A_2337 : memref<8x128xf32, #tpu.memory_space<vmem>>) target_semaphore(%arg24 : memref<!tpu.dma_semaphore, #tpu.memory_space<semaphore_mem>>)
      %dma_start3A_2340 = arith.constant 24 : i32
      %dma_start3A_2341 = arith.constant 0 : i32
      %dma_start3A_2342 = tpu.memref_slice %arg14[%dma_start3A_2340, %dma_start3A_2341] : memref<32x128xf32, #tpu.memory_space<vmem>> -> memref<8x128xf32, #tpu.memory_space<vmem>>
      %dma_start3A_2343 = arith.constant 24 : i32
      %dma_start3A_2344 = tpu.memref_slice %arg3[%dma_start3A_2343, %multiple_of3A_2309] : memref<32x1000000xf32, #tpu.memory_space<hbm>> -> memref<8x128xf32, #tpu.memory_space<hbm>>
      %dma_start3A_2345 = arith.constant 24 : i32
      %dma_start3A_2346 = arith.constant 0 : i32
      %dma_start3A_2347 = tpu.memref_slice %arg14[%dma_start3A_2345, %dma_start3A_2346] : memref<32x128xf32, #tpu.memory_space<vmem>> -> memref<8x128xf32, #tpu.memory_space<vmem>>
      %dma_start3A_2348 = arith.constant 24 : i32
      %dma_start3A_2349 = tpu.memref_slice %arg3[%dma_start3A_2348, %multiple_of3A_2309] : memref<32x1000000xf32, #tpu.memory_space<hbm>> -> memref<8x128xf32, #tpu.memory_space<hbm>>
      tpu.enqueue_dma source(%dma_start3A_2349 : memref<8x128xf32, #tpu.memory_space<hbm>>) target(%dma_start3A_2347 : memref<8x128xf32, #tpu.memory_space<vmem>>) target_semaphore(%arg24 : memref<!tpu.dma_semaphore, #tpu.memory_space<semaphore_mem>>)
      %slice3A_2350 = vector.extract_strided_slice %get3A_2020 {offsets = [7], sizes = [1], strides = [1]} : vector<16xi32> to vector<1xi32>
      %squeeze3A_2351 = vector.extract %slice3A_2350[0] : i32 from vector<1xi32>
      %shift_right_logical3A_2352 = arith.constant 7 : i32
      %shift_right_logical3A_2353 = arith.shrui %squeeze3A_2351, %shift_right_logical3A_2352 : i32
      %shift_left3A_2354 = arith.constant 7 : i32
      %shift_left3A_2355 = arith.shli %shift_right_logical3A_2353, %shift_left3A_2354 : i32
      %multiple_of3A_2356 = tpu.assume_multiple %shift_left3A_2355, 128 : i32
      %dma_start3A_2357 = arith.constant 0 : i32
      %dma_start3A_2358 = arith.constant 0 : i32
      %dma_start3A_2359 = tpu.memref_slice %arg15[%dma_start3A_2357, %dma_start3A_2358] : memref<32x128xf32, #tpu.memory_space<vmem>> -> memref<8x128xf32, #tpu.memory_space<vmem>>
      %dma_start3A_2360 = arith.constant 0 : i32
      %dma_start3A_2361 = tpu.memref_slice %arg3[%dma_start3A_2360, %multiple_of3A_2356] : memref<32x1000000xf32, #tpu.memory_space<hbm>> -> memref<8x128xf32, #tpu.memory_space<hbm>>
      %dma_start3A_2362 = arith.constant 0 : i32
      %dma_start3A_2363 = arith.constant 0 : i32
      %dma_start3A_2364 = tpu.memref_slice %arg15[%dma_start3A_2362, %dma_start3A_2363] : memref<32x128xf32, #tpu.memory_space<vmem>> -> memref<8x128xf32, #tpu.memory_space<vmem>>
      %dma_start3A_2365 = arith.constant 0 : i32
      %dma_start3A_2366 = tpu.memref_slice %arg3[%dma_start3A_2365, %multiple_of3A_2356] : memref<32x1000000xf32, #tpu.memory_space<hbm>> -> memref<8x128xf32, #tpu.memory_space<hbm>>
      tpu.enqueue_dma source(%dma_start3A_2366 : memref<8x128xf32, #tpu.memory_space<hbm>>) target(%dma_start3A_2364 : memref<8x128xf32, #tpu.memory_space<vmem>>) target_semaphore(%arg24 : memref<!tpu.dma_semaphore, #tpu.memory_space<semaphore_mem>>)
      %dma_start3A_2367 = arith.constant 8 : i32
      %dma_start3A_2368 = arith.constant 0 : i32
      %dma_start3A_2369 = tpu.memref_slice %arg15[%dma_start3A_2367, %dma_start3A_2368] : memref<32x128xf32, #tpu.memory_space<vmem>> -> memref<8x128xf32, #tpu.memory_space<vmem>>
      %dma_start3A_2370 = arith.constant 8 : i32
      %dma_start3A_2371 = tpu.memref_slice %arg3[%dma_start3A_2370, %multiple_of3A_2356] : memref<32x1000000xf32, #tpu.memory_space<hbm>> -> memref<8x128xf32, #tpu.memory_space<hbm>>
      %dma_start3A_2372 = arith.constant 8 : i32
      %dma_start3A_2373 = arith.constant 0 : i32
      %dma_start3A_2374 = tpu.memref_slice %arg15[%dma_start3A_2372, %dma_start3A_2373] : memref<32x128xf32, #tpu.memory_space<vmem>> -> memref<8x128xf32, #tpu.memory_space<vmem>>
      %dma_start3A_2375 = arith.constant 8 : i32
      %dma_start3A_2376 = tpu.memref_slice %arg3[%dma_start3A_2375, %multiple_of3A_2356] : memref<32x1000000xf32, #tpu.memory_space<hbm>> -> memref<8x128xf32, #tpu.memory_space<hbm>>
      tpu.enqueue_dma source(%dma_start3A_2376 : memref<8x128xf32, #tpu.memory_space<hbm>>) target(%dma_start3A_2374 : memref<8x128xf32, #tpu.memory_space<vmem>>) target_semaphore(%arg24 : memref<!tpu.dma_semaphore, #tpu.memory_space<semaphore_mem>>)
      %dma_start3A_2377 = arith.constant 16 : i32
      %dma_start3A_2378 = arith.constant 0 : i32
      %dma_start3A_2379 = tpu.memref_slice %arg15[%dma_start3A_2377, %dma_start3A_2378] : memref<32x128xf32, #tpu.memory_space<vmem>> -> memref<8x128xf32, #tpu.memory_space<vmem>>
      %dma_start3A_2380 = arith.constant 16 : i32
      %dma_start3A_2381 = tpu.memref_slice %arg3[%dma_start3A_2380, %multiple_of3A_2356] : memref<32x1000000xf32, #tpu.memory_space<hbm>> -> memref<8x128xf32, #tpu.memory_space<hbm>>
      %dma_start3A_2382 = arith.constant 16 : i32
      %dma_start3A_2383 = arith.constant 0 : i32
      %dma_start3A_2384 = tpu.memref_slice %arg15[%dma_start3A_2382, %dma_start3A_2383] : memref<32x128xf32, #tpu.memory_space<vmem>> -> memref<8x128xf32, #tpu.memory_space<vmem>>
      %dma_start3A_2385 = arith.constant 16 : i32
      %dma_start3A_2386 = tpu.memref_slice %arg3[%dma_start3A_2385, %multiple_of3A_2356] : memref<32x1000000xf32, #tpu.memory_space<hbm>> -> memref<8x128xf32, #tpu.memory_space<hbm>>
      tpu.enqueue_dma source(%dma_start3A_2386 : memref<8x128xf32, #tpu.memory_space<hbm>>) target(%dma_start3A_2384 : memref<8x128xf32, #tpu.memory_space<vmem>>) target_semaphore(%arg24 : memref<!tpu.dma_semaphore, #tpu.memory_space<semaphore_mem>>)
      %dma_start3A_2387 = arith.constant 24 : i32
      %dma_start3A_2388 = arith.constant 0 : i32
      %dma_start3A_2389 = tpu.memref_slice %arg15[%dma_start3A_2387, %dma_start3A_2388] : memref<32x128xf32, #tpu.memory_space<vmem>> -> memref<8x128xf32, #tpu.memory_space<vmem>>
      %dma_start3A_2390 = arith.constant 24 : i32
      %dma_start3A_2391 = tpu.memref_slice %arg3[%dma_start3A_2390, %multiple_of3A_2356] : memref<32x1000000xf32, #tpu.memory_space<hbm>> -> memref<8x128xf32, #tpu.memory_space<hbm>>
      %dma_start3A_2392 = arith.constant 24 : i32
      %dma_start3A_2393 = arith.constant 0 : i32
      %dma_start3A_2394 = tpu.memref_slice %arg15[%dma_start3A_2392, %dma_start3A_2393] : memref<32x128xf32, #tpu.memory_space<vmem>> -> memref<8x128xf32, #tpu.memory_space<vmem>>
      %dma_start3A_2395 = arith.constant 24 : i32
      %dma_start3A_2396 = tpu.memref_slice %arg3[%dma_start3A_2395, %multiple_of3A_2356] : memref<32x1000000xf32, #tpu.memory_space<hbm>> -> memref<8x128xf32, #tpu.memory_space<hbm>>
      tpu.enqueue_dma source(%dma_start3A_2396 : memref<8x128xf32, #tpu.memory_space<hbm>>) target(%dma_start3A_2394 : memref<8x128xf32, #tpu.memory_space<vmem>>) target_semaphore(%arg24 : memref<!tpu.dma_semaphore, #tpu.memory_space<semaphore_mem>>)
      %mul3A_2397 = arith.constant 2 : i32
      %mul3A_2398 = arith.muli %mul3A_2397, %scan3A_1541 : i32
      %add3A_2399 = arith.constant 1 : i32
      %add3A_2400 = arith.addi %mul3A_2398, %add3A_2399 : i32
      %dma_wait3A_2401 = arith.constant 0 : i32
      %dma_wait3A_2402 = arith.constant 0 : i32
      %dma_wait3A_2403 = tpu.memref_slice %arg16[%dma_wait3A_2401, %dma_wait3A_2402] : memref<32x128xf32, #tpu.memory_space<vmem>> -> memref<8x128xf32, #tpu.memory_space<vmem>>
      %dma_wait3A_2404 = arith.constant 0 : i32
      %dma_wait3A_2405 = arith.constant 0 : i32
      %dma_wait3A_2406 = tpu.memref_slice %arg3[%dma_wait3A_2404, %dma_wait3A_2405] : memref<32x1000000xf32, #tpu.memory_space<hbm>> -> memref<8x128xf32, #tpu.memory_space<hbm>>
      %dma_wait3A_2407 = arith.constant 0 : i32
      %dma_wait3A_2408 = arith.constant 0 : i32
      %dma_wait3A_2409 = tpu.memref_slice %arg16[%dma_wait3A_2407, %dma_wait3A_2408] : memref<32x128xf32, #tpu.memory_space<vmem>> -> memref<8x128xf32, #tpu.memory_space<vmem>>
      %dma_wait3A_2410 = arith.constant 0 : i32
      %dma_wait3A_2411 = arith.constant 0 : i32
      %dma_wait3A_2412 = tpu.memref_slice %arg3[%dma_wait3A_2410, %dma_wait3A_2411] : memref<32x1000000xf32, #tpu.memory_space<hbm>> -> memref<8x128xf32, #tpu.memory_space<hbm>>
      tpu.wait_dma2 semaphore(%arg25 : memref<!tpu.dma_semaphore, #tpu.memory_space<semaphore_mem>>) src(%dma_wait3A_2412 : memref<8x128xf32, #tpu.memory_space<hbm>>) dst(%dma_wait3A_2409 : memref<8x128xf32, #tpu.memory_space<vmem>>)
      %dma_wait3A_2413 = arith.constant 8 : i32
      %dma_wait3A_2414 = arith.constant 0 : i32
      %dma_wait3A_2415 = tpu.memref_slice %arg16[%dma_wait3A_2413, %dma_wait3A_2414] : memref<32x128xf32, #tpu.memory_space<vmem>> -> memref<8x128xf32, #tpu.memory_space<vmem>>
      %dma_wait3A_2416 = arith.constant 8 : i32
      %dma_wait3A_2417 = arith.constant 0 : i32
      %dma_wait3A_2418 = tpu.memref_slice %arg3[%dma_wait3A_2416, %dma_wait3A_2417] : memref<32x1000000xf32, #tpu.memory_space<hbm>> -> memref<8x128xf32, #tpu.memory_space<hbm>>
      %dma_wait3A_2419 = arith.constant 8 : i32
      %dma_wait3A_2420 = arith.constant 0 : i32
      %dma_wait3A_2421 = tpu.memref_slice %arg16[%dma_wait3A_2419, %dma_wait3A_2420] : memref<32x128xf32, #tpu.memory_space<vmem>> -> memref<8x128xf32, #tpu.memory_space<vmem>>
      %dma_wait3A_2422 = arith.constant 8 : i32
      %dma_wait3A_2423 = arith.constant 0 : i32
      %dma_wait3A_2424 = tpu.memref_slice %arg3[%dma_wait3A_2422, %dma_wait3A_2423] : memref<32x1000000xf32, #tpu.memory_space<hbm>> -> memref<8x128xf32, #tpu.memory_space<hbm>>
      tpu.wait_dma2 semaphore(%arg25 : memref<!tpu.dma_semaphore, #tpu.memory_space<semaphore_mem>>) src(%dma_wait3A_2424 : memref<8x128xf32, #tpu.memory_space<hbm>>) dst(%dma_wait3A_2421 : memref<8x128xf32, #tpu.memory_space<vmem>>)
      %dma_wait3A_2425 = arith.constant 16 : i32
      %dma_wait3A_2426 = arith.constant 0 : i32
      %dma_wait3A_2427 = tpu.memref_slice %arg16[%dma_wait3A_2425, %dma_wait3A_2426] : memref<32x128xf32, #tpu.memory_space<vmem>> -> memref<8x128xf32, #tpu.memory_space<vmem>>
      %dma_wait3A_2428 = arith.constant 16 : i32
      %dma_wait3A_2429 = arith.constant 0 : i32
      %dma_wait3A_2430 = tpu.memref_slice %arg3[%dma_wait3A_2428, %dma_wait3A_2429] : memref<32x1000000xf32, #tpu.memory_space<hbm>> -> memref<8x128xf32, #tpu.memory_space<hbm>>
      %dma_wait3A_2431 = arith.constant 16 : i32
      %dma_wait3A_2432 = arith.constant 0 : i32
      %dma_wait3A_2433 = tpu.memref_slice %arg16[%dma_wait3A_2431, %dma_wait3A_2432] : memref<32x128xf32, #tpu.memory_space<vmem>> -> memref<8x128xf32, #tpu.memory_space<vmem>>
      %dma_wait3A_2434 = arith.constant 16 : i32
      %dma_wait3A_2435 = arith.constant 0 : i32
      %dma_wait3A_2436 = tpu.memref_slice %arg3[%dma_wait3A_2434, %dma_wait3A_2435] : memref<32x1000000xf32, #tpu.memory_space<hbm>> -> memref<8x128xf32, #tpu.memory_space<hbm>>
      tpu.wait_dma2 semaphore(%arg25 : memref<!tpu.dma_semaphore, #tpu.memory_space<semaphore_mem>>) src(%dma_wait3A_2436 : memref<8x128xf32, #tpu.memory_space<hbm>>) dst(%dma_wait3A_2433 : memref<8x128xf32, #tpu.memory_space<vmem>>)
      %dma_wait3A_2437 = arith.constant 24 : i32
      %dma_wait3A_2438 = arith.constant 0 : i32
      %dma_wait3A_2439 = tpu.memref_slice %arg16[%dma_wait3A_2437, %dma_wait3A_2438] : memref<32x128xf32, #tpu.memory_space<vmem>> -> memref<8x128xf32, #tpu.memory_space<vmem>>
      %dma_wait3A_2440 = arith.constant 24 : i32
      %dma_wait3A_2441 = arith.constant 0 : i32
      %dma_wait3A_2442 = tpu.memref_slice %arg3[%dma_wait3A_2440, %dma_wait3A_2441] : memref<32x1000000xf32, #tpu.memory_space<hbm>> -> memref<8x128xf32, #tpu.memory_space<hbm>>
      %dma_wait3A_2443 = arith.constant 24 : i32
      %dma_wait3A_2444 = arith.constant 0 : i32
      %dma_wait3A_2445 = tpu.memref_slice %arg16[%dma_wait3A_2443, %dma_wait3A_2444] : memref<32x128xf32, #tpu.memory_space<vmem>> -> memref<8x128xf32, #tpu.memory_space<vmem>>
      %dma_wait3A_2446 = arith.constant 24 : i32
      %dma_wait3A_2447 = arith.constant 0 : i32
      %dma_wait3A_2448 = tpu.memref_slice %arg3[%dma_wait3A_2446, %dma_wait3A_2447] : memref<32x1000000xf32, #tpu.memory_space<hbm>> -> memref<8x128xf32, #tpu.memory_space<hbm>>
      tpu.wait_dma2 semaphore(%arg25 : memref<!tpu.dma_semaphore, #tpu.memory_space<semaphore_mem>>) src(%dma_wait3A_2448 : memref<8x128xf32, #tpu.memory_space<hbm>>) dst(%dma_wait3A_2445 : memref<8x128xf32, #tpu.memory_space<vmem>>)
      %dma_wait3A_2449 = arith.constant 0 : i32
      %dma_wait3A_2450 = arith.constant 0 : i32
      %dma_wait3A_2451 = tpu.memref_slice %arg17[%dma_wait3A_2449, %dma_wait3A_2450] : memref<32x128xf32, #tpu.memory_space<vmem>> -> memref<8x128xf32, #tpu.memory_space<vmem>>
      %dma_wait3A_2452 = arith.constant 0 : i32
      %dma_wait3A_2453 = arith.constant 0 : i32
      %dma_wait3A_2454 = tpu.memref_slice %arg3[%dma_wait3A_2452, %dma_wait3A_2453] : memref<32x1000000xf32, #tpu.memory_space<hbm>> -> memref<8x128xf32, #tpu.memory_space<hbm>>
      %dma_wait3A_2455 = arith.constant 0 : i32
      %dma_wait3A_2456 = arith.constant 0 : i32
      %dma_wait3A_2457 = tpu.memref_slice %arg17[%dma_wait3A_2455, %dma_wait3A_2456] : memref<32x128xf32, #tpu.memory_space<vmem>> -> memref<8x128xf32, #tpu.memory_space<vmem>>
      %dma_wait3A_2458 = arith.constant 0 : i32
      %dma_wait3A_2459 = arith.constant 0 : i32
      %dma_wait3A_2460 = tpu.memref_slice %arg3[%dma_wait3A_2458, %dma_wait3A_2459] : memref<32x1000000xf32, #tpu.memory_space<hbm>> -> memref<8x128xf32, #tpu.memory_space<hbm>>
      tpu.wait_dma2 semaphore(%arg25 : memref<!tpu.dma_semaphore, #tpu.memory_space<semaphore_mem>>) src(%dma_wait3A_2460 : memref<8x128xf32, #tpu.memory_space<hbm>>) dst(%dma_wait3A_2457 : memref<8x128xf32, #tpu.memory_space<vmem>>)
      %dma_wait3A_2461 = arith.constant 8 : i32
      %dma_wait3A_2462 = arith.constant 0 : i32
      %dma_wait3A_2463 = tpu.memref_slice %arg17[%dma_wait3A_2461, %dma_wait3A_2462] : memref<32x128xf32, #tpu.memory_space<vmem>> -> memref<8x128xf32, #tpu.memory_space<vmem>>
      %dma_wait3A_2464 = arith.constant 8 : i32
      %dma_wait3A_2465 = arith.constant 0 : i32
      %dma_wait3A_2466 = tpu.memref_slice %arg3[%dma_wait3A_2464, %dma_wait3A_2465] : memref<32x1000000xf32, #tpu.memory_space<hbm>> -> memref<8x128xf32, #tpu.memory_space<hbm>>
      %dma_wait3A_2467 = arith.constant 8 : i32
      %dma_wait3A_2468 = arith.constant 0 : i32
      %dma_wait3A_2469 = tpu.memref_slice %arg17[%dma_wait3A_2467, %dma_wait3A_2468] : memref<32x128xf32, #tpu.memory_space<vmem>> -> memref<8x128xf32, #tpu.memory_space<vmem>>
      %dma_wait3A_2470 = arith.constant 8 : i32
      %dma_wait3A_2471 = arith.constant 0 : i32
      %dma_wait3A_2472 = tpu.memref_slice %arg3[%dma_wait3A_2470, %dma_wait3A_2471] : memref<32x1000000xf32, #tpu.memory_space<hbm>> -> memref<8x128xf32, #tpu.memory_space<hbm>>
      tpu.wait_dma2 semaphore(%arg25 : memref<!tpu.dma_semaphore, #tpu.memory_space<semaphore_mem>>) src(%dma_wait3A_2472 : memref<8x128xf32, #tpu.memory_space<hbm>>) dst(%dma_wait3A_2469 : memref<8x128xf32, #tpu.memory_space<vmem>>)
      %dma_wait3A_2473 = arith.constant 16 : i32
      %dma_wait3A_2474 = arith.constant 0 : i32
      %dma_wait3A_2475 = tpu.memref_slice %arg17[%dma_wait3A_2473, %dma_wait3A_2474] : memref<32x128xf32, #tpu.memory_space<vmem>> -> memref<8x128xf32, #tpu.memory_space<vmem>>
      %dma_wait3A_2476 = arith.constant 16 : i32
      %dma_wait3A_2477 = arith.constant 0 : i32
      %dma_wait3A_2478 = tpu.memref_slice %arg3[%dma_wait3A_2476, %dma_wait3A_2477] : memref<32x1000000xf32, #tpu.memory_space<hbm>> -> memref<8x128xf32, #tpu.memory_space<hbm>>
      %dma_wait3A_2479 = arith.constant 16 : i32
      %dma_wait3A_2480 = arith.constant 0 : i32
      %dma_wait3A_2481 = tpu.memref_slice %arg17[%dma_wait3A_2479, %dma_wait3A_2480] : memref<32x128xf32, #tpu.memory_space<vmem>> -> memref<8x128xf32, #tpu.memory_space<vmem>>
      %dma_wait3A_2482 = arith.constant 16 : i32
      %dma_wait3A_2483 = arith.constant 0 : i32
      %dma_wait3A_2484 = tpu.memref_slice %arg3[%dma_wait3A_2482, %dma_wait3A_2483] : memref<32x1000000xf32, #tpu.memory_space<hbm>> -> memref<8x128xf32, #tpu.memory_space<hbm>>
      tpu.wait_dma2 semaphore(%arg25 : memref<!tpu.dma_semaphore, #tpu.memory_space<semaphore_mem>>) src(%dma_wait3A_2484 : memref<8x128xf32, #tpu.memory_space<hbm>>) dst(%dma_wait3A_2481 : memref<8x128xf32, #tpu.memory_space<vmem>>)
      %dma_wait3A_2485 = arith.constant 24 : i32
      %dma_wait3A_2486 = arith.constant 0 : i32
      %dma_wait3A_2487 = tpu.memref_slice %arg17[%dma_wait3A_2485, %dma_wait3A_2486] : memref<32x128xf32, #tpu.memory_space<vmem>> -> memref<8x128xf32, #tpu.memory_space<vmem>>
      %dma_wait3A_2488 = arith.constant 24 : i32
      %dma_wait3A_2489 = arith.constant 0 : i32
      %dma_wait3A_2490 = tpu.memref_slice %arg3[%dma_wait3A_2488, %dma_wait3A_2489] : memref<32x1000000xf32, #tpu.memory_space<hbm>> -> memref<8x128xf32, #tpu.memory_space<hbm>>
      %dma_wait3A_2491 = arith.constant 24 : i32
      %dma_wait3A_2492 = arith.constant 0 : i32
      %dma_wait3A_2493 = tpu.memref_slice %arg17[%dma_wait3A_2491, %dma_wait3A_2492] : memref<32x128xf32, #tpu.memory_space<vmem>> -> memref<8x128xf32, #tpu.memory_space<vmem>>
      %dma_wait3A_2494 = arith.constant 24 : i32
      %dma_wait3A_2495 = arith.constant 0 : i32
      %dma_wait3A_2496 = tpu.memref_slice %arg3[%dma_wait3A_2494, %dma_wait3A_2495] : memref<32x1000000xf32, #tpu.memory_space<hbm>> -> memref<8x128xf32, #tpu.memory_space<hbm>>
      tpu.wait_dma2 semaphore(%arg25 : memref<!tpu.dma_semaphore, #tpu.memory_space<semaphore_mem>>) src(%dma_wait3A_2496 : memref<8x128xf32, #tpu.memory_space<hbm>>) dst(%dma_wait3A_2493 : memref<8x128xf32, #tpu.memory_space<vmem>>)
      %dma_wait3A_2497 = arith.constant 0 : i32
      %dma_wait3A_2498 = arith.constant 0 : i32
      %dma_wait3A_2499 = tpu.memref_slice %arg18[%dma_wait3A_2497, %dma_wait3A_2498] : memref<32x128xf32, #tpu.memory_space<vmem>> -> memref<8x128xf32, #tpu.memory_space<vmem>>
      %dma_wait3A_2500 = arith.constant 0 : i32
      %dma_wait3A_2501 = arith.constant 0 : i32
      %dma_wait3A_2502 = tpu.memref_slice %arg3[%dma_wait3A_2500, %dma_wait3A_2501] : memref<32x1000000xf32, #tpu.memory_space<hbm>> -> memref<8x128xf32, #tpu.memory_space<hbm>>
      %dma_wait3A_2503 = arith.constant 0 : i32
      %dma_wait3A_2504 = arith.constant 0 : i32
      %dma_wait3A_2505 = tpu.memref_slice %arg18[%dma_wait3A_2503, %dma_wait3A_2504] : memref<32x128xf32, #tpu.memory_space<vmem>> -> memref<8x128xf32, #tpu.memory_space<vmem>>
      %dma_wait3A_2506 = arith.constant 0 : i32
      %dma_wait3A_2507 = arith.constant 0 : i32
      %dma_wait3A_2508 = tpu.memref_slice %arg3[%dma_wait3A_2506, %dma_wait3A_2507] : memref<32x1000000xf32, #tpu.memory_space<hbm>> -> memref<8x128xf32, #tpu.memory_space<hbm>>
      tpu.wait_dma2 semaphore(%arg25 : memref<!tpu.dma_semaphore, #tpu.memory_space<semaphore_mem>>) src(%dma_wait3A_2508 : memref<8x128xf32, #tpu.memory_space<hbm>>) dst(%dma_wait3A_2505 : memref<8x128xf32, #tpu.memory_space<vmem>>)
      %dma_wait3A_2509 = arith.constant 8 : i32
      %dma_wait3A_2510 = arith.constant 0 : i32
      %dma_wait3A_2511 = tpu.memref_slice %arg18[%dma_wait3A_2509, %dma_wait3A_2510] : memref<32x128xf32, #tpu.memory_space<vmem>> -> memref<8x128xf32, #tpu.memory_space<vmem>>
      %dma_wait3A_2512 = arith.constant 8 : i32
      %dma_wait3A_2513 = arith.constant 0 : i32
      %dma_wait3A_2514 = tpu.memref_slice %arg3[%dma_wait3A_2512, %dma_wait3A_2513] : memref<32x1000000xf32, #tpu.memory_space<hbm>> -> memref<8x128xf32, #tpu.memory_space<hbm>>
      %dma_wait3A_2515 = arith.constant 8 : i32
      %dma_wait3A_2516 = arith.constant 0 : i32
      %dma_wait3A_2517 = tpu.memref_slice %arg18[%dma_wait3A_2515, %dma_wait3A_2516] : memref<32x128xf32, #tpu.memory_space<vmem>> -> memref<8x128xf32, #tpu.memory_space<vmem>>
      %dma_wait3A_2518 = arith.constant 8 : i32
      %dma_wait3A_2519 = arith.constant 0 : i32
      %dma_wait3A_2520 = tpu.memref_slice %arg3[%dma_wait3A_2518, %dma_wait3A_2519] : memref<32x1000000xf32, #tpu.memory_space<hbm>> -> memref<8x128xf32, #tpu.memory_space<hbm>>
      tpu.wait_dma2 semaphore(%arg25 : memref<!tpu.dma_semaphore, #tpu.memory_space<semaphore_mem>>) src(%dma_wait3A_2520 : memref<8x128xf32, #tpu.memory_space<hbm>>) dst(%dma_wait3A_2517 : memref<8x128xf32, #tpu.memory_space<vmem>>)
      %dma_wait3A_2521 = arith.constant 16 : i32
      %dma_wait3A_2522 = arith.constant 0 : i32
      %dma_wait3A_2523 = tpu.memref_slice %arg18[%dma_wait3A_2521, %dma_wait3A_2522] : memref<32x128xf32, #tpu.memory_space<vmem>> -> memref<8x128xf32, #tpu.memory_space<vmem>>
      %dma_wait3A_2524 = arith.constant 16 : i32
      %dma_wait3A_2525 = arith.constant 0 : i32
      %dma_wait3A_2526 = tpu.memref_slice %arg3[%dma_wait3A_2524, %dma_wait3A_2525] : memref<32x1000000xf32, #tpu.memory_space<hbm>> -> memref<8x128xf32, #tpu.memory_space<hbm>>
      %dma_wait3A_2527 = arith.constant 16 : i32
      %dma_wait3A_2528 = arith.constant 0 : i32
      %dma_wait3A_2529 = tpu.memref_slice %arg18[%dma_wait3A_2527, %dma_wait3A_2528] : memref<32x128xf32, #tpu.memory_space<vmem>> -> memref<8x128xf32, #tpu.memory_space<vmem>>
      %dma_wait3A_2530 = arith.constant 16 : i32
      %dma_wait3A_2531 = arith.constant 0 : i32
      %dma_wait3A_2532 = tpu.memref_slice %arg3[%dma_wait3A_2530, %dma_wait3A_2531] : memref<32x1000000xf32, #tpu.memory_space<hbm>> -> memref<8x128xf32, #tpu.memory_space<hbm>>
      tpu.wait_dma2 semaphore(%arg25 : memref<!tpu.dma_semaphore, #tpu.memory_space<semaphore_mem>>) src(%dma_wait3A_2532 : memref<8x128xf32, #tpu.memory_space<hbm>>) dst(%dma_wait3A_2529 : memref<8x128xf32, #tpu.memory_space<vmem>>)
      %dma_wait3A_2533 = arith.constant 24 : i32
      %dma_wait3A_2534 = arith.constant 0 : i32
      %dma_wait3A_2535 = tpu.memref_slice %arg18[%dma_wait3A_2533, %dma_wait3A_2534] : memref<32x128xf32, #tpu.memory_space<vmem>> -> memref<8x128xf32, #tpu.memory_space<vmem>>
      %dma_wait3A_2536 = arith.constant 24 : i32
      %dma_wait3A_2537 = arith.constant 0 : i32
      %dma_wait3A_2538 = tpu.memref_slice %arg3[%dma_wait3A_2536, %dma_wait3A_2537] : memref<32x1000000xf32, #tpu.memory_space<hbm>> -> memref<8x128xf32, #tpu.memory_space<hbm>>
      %dma_wait3A_2539 = arith.constant 24 : i32
      %dma_wait3A_2540 = arith.constant 0 : i32
      %dma_wait3A_2541 = tpu.memref_slice %arg18[%dma_wait3A_2539, %dma_wait3A_2540] : memref<32x128xf32, #tpu.memory_space<vmem>> -> memref<8x128xf32, #tpu.memory_space<vmem>>
      %dma_wait3A_2542 = arith.constant 24 : i32
      %dma_wait3A_2543 = arith.constant 0 : i32
      %dma_wait3A_2544 = tpu.memref_slice %arg3[%dma_wait3A_2542, %dma_wait3A_2543] : memref<32x1000000xf32, #tpu.memory_space<hbm>> -> memref<8x128xf32, #tpu.memory_space<hbm>>
      tpu.wait_dma2 semaphore(%arg25 : memref<!tpu.dma_semaphore, #tpu.memory_space<semaphore_mem>>) src(%dma_wait3A_2544 : memref<8x128xf32, #tpu.memory_space<hbm>>) dst(%dma_wait3A_2541 : memref<8x128xf32, #tpu.memory_space<vmem>>)
      %dma_wait3A_2545 = arith.constant 0 : i32
      %dma_wait3A_2546 = arith.constant 0 : i32
      %dma_wait3A_2547 = tpu.memref_slice %arg19[%dma_wait3A_2545, %dma_wait3A_2546] : memref<32x128xf32, #tpu.memory_space<vmem>> -> memref<8x128xf32, #tpu.memory_space<vmem>>
      %dma_wait3A_2548 = arith.constant 0 : i32
      %dma_wait3A_2549 = arith.constant 0 : i32
      %dma_wait3A_2550 = tpu.memref_slice %arg3[%dma_wait3A_2548, %dma_wait3A_2549] : memref<32x1000000xf32, #tpu.memory_space<hbm>> -> memref<8x128xf32, #tpu.memory_space<hbm>>
      %dma_wait3A_2551 = arith.constant 0 : i32
      %dma_wait3A_2552 = arith.constant 0 : i32
      %dma_wait3A_2553 = tpu.memref_slice %arg19[%dma_wait3A_2551, %dma_wait3A_2552] : memref<32x128xf32, #tpu.memory_space<vmem>> -> memref<8x128xf32, #tpu.memory_space<vmem>>
      %dma_wait3A_2554 = arith.constant 0 : i32
      %dma_wait3A_2555 = arith.constant 0 : i32
      %dma_wait3A_2556 = tpu.memref_slice %arg3[%dma_wait3A_2554, %dma_wait3A_2555] : memref<32x1000000xf32, #tpu.memory_space<hbm>> -> memref<8x128xf32, #tpu.memory_space<hbm>>
      tpu.wait_dma2 semaphore(%arg25 : memref<!tpu.dma_semaphore, #tpu.memory_space<semaphore_mem>>) src(%dma_wait3A_2556 : memref<8x128xf32, #tpu.memory_space<hbm>>) dst(%dma_wait3A_2553 : memref<8x128xf32, #tpu.memory_space<vmem>>)
      %dma_wait3A_2557 = arith.constant 8 : i32
      %dma_wait3A_2558 = arith.constant 0 : i32
      %dma_wait3A_2559 = tpu.memref_slice %arg19[%dma_wait3A_2557, %dma_wait3A_2558] : memref<32x128xf32, #tpu.memory_space<vmem>> -> memref<8x128xf32, #tpu.memory_space<vmem>>
      %dma_wait3A_2560 = arith.constant 8 : i32
      %dma_wait3A_2561 = arith.constant 0 : i32
      %dma_wait3A_2562 = tpu.memref_slice %arg3[%dma_wait3A_2560, %dma_wait3A_2561] : memref<32x1000000xf32, #tpu.memory_space<hbm>> -> memref<8x128xf32, #tpu.memory_space<hbm>>
      %dma_wait3A_2563 = arith.constant 8 : i32
      %dma_wait3A_2564 = arith.constant 0 : i32
      %dma_wait3A_2565 = tpu.memref_slice %arg19[%dma_wait3A_2563, %dma_wait3A_2564] : memref<32x128xf32, #tpu.memory_space<vmem>> -> memref<8x128xf32, #tpu.memory_space<vmem>>
      %dma_wait3A_2566 = arith.constant 8 : i32
      %dma_wait3A_2567 = arith.constant 0 : i32
      %dma_wait3A_2568 = tpu.memref_slice %arg3[%dma_wait3A_2566, %dma_wait3A_2567] : memref<32x1000000xf32, #tpu.memory_space<hbm>> -> memref<8x128xf32, #tpu.memory_space<hbm>>
      tpu.wait_dma2 semaphore(%arg25 : memref<!tpu.dma_semaphore, #tpu.memory_space<semaphore_mem>>) src(%dma_wait3A_2568 : memref<8x128xf32, #tpu.memory_space<hbm>>) dst(%dma_wait3A_2565 : memref<8x128xf32, #tpu.memory_space<vmem>>)
      %dma_wait3A_2569 = arith.constant 16 : i32
      %dma_wait3A_2570 = arith.constant 0 : i32
      %dma_wait3A_2571 = tpu.memref_slice %arg19[%dma_wait3A_2569, %dma_wait3A_2570] : memref<32x128xf32, #tpu.memory_space<vmem>> -> memref<8x128xf32, #tpu.memory_space<vmem>>
      %dma_wait3A_2572 = arith.constant 16 : i32
      %dma_wait3A_2573 = arith.constant 0 : i32
      %dma_wait3A_2574 = tpu.memref_slice %arg3[%dma_wait3A_2572, %dma_wait3A_2573] : memref<32x1000000xf32, #tpu.memory_space<hbm>> -> memref<8x128xf32, #tpu.memory_space<hbm>>
      %dma_wait3A_2575 = arith.constant 16 : i32
      %dma_wait3A_2576 = arith.constant 0 : i32
      %dma_wait3A_2577 = tpu.memref_slice %arg19[%dma_wait3A_2575, %dma_wait3A_2576] : memref<32x128xf32, #tpu.memory_space<vmem>> -> memref<8x128xf32, #tpu.memory_space<vmem>>
      %dma_wait3A_2578 = arith.constant 16 : i32
      %dma_wait3A_2579 = arith.constant 0 : i32
      %dma_wait3A_2580 = tpu.memref_slice %arg3[%dma_wait3A_2578, %dma_wait3A_2579] : memref<32x1000000xf32, #tpu.memory_space<hbm>> -> memref<8x128xf32, #tpu.memory_space<hbm>>
      tpu.wait_dma2 semaphore(%arg25 : memref<!tpu.dma_semaphore, #tpu.memory_space<semaphore_mem>>) src(%dma_wait3A_2580 : memref<8x128xf32, #tpu.memory_space<hbm>>) dst(%dma_wait3A_2577 : memref<8x128xf32, #tpu.memory_space<vmem>>)
      %dma_wait3A_2581 = arith.constant 24 : i32
      %dma_wait3A_2582 = arith.constant 0 : i32
      %dma_wait3A_2583 = tpu.memref_slice %arg19[%dma_wait3A_2581, %dma_wait3A_2582] : memref<32x128xf32, #tpu.memory_space<vmem>> -> memref<8x128xf32, #tpu.memory_space<vmem>>
      %dma_wait3A_2584 = arith.constant 24 : i32
      %dma_wait3A_2585 = arith.constant 0 : i32
      %dma_wait3A_2586 = tpu.memref_slice %arg3[%dma_wait3A_2584, %dma_wait3A_2585] : memref<32x1000000xf32, #tpu.memory_space<hbm>> -> memref<8x128xf32, #tpu.memory_space<hbm>>
      %dma_wait3A_2587 = arith.constant 24 : i32
      %dma_wait3A_2588 = arith.constant 0 : i32
      %dma_wait3A_2589 = tpu.memref_slice %arg19[%dma_wait3A_2587, %dma_wait3A_2588] : memref<32x128xf32, #tpu.memory_space<vmem>> -> memref<8x128xf32, #tpu.memory_space<vmem>>
      %dma_wait3A_2590 = arith.constant 24 : i32
      %dma_wait3A_2591 = arith.constant 0 : i32
      %dma_wait3A_2592 = tpu.memref_slice %arg3[%dma_wait3A_2590, %dma_wait3A_2591] : memref<32x1000000xf32, #tpu.memory_space<hbm>> -> memref<8x128xf32, #tpu.memory_space<hbm>>
      tpu.wait_dma2 semaphore(%arg25 : memref<!tpu.dma_semaphore, #tpu.memory_space<semaphore_mem>>) src(%dma_wait3A_2592 : memref<8x128xf32, #tpu.memory_space<hbm>>) dst(%dma_wait3A_2589 : memref<8x128xf32, #tpu.memory_space<vmem>>)
      %dma_wait3A_2593 = arith.constant 0 : i32
      %dma_wait3A_2594 = arith.constant 0 : i32
      %dma_wait3A_2595 = tpu.memref_slice %arg20[%dma_wait3A_2593, %dma_wait3A_2594] : memref<32x128xf32, #tpu.memory_space<vmem>> -> memref<8x128xf32, #tpu.memory_space<vmem>>
      %dma_wait3A_2596 = arith.constant 0 : i32
      %dma_wait3A_2597 = arith.constant 0 : i32
      %dma_wait3A_2598 = tpu.memref_slice %arg3[%dma_wait3A_2596, %dma_wait3A_2597] : memref<32x1000000xf32, #tpu.memory_space<hbm>> -> memref<8x128xf32, #tpu.memory_space<hbm>>
      %dma_wait3A_2599 = arith.constant 0 : i32
      %dma_wait3A_2600 = arith.constant 0 : i32
      %dma_wait3A_2601 = tpu.memref_slice %arg20[%dma_wait3A_2599, %dma_wait3A_2600] : memref<32x128xf32, #tpu.memory_space<vmem>> -> memref<8x128xf32, #tpu.memory_space<vmem>>
      %dma_wait3A_2602 = arith.constant 0 : i32
      %dma_wait3A_2603 = arith.constant 0 : i32
      %dma_wait3A_2604 = tpu.memref_slice %arg3[%dma_wait3A_2602, %dma_wait3A_2603] : memref<32x1000000xf32, #tpu.memory_space<hbm>> -> memref<8x128xf32, #tpu.memory_space<hbm>>
      tpu.wait_dma2 semaphore(%arg25 : memref<!tpu.dma_semaphore, #tpu.memory_space<semaphore_mem>>) src(%dma_wait3A_2604 : memref<8x128xf32, #tpu.memory_space<hbm>>) dst(%dma_wait3A_2601 : memref<8x128xf32, #tpu.memory_space<vmem>>)
      %dma_wait3A_2605 = arith.constant 8 : i32
      %dma_wait3A_2606 = arith.constant 0 : i32
      %dma_wait3A_2607 = tpu.memref_slice %arg20[%dma_wait3A_2605, %dma_wait3A_2606] : memref<32x128xf32, #tpu.memory_space<vmem>> -> memref<8x128xf32, #tpu.memory_space<vmem>>
      %dma_wait3A_2608 = arith.constant 8 : i32
      %dma_wait3A_2609 = arith.constant 0 : i32
      %dma_wait3A_2610 = tpu.memref_slice %arg3[%dma_wait3A_2608, %dma_wait3A_2609] : memref<32x1000000xf32, #tpu.memory_space<hbm>> -> memref<8x128xf32, #tpu.memory_space<hbm>>
      %dma_wait3A_2611 = arith.constant 8 : i32
      %dma_wait3A_2612 = arith.constant 0 : i32
      %dma_wait3A_2613 = tpu.memref_slice %arg20[%dma_wait3A_2611, %dma_wait3A_2612] : memref<32x128xf32, #tpu.memory_space<vmem>> -> memref<8x128xf32, #tpu.memory_space<vmem>>
      %dma_wait3A_2614 = arith.constant 8 : i32
      %dma_wait3A_2615 = arith.constant 0 : i32
      %dma_wait3A_2616 = tpu.memref_slice %arg3[%dma_wait3A_2614, %dma_wait3A_2615] : memref<32x1000000xf32, #tpu.memory_space<hbm>> -> memref<8x128xf32, #tpu.memory_space<hbm>>
      tpu.wait_dma2 semaphore(%arg25 : memref<!tpu.dma_semaphore, #tpu.memory_space<semaphore_mem>>) src(%dma_wait3A_2616 : memref<8x128xf32, #tpu.memory_space<hbm>>) dst(%dma_wait3A_2613 : memref<8x128xf32, #tpu.memory_space<vmem>>)
      %dma_wait3A_2617 = arith.constant 16 : i32
      %dma_wait3A_2618 = arith.constant 0 : i32
      %dma_wait3A_2619 = tpu.memref_slice %arg20[%dma_wait3A_2617, %dma_wait3A_2618] : memref<32x128xf32, #tpu.memory_space<vmem>> -> memref<8x128xf32, #tpu.memory_space<vmem>>
      %dma_wait3A_2620 = arith.constant 16 : i32
      %dma_wait3A_2621 = arith.constant 0 : i32
      %dma_wait3A_2622 = tpu.memref_slice %arg3[%dma_wait3A_2620, %dma_wait3A_2621] : memref<32x1000000xf32, #tpu.memory_space<hbm>> -> memref<8x128xf32, #tpu.memory_space<hbm>>
      %dma_wait3A_2623 = arith.constant 16 : i32
      %dma_wait3A_2624 = arith.constant 0 : i32
      %dma_wait3A_2625 = tpu.memref_slice %arg20[%dma_wait3A_2623, %dma_wait3A_2624] : memref<32x128xf32, #tpu.memory_space<vmem>> -> memref<8x128xf32, #tpu.memory_space<vmem>>
      %dma_wait3A_2626 = arith.constant 16 : i32
      %dma_wait3A_2627 = arith.constant 0 : i32
      %dma_wait3A_2628 = tpu.memref_slice %arg3[%dma_wait3A_2626, %dma_wait3A_2627] : memref<32x1000000xf32, #tpu.memory_space<hbm>> -> memref<8x128xf32, #tpu.memory_space<hbm>>
      tpu.wait_dma2 semaphore(%arg25 : memref<!tpu.dma_semaphore, #tpu.memory_space<semaphore_mem>>) src(%dma_wait3A_2628 : memref<8x128xf32, #tpu.memory_space<hbm>>) dst(%dma_wait3A_2625 : memref<8x128xf32, #tpu.memory_space<vmem>>)
      %dma_wait3A_2629 = arith.constant 24 : i32
      %dma_wait3A_2630 = arith.constant 0 : i32
      %dma_wait3A_2631 = tpu.memref_slice %arg20[%dma_wait3A_2629, %dma_wait3A_2630] : memref<32x128xf32, #tpu.memory_space<vmem>> -> memref<8x128xf32, #tpu.memory_space<vmem>>
      %dma_wait3A_2632 = arith.constant 24 : i32
      %dma_wait3A_2633 = arith.constant 0 : i32
      %dma_wait3A_2634 = tpu.memref_slice %arg3[%dma_wait3A_2632, %dma_wait3A_2633] : memref<32x1000000xf32, #tpu.memory_space<hbm>> -> memref<8x128xf32, #tpu.memory_space<hbm>>
      %dma_wait3A_2635 = arith.constant 24 : i32
      %dma_wait3A_2636 = arith.constant 0 : i32
      %dma_wait3A_2637 = tpu.memref_slice %arg20[%dma_wait3A_2635, %dma_wait3A_2636] : memref<32x128xf32, #tpu.memory_space<vmem>> -> memref<8x128xf32, #tpu.memory_space<vmem>>
      %dma_wait3A_2638 = arith.constant 24 : i32
      %dma_wait3A_2639 = arith.constant 0 : i32
      %dma_wait3A_2640 = tpu.memref_slice %arg3[%dma_wait3A_2638, %dma_wait3A_2639] : memref<32x1000000xf32, #tpu.memory_space<hbm>> -> memref<8x128xf32, #tpu.memory_space<hbm>>
      tpu.wait_dma2 semaphore(%arg25 : memref<!tpu.dma_semaphore, #tpu.memory_space<semaphore_mem>>) src(%dma_wait3A_2640 : memref<8x128xf32, #tpu.memory_space<hbm>>) dst(%dma_wait3A_2637 : memref<8x128xf32, #tpu.memory_space<vmem>>)
      %dma_wait3A_2641 = arith.constant 0 : i32
      %dma_wait3A_2642 = arith.constant 0 : i32
      %dma_wait3A_2643 = tpu.memref_slice %arg21[%dma_wait3A_2641, %dma_wait3A_2642] : memref<32x128xf32, #tpu.memory_space<vmem>> -> memref<8x128xf32, #tpu.memory_space<vmem>>
      %dma_wait3A_2644 = arith.constant 0 : i32
      %dma_wait3A_2645 = arith.constant 0 : i32
      %dma_wait3A_2646 = tpu.memref_slice %arg3[%dma_wait3A_2644, %dma_wait3A_2645] : memref<32x1000000xf32, #tpu.memory_space<hbm>> -> memref<8x128xf32, #tpu.memory_space<hbm>>
      %dma_wait3A_2647 = arith.constant 0 : i32
      %dma_wait3A_2648 = arith.constant 0 : i32
      %dma_wait3A_2649 = tpu.memref_slice %arg21[%dma_wait3A_2647, %dma_wait3A_2648] : memref<32x128xf32, #tpu.memory_space<vmem>> -> memref<8x128xf32, #tpu.memory_space<vmem>>
      %dma_wait3A_2650 = arith.constant 0 : i32
      %dma_wait3A_2651 = arith.constant 0 : i32
      %dma_wait3A_2652 = tpu.memref_slice %arg3[%dma_wait3A_2650, %dma_wait3A_2651] : memref<32x1000000xf32, #tpu.memory_space<hbm>> -> memref<8x128xf32, #tpu.memory_space<hbm>>
      tpu.wait_dma2 semaphore(%arg25 : memref<!tpu.dma_semaphore, #tpu.memory_space<semaphore_mem>>) src(%dma_wait3A_2652 : memref<8x128xf32, #tpu.memory_space<hbm>>) dst(%dma_wait3A_2649 : memref<8x128xf32, #tpu.memory_space<vmem>>)
      %dma_wait3A_2653 = arith.constant 8 : i32
      %dma_wait3A_2654 = arith.constant 0 : i32
      %dma_wait3A_2655 = tpu.memref_slice %arg21[%dma_wait3A_2653, %dma_wait3A_2654] : memref<32x128xf32, #tpu.memory_space<vmem>> -> memref<8x128xf32, #tpu.memory_space<vmem>>
      %dma_wait3A_2656 = arith.constant 8 : i32
      %dma_wait3A_2657 = arith.constant 0 : i32
      %dma_wait3A_2658 = tpu.memref_slice %arg3[%dma_wait3A_2656, %dma_wait3A_2657] : memref<32x1000000xf32, #tpu.memory_space<hbm>> -> memref<8x128xf32, #tpu.memory_space<hbm>>
      %dma_wait3A_2659 = arith.constant 8 : i32
      %dma_wait3A_2660 = arith.constant 0 : i32
      %dma_wait3A_2661 = tpu.memref_slice %arg21[%dma_wait3A_2659, %dma_wait3A_2660] : memref<32x128xf32, #tpu.memory_space<vmem>> -> memref<8x128xf32, #tpu.memory_space<vmem>>
      %dma_wait3A_2662 = arith.constant 8 : i32
      %dma_wait3A_2663 = arith.constant 0 : i32
      %dma_wait3A_2664 = tpu.memref_slice %arg3[%dma_wait3A_2662, %dma_wait3A_2663] : memref<32x1000000xf32, #tpu.memory_space<hbm>> -> memref<8x128xf32, #tpu.memory_space<hbm>>
      tpu.wait_dma2 semaphore(%arg25 : memref<!tpu.dma_semaphore, #tpu.memory_space<semaphore_mem>>) src(%dma_wait3A_2664 : memref<8x128xf32, #tpu.memory_space<hbm>>) dst(%dma_wait3A_2661 : memref<8x128xf32, #tpu.memory_space<vmem>>)
      %dma_wait3A_2665 = arith.constant 16 : i32
      %dma_wait3A_2666 = arith.constant 0 : i32
      %dma_wait3A_2667 = tpu.memref_slice %arg21[%dma_wait3A_2665, %dma_wait3A_2666] : memref<32x128xf32, #tpu.memory_space<vmem>> -> memref<8x128xf32, #tpu.memory_space<vmem>>
      %dma_wait3A_2668 = arith.constant 16 : i32
      %dma_wait3A_2669 = arith.constant 0 : i32
      %dma_wait3A_2670 = tpu.memref_slice %arg3[%dma_wait3A_2668, %dma_wait3A_2669] : memref<32x1000000xf32, #tpu.memory_space<hbm>> -> memref<8x128xf32, #tpu.memory_space<hbm>>
      %dma_wait3A_2671 = arith.constant 16 : i32
      %dma_wait3A_2672 = arith.constant 0 : i32
      %dma_wait3A_2673 = tpu.memref_slice %arg21[%dma_wait3A_2671, %dma_wait3A_2672] : memref<32x128xf32, #tpu.memory_space<vmem>> -> memref<8x128xf32, #tpu.memory_space<vmem>>
      %dma_wait3A_2674 = arith.constant 16 : i32
      %dma_wait3A_2675 = arith.constant 0 : i32
      %dma_wait3A_2676 = tpu.memref_slice %arg3[%dma_wait3A_2674, %dma_wait3A_2675] : memref<32x1000000xf32, #tpu.memory_space<hbm>> -> memref<8x128xf32, #tpu.memory_space<hbm>>
      tpu.wait_dma2 semaphore(%arg25 : memref<!tpu.dma_semaphore, #tpu.memory_space<semaphore_mem>>) src(%dma_wait3A_2676 : memref<8x128xf32, #tpu.memory_space<hbm>>) dst(%dma_wait3A_2673 : memref<8x128xf32, #tpu.memory_space<vmem>>)
      %dma_wait3A_2677 = arith.constant 24 : i32
      %dma_wait3A_2678 = arith.constant 0 : i32
      %dma_wait3A_2679 = tpu.memref_slice %arg21[%dma_wait3A_2677, %dma_wait3A_2678] : memref<32x128xf32, #tpu.memory_space<vmem>> -> memref<8x128xf32, #tpu.memory_space<vmem>>
      %dma_wait3A_2680 = arith.constant 24 : i32
      %dma_wait3A_2681 = arith.constant 0 : i32
      %dma_wait3A_2682 = tpu.memref_slice %arg3[%dma_wait3A_2680, %dma_wait3A_2681] : memref<32x1000000xf32, #tpu.memory_space<hbm>> -> memref<8x128xf32, #tpu.memory_space<hbm>>
      %dma_wait3A_2683 = arith.constant 24 : i32
      %dma_wait3A_2684 = arith.constant 0 : i32
      %dma_wait3A_2685 = tpu.memref_slice %arg21[%dma_wait3A_2683, %dma_wait3A_2684] : memref<32x128xf32, #tpu.memory_space<vmem>> -> memref<8x128xf32, #tpu.memory_space<vmem>>
      %dma_wait3A_2686 = arith.constant 24 : i32
      %dma_wait3A_2687 = arith.constant 0 : i32
      %dma_wait3A_2688 = tpu.memref_slice %arg3[%dma_wait3A_2686, %dma_wait3A_2687] : memref<32x1000000xf32, #tpu.memory_space<hbm>> -> memref<8x128xf32, #tpu.memory_space<hbm>>
      tpu.wait_dma2 semaphore(%arg25 : memref<!tpu.dma_semaphore, #tpu.memory_space<semaphore_mem>>) src(%dma_wait3A_2688 : memref<8x128xf32, #tpu.memory_space<hbm>>) dst(%dma_wait3A_2685 : memref<8x128xf32, #tpu.memory_space<vmem>>)
      %dma_wait3A_2689 = arith.constant 0 : i32
      %dma_wait3A_2690 = arith.constant 0 : i32
      %dma_wait3A_2691 = tpu.memref_slice %arg22[%dma_wait3A_2689, %dma_wait3A_2690] : memref<32x128xf32, #tpu.memory_space<vmem>> -> memref<8x128xf32, #tpu.memory_space<vmem>>
      %dma_wait3A_2692 = arith.constant 0 : i32
      %dma_wait3A_2693 = arith.constant 0 : i32
      %dma_wait3A_2694 = tpu.memref_slice %arg3[%dma_wait3A_2692, %dma_wait3A_2693] : memref<32x1000000xf32, #tpu.memory_space<hbm>> -> memref<8x128xf32, #tpu.memory_space<hbm>>
      %dma_wait3A_2695 = arith.constant 0 : i32
      %dma_wait3A_2696 = arith.constant 0 : i32
      %dma_wait3A_2697 = tpu.memref_slice %arg22[%dma_wait3A_2695, %dma_wait3A_2696] : memref<32x128xf32, #tpu.memory_space<vmem>> -> memref<8x128xf32, #tpu.memory_space<vmem>>
      %dma_wait3A_2698 = arith.constant 0 : i32
      %dma_wait3A_2699 = arith.constant 0 : i32
      %dma_wait3A_2700 = tpu.memref_slice %arg3[%dma_wait3A_2698, %dma_wait3A_2699] : memref<32x1000000xf32, #tpu.memory_space<hbm>> -> memref<8x128xf32, #tpu.memory_space<hbm>>
      tpu.wait_dma2 semaphore(%arg25 : memref<!tpu.dma_semaphore, #tpu.memory_space<semaphore_mem>>) src(%dma_wait3A_2700 : memref<8x128xf32, #tpu.memory_space<hbm>>) dst(%dma_wait3A_2697 : memref<8x128xf32, #tpu.memory_space<vmem>>)
      %dma_wait3A_2701 = arith.constant 8 : i32
      %dma_wait3A_2702 = arith.constant 0 : i32
      %dma_wait3A_2703 = tpu.memref_slice %arg22[%dma_wait3A_2701, %dma_wait3A_2702] : memref<32x128xf32, #tpu.memory_space<vmem>> -> memref<8x128xf32, #tpu.memory_space<vmem>>
      %dma_wait3A_2704 = arith.constant 8 : i32
      %dma_wait3A_2705 = arith.constant 0 : i32
      %dma_wait3A_2706 = tpu.memref_slice %arg3[%dma_wait3A_2704, %dma_wait3A_2705] : memref<32x1000000xf32, #tpu.memory_space<hbm>> -> memref<8x128xf32, #tpu.memory_space<hbm>>
      %dma_wait3A_2707 = arith.constant 8 : i32
      %dma_wait3A_2708 = arith.constant 0 : i32
      %dma_wait3A_2709 = tpu.memref_slice %arg22[%dma_wait3A_2707, %dma_wait3A_2708] : memref<32x128xf32, #tpu.memory_space<vmem>> -> memref<8x128xf32, #tpu.memory_space<vmem>>
      %dma_wait3A_2710 = arith.constant 8 : i32
      %dma_wait3A_2711 = arith.constant 0 : i32
      %dma_wait3A_2712 = tpu.memref_slice %arg3[%dma_wait3A_2710, %dma_wait3A_2711] : memref<32x1000000xf32, #tpu.memory_space<hbm>> -> memref<8x128xf32, #tpu.memory_space<hbm>>
      tpu.wait_dma2 semaphore(%arg25 : memref<!tpu.dma_semaphore, #tpu.memory_space<semaphore_mem>>) src(%dma_wait3A_2712 : memref<8x128xf32, #tpu.memory_space<hbm>>) dst(%dma_wait3A_2709 : memref<8x128xf32, #tpu.memory_space<vmem>>)
      %dma_wait3A_2713 = arith.constant 16 : i32
      %dma_wait3A_2714 = arith.constant 0 : i32
      %dma_wait3A_2715 = tpu.memref_slice %arg22[%dma_wait3A_2713, %dma_wait3A_2714] : memref<32x128xf32, #tpu.memory_space<vmem>> -> memref<8x128xf32, #tpu.memory_space<vmem>>
      %dma_wait3A_2716 = arith.constant 16 : i32
      %dma_wait3A_2717 = arith.constant 0 : i32
      %dma_wait3A_2718 = tpu.memref_slice %arg3[%dma_wait3A_2716, %dma_wait3A_2717] : memref<32x1000000xf32, #tpu.memory_space<hbm>> -> memref<8x128xf32, #tpu.memory_space<hbm>>
      %dma_wait3A_2719 = arith.constant 16 : i32
      %dma_wait3A_2720 = arith.constant 0 : i32
      %dma_wait3A_2721 = tpu.memref_slice %arg22[%dma_wait3A_2719, %dma_wait3A_2720] : memref<32x128xf32, #tpu.memory_space<vmem>> -> memref<8x128xf32, #tpu.memory_space<vmem>>
      %dma_wait3A_2722 = arith.constant 16 : i32
      %dma_wait3A_2723 = arith.constant 0 : i32
      %dma_wait3A_2724 = tpu.memref_slice %arg3[%dma_wait3A_2722, %dma_wait3A_2723] : memref<32x1000000xf32, #tpu.memory_space<hbm>> -> memref<8x128xf32, #tpu.memory_space<hbm>>
      tpu.wait_dma2 semaphore(%arg25 : memref<!tpu.dma_semaphore, #tpu.memory_space<semaphore_mem>>) src(%dma_wait3A_2724 : memref<8x128xf32, #tpu.memory_space<hbm>>) dst(%dma_wait3A_2721 : memref<8x128xf32, #tpu.memory_space<vmem>>)
      %dma_wait3A_2725 = arith.constant 24 : i32
      %dma_wait3A_2726 = arith.constant 0 : i32
      %dma_wait3A_2727 = tpu.memref_slice %arg22[%dma_wait3A_2725, %dma_wait3A_2726] : memref<32x128xf32, #tpu.memory_space<vmem>> -> memref<8x128xf32, #tpu.memory_space<vmem>>
      %dma_wait3A_2728 = arith.constant 24 : i32
      %dma_wait3A_2729 = arith.constant 0 : i32
      %dma_wait3A_2730 = tpu.memref_slice %arg3[%dma_wait3A_2728, %dma_wait3A_2729] : memref<32x1000000xf32, #tpu.memory_space<hbm>> -> memref<8x128xf32, #tpu.memory_space<hbm>>
      %dma_wait3A_2731 = arith.constant 24 : i32
      %dma_wait3A_2732 = arith.constant 0 : i32
      %dma_wait3A_2733 = tpu.memref_slice %arg22[%dma_wait3A_2731, %dma_wait3A_2732] : memref<32x128xf32, #tpu.memory_space<vmem>> -> memref<8x128xf32, #tpu.memory_space<vmem>>
      %dma_wait3A_2734 = arith.constant 24 : i32
      %dma_wait3A_2735 = arith.constant 0 : i32
      %dma_wait3A_2736 = tpu.memref_slice %arg3[%dma_wait3A_2734, %dma_wait3A_2735] : memref<32x1000000xf32, #tpu.memory_space<hbm>> -> memref<8x128xf32, #tpu.memory_space<hbm>>
      tpu.wait_dma2 semaphore(%arg25 : memref<!tpu.dma_semaphore, #tpu.memory_space<semaphore_mem>>) src(%dma_wait3A_2736 : memref<8x128xf32, #tpu.memory_space<hbm>>) dst(%dma_wait3A_2733 : memref<8x128xf32, #tpu.memory_space<vmem>>)
      %dma_wait3A_2737 = arith.constant 0 : i32
      %dma_wait3A_2738 = arith.constant 0 : i32
      %dma_wait3A_2739 = tpu.memref_slice %arg23[%dma_wait3A_2737, %dma_wait3A_2738] : memref<32x128xf32, #tpu.memory_space<vmem>> -> memref<8x128xf32, #tpu.memory_space<vmem>>
      %dma_wait3A_2740 = arith.constant 0 : i32
      %dma_wait3A_2741 = arith.constant 0 : i32
      %dma_wait3A_2742 = tpu.memref_slice %arg3[%dma_wait3A_2740, %dma_wait3A_2741] : memref<32x1000000xf32, #tpu.memory_space<hbm>> -> memref<8x128xf32, #tpu.memory_space<hbm>>
      %dma_wait3A_2743 = arith.constant 0 : i32
      %dma_wait3A_2744 = arith.constant 0 : i32
      %dma_wait3A_2745 = tpu.memref_slice %arg23[%dma_wait3A_2743, %dma_wait3A_2744] : memref<32x128xf32, #tpu.memory_space<vmem>> -> memref<8x128xf32, #tpu.memory_space<vmem>>
      %dma_wait3A_2746 = arith.constant 0 : i32
      %dma_wait3A_2747 = arith.constant 0 : i32
      %dma_wait3A_2748 = tpu.memref_slice %arg3[%dma_wait3A_2746, %dma_wait3A_2747] : memref<32x1000000xf32, #tpu.memory_space<hbm>> -> memref<8x128xf32, #tpu.memory_space<hbm>>
      tpu.wait_dma2 semaphore(%arg25 : memref<!tpu.dma_semaphore, #tpu.memory_space<semaphore_mem>>) src(%dma_wait3A_2748 : memref<8x128xf32, #tpu.memory_space<hbm>>) dst(%dma_wait3A_2745 : memref<8x128xf32, #tpu.memory_space<vmem>>)
      %dma_wait3A_2749 = arith.constant 8 : i32
      %dma_wait3A_2750 = arith.constant 0 : i32
      %dma_wait3A_2751 = tpu.memref_slice %arg23[%dma_wait3A_2749, %dma_wait3A_2750] : memref<32x128xf32, #tpu.memory_space<vmem>> -> memref<8x128xf32, #tpu.memory_space<vmem>>
      %dma_wait3A_2752 = arith.constant 8 : i32
      %dma_wait3A_2753 = arith.constant 0 : i32
      %dma_wait3A_2754 = tpu.memref_slice %arg3[%dma_wait3A_2752, %dma_wait3A_2753] : memref<32x1000000xf32, #tpu.memory_space<hbm>> -> memref<8x128xf32, #tpu.memory_space<hbm>>
      %dma_wait3A_2755 = arith.constant 8 : i32
      %dma_wait3A_2756 = arith.constant 0 : i32
      %dma_wait3A_2757 = tpu.memref_slice %arg23[%dma_wait3A_2755, %dma_wait3A_2756] : memref<32x128xf32, #tpu.memory_space<vmem>> -> memref<8x128xf32, #tpu.memory_space<vmem>>
      %dma_wait3A_2758 = arith.constant 8 : i32
      %dma_wait3A_2759 = arith.constant 0 : i32
      %dma_wait3A_2760 = tpu.memref_slice %arg3[%dma_wait3A_2758, %dma_wait3A_2759] : memref<32x1000000xf32, #tpu.memory_space<hbm>> -> memref<8x128xf32, #tpu.memory_space<hbm>>
      tpu.wait_dma2 semaphore(%arg25 : memref<!tpu.dma_semaphore, #tpu.memory_space<semaphore_mem>>) src(%dma_wait3A_2760 : memref<8x128xf32, #tpu.memory_space<hbm>>) dst(%dma_wait3A_2757 : memref<8x128xf32, #tpu.memory_space<vmem>>)
      %dma_wait3A_2761 = arith.constant 16 : i32
      %dma_wait3A_2762 = arith.constant 0 : i32
      %dma_wait3A_2763 = tpu.memref_slice %arg23[%dma_wait3A_2761, %dma_wait3A_2762] : memref<32x128xf32, #tpu.memory_space<vmem>> -> memref<8x128xf32, #tpu.memory_space<vmem>>
      %dma_wait3A_2764 = arith.constant 16 : i32
      %dma_wait3A_2765 = arith.constant 0 : i32
      %dma_wait3A_2766 = tpu.memref_slice %arg3[%dma_wait3A_2764, %dma_wait3A_2765] : memref<32x1000000xf32, #tpu.memory_space<hbm>> -> memref<8x128xf32, #tpu.memory_space<hbm>>
      %dma_wait3A_2767 = arith.constant 16 : i32
      %dma_wait3A_2768 = arith.constant 0 : i32
      %dma_wait3A_2769 = tpu.memref_slice %arg23[%dma_wait3A_2767, %dma_wait3A_2768] : memref<32x128xf32, #tpu.memory_space<vmem>> -> memref<8x128xf32, #tpu.memory_space<vmem>>
      %dma_wait3A_2770 = arith.constant 16 : i32
      %dma_wait3A_2771 = arith.constant 0 : i32
      %dma_wait3A_2772 = tpu.memref_slice %arg3[%dma_wait3A_2770, %dma_wait3A_2771] : memref<32x1000000xf32, #tpu.memory_space<hbm>> -> memref<8x128xf32, #tpu.memory_space<hbm>>
      tpu.wait_dma2 semaphore(%arg25 : memref<!tpu.dma_semaphore, #tpu.memory_space<semaphore_mem>>) src(%dma_wait3A_2772 : memref<8x128xf32, #tpu.memory_space<hbm>>) dst(%dma_wait3A_2769 : memref<8x128xf32, #tpu.memory_space<vmem>>)
      %dma_wait3A_2773 = arith.constant 24 : i32
      %dma_wait3A_2774 = arith.constant 0 : i32
      %dma_wait3A_2775 = tpu.memref_slice %arg23[%dma_wait3A_2773, %dma_wait3A_2774] : memref<32x128xf32, #tpu.memory_space<vmem>> -> memref<8x128xf32, #tpu.memory_space<vmem>>
      %dma_wait3A_2776 = arith.constant 24 : i32
      %dma_wait3A_2777 = arith.constant 0 : i32
      %dma_wait3A_2778 = tpu.memref_slice %arg3[%dma_wait3A_2776, %dma_wait3A_2777] : memref<32x1000000xf32, #tpu.memory_space<hbm>> -> memref<8x128xf32, #tpu.memory_space<hbm>>
      %dma_wait3A_2779 = arith.constant 24 : i32
      %dma_wait3A_2780 = arith.constant 0 : i32
      %dma_wait3A_2781 = tpu.memref_slice %arg23[%dma_wait3A_2779, %dma_wait3A_2780] : memref<32x128xf32, #tpu.memory_space<vmem>> -> memref<8x128xf32, #tpu.memory_space<vmem>>
      %dma_wait3A_2782 = arith.constant 24 : i32
      %dma_wait3A_2783 = arith.constant 0 : i32
      %dma_wait3A_2784 = tpu.memref_slice %arg3[%dma_wait3A_2782, %dma_wait3A_2783] : memref<32x1000000xf32, #tpu.memory_space<hbm>> -> memref<8x128xf32, #tpu.memory_space<hbm>>
      tpu.wait_dma2 semaphore(%arg25 : memref<!tpu.dma_semaphore, #tpu.memory_space<semaphore_mem>>) src(%dma_wait3A_2784 : memref<8x128xf32, #tpu.memory_space<hbm>>) dst(%dma_wait3A_2781 : memref<8x128xf32, #tpu.memory_space<vmem>>)
      %ne3A_2785 = arith.constant 0 : i32
      %ne3A_2786 = arith.cmpi ne, %scan3A_1543, %ne3A_2785 : i32
      %convert_element_type3A_2787 = arith.extui %ne3A_2786 : i1 to i32
      %cond3A_2788 = arith.constant 0 : i32
      %cond3A_2789 = arith.cmpi ne, %convert_element_type3A_2787, %cond3A_2788 : i32
      scf.if %cond3A_2789 {
        %dma_wait3A_3257 = arith.constant 0 : i32
        %dma_wait3A_3258 = tpu.memref_slice %arg4[%mul3A_2, %dma_wait3A_3257] : memref<16384x32xf32, #tpu.memory_space<hbm>> -> memref<8x32xf32, #tpu.memory_space<hbm>>
        %dma_wait3A_3259 = arith.constant 0 : i32
        %dma_wait3A_3260 = tpu.memref_slice %arg4[%mul3A_2, %dma_wait3A_3259] : memref<16384x32xf32, #tpu.memory_space<hbm>> -> memref<8x32xf32, #tpu.memory_space<hbm>>
        tpu.wait_dma2 semaphore(%arg27 : memref<!tpu.dma_semaphore, #tpu.memory_space<semaphore_mem>>) src(%arg7 : memref<8x32xf32, #tpu.memory_space<vmem>>) dst(%dma_wait3A_3260 : memref<8x32xf32, #tpu.memory_space<hbm>>)
      } else {
      }
      %mul3A_2790 = arith.constant 8 : i32
      %mul3A_2791 = arith.muli %add3A_2400, %mul3A_2790 : i32
      %get3A_2792 = arith.index_cast %mul3A_2791 : i32 to index
      %get3A_2793 = tpu.vector_load %arg5[%get3A_2792] {strides = array<i32>} : memref<544xi32, #tpu.memory_space<vmem>>, vector<16xi32>,
      %slice3A_2794 = vector.extract_strided_slice %get3A_2793 {offsets = [0], sizes = [1], strides = [1]} : vector<16xi32> to vector<1xi32>
      %squeeze3A_2795 = vector.extract %slice3A_2794[0] : i32 from vector<1xi32>
      %and3A_2796 = arith.constant 127 : i32
      %and3A_2797 = arith.andi %squeeze3A_2795, %and3A_2796 : i32
      %broadcast_in_dim3A_2798 = vector.broadcast %and3A_2797 : i32 to vector<16xi32>
      %broadcast_in_dim3A_2799 = arith.constant 0 : i32
      %broadcast_in_dim3A_2800 = vector.broadcast %broadcast_in_dim3A_2799 : i32 to vector<16xi32>
      %gather3A_2801 = tpu.vector_load_idx %arg16[%iota3A, %broadcast_in_dim3A_2798] : memref<32x128xf32, #tpu.memory_space<vmem>>[vector<16xi32>, vector<16xi32>], vector<16xf32>,
      tpu.vector_store_idx %arg7[%broadcast_in_dim3A_2800, %iota3A], %gather3A_2801 : memref<8x32xf32, #tpu.memory_space<vmem>>[vector<16xi32>, vector<16xi32>], vector<16xf32>,
      %gather3A_2802 = tpu.vector_load_idx %arg16[%add3A_9, %broadcast_in_dim3A_2798] : memref<32x128xf32, #tpu.memory_space<vmem>>[vector<16xi32>, vector<16xi32>], vector<16xf32>,
      tpu.vector_store_idx %arg7[%broadcast_in_dim3A_2800, %add3A_9], %gather3A_2802 : memref<8x32xf32, #tpu.memory_space<vmem>>[vector<16xi32>, vector<16xi32>], vector<16xf32>,
      %slice3A_2803 = vector.extract_strided_slice %get3A_2793 {offsets = [1], sizes = [1], strides = [1]} : vector<16xi32> to vector<1xi32>
      %squeeze3A_2804 = vector.extract %slice3A_2803[0] : i32 from vector<1xi32>
      %and3A_2805 = arith.constant 127 : i32
      %and3A_2806 = arith.andi %squeeze3A_2804, %and3A_2805 : i32
      %broadcast_in_dim3A_2807 = vector.broadcast %and3A_2806 : i32 to vector<16xi32>
      %broadcast_in_dim3A_2808 = arith.constant 1 : i32
      %broadcast_in_dim3A_2809 = vector.broadcast %broadcast_in_dim3A_2808 : i32 to vector<16xi32>
      %gather3A_2810 = tpu.vector_load_idx %arg17[%iota3A, %broadcast_in_dim3A_2807] : memref<32x128xf32, #tpu.memory_space<vmem>>[vector<16xi32>, vector<16xi32>], vector<16xf32>,
      tpu.vector_store_idx %arg7[%broadcast_in_dim3A_2809, %iota3A], %gather3A_2810 : memref<8x32xf32, #tpu.memory_space<vmem>>[vector<16xi32>, vector<16xi32>], vector<16xf32>,
      %gather3A_2811 = tpu.vector_load_idx %arg17[%add3A_9, %broadcast_in_dim3A_2807] : memref<32x128xf32, #tpu.memory_space<vmem>>[vector<16xi32>, vector<16xi32>], vector<16xf32>,
      tpu.vector_store_idx %arg7[%broadcast_in_dim3A_2809, %add3A_9], %gather3A_2811 : memref<8x32xf32, #tpu.memory_space<vmem>>[vector<16xi32>, vector<16xi32>], vector<16xf32>,
      %slice3A_2812 = vector.extract_strided_slice %get3A_2793 {offsets = [2], sizes = [1], strides = [1]} : vector<16xi32> to vector<1xi32>
      %squeeze3A_2813 = vector.extract %slice3A_2812[0] : i32 from vector<1xi32>
      %and3A_2814 = arith.constant 127 : i32
      %and3A_2815 = arith.andi %squeeze3A_2813, %and3A_2814 : i32
      %broadcast_in_dim3A_2816 = vector.broadcast %and3A_2815 : i32 to vector<16xi32>
      %broadcast_in_dim3A_2817 = arith.constant 2 : i32
      %broadcast_in_dim3A_2818 = vector.broadcast %broadcast_in_dim3A_2817 : i32 to vector<16xi32>
      %gather3A_2819 = tpu.vector_load_idx %arg18[%iota3A, %broadcast_in_dim3A_2816] : memref<32x128xf32, #tpu.memory_space<vmem>>[vector<16xi32>, vector<16xi32>], vector<16xf32>,
      tpu.vector_store_idx %arg7[%broadcast_in_dim3A_2818, %iota3A], %gather3A_2819 : memref<8x32xf32, #tpu.memory_space<vmem>>[vector<16xi32>, vector<16xi32>], vector<16xf32>,
      %gather3A_2820 = tpu.vector_load_idx %arg18[%add3A_9, %broadcast_in_dim3A_2816] : memref<32x128xf32, #tpu.memory_space<vmem>>[vector<16xi32>, vector<16xi32>], vector<16xf32>,
      tpu.vector_store_idx %arg7[%broadcast_in_dim3A_2818, %add3A_9], %gather3A_2820 : memref<8x32xf32, #tpu.memory_space<vmem>>[vector<16xi32>, vector<16xi32>], vector<16xf32>,
      %slice3A_2821 = vector.extract_strided_slice %get3A_2793 {offsets = [3], sizes = [1], strides = [1]} : vector<16xi32> to vector<1xi32>
      %squeeze3A_2822 = vector.extract %slice3A_2821[0] : i32 from vector<1xi32>
      %and3A_2823 = arith.constant 127 : i32
      %and3A_2824 = arith.andi %squeeze3A_2822, %and3A_2823 : i32
      %broadcast_in_dim3A_2825 = vector.broadcast %and3A_2824 : i32 to vector<16xi32>
      %broadcast_in_dim3A_2826 = arith.constant 3 : i32
      %broadcast_in_dim3A_2827 = vector.broadcast %broadcast_in_dim3A_2826 : i32 to vector<16xi32>
      %gather3A_2828 = tpu.vector_load_idx %arg19[%iota3A, %broadcast_in_dim3A_2825] : memref<32x128xf32, #tpu.memory_space<vmem>>[vector<16xi32>, vector<16xi32>], vector<16xf32>,
      tpu.vector_store_idx %arg7[%broadcast_in_dim3A_2827, %iota3A], %gather3A_2828 : memref<8x32xf32, #tpu.memory_space<vmem>>[vector<16xi32>, vector<16xi32>], vector<16xf32>,
      %gather3A_2829 = tpu.vector_load_idx %arg19[%add3A_9, %broadcast_in_dim3A_2825] : memref<32x128xf32, #tpu.memory_space<vmem>>[vector<16xi32>, vector<16xi32>], vector<16xf32>,
      tpu.vector_store_idx %arg7[%broadcast_in_dim3A_2827, %add3A_9], %gather3A_2829 : memref<8x32xf32, #tpu.memory_space<vmem>>[vector<16xi32>, vector<16xi32>], vector<16xf32>,
      %slice3A_2830 = vector.extract_strided_slice %get3A_2793 {offsets = [4], sizes = [1], strides = [1]} : vector<16xi32> to vector<1xi32>
      %squeeze3A_2831 = vector.extract %slice3A_2830[0] : i32 from vector<1xi32>
      %and3A_2832 = arith.constant 127 : i32
      %and3A_2833 = arith.andi %squeeze3A_2831, %and3A_2832 : i32
      %broadcast_in_dim3A_2834 = vector.broadcast %and3A_2833 : i32 to vector<16xi32>
      %broadcast_in_dim3A_2835 = arith.constant 4 : i32
      %broadcast_in_dim3A_2836 = vector.broadcast %broadcast_in_dim3A_2835 : i32 to vector<16xi32>
      %gather3A_2837 = tpu.vector_load_idx %arg20[%iota3A, %broadcast_in_dim3A_2834] : memref<32x128xf32, #tpu.memory_space<vmem>>[vector<16xi32>, vector<16xi32>], vector<16xf32>,
      tpu.vector_store_idx %arg7[%broadcast_in_dim3A_2836, %iota3A], %gather3A_2837 : memref<8x32xf32, #tpu.memory_space<vmem>>[vector<16xi32>, vector<16xi32>], vector<16xf32>,
      %gather3A_2838 = tpu.vector_load_idx %arg20[%add3A_9, %broadcast_in_dim3A_2834] : memref<32x128xf32, #tpu.memory_space<vmem>>[vector<16xi32>, vector<16xi32>], vector<16xf32>,
      tpu.vector_store_idx %arg7[%broadcast_in_dim3A_2836, %add3A_9], %gather3A_2838 : memref<8x32xf32, #tpu.memory_space<vmem>>[vector<16xi32>, vector<16xi32>], vector<16xf32>,
      %slice3A_2839 = vector.extract_strided_slice %get3A_2793 {offsets = [5], sizes = [1], strides = [1]} : vector<16xi32> to vector<1xi32>
      %squeeze3A_2840 = vector.extract %slice3A_2839[0] : i32 from vector<1xi32>
      %and3A_2841 = arith.constant 127 : i32
      %and3A_2842 = arith.andi %squeeze3A_2840, %and3A_2841 : i32
      %broadcast_in_dim3A_2843 = vector.broadcast %and3A_2842 : i32 to vector<16xi32>
      %broadcast_in_dim3A_2844 = arith.constant 5 : i32
      %broadcast_in_dim3A_2845 = vector.broadcast %broadcast_in_dim3A_2844 : i32 to vector<16xi32>
      %gather3A_2846 = tpu.vector_load_idx %arg21[%iota3A, %broadcast_in_dim3A_2843] : memref<32x128xf32, #tpu.memory_space<vmem>>[vector<16xi32>, vector<16xi32>], vector<16xf32>,
      tpu.vector_store_idx %arg7[%broadcast_in_dim3A_2845, %iota3A], %gather3A_2846 : memref<8x32xf32, #tpu.memory_space<vmem>>[vector<16xi32>, vector<16xi32>], vector<16xf32>,
      %gather3A_2847 = tpu.vector_load_idx %arg21[%add3A_9, %broadcast_in_dim3A_2843] : memref<32x128xf32, #tpu.memory_space<vmem>>[vector<16xi32>, vector<16xi32>], vector<16xf32>,
      tpu.vector_store_idx %arg7[%broadcast_in_dim3A_2845, %add3A_9], %gather3A_2847 : memref<8x32xf32, #tpu.memory_space<vmem>>[vector<16xi32>, vector<16xi32>], vector<16xf32>,
      %slice3A_2848 = vector.extract_strided_slice %get3A_2793 {offsets = [6], sizes = [1], strides = [1]} : vector<16xi32> to vector<1xi32>
      %squeeze3A_2849 = vector.extract %slice3A_2848[0] : i32 from vector<1xi32>
      %and3A_2850 = arith.constant 127 : i32
      %and3A_2851 = arith.andi %squeeze3A_2849, %and3A_2850 : i32
      %broadcast_in_dim3A_2852 = vector.broadcast %and3A_2851 : i32 to vector<16xi32>
      %broadcast_in_dim3A_2853 = arith.constant 6 : i32
      %broadcast_in_dim3A_2854 = vector.broadcast %broadcast_in_dim3A_2853 : i32 to vector<16xi32>
      %gather3A_2855 = tpu.vector_load_idx %arg22[%iota3A, %broadcast_in_dim3A_2852] : memref<32x128xf32, #tpu.memory_space<vmem>>[vector<16xi32>, vector<16xi32>], vector<16xf32>,
      tpu.vector_store_idx %arg7[%broadcast_in_dim3A_2854, %iota3A], %gather3A_2855 : memref<8x32xf32, #tpu.memory_space<vmem>>[vector<16xi32>, vector<16xi32>], vector<16xf32>,
      %gather3A_2856 = tpu.vector_load_idx %arg22[%add3A_9, %broadcast_in_dim3A_2852] : memref<32x128xf32, #tpu.memory_space<vmem>>[vector<16xi32>, vector<16xi32>], vector<16xf32>,
      tpu.vector_store_idx %arg7[%broadcast_in_dim3A_2854, %add3A_9], %gather3A_2856 : memref<8x32xf32, #tpu.memory_space<vmem>>[vector<16xi32>, vector<16xi32>], vector<16xf32>,
      %slice3A_2857 = vector.extract_strided_slice %get3A_2793 {offsets = [7], sizes = [1], strides = [1]} : vector<16xi32> to vector<1xi32>
      %squeeze3A_2858 = vector.extract %slice3A_2857[0] : i32 from vector<1xi32>
      %and3A_2859 = arith.constant 127 : i32
      %and3A_2860 = arith.andi %squeeze3A_2858, %and3A_2859 : i32
      %broadcast_in_dim3A_2861 = vector.broadcast %and3A_2860 : i32 to vector<16xi32>
      %broadcast_in_dim3A_2862 = arith.constant 7 : i32
      %broadcast_in_dim3A_2863 = vector.broadcast %broadcast_in_dim3A_2862 : i32 to vector<16xi32>
      %gather3A_2864 = tpu.vector_load_idx %arg23[%iota3A, %broadcast_in_dim3A_2861] : memref<32x128xf32, #tpu.memory_space<vmem>>[vector<16xi32>, vector<16xi32>], vector<16xf32>,
      tpu.vector_store_idx %arg7[%broadcast_in_dim3A_2863, %iota3A], %gather3A_2864 : memref<8x32xf32, #tpu.memory_space<vmem>>[vector<16xi32>, vector<16xi32>], vector<16xf32>,
      %gather3A_2865 = tpu.vector_load_idx %arg23[%add3A_9, %broadcast_in_dim3A_2861] : memref<32x128xf32, #tpu.memory_space<vmem>>[vector<16xi32>, vector<16xi32>], vector<16xf32>,
      tpu.vector_store_idx %arg7[%broadcast_in_dim3A_2863, %add3A_9], %gather3A_2865 : memref<8x32xf32, #tpu.memory_space<vmem>>[vector<16xi32>, vector<16xi32>], vector<16xf32>,
      %mul3A_2866 = arith.constant 8 : i32
      %mul3A_2867 = arith.muli %add3A_2400, %mul3A_2866 : i32
      %add3A_2868 = arith.addi %mul3A_2, %mul3A_2867 : i32
      %dma_start3A_2869 = arith.constant 0 : i32
      %dma_start3A_2870 = tpu.memref_slice %arg4[%add3A_2868, %dma_start3A_2869] : memref<16384x32xf32, #tpu.memory_space<hbm>> -> memref<8x32xf32, #tpu.memory_space<hbm>>
      %dma_start3A_2871 = arith.constant 0 : i32
      %dma_start3A_2872 = tpu.memref_slice %arg4[%add3A_2868, %dma_start3A_2871] : memref<16384x32xf32, #tpu.memory_space<hbm>> -> memref<8x32xf32, #tpu.memory_space<hbm>>
      tpu.enqueue_dma source(%arg7 : memref<8x32xf32, #tpu.memory_space<vmem>>) target(%dma_start3A_2872 : memref<8x32xf32, #tpu.memory_space<hbm>>) target_semaphore(%arg27 : memref<!tpu.dma_semaphore, #tpu.memory_space<semaphore_mem>>)
      %add3A_2873 = arith.constant 2 : i32
      %add3A_2874 = arith.addi %add3A_2400, %add3A_2873 : i32
      %mul3A_2875 = arith.constant 8 : i32
      %mul3A_2876 = arith.muli %add3A_2874, %mul3A_2875 : i32
      %get3A_2877 = arith.index_cast %mul3A_2876 : i32 to index
      %get3A_2878 = tpu.vector_load %arg5[%get3A_2877] {strides = array<i32>} : memref<544xi32, #tpu.memory_space<vmem>>, vector<16xi32>,
      %slice3A_2879 = vector.extract_strided_slice %get3A_2878 {offsets = [0], sizes = [1], strides = [1]} : vector<16xi32> to vector<1xi32>
      %squeeze3A_2880 = vector.extract %slice3A_2879[0] : i32 from vector<1xi32>
      %shift_right_logical3A_2881 = arith.constant 7 : i32
      %shift_right_logical3A_2882 = arith.shrui %squeeze3A_2880, %shift_right_logical3A_2881 : i32
      %shift_left3A_2883 = arith.constant 7 : i32
      %shift_left3A_2884 = arith.shli %shift_right_logical3A_2882, %shift_left3A_2883 : i32
      %multiple_of3A_2885 = tpu.assume_multiple %shift_left3A_2884, 128 : i32
      %dma_start3A_2886 = arith.constant 0 : i32
      %dma_start3A_2887 = arith.constant 0 : i32
      %dma_start3A_2888 = tpu.memref_slice %arg16[%dma_start3A_2886, %dma_start3A_2887] : memref<32x128xf32, #tpu.memory_space<vmem>> -> memref<8x128xf32, #tpu.memory_space<vmem>>
      %dma_start3A_2889 = arith.constant 0 : i32
      %dma_start3A_2890 = tpu.memref_slice %arg3[%dma_start3A_2889, %multiple_of3A_2885] : memref<32x1000000xf32, #tpu.memory_space<hbm>> -> memref<8x128xf32, #tpu.memory_space<hbm>>
      %dma_start3A_2891 = arith.constant 0 : i32
      %dma_start3A_2892 = arith.constant 0 : i32
      %dma_start3A_2893 = tpu.memref_slice %arg16[%dma_start3A_2891, %dma_start3A_2892] : memref<32x128xf32, #tpu.memory_space<vmem>> -> memref<8x128xf32, #tpu.memory_space<vmem>>
      %dma_start3A_2894 = arith.constant 0 : i32
      %dma_start3A_2895 = tpu.memref_slice %arg3[%dma_start3A_2894, %multiple_of3A_2885] : memref<32x1000000xf32, #tpu.memory_space<hbm>> -> memref<8x128xf32, #tpu.memory_space<hbm>>
      tpu.enqueue_dma source(%dma_start3A_2895 : memref<8x128xf32, #tpu.memory_space<hbm>>) target(%dma_start3A_2893 : memref<8x128xf32, #tpu.memory_space<vmem>>) target_semaphore(%arg25 : memref<!tpu.dma_semaphore, #tpu.memory_space<semaphore_mem>>)
      %dma_start3A_2896 = arith.constant 8 : i32
      %dma_start3A_2897 = arith.constant 0 : i32
      %dma_start3A_2898 = tpu.memref_slice %arg16[%dma_start3A_2896, %dma_start3A_2897] : memref<32x128xf32, #tpu.memory_space<vmem>> -> memref<8x128xf32, #tpu.memory_space<vmem>>
      %dma_start3A_2899 = arith.constant 8 : i32
      %dma_start3A_2900 = tpu.memref_slice %arg3[%dma_start3A_2899, %multiple_of3A_2885] : memref<32x1000000xf32, #tpu.memory_space<hbm>> -> memref<8x128xf32, #tpu.memory_space<hbm>>
      %dma_start3A_2901 = arith.constant 8 : i32
      %dma_start3A_2902 = arith.constant 0 : i32
      %dma_start3A_2903 = tpu.memref_slice %arg16[%dma_start3A_2901, %dma_start3A_2902] : memref<32x128xf32, #tpu.memory_space<vmem>> -> memref<8x128xf32, #tpu.memory_space<vmem>>
      %dma_start3A_2904 = arith.constant 8 : i32
      %dma_start3A_2905 = tpu.memref_slice %arg3[%dma_start3A_2904, %multiple_of3A_2885] : memref<32x1000000xf32, #tpu.memory_space<hbm>> -> memref<8x128xf32, #tpu.memory_space<hbm>>
      tpu.enqueue_dma source(%dma_start3A_2905 : memref<8x128xf32, #tpu.memory_space<hbm>>) target(%dma_start3A_2903 : memref<8x128xf32, #tpu.memory_space<vmem>>) target_semaphore(%arg25 : memref<!tpu.dma_semaphore, #tpu.memory_space<semaphore_mem>>)
      %dma_start3A_2906 = arith.constant 16 : i32
      %dma_start3A_2907 = arith.constant 0 : i32
      %dma_start3A_2908 = tpu.memref_slice %arg16[%dma_start3A_2906, %dma_start3A_2907] : memref<32x128xf32, #tpu.memory_space<vmem>> -> memref<8x128xf32, #tpu.memory_space<vmem>>
      %dma_start3A_2909 = arith.constant 16 : i32
      %dma_start3A_2910 = tpu.memref_slice %arg3[%dma_start3A_2909, %multiple_of3A_2885] : memref<32x1000000xf32, #tpu.memory_space<hbm>> -> memref<8x128xf32, #tpu.memory_space<hbm>>
      %dma_start3A_2911 = arith.constant 16 : i32
      %dma_start3A_2912 = arith.constant 0 : i32
      %dma_start3A_2913 = tpu.memref_slice %arg16[%dma_start3A_2911, %dma_start3A_2912] : memref<32x128xf32, #tpu.memory_space<vmem>> -> memref<8x128xf32, #tpu.memory_space<vmem>>
      %dma_start3A_2914 = arith.constant 16 : i32
      %dma_start3A_2915 = tpu.memref_slice %arg3[%dma_start3A_2914, %multiple_of3A_2885] : memref<32x1000000xf32, #tpu.memory_space<hbm>> -> memref<8x128xf32, #tpu.memory_space<hbm>>
      tpu.enqueue_dma source(%dma_start3A_2915 : memref<8x128xf32, #tpu.memory_space<hbm>>) target(%dma_start3A_2913 : memref<8x128xf32, #tpu.memory_space<vmem>>) target_semaphore(%arg25 : memref<!tpu.dma_semaphore, #tpu.memory_space<semaphore_mem>>)
      %dma_start3A_2916 = arith.constant 24 : i32
      %dma_start3A_2917 = arith.constant 0 : i32
      %dma_start3A_2918 = tpu.memref_slice %arg16[%dma_start3A_2916, %dma_start3A_2917] : memref<32x128xf32, #tpu.memory_space<vmem>> -> memref<8x128xf32, #tpu.memory_space<vmem>>
      %dma_start3A_2919 = arith.constant 24 : i32
      %dma_start3A_2920 = tpu.memref_slice %arg3[%dma_start3A_2919, %multiple_of3A_2885] : memref<32x1000000xf32, #tpu.memory_space<hbm>> -> memref<8x128xf32, #tpu.memory_space<hbm>>
      %dma_start3A_2921 = arith.constant 24 : i32
      %dma_start3A_2922 = arith.constant 0 : i32
      %dma_start3A_2923 = tpu.memref_slice %arg16[%dma_start3A_2921, %dma_start3A_2922] : memref<32x128xf32, #tpu.memory_space<vmem>> -> memref<8x128xf32, #tpu.memory_space<vmem>>
      %dma_start3A_2924 = arith.constant 24 : i32
      %dma_start3A_2925 = tpu.memref_slice %arg3[%dma_start3A_2924, %multiple_of3A_2885] : memref<32x1000000xf32, #tpu.memory_space<hbm>> -> memref<8x128xf32, #tpu.memory_space<hbm>>
      tpu.enqueue_dma source(%dma_start3A_2925 : memref<8x128xf32, #tpu.memory_space<hbm>>) target(%dma_start3A_2923 : memref<8x128xf32, #tpu.memory_space<vmem>>) target_semaphore(%arg25 : memref<!tpu.dma_semaphore, #tpu.memory_space<semaphore_mem>>)
      %slice3A_2926 = vector.extract_strided_slice %get3A_2878 {offsets = [1], sizes = [1], strides = [1]} : vector<16xi32> to vector<1xi32>
      %squeeze3A_2927 = vector.extract %slice3A_2926[0] : i32 from vector<1xi32>
      %shift_right_logical3A_2928 = arith.constant 7 : i32
      %shift_right_logical3A_2929 = arith.shrui %squeeze3A_2927, %shift_right_logical3A_2928 : i32
      %shift_left3A_2930 = arith.constant 7 : i32
      %shift_left3A_2931 = arith.shli %shift_right_logical3A_2929, %shift_left3A_2930 : i32
      %multiple_of3A_2932 = tpu.assume_multiple %shift_left3A_2931, 128 : i32
      %dma_start3A_2933 = arith.constant 0 : i32
      %dma_start3A_2934 = arith.constant 0 : i32
      %dma_start3A_2935 = tpu.memref_slice %arg17[%dma_start3A_2933, %dma_start3A_2934] : memref<32x128xf32, #tpu.memory_space<vmem>> -> memref<8x128xf32, #tpu.memory_space<vmem>>
      %dma_start3A_2936 = arith.constant 0 : i32
      %dma_start3A_2937 = tpu.memref_slice %arg3[%dma_start3A_2936, %multiple_of3A_2932] : memref<32x1000000xf32, #tpu.memory_space<hbm>> -> memref<8x128xf32, #tpu.memory_space<hbm>>
      %dma_start3A_2938 = arith.constant 0 : i32
      %dma_start3A_2939 = arith.constant 0 : i32
      %dma_start3A_2940 = tpu.memref_slice %arg17[%dma_start3A_2938, %dma_start3A_2939] : memref<32x128xf32, #tpu.memory_space<vmem>> -> memref<8x128xf32, #tpu.memory_space<vmem>>
      %dma_start3A_2941 = arith.constant 0 : i32
      %dma_start3A_2942 = tpu.memref_slice %arg3[%dma_start3A_2941, %multiple_of3A_2932] : memref<32x1000000xf32, #tpu.memory_space<hbm>> -> memref<8x128xf32, #tpu.memory_space<hbm>>
      tpu.enqueue_dma source(%dma_start3A_2942 : memref<8x128xf32, #tpu.memory_space<hbm>>) target(%dma_start3A_2940 : memref<8x128xf32, #tpu.memory_space<vmem>>) target_semaphore(%arg25 : memref<!tpu.dma_semaphore, #tpu.memory_space<semaphore_mem>>)
      %dma_start3A_2943 = arith.constant 8 : i32
      %dma_start3A_2944 = arith.constant 0 : i32
      %dma_start3A_2945 = tpu.memref_slice %arg17[%dma_start3A_2943, %dma_start3A_2944] : memref<32x128xf32, #tpu.memory_space<vmem>> -> memref<8x128xf32, #tpu.memory_space<vmem>>
      %dma_start3A_2946 = arith.constant 8 : i32
      %dma_start3A_2947 = tpu.memref_slice %arg3[%dma_start3A_2946, %multiple_of3A_2932] : memref<32x1000000xf32, #tpu.memory_space<hbm>> -> memref<8x128xf32, #tpu.memory_space<hbm>>
      %dma_start3A_2948 = arith.constant 8 : i32
      %dma_start3A_2949 = arith.constant 0 : i32
      %dma_start3A_2950 = tpu.memref_slice %arg17[%dma_start3A_2948, %dma_start3A_2949] : memref<32x128xf32, #tpu.memory_space<vmem>> -> memref<8x128xf32, #tpu.memory_space<vmem>>
      %dma_start3A_2951 = arith.constant 8 : i32
      %dma_start3A_2952 = tpu.memref_slice %arg3[%dma_start3A_2951, %multiple_of3A_2932] : memref<32x1000000xf32, #tpu.memory_space<hbm>> -> memref<8x128xf32, #tpu.memory_space<hbm>>
      tpu.enqueue_dma source(%dma_start3A_2952 : memref<8x128xf32, #tpu.memory_space<hbm>>) target(%dma_start3A_2950 : memref<8x128xf32, #tpu.memory_space<vmem>>) target_semaphore(%arg25 : memref<!tpu.dma_semaphore, #tpu.memory_space<semaphore_mem>>)
      %dma_start3A_2953 = arith.constant 16 : i32
      %dma_start3A_2954 = arith.constant 0 : i32
      %dma_start3A_2955 = tpu.memref_slice %arg17[%dma_start3A_2953, %dma_start3A_2954] : memref<32x128xf32, #tpu.memory_space<vmem>> -> memref<8x128xf32, #tpu.memory_space<vmem>>
      %dma_start3A_2956 = arith.constant 16 : i32
      %dma_start3A_2957 = tpu.memref_slice %arg3[%dma_start3A_2956, %multiple_of3A_2932] : memref<32x1000000xf32, #tpu.memory_space<hbm>> -> memref<8x128xf32, #tpu.memory_space<hbm>>
      %dma_start3A_2958 = arith.constant 16 : i32
      %dma_start3A_2959 = arith.constant 0 : i32
      %dma_start3A_2960 = tpu.memref_slice %arg17[%dma_start3A_2958, %dma_start3A_2959] : memref<32x128xf32, #tpu.memory_space<vmem>> -> memref<8x128xf32, #tpu.memory_space<vmem>>
      %dma_start3A_2961 = arith.constant 16 : i32
      %dma_start3A_2962 = tpu.memref_slice %arg3[%dma_start3A_2961, %multiple_of3A_2932] : memref<32x1000000xf32, #tpu.memory_space<hbm>> -> memref<8x128xf32, #tpu.memory_space<hbm>>
      tpu.enqueue_dma source(%dma_start3A_2962 : memref<8x128xf32, #tpu.memory_space<hbm>>) target(%dma_start3A_2960 : memref<8x128xf32, #tpu.memory_space<vmem>>) target_semaphore(%arg25 : memref<!tpu.dma_semaphore, #tpu.memory_space<semaphore_mem>>)
      %dma_start3A_2963 = arith.constant 24 : i32
      %dma_start3A_2964 = arith.constant 0 : i32
      %dma_start3A_2965 = tpu.memref_slice %arg17[%dma_start3A_2963, %dma_start3A_2964] : memref<32x128xf32, #tpu.memory_space<vmem>> -> memref<8x128xf32, #tpu.memory_space<vmem>>
      %dma_start3A_2966 = arith.constant 24 : i32
      %dma_start3A_2967 = tpu.memref_slice %arg3[%dma_start3A_2966, %multiple_of3A_2932] : memref<32x1000000xf32, #tpu.memory_space<hbm>> -> memref<8x128xf32, #tpu.memory_space<hbm>>
      %dma_start3A_2968 = arith.constant 24 : i32
      %dma_start3A_2969 = arith.constant 0 : i32
      %dma_start3A_2970 = tpu.memref_slice %arg17[%dma_start3A_2968, %dma_start3A_2969] : memref<32x128xf32, #tpu.memory_space<vmem>> -> memref<8x128xf32, #tpu.memory_space<vmem>>
      %dma_start3A_2971 = arith.constant 24 : i32
      %dma_start3A_2972 = tpu.memref_slice %arg3[%dma_start3A_2971, %multiple_of3A_2932] : memref<32x1000000xf32, #tpu.memory_space<hbm>> -> memref<8x128xf32, #tpu.memory_space<hbm>>
      tpu.enqueue_dma source(%dma_start3A_2972 : memref<8x128xf32, #tpu.memory_space<hbm>>) target(%dma_start3A_2970 : memref<8x128xf32, #tpu.memory_space<vmem>>) target_semaphore(%arg25 : memref<!tpu.dma_semaphore, #tpu.memory_space<semaphore_mem>>)
      %slice3A_2973 = vector.extract_strided_slice %get3A_2878 {offsets = [2], sizes = [1], strides = [1]} : vector<16xi32> to vector<1xi32>
      %squeeze3A_2974 = vector.extract %slice3A_2973[0] : i32 from vector<1xi32>
      %shift_right_logical3A_2975 = arith.constant 7 : i32
      %shift_right_logical3A_2976 = arith.shrui %squeeze3A_2974, %shift_right_logical3A_2975 : i32
      %shift_left3A_2977 = arith.constant 7 : i32
      %shift_left3A_2978 = arith.shli %shift_right_logical3A_2976, %shift_left3A_2977 : i32
      %multiple_of3A_2979 = tpu.assume_multiple %shift_left3A_2978, 128 : i32
      %dma_start3A_2980 = arith.constant 0 : i32
      %dma_start3A_2981 = arith.constant 0 : i32
      %dma_start3A_2982 = tpu.memref_slice %arg18[%dma_start3A_2980, %dma_start3A_2981] : memref<32x128xf32, #tpu.memory_space<vmem>> -> memref<8x128xf32, #tpu.memory_space<vmem>>
      %dma_start3A_2983 = arith.constant 0 : i32
      %dma_start3A_2984 = tpu.memref_slice %arg3[%dma_start3A_2983, %multiple_of3A_2979] : memref<32x1000000xf32, #tpu.memory_space<hbm>> -> memref<8x128xf32, #tpu.memory_space<hbm>>
      %dma_start3A_2985 = arith.constant 0 : i32
      %dma_start3A_2986 = arith.constant 0 : i32
      %dma_start3A_2987 = tpu.memref_slice %arg18[%dma_start3A_2985, %dma_start3A_2986] : memref<32x128xf32, #tpu.memory_space<vmem>> -> memref<8x128xf32, #tpu.memory_space<vmem>>
      %dma_start3A_2988 = arith.constant 0 : i32
      %dma_start3A_2989 = tpu.memref_slice %arg3[%dma_start3A_2988, %multiple_of3A_2979] : memref<32x1000000xf32, #tpu.memory_space<hbm>> -> memref<8x128xf32, #tpu.memory_space<hbm>>
      tpu.enqueue_dma source(%dma_start3A_2989 : memref<8x128xf32, #tpu.memory_space<hbm>>) target(%dma_start3A_2987 : memref<8x128xf32, #tpu.memory_space<vmem>>) target_semaphore(%arg25 : memref<!tpu.dma_semaphore, #tpu.memory_space<semaphore_mem>>)
      %dma_start3A_2990 = arith.constant 8 : i32
      %dma_start3A_2991 = arith.constant 0 : i32
      %dma_start3A_2992 = tpu.memref_slice %arg18[%dma_start3A_2990, %dma_start3A_2991] : memref<32x128xf32, #tpu.memory_space<vmem>> -> memref<8x128xf32, #tpu.memory_space<vmem>>
      %dma_start3A_2993 = arith.constant 8 : i32
      %dma_start3A_2994 = tpu.memref_slice %arg3[%dma_start3A_2993, %multiple_of3A_2979] : memref<32x1000000xf32, #tpu.memory_space<hbm>> -> memref<8x128xf32, #tpu.memory_space<hbm>>
      %dma_start3A_2995 = arith.constant 8 : i32
      %dma_start3A_2996 = arith.constant 0 : i32
      %dma_start3A_2997 = tpu.memref_slice %arg18[%dma_start3A_2995, %dma_start3A_2996] : memref<32x128xf32, #tpu.memory_space<vmem>> -> memref<8x128xf32, #tpu.memory_space<vmem>>
      %dma_start3A_2998 = arith.constant 8 : i32
      %dma_start3A_2999 = tpu.memref_slice %arg3[%dma_start3A_2998, %multiple_of3A_2979] : memref<32x1000000xf32, #tpu.memory_space<hbm>> -> memref<8x128xf32, #tpu.memory_space<hbm>>
      tpu.enqueue_dma source(%dma_start3A_2999 : memref<8x128xf32, #tpu.memory_space<hbm>>) target(%dma_start3A_2997 : memref<8x128xf32, #tpu.memory_space<vmem>>) target_semaphore(%arg25 : memref<!tpu.dma_semaphore, #tpu.memory_space<semaphore_mem>>)
      %dma_start3A_3000 = arith.constant 16 : i32
      %dma_start3A_3001 = arith.constant 0 : i32
      %dma_start3A_3002 = tpu.memref_slice %arg18[%dma_start3A_3000, %dma_start3A_3001] : memref<32x128xf32, #tpu.memory_space<vmem>> -> memref<8x128xf32, #tpu.memory_space<vmem>>
      %dma_start3A_3003 = arith.constant 16 : i32
      %dma_start3A_3004 = tpu.memref_slice %arg3[%dma_start3A_3003, %multiple_of3A_2979] : memref<32x1000000xf32, #tpu.memory_space<hbm>> -> memref<8x128xf32, #tpu.memory_space<hbm>>
      %dma_start3A_3005 = arith.constant 16 : i32
      %dma_start3A_3006 = arith.constant 0 : i32
      %dma_start3A_3007 = tpu.memref_slice %arg18[%dma_start3A_3005, %dma_start3A_3006] : memref<32x128xf32, #tpu.memory_space<vmem>> -> memref<8x128xf32, #tpu.memory_space<vmem>>
      %dma_start3A_3008 = arith.constant 16 : i32
      %dma_start3A_3009 = tpu.memref_slice %arg3[%dma_start3A_3008, %multiple_of3A_2979] : memref<32x1000000xf32, #tpu.memory_space<hbm>> -> memref<8x128xf32, #tpu.memory_space<hbm>>
      tpu.enqueue_dma source(%dma_start3A_3009 : memref<8x128xf32, #tpu.memory_space<hbm>>) target(%dma_start3A_3007 : memref<8x128xf32, #tpu.memory_space<vmem>>) target_semaphore(%arg25 : memref<!tpu.dma_semaphore, #tpu.memory_space<semaphore_mem>>)
      %dma_start3A_3010 = arith.constant 24 : i32
      %dma_start3A_3011 = arith.constant 0 : i32
      %dma_start3A_3012 = tpu.memref_slice %arg18[%dma_start3A_3010, %dma_start3A_3011] : memref<32x128xf32, #tpu.memory_space<vmem>> -> memref<8x128xf32, #tpu.memory_space<vmem>>
      %dma_start3A_3013 = arith.constant 24 : i32
      %dma_start3A_3014 = tpu.memref_slice %arg3[%dma_start3A_3013, %multiple_of3A_2979] : memref<32x1000000xf32, #tpu.memory_space<hbm>> -> memref<8x128xf32, #tpu.memory_space<hbm>>
      %dma_start3A_3015 = arith.constant 24 : i32
      %dma_start3A_3016 = arith.constant 0 : i32
      %dma_start3A_3017 = tpu.memref_slice %arg18[%dma_start3A_3015, %dma_start3A_3016] : memref<32x128xf32, #tpu.memory_space<vmem>> -> memref<8x128xf32, #tpu.memory_space<vmem>>
      %dma_start3A_3018 = arith.constant 24 : i32
      %dma_start3A_3019 = tpu.memref_slice %arg3[%dma_start3A_3018, %multiple_of3A_2979] : memref<32x1000000xf32, #tpu.memory_space<hbm>> -> memref<8x128xf32, #tpu.memory_space<hbm>>
      tpu.enqueue_dma source(%dma_start3A_3019 : memref<8x128xf32, #tpu.memory_space<hbm>>) target(%dma_start3A_3017 : memref<8x128xf32, #tpu.memory_space<vmem>>) target_semaphore(%arg25 : memref<!tpu.dma_semaphore, #tpu.memory_space<semaphore_mem>>)
      %slice3A_3020 = vector.extract_strided_slice %get3A_2878 {offsets = [3], sizes = [1], strides = [1]} : vector<16xi32> to vector<1xi32>
      %squeeze3A_3021 = vector.extract %slice3A_3020[0] : i32 from vector<1xi32>
      %shift_right_logical3A_3022 = arith.constant 7 : i32
      %shift_right_logical3A_3023 = arith.shrui %squeeze3A_3021, %shift_right_logical3A_3022 : i32
      %shift_left3A_3024 = arith.constant 7 : i32
      %shift_left3A_3025 = arith.shli %shift_right_logical3A_3023, %shift_left3A_3024 : i32
      %multiple_of3A_3026 = tpu.assume_multiple %shift_left3A_3025, 128 : i32
      %dma_start3A_3027 = arith.constant 0 : i32
      %dma_start3A_3028 = arith.constant 0 : i32
      %dma_start3A_3029 = tpu.memref_slice %arg19[%dma_start3A_3027, %dma_start3A_3028] : memref<32x128xf32, #tpu.memory_space<vmem>> -> memref<8x128xf32, #tpu.memory_space<vmem>>
      %dma_start3A_3030 = arith.constant 0 : i32
      %dma_start3A_3031 = tpu.memref_slice %arg3[%dma_start3A_3030, %multiple_of3A_3026] : memref<32x1000000xf32, #tpu.memory_space<hbm>> -> memref<8x128xf32, #tpu.memory_space<hbm>>
      %dma_start3A_3032 = arith.constant 0 : i32
      %dma_start3A_3033 = arith.constant 0 : i32
      %dma_start3A_3034 = tpu.memref_slice %arg19[%dma_start3A_3032, %dma_start3A_3033] : memref<32x128xf32, #tpu.memory_space<vmem>> -> memref<8x128xf32, #tpu.memory_space<vmem>>
      %dma_start3A_3035 = arith.constant 0 : i32
      %dma_start3A_3036 = tpu.memref_slice %arg3[%dma_start3A_3035, %multiple_of3A_3026] : memref<32x1000000xf32, #tpu.memory_space<hbm>> -> memref<8x128xf32, #tpu.memory_space<hbm>>
      tpu.enqueue_dma source(%dma_start3A_3036 : memref<8x128xf32, #tpu.memory_space<hbm>>) target(%dma_start3A_3034 : memref<8x128xf32, #tpu.memory_space<vmem>>) target_semaphore(%arg25 : memref<!tpu.dma_semaphore, #tpu.memory_space<semaphore_mem>>)
      %dma_start3A_3037 = arith.constant 8 : i32
      %dma_start3A_3038 = arith.constant 0 : i32
      %dma_start3A_3039 = tpu.memref_slice %arg19[%dma_start3A_3037, %dma_start3A_3038] : memref<32x128xf32, #tpu.memory_space<vmem>> -> memref<8x128xf32, #tpu.memory_space<vmem>>
      %dma_start3A_3040 = arith.constant 8 : i32
      %dma_start3A_3041 = tpu.memref_slice %arg3[%dma_start3A_3040, %multiple_of3A_3026] : memref<32x1000000xf32, #tpu.memory_space<hbm>> -> memref<8x128xf32, #tpu.memory_space<hbm>>
      %dma_start3A_3042 = arith.constant 8 : i32
      %dma_start3A_3043 = arith.constant 0 : i32
      %dma_start3A_3044 = tpu.memref_slice %arg19[%dma_start3A_3042, %dma_start3A_3043] : memref<32x128xf32, #tpu.memory_space<vmem>> -> memref<8x128xf32, #tpu.memory_space<vmem>>
      %dma_start3A_3045 = arith.constant 8 : i32
      %dma_start3A_3046 = tpu.memref_slice %arg3[%dma_start3A_3045, %multiple_of3A_3026] : memref<32x1000000xf32, #tpu.memory_space<hbm>> -> memref<8x128xf32, #tpu.memory_space<hbm>>
      tpu.enqueue_dma source(%dma_start3A_3046 : memref<8x128xf32, #tpu.memory_space<hbm>>) target(%dma_start3A_3044 : memref<8x128xf32, #tpu.memory_space<vmem>>) target_semaphore(%arg25 : memref<!tpu.dma_semaphore, #tpu.memory_space<semaphore_mem>>)
      %dma_start3A_3047 = arith.constant 16 : i32
      %dma_start3A_3048 = arith.constant 0 : i32
      %dma_start3A_3049 = tpu.memref_slice %arg19[%dma_start3A_3047, %dma_start3A_3048] : memref<32x128xf32, #tpu.memory_space<vmem>> -> memref<8x128xf32, #tpu.memory_space<vmem>>
      %dma_start3A_3050 = arith.constant 16 : i32
      %dma_start3A_3051 = tpu.memref_slice %arg3[%dma_start3A_3050, %multiple_of3A_3026] : memref<32x1000000xf32, #tpu.memory_space<hbm>> -> memref<8x128xf32, #tpu.memory_space<hbm>>
      %dma_start3A_3052 = arith.constant 16 : i32
      %dma_start3A_3053 = arith.constant 0 : i32
      %dma_start3A_3054 = tpu.memref_slice %arg19[%dma_start3A_3052, %dma_start3A_3053] : memref<32x128xf32, #tpu.memory_space<vmem>> -> memref<8x128xf32, #tpu.memory_space<vmem>>
      %dma_start3A_3055 = arith.constant 16 : i32
      %dma_start3A_3056 = tpu.memref_slice %arg3[%dma_start3A_3055, %multiple_of3A_3026] : memref<32x1000000xf32, #tpu.memory_space<hbm>> -> memref<8x128xf32, #tpu.memory_space<hbm>>
      tpu.enqueue_dma source(%dma_start3A_3056 : memref<8x128xf32, #tpu.memory_space<hbm>>) target(%dma_start3A_3054 : memref<8x128xf32, #tpu.memory_space<vmem>>) target_semaphore(%arg25 : memref<!tpu.dma_semaphore, #tpu.memory_space<semaphore_mem>>)
      %dma_start3A_3057 = arith.constant 24 : i32
      %dma_start3A_3058 = arith.constant 0 : i32
      %dma_start3A_3059 = tpu.memref_slice %arg19[%dma_start3A_3057, %dma_start3A_3058] : memref<32x128xf32, #tpu.memory_space<vmem>> -> memref<8x128xf32, #tpu.memory_space<vmem>>
      %dma_start3A_3060 = arith.constant 24 : i32
      %dma_start3A_3061 = tpu.memref_slice %arg3[%dma_start3A_3060, %multiple_of3A_3026] : memref<32x1000000xf32, #tpu.memory_space<hbm>> -> memref<8x128xf32, #tpu.memory_space<hbm>>
      %dma_start3A_3062 = arith.constant 24 : i32
      %dma_start3A_3063 = arith.constant 0 : i32
      %dma_start3A_3064 = tpu.memref_slice %arg19[%dma_start3A_3062, %dma_start3A_3063] : memref<32x128xf32, #tpu.memory_space<vmem>> -> memref<8x128xf32, #tpu.memory_space<vmem>>
      %dma_start3A_3065 = arith.constant 24 : i32
      %dma_start3A_3066 = tpu.memref_slice %arg3[%dma_start3A_3065, %multiple_of3A_3026] : memref<32x1000000xf32, #tpu.memory_space<hbm>> -> memref<8x128xf32, #tpu.memory_space<hbm>>
      tpu.enqueue_dma source(%dma_start3A_3066 : memref<8x128xf32, #tpu.memory_space<hbm>>) target(%dma_start3A_3064 : memref<8x128xf32, #tpu.memory_space<vmem>>) target_semaphore(%arg25 : memref<!tpu.dma_semaphore, #tpu.memory_space<semaphore_mem>>)
      %slice3A_3067 = vector.extract_strided_slice %get3A_2878 {offsets = [4], sizes = [1], strides = [1]} : vector<16xi32> to vector<1xi32>
      %squeeze3A_3068 = vector.extract %slice3A_3067[0] : i32 from vector<1xi32>
      %shift_right_logical3A_3069 = arith.constant 7 : i32
      %shift_right_logical3A_3070 = arith.shrui %squeeze3A_3068, %shift_right_logical3A_3069 : i32
      %shift_left3A_3071 = arith.constant 7 : i32
      %shift_left3A_3072 = arith.shli %shift_right_logical3A_3070, %shift_left3A_3071 : i32
      %multiple_of3A_3073 = tpu.assume_multiple %shift_left3A_3072, 128 : i32
      %dma_start3A_3074 = arith.constant 0 : i32
      %dma_start3A_3075 = arith.constant 0 : i32
      %dma_start3A_3076 = tpu.memref_slice %arg20[%dma_start3A_3074, %dma_start3A_3075] : memref<32x128xf32, #tpu.memory_space<vmem>> -> memref<8x128xf32, #tpu.memory_space<vmem>>
      %dma_start3A_3077 = arith.constant 0 : i32
      %dma_start3A_3078 = tpu.memref_slice %arg3[%dma_start3A_3077, %multiple_of3A_3073] : memref<32x1000000xf32, #tpu.memory_space<hbm>> -> memref<8x128xf32, #tpu.memory_space<hbm>>
      %dma_start3A_3079 = arith.constant 0 : i32
      %dma_start3A_3080 = arith.constant 0 : i32
      %dma_start3A_3081 = tpu.memref_slice %arg20[%dma_start3A_3079, %dma_start3A_3080] : memref<32x128xf32, #tpu.memory_space<vmem>> -> memref<8x128xf32, #tpu.memory_space<vmem>>
      %dma_start3A_3082 = arith.constant 0 : i32
      %dma_start3A_3083 = tpu.memref_slice %arg3[%dma_start3A_3082, %multiple_of3A_3073] : memref<32x1000000xf32, #tpu.memory_space<hbm>> -> memref<8x128xf32, #tpu.memory_space<hbm>>
      tpu.enqueue_dma source(%dma_start3A_3083 : memref<8x128xf32, #tpu.memory_space<hbm>>) target(%dma_start3A_3081 : memref<8x128xf32, #tpu.memory_space<vmem>>) target_semaphore(%arg25 : memref<!tpu.dma_semaphore, #tpu.memory_space<semaphore_mem>>)
      %dma_start3A_3084 = arith.constant 8 : i32
      %dma_start3A_3085 = arith.constant 0 : i32
      %dma_start3A_3086 = tpu.memref_slice %arg20[%dma_start3A_3084, %dma_start3A_3085] : memref<32x128xf32, #tpu.memory_space<vmem>> -> memref<8x128xf32, #tpu.memory_space<vmem>>
      %dma_start3A_3087 = arith.constant 8 : i32
      %dma_start3A_3088 = tpu.memref_slice %arg3[%dma_start3A_3087, %multiple_of3A_3073] : memref<32x1000000xf32, #tpu.memory_space<hbm>> -> memref<8x128xf32, #tpu.memory_space<hbm>>
      %dma_start3A_3089 = arith.constant 8 : i32
      %dma_start3A_3090 = arith.constant 0 : i32
      %dma_start3A_3091 = tpu.memref_slice %arg20[%dma_start3A_3089, %dma_start3A_3090] : memref<32x128xf32, #tpu.memory_space<vmem>> -> memref<8x128xf32, #tpu.memory_space<vmem>>
      %dma_start3A_3092 = arith.constant 8 : i32
      %dma_start3A_3093 = tpu.memref_slice %arg3[%dma_start3A_3092, %multiple_of3A_3073] : memref<32x1000000xf32, #tpu.memory_space<hbm>> -> memref<8x128xf32, #tpu.memory_space<hbm>>
      tpu.enqueue_dma source(%dma_start3A_3093 : memref<8x128xf32, #tpu.memory_space<hbm>>) target(%dma_start3A_3091 : memref<8x128xf32, #tpu.memory_space<vmem>>) target_semaphore(%arg25 : memref<!tpu.dma_semaphore, #tpu.memory_space<semaphore_mem>>)
      %dma_start3A_3094 = arith.constant 16 : i32
      %dma_start3A_3095 = arith.constant 0 : i32
      %dma_start3A_3096 = tpu.memref_slice %arg20[%dma_start3A_3094, %dma_start3A_3095] : memref<32x128xf32, #tpu.memory_space<vmem>> -> memref<8x128xf32, #tpu.memory_space<vmem>>
      %dma_start3A_3097 = arith.constant 16 : i32
      %dma_start3A_3098 = tpu.memref_slice %arg3[%dma_start3A_3097, %multiple_of3A_3073] : memref<32x1000000xf32, #tpu.memory_space<hbm>> -> memref<8x128xf32, #tpu.memory_space<hbm>>
      %dma_start3A_3099 = arith.constant 16 : i32
      %dma_start3A_3100 = arith.constant 0 : i32
      %dma_start3A_3101 = tpu.memref_slice %arg20[%dma_start3A_3099, %dma_start3A_3100] : memref<32x128xf32, #tpu.memory_space<vmem>> -> memref<8x128xf32, #tpu.memory_space<vmem>>
      %dma_start3A_3102 = arith.constant 16 : i32
      %dma_start3A_3103 = tpu.memref_slice %arg3[%dma_start3A_3102, %multiple_of3A_3073] : memref<32x1000000xf32, #tpu.memory_space<hbm>> -> memref<8x128xf32, #tpu.memory_space<hbm>>
      tpu.enqueue_dma source(%dma_start3A_3103 : memref<8x128xf32, #tpu.memory_space<hbm>>) target(%dma_start3A_3101 : memref<8x128xf32, #tpu.memory_space<vmem>>) target_semaphore(%arg25 : memref<!tpu.dma_semaphore, #tpu.memory_space<semaphore_mem>>)
      %dma_start3A_3104 = arith.constant 24 : i32
      %dma_start3A_3105 = arith.constant 0 : i32
      %dma_start3A_3106 = tpu.memref_slice %arg20[%dma_start3A_3104, %dma_start3A_3105] : memref<32x128xf32, #tpu.memory_space<vmem>> -> memref<8x128xf32, #tpu.memory_space<vmem>>
      %dma_start3A_3107 = arith.constant 24 : i32
      %dma_start3A_3108 = tpu.memref_slice %arg3[%dma_start3A_3107, %multiple_of3A_3073] : memref<32x1000000xf32, #tpu.memory_space<hbm>> -> memref<8x128xf32, #tpu.memory_space<hbm>>
      %dma_start3A_3109 = arith.constant 24 : i32
      %dma_start3A_3110 = arith.constant 0 : i32
      %dma_start3A_3111 = tpu.memref_slice %arg20[%dma_start3A_3109, %dma_start3A_3110] : memref<32x128xf32, #tpu.memory_space<vmem>> -> memref<8x128xf32, #tpu.memory_space<vmem>>
      %dma_start3A_3112 = arith.constant 24 : i32
      %dma_start3A_3113 = tpu.memref_slice %arg3[%dma_start3A_3112, %multiple_of3A_3073] : memref<32x1000000xf32, #tpu.memory_space<hbm>> -> memref<8x128xf32, #tpu.memory_space<hbm>>
      tpu.enqueue_dma source(%dma_start3A_3113 : memref<8x128xf32, #tpu.memory_space<hbm>>) target(%dma_start3A_3111 : memref<8x128xf32, #tpu.memory_space<vmem>>) target_semaphore(%arg25 : memref<!tpu.dma_semaphore, #tpu.memory_space<semaphore_mem>>)
      %slice3A_3114 = vector.extract_strided_slice %get3A_2878 {offsets = [5], sizes = [1], strides = [1]} : vector<16xi32> to vector<1xi32>
      %squeeze3A_3115 = vector.extract %slice3A_3114[0] : i32 from vector<1xi32>
      %shift_right_logical3A_3116 = arith.constant 7 : i32
      %shift_right_logical3A_3117 = arith.shrui %squeeze3A_3115, %shift_right_logical3A_3116 : i32
      %shift_left3A_3118 = arith.constant 7 : i32
      %shift_left3A_3119 = arith.shli %shift_right_logical3A_3117, %shift_left3A_3118 : i32
      %multiple_of3A_3120 = tpu.assume_multiple %shift_left3A_3119, 128 : i32
      %dma_start3A_3121 = arith.constant 0 : i32
      %dma_start3A_3122 = arith.constant 0 : i32
      %dma_start3A_3123 = tpu.memref_slice %arg21[%dma_start3A_3121, %dma_start3A_3122] : memref<32x128xf32, #tpu.memory_space<vmem>> -> memref<8x128xf32, #tpu.memory_space<vmem>>
      %dma_start3A_3124 = arith.constant 0 : i32
      %dma_start3A_3125 = tpu.memref_slice %arg3[%dma_start3A_3124, %multiple_of3A_3120] : memref<32x1000000xf32, #tpu.memory_space<hbm>> -> memref<8x128xf32, #tpu.memory_space<hbm>>
      %dma_start3A_3126 = arith.constant 0 : i32
      %dma_start3A_3127 = arith.constant 0 : i32
      %dma_start3A_3128 = tpu.memref_slice %arg21[%dma_start3A_3126, %dma_start3A_3127] : memref<32x128xf32, #tpu.memory_space<vmem>> -> memref<8x128xf32, #tpu.memory_space<vmem>>
      %dma_start3A_3129 = arith.constant 0 : i32
      %dma_start3A_3130 = tpu.memref_slice %arg3[%dma_start3A_3129, %multiple_of3A_3120] : memref<32x1000000xf32, #tpu.memory_space<hbm>> -> memref<8x128xf32, #tpu.memory_space<hbm>>
      tpu.enqueue_dma source(%dma_start3A_3130 : memref<8x128xf32, #tpu.memory_space<hbm>>) target(%dma_start3A_3128 : memref<8x128xf32, #tpu.memory_space<vmem>>) target_semaphore(%arg25 : memref<!tpu.dma_semaphore, #tpu.memory_space<semaphore_mem>>)
      %dma_start3A_3131 = arith.constant 8 : i32
      %dma_start3A_3132 = arith.constant 0 : i32
      %dma_start3A_3133 = tpu.memref_slice %arg21[%dma_start3A_3131, %dma_start3A_3132] : memref<32x128xf32, #tpu.memory_space<vmem>> -> memref<8x128xf32, #tpu.memory_space<vmem>>
      %dma_start3A_3134 = arith.constant 8 : i32
      %dma_start3A_3135 = tpu.memref_slice %arg3[%dma_start3A_3134, %multiple_of3A_3120] : memref<32x1000000xf32, #tpu.memory_space<hbm>> -> memref<8x128xf32, #tpu.memory_space<hbm>>
      %dma_start3A_3136 = arith.constant 8 : i32
      %dma_start3A_3137 = arith.constant 0 : i32
      %dma_start3A_3138 = tpu.memref_slice %arg21[%dma_start3A_3136, %dma_start3A_3137] : memref<32x128xf32, #tpu.memory_space<vmem>> -> memref<8x128xf32, #tpu.memory_space<vmem>>
      %dma_start3A_3139 = arith.constant 8 : i32
      %dma_start3A_3140 = tpu.memref_slice %arg3[%dma_start3A_3139, %multiple_of3A_3120] : memref<32x1000000xf32, #tpu.memory_space<hbm>> -> memref<8x128xf32, #tpu.memory_space<hbm>>
      tpu.enqueue_dma source(%dma_start3A_3140 : memref<8x128xf32, #tpu.memory_space<hbm>>) target(%dma_start3A_3138 : memref<8x128xf32, #tpu.memory_space<vmem>>) target_semaphore(%arg25 : memref<!tpu.dma_semaphore, #tpu.memory_space<semaphore_mem>>)
      %dma_start3A_3141 = arith.constant 16 : i32
      %dma_start3A_3142 = arith.constant 0 : i32
      %dma_start3A_3143 = tpu.memref_slice %arg21[%dma_start3A_3141, %dma_start3A_3142] : memref<32x128xf32, #tpu.memory_space<vmem>> -> memref<8x128xf32, #tpu.memory_space<vmem>>
      %dma_start3A_3144 = arith.constant 16 : i32
      %dma_start3A_3145 = tpu.memref_slice %arg3[%dma_start3A_3144, %multiple_of3A_3120] : memref<32x1000000xf32, #tpu.memory_space<hbm>> -> memref<8x128xf32, #tpu.memory_space<hbm>>
      %dma_start3A_3146 = arith.constant 16 : i32
      %dma_start3A_3147 = arith.constant 0 : i32
      %dma_start3A_3148 = tpu.memref_slice %arg21[%dma_start3A_3146, %dma_start3A_3147] : memref<32x128xf32, #tpu.memory_space<vmem>> -> memref<8x128xf32, #tpu.memory_space<vmem>>
      %dma_start3A_3149 = arith.constant 16 : i32
      %dma_start3A_3150 = tpu.memref_slice %arg3[%dma_start3A_3149, %multiple_of3A_3120] : memref<32x1000000xf32, #tpu.memory_space<hbm>> -> memref<8x128xf32, #tpu.memory_space<hbm>>
      tpu.enqueue_dma source(%dma_start3A_3150 : memref<8x128xf32, #tpu.memory_space<hbm>>) target(%dma_start3A_3148 : memref<8x128xf32, #tpu.memory_space<vmem>>) target_semaphore(%arg25 : memref<!tpu.dma_semaphore, #tpu.memory_space<semaphore_mem>>)
      %dma_start3A_3151 = arith.constant 24 : i32
      %dma_start3A_3152 = arith.constant 0 : i32
      %dma_start3A_3153 = tpu.memref_slice %arg21[%dma_start3A_3151, %dma_start3A_3152] : memref<32x128xf32, #tpu.memory_space<vmem>> -> memref<8x128xf32, #tpu.memory_space<vmem>>
      %dma_start3A_3154 = arith.constant 24 : i32
      %dma_start3A_3155 = tpu.memref_slice %arg3[%dma_start3A_3154, %multiple_of3A_3120] : memref<32x1000000xf32, #tpu.memory_space<hbm>> -> memref<8x128xf32, #tpu.memory_space<hbm>>
      %dma_start3A_3156 = arith.constant 24 : i32
      %dma_start3A_3157 = arith.constant 0 : i32
      %dma_start3A_3158 = tpu.memref_slice %arg21[%dma_start3A_3156, %dma_start3A_3157] : memref<32x128xf32, #tpu.memory_space<vmem>> -> memref<8x128xf32, #tpu.memory_space<vmem>>
      %dma_start3A_3159 = arith.constant 24 : i32
      %dma_start3A_3160 = tpu.memref_slice %arg3[%dma_start3A_3159, %multiple_of3A_3120] : memref<32x1000000xf32, #tpu.memory_space<hbm>> -> memref<8x128xf32, #tpu.memory_space<hbm>>
      tpu.enqueue_dma source(%dma_start3A_3160 : memref<8x128xf32, #tpu.memory_space<hbm>>) target(%dma_start3A_3158 : memref<8x128xf32, #tpu.memory_space<vmem>>) target_semaphore(%arg25 : memref<!tpu.dma_semaphore, #tpu.memory_space<semaphore_mem>>)
      %slice3A_3161 = vector.extract_strided_slice %get3A_2878 {offsets = [6], sizes = [1], strides = [1]} : vector<16xi32> to vector<1xi32>
      %squeeze3A_3162 = vector.extract %slice3A_3161[0] : i32 from vector<1xi32>
      %shift_right_logical3A_3163 = arith.constant 7 : i32
      %shift_right_logical3A_3164 = arith.shrui %squeeze3A_3162, %shift_right_logical3A_3163 : i32
      %shift_left3A_3165 = arith.constant 7 : i32
      %shift_left3A_3166 = arith.shli %shift_right_logical3A_3164, %shift_left3A_3165 : i32
      %multiple_of3A_3167 = tpu.assume_multiple %shift_left3A_3166, 128 : i32
      %dma_start3A_3168 = arith.constant 0 : i32
      %dma_start3A_3169 = arith.constant 0 : i32
      %dma_start3A_3170 = tpu.memref_slice %arg22[%dma_start3A_3168, %dma_start3A_3169] : memref<32x128xf32, #tpu.memory_space<vmem>> -> memref<8x128xf32, #tpu.memory_space<vmem>>
      %dma_start3A_3171 = arith.constant 0 : i32
      %dma_start3A_3172 = tpu.memref_slice %arg3[%dma_start3A_3171, %multiple_of3A_3167] : memref<32x1000000xf32, #tpu.memory_space<hbm>> -> memref<8x128xf32, #tpu.memory_space<hbm>>
      %dma_start3A_3173 = arith.constant 0 : i32
      %dma_start3A_3174 = arith.constant 0 : i32
      %dma_start3A_3175 = tpu.memref_slice %arg22[%dma_start3A_3173, %dma_start3A_3174] : memref<32x128xf32, #tpu.memory_space<vmem>> -> memref<8x128xf32, #tpu.memory_space<vmem>>
      %dma_start3A_3176 = arith.constant 0 : i32
      %dma_start3A_3177 = tpu.memref_slice %arg3[%dma_start3A_3176, %multiple_of3A_3167] : memref<32x1000000xf32, #tpu.memory_space<hbm>> -> memref<8x128xf32, #tpu.memory_space<hbm>>
      tpu.enqueue_dma source(%dma_start3A_3177 : memref<8x128xf32, #tpu.memory_space<hbm>>) target(%dma_start3A_3175 : memref<8x128xf32, #tpu.memory_space<vmem>>) target_semaphore(%arg25 : memref<!tpu.dma_semaphore, #tpu.memory_space<semaphore_mem>>)
      %dma_start3A_3178 = arith.constant 8 : i32
      %dma_start3A_3179 = arith.constant 0 : i32
      %dma_start3A_3180 = tpu.memref_slice %arg22[%dma_start3A_3178, %dma_start3A_3179] : memref<32x128xf32, #tpu.memory_space<vmem>> -> memref<8x128xf32, #tpu.memory_space<vmem>>
      %dma_start3A_3181 = arith.constant 8 : i32
      %dma_start3A_3182 = tpu.memref_slice %arg3[%dma_start3A_3181, %multiple_of3A_3167] : memref<32x1000000xf32, #tpu.memory_space<hbm>> -> memref<8x128xf32, #tpu.memory_space<hbm>>
      %dma_start3A_3183 = arith.constant 8 : i32
      %dma_start3A_3184 = arith.constant 0 : i32
      %dma_start3A_3185 = tpu.memref_slice %arg22[%dma_start3A_3183, %dma_start3A_3184] : memref<32x128xf32, #tpu.memory_space<vmem>> -> memref<8x128xf32, #tpu.memory_space<vmem>>
      %dma_start3A_3186 = arith.constant 8 : i32
      %dma_start3A_3187 = tpu.memref_slice %arg3[%dma_start3A_3186, %multiple_of3A_3167] : memref<32x1000000xf32, #tpu.memory_space<hbm>> -> memref<8x128xf32, #tpu.memory_space<hbm>>
      tpu.enqueue_dma source(%dma_start3A_3187 : memref<8x128xf32, #tpu.memory_space<hbm>>) target(%dma_start3A_3185 : memref<8x128xf32, #tpu.memory_space<vmem>>) target_semaphore(%arg25 : memref<!tpu.dma_semaphore, #tpu.memory_space<semaphore_mem>>)
      %dma_start3A_3188 = arith.constant 16 : i32
      %dma_start3A_3189 = arith.constant 0 : i32
      %dma_start3A_3190 = tpu.memref_slice %arg22[%dma_start3A_3188, %dma_start3A_3189] : memref<32x128xf32, #tpu.memory_space<vmem>> -> memref<8x128xf32, #tpu.memory_space<vmem>>
      %dma_start3A_3191 = arith.constant 16 : i32
      %dma_start3A_3192 = tpu.memref_slice %arg3[%dma_start3A_3191, %multiple_of3A_3167] : memref<32x1000000xf32, #tpu.memory_space<hbm>> -> memref<8x128xf32, #tpu.memory_space<hbm>>
      %dma_start3A_3193 = arith.constant 16 : i32
      %dma_start3A_3194 = arith.constant 0 : i32
      %dma_start3A_3195 = tpu.memref_slice %arg22[%dma_start3A_3193, %dma_start3A_3194] : memref<32x128xf32, #tpu.memory_space<vmem>> -> memref<8x128xf32, #tpu.memory_space<vmem>>
      %dma_start3A_3196 = arith.constant 16 : i32
      %dma_start3A_3197 = tpu.memref_slice %arg3[%dma_start3A_3196, %multiple_of3A_3167] : memref<32x1000000xf32, #tpu.memory_space<hbm>> -> memref<8x128xf32, #tpu.memory_space<hbm>>
      tpu.enqueue_dma source(%dma_start3A_3197 : memref<8x128xf32, #tpu.memory_space<hbm>>) target(%dma_start3A_3195 : memref<8x128xf32, #tpu.memory_space<vmem>>) target_semaphore(%arg25 : memref<!tpu.dma_semaphore, #tpu.memory_space<semaphore_mem>>)
      %dma_start3A_3198 = arith.constant 24 : i32
      %dma_start3A_3199 = arith.constant 0 : i32
      %dma_start3A_3200 = tpu.memref_slice %arg22[%dma_start3A_3198, %dma_start3A_3199] : memref<32x128xf32, #tpu.memory_space<vmem>> -> memref<8x128xf32, #tpu.memory_space<vmem>>
      %dma_start3A_3201 = arith.constant 24 : i32
      %dma_start3A_3202 = tpu.memref_slice %arg3[%dma_start3A_3201, %multiple_of3A_3167] : memref<32x1000000xf32, #tpu.memory_space<hbm>> -> memref<8x128xf32, #tpu.memory_space<hbm>>
      %dma_start3A_3203 = arith.constant 24 : i32
      %dma_start3A_3204 = arith.constant 0 : i32
      %dma_start3A_3205 = tpu.memref_slice %arg22[%dma_start3A_3203, %dma_start3A_3204] : memref<32x128xf32, #tpu.memory_space<vmem>> -> memref<8x128xf32, #tpu.memory_space<vmem>>
      %dma_start3A_3206 = arith.constant 24 : i32
      %dma_start3A_3207 = tpu.memref_slice %arg3[%dma_start3A_3206, %multiple_of3A_3167] : memref<32x1000000xf32, #tpu.memory_space<hbm>> -> memref<8x128xf32, #tpu.memory_space<hbm>>
      tpu.enqueue_dma source(%dma_start3A_3207 : memref<8x128xf32, #tpu.memory_space<hbm>>) target(%dma_start3A_3205 : memref<8x128xf32, #tpu.memory_space<vmem>>) target_semaphore(%arg25 : memref<!tpu.dma_semaphore, #tpu.memory_space<semaphore_mem>>)
      %slice3A_3208 = vector.extract_strided_slice %get3A_2878 {offsets = [7], sizes = [1], strides = [1]} : vector<16xi32> to vector<1xi32>
      %squeeze3A_3209 = vector.extract %slice3A_3208[0] : i32 from vector<1xi32>
      %shift_right_logical3A_3210 = arith.constant 7 : i32
      %shift_right_logical3A_3211 = arith.shrui %squeeze3A_3209, %shift_right_logical3A_3210 : i32
      %shift_left3A_3212 = arith.constant 7 : i32
      %shift_left3A_3213 = arith.shli %shift_right_logical3A_3211, %shift_left3A_3212 : i32
      %multiple_of3A_3214 = tpu.assume_multiple %shift_left3A_3213, 128 : i32
      %dma_start3A_3215 = arith.constant 0 : i32
      %dma_start3A_3216 = arith.constant 0 : i32
      %dma_start3A_3217 = tpu.memref_slice %arg23[%dma_start3A_3215, %dma_start3A_3216] : memref<32x128xf32, #tpu.memory_space<vmem>> -> memref<8x128xf32, #tpu.memory_space<vmem>>
      %dma_start3A_3218 = arith.constant 0 : i32
      %dma_start3A_3219 = tpu.memref_slice %arg3[%dma_start3A_3218, %multiple_of3A_3214] : memref<32x1000000xf32, #tpu.memory_space<hbm>> -> memref<8x128xf32, #tpu.memory_space<hbm>>
      %dma_start3A_3220 = arith.constant 0 : i32
      %dma_start3A_3221 = arith.constant 0 : i32
      %dma_start3A_3222 = tpu.memref_slice %arg23[%dma_start3A_3220, %dma_start3A_3221] : memref<32x128xf32, #tpu.memory_space<vmem>> -> memref<8x128xf32, #tpu.memory_space<vmem>>
      %dma_start3A_3223 = arith.constant 0 : i32
      %dma_start3A_3224 = tpu.memref_slice %arg3[%dma_start3A_3223, %multiple_of3A_3214] : memref<32x1000000xf32, #tpu.memory_space<hbm>> -> memref<8x128xf32, #tpu.memory_space<hbm>>
      tpu.enqueue_dma source(%dma_start3A_3224 : memref<8x128xf32, #tpu.memory_space<hbm>>) target(%dma_start3A_3222 : memref<8x128xf32, #tpu.memory_space<vmem>>) target_semaphore(%arg25 : memref<!tpu.dma_semaphore, #tpu.memory_space<semaphore_mem>>)
      %dma_start3A_3225 = arith.constant 8 : i32
      %dma_start3A_3226 = arith.constant 0 : i32
      %dma_start3A_3227 = tpu.memref_slice %arg23[%dma_start3A_3225, %dma_start3A_3226] : memref<32x128xf32, #tpu.memory_space<vmem>> -> memref<8x128xf32, #tpu.memory_space<vmem>>
      %dma_start3A_3228 = arith.constant 8 : i32
      %dma_start3A_3229 = tpu.memref_slice %arg3[%dma_start3A_3228, %multiple_of3A_3214] : memref<32x1000000xf32, #tpu.memory_space<hbm>> -> memref<8x128xf32, #tpu.memory_space<hbm>>
      %dma_start3A_3230 = arith.constant 8 : i32
      %dma_start3A_3231 = arith.constant 0 : i32
      %dma_start3A_3232 = tpu.memref_slice %arg23[%dma_start3A_3230, %dma_start3A_3231] : memref<32x128xf32, #tpu.memory_space<vmem>> -> memref<8x128xf32, #tpu.memory_space<vmem>>
      %dma_start3A_3233 = arith.constant 8 : i32
      %dma_start3A_3234 = tpu.memref_slice %arg3[%dma_start3A_3233, %multiple_of3A_3214] : memref<32x1000000xf32, #tpu.memory_space<hbm>> -> memref<8x128xf32, #tpu.memory_space<hbm>>
      tpu.enqueue_dma source(%dma_start3A_3234 : memref<8x128xf32, #tpu.memory_space<hbm>>) target(%dma_start3A_3232 : memref<8x128xf32, #tpu.memory_space<vmem>>) target_semaphore(%arg25 : memref<!tpu.dma_semaphore, #tpu.memory_space<semaphore_mem>>)
      %dma_start3A_3235 = arith.constant 16 : i32
      %dma_start3A_3236 = arith.constant 0 : i32
      %dma_start3A_3237 = tpu.memref_slice %arg23[%dma_start3A_3235, %dma_start3A_3236] : memref<32x128xf32, #tpu.memory_space<vmem>> -> memref<8x128xf32, #tpu.memory_space<vmem>>
      %dma_start3A_3238 = arith.constant 16 : i32
      %dma_start3A_3239 = tpu.memref_slice %arg3[%dma_start3A_3238, %multiple_of3A_3214] : memref<32x1000000xf32, #tpu.memory_space<hbm>> -> memref<8x128xf32, #tpu.memory_space<hbm>>
      %dma_start3A_3240 = arith.constant 16 : i32
      %dma_start3A_3241 = arith.constant 0 : i32
      %dma_start3A_3242 = tpu.memref_slice %arg23[%dma_start3A_3240, %dma_start3A_3241] : memref<32x128xf32, #tpu.memory_space<vmem>> -> memref<8x128xf32, #tpu.memory_space<vmem>>
      %dma_start3A_3243 = arith.constant 16 : i32
      %dma_start3A_3244 = tpu.memref_slice %arg3[%dma_start3A_3243, %multiple_of3A_3214] : memref<32x1000000xf32, #tpu.memory_space<hbm>> -> memref<8x128xf32, #tpu.memory_space<hbm>>
      tpu.enqueue_dma source(%dma_start3A_3244 : memref<8x128xf32, #tpu.memory_space<hbm>>) target(%dma_start3A_3242 : memref<8x128xf32, #tpu.memory_space<vmem>>) target_semaphore(%arg25 : memref<!tpu.dma_semaphore, #tpu.memory_space<semaphore_mem>>)
      %dma_start3A_3245 = arith.constant 24 : i32
      %dma_start3A_3246 = arith.constant 0 : i32
      %dma_start3A_3247 = tpu.memref_slice %arg23[%dma_start3A_3245, %dma_start3A_3246] : memref<32x128xf32, #tpu.memory_space<vmem>> -> memref<8x128xf32, #tpu.memory_space<vmem>>
      %dma_start3A_3248 = arith.constant 24 : i32
      %dma_start3A_3249 = tpu.memref_slice %arg3[%dma_start3A_3248, %multiple_of3A_3214] : memref<32x1000000xf32, #tpu.memory_space<hbm>> -> memref<8x128xf32, #tpu.memory_space<hbm>>
      %dma_start3A_3250 = arith.constant 24 : i32
      %dma_start3A_3251 = arith.constant 0 : i32
      %dma_start3A_3252 = tpu.memref_slice %arg23[%dma_start3A_3250, %dma_start3A_3251] : memref<32x128xf32, #tpu.memory_space<vmem>> -> memref<8x128xf32, #tpu.memory_space<vmem>>
      %dma_start3A_3253 = arith.constant 24 : i32
      %dma_start3A_3254 = tpu.memref_slice %arg3[%dma_start3A_3253, %multiple_of3A_3214] : memref<32x1000000xf32, #tpu.memory_space<hbm>> -> memref<8x128xf32, #tpu.memory_space<hbm>>
      tpu.enqueue_dma source(%dma_start3A_3254 : memref<8x128xf32, #tpu.memory_space<hbm>>) target(%dma_start3A_3252 : memref<8x128xf32, #tpu.memory_space<vmem>>) target_semaphore(%arg25 : memref<!tpu.dma_semaphore, #tpu.memory_space<semaphore_mem>>)
      %scan3A_3255 = arith.constant 1 : i32
      %scan3A_3256 = arith.constant 1 : i32
      scf.yield %scan3A_3255, %scan3A_3256 : i32, i32
    }
    %scan3A_765 = arith.constant 32 : i32
    %dma_wait3A = arith.constant 0 : i32
    %dma_wait3A_766 = arith.constant 0 : i32
    %dma_wait3A_767 = tpu.memref_slice %arg8[%dma_wait3A, %dma_wait3A_766] : memref<32x128xf32, #tpu.memory_space<vmem>> -> memref<8x128xf32, #tpu.memory_space<vmem>>
    %dma_wait3A_768 = arith.constant 0 : i32
    %dma_wait3A_769 = arith.constant 0 : i32
    %dma_wait3A_770 = tpu.memref_slice %arg3[%dma_wait3A_768, %dma_wait3A_769] : memref<32x1000000xf32, #tpu.memory_space<hbm>> -> memref<8x128xf32, #tpu.memory_space<hbm>>
    %dma_wait3A_771 = arith.constant 0 : i32
    %dma_wait3A_772 = arith.constant 0 : i32
    %dma_wait3A_773 = tpu.memref_slice %arg8[%dma_wait3A_771, %dma_wait3A_772] : memref<32x128xf32, #tpu.memory_space<vmem>> -> memref<8x128xf32, #tpu.memory_space<vmem>>
    %dma_wait3A_774 = arith.constant 0 : i32
    %dma_wait3A_775 = arith.constant 0 : i32
    %dma_wait3A_776 = tpu.memref_slice %arg3[%dma_wait3A_774, %dma_wait3A_775] : memref<32x1000000xf32, #tpu.memory_space<hbm>> -> memref<8x128xf32, #tpu.memory_space<hbm>>
    tpu.wait_dma2 semaphore(%arg24 : memref<!tpu.dma_semaphore, #tpu.memory_space<semaphore_mem>>) src(%dma_wait3A_776 : memref<8x128xf32, #tpu.memory_space<hbm>>) dst(%dma_wait3A_773 : memref<8x128xf32, #tpu.memory_space<vmem>>)
    %dma_wait3A_777 = arith.constant 8 : i32
    %dma_wait3A_778 = arith.constant 0 : i32
    %dma_wait3A_779 = tpu.memref_slice %arg8[%dma_wait3A_777, %dma_wait3A_778] : memref<32x128xf32, #tpu.memory_space<vmem>> -> memref<8x128xf32, #tpu.memory_space<vmem>>
    %dma_wait3A_780 = arith.constant 8 : i32
    %dma_wait3A_781 = arith.constant 0 : i32
    %dma_wait3A_782 = tpu.memref_slice %arg3[%dma_wait3A_780, %dma_wait3A_781] : memref<32x1000000xf32, #tpu.memory_space<hbm>> -> memref<8x128xf32, #tpu.memory_space<hbm>>
    %dma_wait3A_783 = arith.constant 8 : i32
    %dma_wait3A_784 = arith.constant 0 : i32
    %dma_wait3A_785 = tpu.memref_slice %arg8[%dma_wait3A_783, %dma_wait3A_784] : memref<32x128xf32, #tpu.memory_space<vmem>> -> memref<8x128xf32, #tpu.memory_space<vmem>>
    %dma_wait3A_786 = arith.constant 8 : i32
    %dma_wait3A_787 = arith.constant 0 : i32
    %dma_wait3A_788 = tpu.memref_slice %arg3[%dma_wait3A_786, %dma_wait3A_787] : memref<32x1000000xf32, #tpu.memory_space<hbm>> -> memref<8x128xf32, #tpu.memory_space<hbm>>
    tpu.wait_dma2 semaphore(%arg24 : memref<!tpu.dma_semaphore, #tpu.memory_space<semaphore_mem>>) src(%dma_wait3A_788 : memref<8x128xf32, #tpu.memory_space<hbm>>) dst(%dma_wait3A_785 : memref<8x128xf32, #tpu.memory_space<vmem>>)
    %dma_wait3A_789 = arith.constant 16 : i32
    %dma_wait3A_790 = arith.constant 0 : i32
    %dma_wait3A_791 = tpu.memref_slice %arg8[%dma_wait3A_789, %dma_wait3A_790] : memref<32x128xf32, #tpu.memory_space<vmem>> -> memref<8x128xf32, #tpu.memory_space<vmem>>
    %dma_wait3A_792 = arith.constant 16 : i32
    %dma_wait3A_793 = arith.constant 0 : i32
    %dma_wait3A_794 = tpu.memref_slice %arg3[%dma_wait3A_792, %dma_wait3A_793] : memref<32x1000000xf32, #tpu.memory_space<hbm>> -> memref<8x128xf32, #tpu.memory_space<hbm>>
    %dma_wait3A_795 = arith.constant 16 : i32
    %dma_wait3A_796 = arith.constant 0 : i32
    %dma_wait3A_797 = tpu.memref_slice %arg8[%dma_wait3A_795, %dma_wait3A_796] : memref<32x128xf32, #tpu.memory_space<vmem>> -> memref<8x128xf32, #tpu.memory_space<vmem>>
    %dma_wait3A_798 = arith.constant 16 : i32
    %dma_wait3A_799 = arith.constant 0 : i32
    %dma_wait3A_800 = tpu.memref_slice %arg3[%dma_wait3A_798, %dma_wait3A_799] : memref<32x1000000xf32, #tpu.memory_space<hbm>> -> memref<8x128xf32, #tpu.memory_space<hbm>>
    tpu.wait_dma2 semaphore(%arg24 : memref<!tpu.dma_semaphore, #tpu.memory_space<semaphore_mem>>) src(%dma_wait3A_800 : memref<8x128xf32, #tpu.memory_space<hbm>>) dst(%dma_wait3A_797 : memref<8x128xf32, #tpu.memory_space<vmem>>)
    %dma_wait3A_801 = arith.constant 24 : i32
    %dma_wait3A_802 = arith.constant 0 : i32
    %dma_wait3A_803 = tpu.memref_slice %arg8[%dma_wait3A_801, %dma_wait3A_802] : memref<32x128xf32, #tpu.memory_space<vmem>> -> memref<8x128xf32, #tpu.memory_space<vmem>>
    %dma_wait3A_804 = arith.constant 24 : i32
    %dma_wait3A_805 = arith.constant 0 : i32
    %dma_wait3A_806 = tpu.memref_slice %arg3[%dma_wait3A_804, %dma_wait3A_805] : memref<32x1000000xf32, #tpu.memory_space<hbm>> -> memref<8x128xf32, #tpu.memory_space<hbm>>
    %dma_wait3A_807 = arith.constant 24 : i32
    %dma_wait3A_808 = arith.constant 0 : i32
    %dma_wait3A_809 = tpu.memref_slice %arg8[%dma_wait3A_807, %dma_wait3A_808] : memref<32x128xf32, #tpu.memory_space<vmem>> -> memref<8x128xf32, #tpu.memory_space<vmem>>
    %dma_wait3A_810 = arith.constant 24 : i32
    %dma_wait3A_811 = arith.constant 0 : i32
    %dma_wait3A_812 = tpu.memref_slice %arg3[%dma_wait3A_810, %dma_wait3A_811] : memref<32x1000000xf32, #tpu.memory_space<hbm>> -> memref<8x128xf32, #tpu.memory_space<hbm>>
    tpu.wait_dma2 semaphore(%arg24 : memref<!tpu.dma_semaphore, #tpu.memory_space<semaphore_mem>>) src(%dma_wait3A_812 : memref<8x128xf32, #tpu.memory_space<hbm>>) dst(%dma_wait3A_809 : memref<8x128xf32, #tpu.memory_space<vmem>>)
    %dma_wait3A_813 = arith.constant 0 : i32
    %dma_wait3A_814 = arith.constant 0 : i32
    %dma_wait3A_815 = tpu.memref_slice %arg9[%dma_wait3A_813, %dma_wait3A_814] : memref<32x128xf32, #tpu.memory_space<vmem>> -> memref<8x128xf32, #tpu.memory_space<vmem>>
    %dma_wait3A_816 = arith.constant 0 : i32
    %dma_wait3A_817 = arith.constant 0 : i32
    %dma_wait3A_818 = tpu.memref_slice %arg3[%dma_wait3A_816, %dma_wait3A_817] : memref<32x1000000xf32, #tpu.memory_space<hbm>> -> memref<8x128xf32, #tpu.memory_space<hbm>>
    %dma_wait3A_819 = arith.constant 0 : i32
    %dma_wait3A_820 = arith.constant 0 : i32
    %dma_wait3A_821 = tpu.memref_slice %arg9[%dma_wait3A_819, %dma_wait3A_820] : memref<32x128xf32, #tpu.memory_space<vmem>> -> memref<8x128xf32, #tpu.memory_space<vmem>>
    %dma_wait3A_822 = arith.constant 0 : i32
    %dma_wait3A_823 = arith.constant 0 : i32
    %dma_wait3A_824 = tpu.memref_slice %arg3[%dma_wait3A_822, %dma_wait3A_823] : memref<32x1000000xf32, #tpu.memory_space<hbm>> -> memref<8x128xf32, #tpu.memory_space<hbm>>
    tpu.wait_dma2 semaphore(%arg24 : memref<!tpu.dma_semaphore, #tpu.memory_space<semaphore_mem>>) src(%dma_wait3A_824 : memref<8x128xf32, #tpu.memory_space<hbm>>) dst(%dma_wait3A_821 : memref<8x128xf32, #tpu.memory_space<vmem>>)
    %dma_wait3A_825 = arith.constant 8 : i32
    %dma_wait3A_826 = arith.constant 0 : i32
    %dma_wait3A_827 = tpu.memref_slice %arg9[%dma_wait3A_825, %dma_wait3A_826] : memref<32x128xf32, #tpu.memory_space<vmem>> -> memref<8x128xf32, #tpu.memory_space<vmem>>
    %dma_wait3A_828 = arith.constant 8 : i32
    %dma_wait3A_829 = arith.constant 0 : i32
    %dma_wait3A_830 = tpu.memref_slice %arg3[%dma_wait3A_828, %dma_wait3A_829] : memref<32x1000000xf32, #tpu.memory_space<hbm>> -> memref<8x128xf32, #tpu.memory_space<hbm>>
    %dma_wait3A_831 = arith.constant 8 : i32
    %dma_wait3A_832 = arith.constant 0 : i32
    %dma_wait3A_833 = tpu.memref_slice %arg9[%dma_wait3A_831, %dma_wait3A_832] : memref<32x128xf32, #tpu.memory_space<vmem>> -> memref<8x128xf32, #tpu.memory_space<vmem>>
    %dma_wait3A_834 = arith.constant 8 : i32
    %dma_wait3A_835 = arith.constant 0 : i32
    %dma_wait3A_836 = tpu.memref_slice %arg3[%dma_wait3A_834, %dma_wait3A_835] : memref<32x1000000xf32, #tpu.memory_space<hbm>> -> memref<8x128xf32, #tpu.memory_space<hbm>>
    tpu.wait_dma2 semaphore(%arg24 : memref<!tpu.dma_semaphore, #tpu.memory_space<semaphore_mem>>) src(%dma_wait3A_836 : memref<8x128xf32, #tpu.memory_space<hbm>>) dst(%dma_wait3A_833 : memref<8x128xf32, #tpu.memory_space<vmem>>)
    %dma_wait3A_837 = arith.constant 16 : i32
    %dma_wait3A_838 = arith.constant 0 : i32
    %dma_wait3A_839 = tpu.memref_slice %arg9[%dma_wait3A_837, %dma_wait3A_838] : memref<32x128xf32, #tpu.memory_space<vmem>> -> memref<8x128xf32, #tpu.memory_space<vmem>>
    %dma_wait3A_840 = arith.constant 16 : i32
    %dma_wait3A_841 = arith.constant 0 : i32
    %dma_wait3A_842 = tpu.memref_slice %arg3[%dma_wait3A_840, %dma_wait3A_841] : memref<32x1000000xf32, #tpu.memory_space<hbm>> -> memref<8x128xf32, #tpu.memory_space<hbm>>
    %dma_wait3A_843 = arith.constant 16 : i32
    %dma_wait3A_844 = arith.constant 0 : i32
    %dma_wait3A_845 = tpu.memref_slice %arg9[%dma_wait3A_843, %dma_wait3A_844] : memref<32x128xf32, #tpu.memory_space<vmem>> -> memref<8x128xf32, #tpu.memory_space<vmem>>
    %dma_wait3A_846 = arith.constant 16 : i32
    %dma_wait3A_847 = arith.constant 0 : i32
    %dma_wait3A_848 = tpu.memref_slice %arg3[%dma_wait3A_846, %dma_wait3A_847] : memref<32x1000000xf32, #tpu.memory_space<hbm>> -> memref<8x128xf32, #tpu.memory_space<hbm>>
    tpu.wait_dma2 semaphore(%arg24 : memref<!tpu.dma_semaphore, #tpu.memory_space<semaphore_mem>>) src(%dma_wait3A_848 : memref<8x128xf32, #tpu.memory_space<hbm>>) dst(%dma_wait3A_845 : memref<8x128xf32, #tpu.memory_space<vmem>>)
    %dma_wait3A_849 = arith.constant 24 : i32
    %dma_wait3A_850 = arith.constant 0 : i32
    %dma_wait3A_851 = tpu.memref_slice %arg9[%dma_wait3A_849, %dma_wait3A_850] : memref<32x128xf32, #tpu.memory_space<vmem>> -> memref<8x128xf32, #tpu.memory_space<vmem>>
    %dma_wait3A_852 = arith.constant 24 : i32
    %dma_wait3A_853 = arith.constant 0 : i32
    %dma_wait3A_854 = tpu.memref_slice %arg3[%dma_wait3A_852, %dma_wait3A_853] : memref<32x1000000xf32, #tpu.memory_space<hbm>> -> memref<8x128xf32, #tpu.memory_space<hbm>>
    %dma_wait3A_855 = arith.constant 24 : i32
    %dma_wait3A_856 = arith.constant 0 : i32
    %dma_wait3A_857 = tpu.memref_slice %arg9[%dma_wait3A_855, %dma_wait3A_856] : memref<32x128xf32, #tpu.memory_space<vmem>> -> memref<8x128xf32, #tpu.memory_space<vmem>>
    %dma_wait3A_858 = arith.constant 24 : i32
    %dma_wait3A_859 = arith.constant 0 : i32
    %dma_wait3A_860 = tpu.memref_slice %arg3[%dma_wait3A_858, %dma_wait3A_859] : memref<32x1000000xf32, #tpu.memory_space<hbm>> -> memref<8x128xf32, #tpu.memory_space<hbm>>
    tpu.wait_dma2 semaphore(%arg24 : memref<!tpu.dma_semaphore, #tpu.memory_space<semaphore_mem>>) src(%dma_wait3A_860 : memref<8x128xf32, #tpu.memory_space<hbm>>) dst(%dma_wait3A_857 : memref<8x128xf32, #tpu.memory_space<vmem>>)
    %dma_wait3A_861 = arith.constant 0 : i32
    %dma_wait3A_862 = arith.constant 0 : i32
    %dma_wait3A_863 = tpu.memref_slice %arg10[%dma_wait3A_861, %dma_wait3A_862] : memref<32x128xf32, #tpu.memory_space<vmem>> -> memref<8x128xf32, #tpu.memory_space<vmem>>
    %dma_wait3A_864 = arith.constant 0 : i32
    %dma_wait3A_865 = arith.constant 0 : i32
    %dma_wait3A_866 = tpu.memref_slice %arg3[%dma_wait3A_864, %dma_wait3A_865] : memref<32x1000000xf32, #tpu.memory_space<hbm>> -> memref<8x128xf32, #tpu.memory_space<hbm>>
    %dma_wait3A_867 = arith.constant 0 : i32
    %dma_wait3A_868 = arith.constant 0 : i32
    %dma_wait3A_869 = tpu.memref_slice %arg10[%dma_wait3A_867, %dma_wait3A_868] : memref<32x128xf32, #tpu.memory_space<vmem>> -> memref<8x128xf32, #tpu.memory_space<vmem>>
    %dma_wait3A_870 = arith.constant 0 : i32
    %dma_wait3A_871 = arith.constant 0 : i32
    %dma_wait3A_872 = tpu.memref_slice %arg3[%dma_wait3A_870, %dma_wait3A_871] : memref<32x1000000xf32, #tpu.memory_space<hbm>> -> memref<8x128xf32, #tpu.memory_space<hbm>>
    tpu.wait_dma2 semaphore(%arg24 : memref<!tpu.dma_semaphore, #tpu.memory_space<semaphore_mem>>) src(%dma_wait3A_872 : memref<8x128xf32, #tpu.memory_space<hbm>>) dst(%dma_wait3A_869 : memref<8x128xf32, #tpu.memory_space<vmem>>)
    %dma_wait3A_873 = arith.constant 8 : i32
    %dma_wait3A_874 = arith.constant 0 : i32
    %dma_wait3A_875 = tpu.memref_slice %arg10[%dma_wait3A_873, %dma_wait3A_874] : memref<32x128xf32, #tpu.memory_space<vmem>> -> memref<8x128xf32, #tpu.memory_space<vmem>>
    %dma_wait3A_876 = arith.constant 8 : i32
    %dma_wait3A_877 = arith.constant 0 : i32
    %dma_wait3A_878 = tpu.memref_slice %arg3[%dma_wait3A_876, %dma_wait3A_877] : memref<32x1000000xf32, #tpu.memory_space<hbm>> -> memref<8x128xf32, #tpu.memory_space<hbm>>
    %dma_wait3A_879 = arith.constant 8 : i32
    %dma_wait3A_880 = arith.constant 0 : i32
    %dma_wait3A_881 = tpu.memref_slice %arg10[%dma_wait3A_879, %dma_wait3A_880] : memref<32x128xf32, #tpu.memory_space<vmem>> -> memref<8x128xf32, #tpu.memory_space<vmem>>
    %dma_wait3A_882 = arith.constant 8 : i32
    %dma_wait3A_883 = arith.constant 0 : i32
    %dma_wait3A_884 = tpu.memref_slice %arg3[%dma_wait3A_882, %dma_wait3A_883] : memref<32x1000000xf32, #tpu.memory_space<hbm>> -> memref<8x128xf32, #tpu.memory_space<hbm>>
    tpu.wait_dma2 semaphore(%arg24 : memref<!tpu.dma_semaphore, #tpu.memory_space<semaphore_mem>>) src(%dma_wait3A_884 : memref<8x128xf32, #tpu.memory_space<hbm>>) dst(%dma_wait3A_881 : memref<8x128xf32, #tpu.memory_space<vmem>>)
    %dma_wait3A_885 = arith.constant 16 : i32
    %dma_wait3A_886 = arith.constant 0 : i32
    %dma_wait3A_887 = tpu.memref_slice %arg10[%dma_wait3A_885, %dma_wait3A_886] : memref<32x128xf32, #tpu.memory_space<vmem>> -> memref<8x128xf32, #tpu.memory_space<vmem>>
    %dma_wait3A_888 = arith.constant 16 : i32
    %dma_wait3A_889 = arith.constant 0 : i32
    %dma_wait3A_890 = tpu.memref_slice %arg3[%dma_wait3A_888, %dma_wait3A_889] : memref<32x1000000xf32, #tpu.memory_space<hbm>> -> memref<8x128xf32, #tpu.memory_space<hbm>>
    %dma_wait3A_891 = arith.constant 16 : i32
    %dma_wait3A_892 = arith.constant 0 : i32
    %dma_wait3A_893 = tpu.memref_slice %arg10[%dma_wait3A_891, %dma_wait3A_892] : memref<32x128xf32, #tpu.memory_space<vmem>> -> memref<8x128xf32, #tpu.memory_space<vmem>>
    %dma_wait3A_894 = arith.constant 16 : i32
    %dma_wait3A_895 = arith.constant 0 : i32
    %dma_wait3A_896 = tpu.memref_slice %arg3[%dma_wait3A_894, %dma_wait3A_895] : memref<32x1000000xf32, #tpu.memory_space<hbm>> -> memref<8x128xf32, #tpu.memory_space<hbm>>
    tpu.wait_dma2 semaphore(%arg24 : memref<!tpu.dma_semaphore, #tpu.memory_space<semaphore_mem>>) src(%dma_wait3A_896 : memref<8x128xf32, #tpu.memory_space<hbm>>) dst(%dma_wait3A_893 : memref<8x128xf32, #tpu.memory_space<vmem>>)
    %dma_wait3A_897 = arith.constant 24 : i32
    %dma_wait3A_898 = arith.constant 0 : i32
    %dma_wait3A_899 = tpu.memref_slice %arg10[%dma_wait3A_897, %dma_wait3A_898] : memref<32x128xf32, #tpu.memory_space<vmem>> -> memref<8x128xf32, #tpu.memory_space<vmem>>
    %dma_wait3A_900 = arith.constant 24 : i32
    %dma_wait3A_901 = arith.constant 0 : i32
    %dma_wait3A_902 = tpu.memref_slice %arg3[%dma_wait3A_900, %dma_wait3A_901] : memref<32x1000000xf32, #tpu.memory_space<hbm>> -> memref<8x128xf32, #tpu.memory_space<hbm>>
    %dma_wait3A_903 = arith.constant 24 : i32
    %dma_wait3A_904 = arith.constant 0 : i32
    %dma_wait3A_905 = tpu.memref_slice %arg10[%dma_wait3A_903, %dma_wait3A_904] : memref<32x128xf32, #tpu.memory_space<vmem>> -> memref<8x128xf32, #tpu.memory_space<vmem>>
    %dma_wait3A_906 = arith.constant 24 : i32
    %dma_wait3A_907 = arith.constant 0 : i32
    %dma_wait3A_908 = tpu.memref_slice %arg3[%dma_wait3A_906, %dma_wait3A_907] : memref<32x1000000xf32, #tpu.memory_space<hbm>> -> memref<8x128xf32, #tpu.memory_space<hbm>>
    tpu.wait_dma2 semaphore(%arg24 : memref<!tpu.dma_semaphore, #tpu.memory_space<semaphore_mem>>) src(%dma_wait3A_908 : memref<8x128xf32, #tpu.memory_space<hbm>>) dst(%dma_wait3A_905 : memref<8x128xf32, #tpu.memory_space<vmem>>)
    %dma_wait3A_909 = arith.constant 0 : i32
    %dma_wait3A_910 = arith.constant 0 : i32
    %dma_wait3A_911 = tpu.memref_slice %arg11[%dma_wait3A_909, %dma_wait3A_910] : memref<32x128xf32, #tpu.memory_space<vmem>> -> memref<8x128xf32, #tpu.memory_space<vmem>>
    %dma_wait3A_912 = arith.constant 0 : i32
    %dma_wait3A_913 = arith.constant 0 : i32
    %dma_wait3A_914 = tpu.memref_slice %arg3[%dma_wait3A_912, %dma_wait3A_913] : memref<32x1000000xf32, #tpu.memory_space<hbm>> -> memref<8x128xf32, #tpu.memory_space<hbm>>
    %dma_wait3A_915 = arith.constant 0 : i32
    %dma_wait3A_916 = arith.constant 0 : i32
    %dma_wait3A_917 = tpu.memref_slice %arg11[%dma_wait3A_915, %dma_wait3A_916] : memref<32x128xf32, #tpu.memory_space<vmem>> -> memref<8x128xf32, #tpu.memory_space<vmem>>
    %dma_wait3A_918 = arith.constant 0 : i32
    %dma_wait3A_919 = arith.constant 0 : i32
    %dma_wait3A_920 = tpu.memref_slice %arg3[%dma_wait3A_918, %dma_wait3A_919] : memref<32x1000000xf32, #tpu.memory_space<hbm>> -> memref<8x128xf32, #tpu.memory_space<hbm>>
    tpu.wait_dma2 semaphore(%arg24 : memref<!tpu.dma_semaphore, #tpu.memory_space<semaphore_mem>>) src(%dma_wait3A_920 : memref<8x128xf32, #tpu.memory_space<hbm>>) dst(%dma_wait3A_917 : memref<8x128xf32, #tpu.memory_space<vmem>>)
    %dma_wait3A_921 = arith.constant 8 : i32
    %dma_wait3A_922 = arith.constant 0 : i32
    %dma_wait3A_923 = tpu.memref_slice %arg11[%dma_wait3A_921, %dma_wait3A_922] : memref<32x128xf32, #tpu.memory_space<vmem>> -> memref<8x128xf32, #tpu.memory_space<vmem>>
    %dma_wait3A_924 = arith.constant 8 : i32
    %dma_wait3A_925 = arith.constant 0 : i32
    %dma_wait3A_926 = tpu.memref_slice %arg3[%dma_wait3A_924, %dma_wait3A_925] : memref<32x1000000xf32, #tpu.memory_space<hbm>> -> memref<8x128xf32, #tpu.memory_space<hbm>>
    %dma_wait3A_927 = arith.constant 8 : i32
    %dma_wait3A_928 = arith.constant 0 : i32
    %dma_wait3A_929 = tpu.memref_slice %arg11[%dma_wait3A_927, %dma_wait3A_928] : memref<32x128xf32, #tpu.memory_space<vmem>> -> memref<8x128xf32, #tpu.memory_space<vmem>>
    %dma_wait3A_930 = arith.constant 8 : i32
    %dma_wait3A_931 = arith.constant 0 : i32
    %dma_wait3A_932 = tpu.memref_slice %arg3[%dma_wait3A_930, %dma_wait3A_931] : memref<32x1000000xf32, #tpu.memory_space<hbm>> -> memref<8x128xf32, #tpu.memory_space<hbm>>
    tpu.wait_dma2 semaphore(%arg24 : memref<!tpu.dma_semaphore, #tpu.memory_space<semaphore_mem>>) src(%dma_wait3A_932 : memref<8x128xf32, #tpu.memory_space<hbm>>) dst(%dma_wait3A_929 : memref<8x128xf32, #tpu.memory_space<vmem>>)
    %dma_wait3A_933 = arith.constant 16 : i32
    %dma_wait3A_934 = arith.constant 0 : i32
    %dma_wait3A_935 = tpu.memref_slice %arg11[%dma_wait3A_933, %dma_wait3A_934] : memref<32x128xf32, #tpu.memory_space<vmem>> -> memref<8x128xf32, #tpu.memory_space<vmem>>
    %dma_wait3A_936 = arith.constant 16 : i32
    %dma_wait3A_937 = arith.constant 0 : i32
    %dma_wait3A_938 = tpu.memref_slice %arg3[%dma_wait3A_936, %dma_wait3A_937] : memref<32x1000000xf32, #tpu.memory_space<hbm>> -> memref<8x128xf32, #tpu.memory_space<hbm>>
    %dma_wait3A_939 = arith.constant 16 : i32
    %dma_wait3A_940 = arith.constant 0 : i32
    %dma_wait3A_941 = tpu.memref_slice %arg11[%dma_wait3A_939, %dma_wait3A_940] : memref<32x128xf32, #tpu.memory_space<vmem>> -> memref<8x128xf32, #tpu.memory_space<vmem>>
    %dma_wait3A_942 = arith.constant 16 : i32
    %dma_wait3A_943 = arith.constant 0 : i32
    %dma_wait3A_944 = tpu.memref_slice %arg3[%dma_wait3A_942, %dma_wait3A_943] : memref<32x1000000xf32, #tpu.memory_space<hbm>> -> memref<8x128xf32, #tpu.memory_space<hbm>>
    tpu.wait_dma2 semaphore(%arg24 : memref<!tpu.dma_semaphore, #tpu.memory_space<semaphore_mem>>) src(%dma_wait3A_944 : memref<8x128xf32, #tpu.memory_space<hbm>>) dst(%dma_wait3A_941 : memref<8x128xf32, #tpu.memory_space<vmem>>)
    %dma_wait3A_945 = arith.constant 24 : i32
    %dma_wait3A_946 = arith.constant 0 : i32
    %dma_wait3A_947 = tpu.memref_slice %arg11[%dma_wait3A_945, %dma_wait3A_946] : memref<32x128xf32, #tpu.memory_space<vmem>> -> memref<8x128xf32, #tpu.memory_space<vmem>>
    %dma_wait3A_948 = arith.constant 24 : i32
    %dma_wait3A_949 = arith.constant 0 : i32
    %dma_wait3A_950 = tpu.memref_slice %arg3[%dma_wait3A_948, %dma_wait3A_949] : memref<32x1000000xf32, #tpu.memory_space<hbm>> -> memref<8x128xf32, #tpu.memory_space<hbm>>
    %dma_wait3A_951 = arith.constant 24 : i32
    %dma_wait3A_952 = arith.constant 0 : i32
    %dma_wait3A_953 = tpu.memref_slice %arg11[%dma_wait3A_951, %dma_wait3A_952] : memref<32x128xf32, #tpu.memory_space<vmem>> -> memref<8x128xf32, #tpu.memory_space<vmem>>
    %dma_wait3A_954 = arith.constant 24 : i32
    %dma_wait3A_955 = arith.constant 0 : i32
    %dma_wait3A_956 = tpu.memref_slice %arg3[%dma_wait3A_954, %dma_wait3A_955] : memref<32x1000000xf32, #tpu.memory_space<hbm>> -> memref<8x128xf32, #tpu.memory_space<hbm>>
    tpu.wait_dma2 semaphore(%arg24 : memref<!tpu.dma_semaphore, #tpu.memory_space<semaphore_mem>>) src(%dma_wait3A_956 : memref<8x128xf32, #tpu.memory_space<hbm>>) dst(%dma_wait3A_953 : memref<8x128xf32, #tpu.memory_space<vmem>>)
    %dma_wait3A_957 = arith.constant 0 : i32
    %dma_wait3A_958 = arith.constant 0 : i32
    %dma_wait3A_959 = tpu.memref_slice %arg12[%dma_wait3A_957, %dma_wait3A_958] : memref<32x128xf32, #tpu.memory_space<vmem>> -> memref<8x128xf32, #tpu.memory_space<vmem>>
    %dma_wait3A_960 = arith.constant 0 : i32
    %dma_wait3A_961 = arith.constant 0 : i32
    %dma_wait3A_962 = tpu.memref_slice %arg3[%dma_wait3A_960, %dma_wait3A_961] : memref<32x1000000xf32, #tpu.memory_space<hbm>> -> memref<8x128xf32, #tpu.memory_space<hbm>>
    %dma_wait3A_963 = arith.constant 0 : i32
    %dma_wait3A_964 = arith.constant 0 : i32
    %dma_wait3A_965 = tpu.memref_slice %arg12[%dma_wait3A_963, %dma_wait3A_964] : memref<32x128xf32, #tpu.memory_space<vmem>> -> memref<8x128xf32, #tpu.memory_space<vmem>>
    %dma_wait3A_966 = arith.constant 0 : i32
    %dma_wait3A_967 = arith.constant 0 : i32
    %dma_wait3A_968 = tpu.memref_slice %arg3[%dma_wait3A_966, %dma_wait3A_967] : memref<32x1000000xf32, #tpu.memory_space<hbm>> -> memref<8x128xf32, #tpu.memory_space<hbm>>
    tpu.wait_dma2 semaphore(%arg24 : memref<!tpu.dma_semaphore, #tpu.memory_space<semaphore_mem>>) src(%dma_wait3A_968 : memref<8x128xf32, #tpu.memory_space<hbm>>) dst(%dma_wait3A_965 : memref<8x128xf32, #tpu.memory_space<vmem>>)
    %dma_wait3A_969 = arith.constant 8 : i32
    %dma_wait3A_970 = arith.constant 0 : i32
    %dma_wait3A_971 = tpu.memref_slice %arg12[%dma_wait3A_969, %dma_wait3A_970] : memref<32x128xf32, #tpu.memory_space<vmem>> -> memref<8x128xf32, #tpu.memory_space<vmem>>
    %dma_wait3A_972 = arith.constant 8 : i32
    %dma_wait3A_973 = arith.constant 0 : i32
    %dma_wait3A_974 = tpu.memref_slice %arg3[%dma_wait3A_972, %dma_wait3A_973] : memref<32x1000000xf32, #tpu.memory_space<hbm>> -> memref<8x128xf32, #tpu.memory_space<hbm>>
    %dma_wait3A_975 = arith.constant 8 : i32
    %dma_wait3A_976 = arith.constant 0 : i32
    %dma_wait3A_977 = tpu.memref_slice %arg12[%dma_wait3A_975, %dma_wait3A_976] : memref<32x128xf32, #tpu.memory_space<vmem>> -> memref<8x128xf32, #tpu.memory_space<vmem>>
    %dma_wait3A_978 = arith.constant 8 : i32
    %dma_wait3A_979 = arith.constant 0 : i32
    %dma_wait3A_980 = tpu.memref_slice %arg3[%dma_wait3A_978, %dma_wait3A_979] : memref<32x1000000xf32, #tpu.memory_space<hbm>> -> memref<8x128xf32, #tpu.memory_space<hbm>>
    tpu.wait_dma2 semaphore(%arg24 : memref<!tpu.dma_semaphore, #tpu.memory_space<semaphore_mem>>) src(%dma_wait3A_980 : memref<8x128xf32, #tpu.memory_space<hbm>>) dst(%dma_wait3A_977 : memref<8x128xf32, #tpu.memory_space<vmem>>)
    %dma_wait3A_981 = arith.constant 16 : i32
    %dma_wait3A_982 = arith.constant 0 : i32
    %dma_wait3A_983 = tpu.memref_slice %arg12[%dma_wait3A_981, %dma_wait3A_982] : memref<32x128xf32, #tpu.memory_space<vmem>> -> memref<8x128xf32, #tpu.memory_space<vmem>>
    %dma_wait3A_984 = arith.constant 16 : i32
    %dma_wait3A_985 = arith.constant 0 : i32
    %dma_wait3A_986 = tpu.memref_slice %arg3[%dma_wait3A_984, %dma_wait3A_985] : memref<32x1000000xf32, #tpu.memory_space<hbm>> -> memref<8x128xf32, #tpu.memory_space<hbm>>
    %dma_wait3A_987 = arith.constant 16 : i32
    %dma_wait3A_988 = arith.constant 0 : i32
    %dma_wait3A_989 = tpu.memref_slice %arg12[%dma_wait3A_987, %dma_wait3A_988] : memref<32x128xf32, #tpu.memory_space<vmem>> -> memref<8x128xf32, #tpu.memory_space<vmem>>
    %dma_wait3A_990 = arith.constant 16 : i32
    %dma_wait3A_991 = arith.constant 0 : i32
    %dma_wait3A_992 = tpu.memref_slice %arg3[%dma_wait3A_990, %dma_wait3A_991] : memref<32x1000000xf32, #tpu.memory_space<hbm>> -> memref<8x128xf32, #tpu.memory_space<hbm>>
    tpu.wait_dma2 semaphore(%arg24 : memref<!tpu.dma_semaphore, #tpu.memory_space<semaphore_mem>>) src(%dma_wait3A_992 : memref<8x128xf32, #tpu.memory_space<hbm>>) dst(%dma_wait3A_989 : memref<8x128xf32, #tpu.memory_space<vmem>>)
    %dma_wait3A_993 = arith.constant 24 : i32
    %dma_wait3A_994 = arith.constant 0 : i32
    %dma_wait3A_995 = tpu.memref_slice %arg12[%dma_wait3A_993, %dma_wait3A_994] : memref<32x128xf32, #tpu.memory_space<vmem>> -> memref<8x128xf32, #tpu.memory_space<vmem>>
    %dma_wait3A_996 = arith.constant 24 : i32
    %dma_wait3A_997 = arith.constant 0 : i32
    %dma_wait3A_998 = tpu.memref_slice %arg3[%dma_wait3A_996, %dma_wait3A_997] : memref<32x1000000xf32, #tpu.memory_space<hbm>> -> memref<8x128xf32, #tpu.memory_space<hbm>>
    %dma_wait3A_999 = arith.constant 24 : i32
    %dma_wait3A_1000 = arith.constant 0 : i32
    %dma_wait3A_1001 = tpu.memref_slice %arg12[%dma_wait3A_999, %dma_wait3A_1000] : memref<32x128xf32, #tpu.memory_space<vmem>> -> memref<8x128xf32, #tpu.memory_space<vmem>>
    %dma_wait3A_1002 = arith.constant 24 : i32
    %dma_wait3A_1003 = arith.constant 0 : i32
    %dma_wait3A_1004 = tpu.memref_slice %arg3[%dma_wait3A_1002, %dma_wait3A_1003] : memref<32x1000000xf32, #tpu.memory_space<hbm>> -> memref<8x128xf32, #tpu.memory_space<hbm>>
    tpu.wait_dma2 semaphore(%arg24 : memref<!tpu.dma_semaphore, #tpu.memory_space<semaphore_mem>>) src(%dma_wait3A_1004 : memref<8x128xf32, #tpu.memory_space<hbm>>) dst(%dma_wait3A_1001 : memref<8x128xf32, #tpu.memory_space<vmem>>)
    %dma_wait3A_1005 = arith.constant 0 : i32
    %dma_wait3A_1006 = arith.constant 0 : i32
    %dma_wait3A_1007 = tpu.memref_slice %arg13[%dma_wait3A_1005, %dma_wait3A_1006] : memref<32x128xf32, #tpu.memory_space<vmem>> -> memref<8x128xf32, #tpu.memory_space<vmem>>
    %dma_wait3A_1008 = arith.constant 0 : i32
    %dma_wait3A_1009 = arith.constant 0 : i32
    %dma_wait3A_1010 = tpu.memref_slice %arg3[%dma_wait3A_1008, %dma_wait3A_1009] : memref<32x1000000xf32, #tpu.memory_space<hbm>> -> memref<8x128xf32, #tpu.memory_space<hbm>>
    %dma_wait3A_1011 = arith.constant 0 : i32
    %dma_wait3A_1012 = arith.constant 0 : i32
    %dma_wait3A_1013 = tpu.memref_slice %arg13[%dma_wait3A_1011, %dma_wait3A_1012] : memref<32x128xf32, #tpu.memory_space<vmem>> -> memref<8x128xf32, #tpu.memory_space<vmem>>
    %dma_wait3A_1014 = arith.constant 0 : i32
    %dma_wait3A_1015 = arith.constant 0 : i32
    %dma_wait3A_1016 = tpu.memref_slice %arg3[%dma_wait3A_1014, %dma_wait3A_1015] : memref<32x1000000xf32, #tpu.memory_space<hbm>> -> memref<8x128xf32, #tpu.memory_space<hbm>>
    tpu.wait_dma2 semaphore(%arg24 : memref<!tpu.dma_semaphore, #tpu.memory_space<semaphore_mem>>) src(%dma_wait3A_1016 : memref<8x128xf32, #tpu.memory_space<hbm>>) dst(%dma_wait3A_1013 : memref<8x128xf32, #tpu.memory_space<vmem>>)
    %dma_wait3A_1017 = arith.constant 8 : i32
    %dma_wait3A_1018 = arith.constant 0 : i32
    %dma_wait3A_1019 = tpu.memref_slice %arg13[%dma_wait3A_1017, %dma_wait3A_1018] : memref<32x128xf32, #tpu.memory_space<vmem>> -> memref<8x128xf32, #tpu.memory_space<vmem>>
    %dma_wait3A_1020 = arith.constant 8 : i32
    %dma_wait3A_1021 = arith.constant 0 : i32
    %dma_wait3A_1022 = tpu.memref_slice %arg3[%dma_wait3A_1020, %dma_wait3A_1021] : memref<32x1000000xf32, #tpu.memory_space<hbm>> -> memref<8x128xf32, #tpu.memory_space<hbm>>
    %dma_wait3A_1023 = arith.constant 8 : i32
    %dma_wait3A_1024 = arith.constant 0 : i32
    %dma_wait3A_1025 = tpu.memref_slice %arg13[%dma_wait3A_1023, %dma_wait3A_1024] : memref<32x128xf32, #tpu.memory_space<vmem>> -> memref<8x128xf32, #tpu.memory_space<vmem>>
    %dma_wait3A_1026 = arith.constant 8 : i32
    %dma_wait3A_1027 = arith.constant 0 : i32
    %dma_wait3A_1028 = tpu.memref_slice %arg3[%dma_wait3A_1026, %dma_wait3A_1027] : memref<32x1000000xf32, #tpu.memory_space<hbm>> -> memref<8x128xf32, #tpu.memory_space<hbm>>
    tpu.wait_dma2 semaphore(%arg24 : memref<!tpu.dma_semaphore, #tpu.memory_space<semaphore_mem>>) src(%dma_wait3A_1028 : memref<8x128xf32, #tpu.memory_space<hbm>>) dst(%dma_wait3A_1025 : memref<8x128xf32, #tpu.memory_space<vmem>>)
    %dma_wait3A_1029 = arith.constant 16 : i32
    %dma_wait3A_1030 = arith.constant 0 : i32
    %dma_wait3A_1031 = tpu.memref_slice %arg13[%dma_wait3A_1029, %dma_wait3A_1030] : memref<32x128xf32, #tpu.memory_space<vmem>> -> memref<8x128xf32, #tpu.memory_space<vmem>>
    %dma_wait3A_1032 = arith.constant 16 : i32
    %dma_wait3A_1033 = arith.constant 0 : i32
    %dma_wait3A_1034 = tpu.memref_slice %arg3[%dma_wait3A_1032, %dma_wait3A_1033] : memref<32x1000000xf32, #tpu.memory_space<hbm>> -> memref<8x128xf32, #tpu.memory_space<hbm>>
    %dma_wait3A_1035 = arith.constant 16 : i32
    %dma_wait3A_1036 = arith.constant 0 : i32
    %dma_wait3A_1037 = tpu.memref_slice %arg13[%dma_wait3A_1035, %dma_wait3A_1036] : memref<32x128xf32, #tpu.memory_space<vmem>> -> memref<8x128xf32, #tpu.memory_space<vmem>>
    %dma_wait3A_1038 = arith.constant 16 : i32
    %dma_wait3A_1039 = arith.constant 0 : i32
    %dma_wait3A_1040 = tpu.memref_slice %arg3[%dma_wait3A_1038, %dma_wait3A_1039] : memref<32x1000000xf32, #tpu.memory_space<hbm>> -> memref<8x128xf32, #tpu.memory_space<hbm>>
    tpu.wait_dma2 semaphore(%arg24 : memref<!tpu.dma_semaphore, #tpu.memory_space<semaphore_mem>>) src(%dma_wait3A_1040 : memref<8x128xf32, #tpu.memory_space<hbm>>) dst(%dma_wait3A_1037 : memref<8x128xf32, #tpu.memory_space<vmem>>)
    %dma_wait3A_1041 = arith.constant 24 : i32
    %dma_wait3A_1042 = arith.constant 0 : i32
    %dma_wait3A_1043 = tpu.memref_slice %arg13[%dma_wait3A_1041, %dma_wait3A_1042] : memref<32x128xf32, #tpu.memory_space<vmem>> -> memref<8x128xf32, #tpu.memory_space<vmem>>
    %dma_wait3A_1044 = arith.constant 24 : i32
    %dma_wait3A_1045 = arith.constant 0 : i32
    %dma_wait3A_1046 = tpu.memref_slice %arg3[%dma_wait3A_1044, %dma_wait3A_1045] : memref<32x1000000xf32, #tpu.memory_space<hbm>> -> memref<8x128xf32, #tpu.memory_space<hbm>>
    %dma_wait3A_1047 = arith.constant 24 : i32
    %dma_wait3A_1048 = arith.constant 0 : i32
    %dma_wait3A_1049 = tpu.memref_slice %arg13[%dma_wait3A_1047, %dma_wait3A_1048] : memref<32x128xf32, #tpu.memory_space<vmem>> -> memref<8x128xf32, #tpu.memory_space<vmem>>
    %dma_wait3A_1050 = arith.constant 24 : i32
    %dma_wait3A_1051 = arith.constant 0 : i32
    %dma_wait3A_1052 = tpu.memref_slice %arg3[%dma_wait3A_1050, %dma_wait3A_1051] : memref<32x1000000xf32, #tpu.memory_space<hbm>> -> memref<8x128xf32, #tpu.memory_space<hbm>>
    tpu.wait_dma2 semaphore(%arg24 : memref<!tpu.dma_semaphore, #tpu.memory_space<semaphore_mem>>) src(%dma_wait3A_1052 : memref<8x128xf32, #tpu.memory_space<hbm>>) dst(%dma_wait3A_1049 : memref<8x128xf32, #tpu.memory_space<vmem>>)
    %dma_wait3A_1053 = arith.constant 0 : i32
    %dma_wait3A_1054 = arith.constant 0 : i32
    %dma_wait3A_1055 = tpu.memref_slice %arg14[%dma_wait3A_1053, %dma_wait3A_1054] : memref<32x128xf32, #tpu.memory_space<vmem>> -> memref<8x128xf32, #tpu.memory_space<vmem>>
    %dma_wait3A_1056 = arith.constant 0 : i32
    %dma_wait3A_1057 = arith.constant 0 : i32
    %dma_wait3A_1058 = tpu.memref_slice %arg3[%dma_wait3A_1056, %dma_wait3A_1057] : memref<32x1000000xf32, #tpu.memory_space<hbm>> -> memref<8x128xf32, #tpu.memory_space<hbm>>
    %dma_wait3A_1059 = arith.constant 0 : i32
    %dma_wait3A_1060 = arith.constant 0 : i32
    %dma_wait3A_1061 = tpu.memref_slice %arg14[%dma_wait3A_1059, %dma_wait3A_1060] : memref<32x128xf32, #tpu.memory_space<vmem>> -> memref<8x128xf32, #tpu.memory_space<vmem>>
    %dma_wait3A_1062 = arith.constant 0 : i32
    %dma_wait3A_1063 = arith.constant 0 : i32
    %dma_wait3A_1064 = tpu.memref_slice %arg3[%dma_wait3A_1062, %dma_wait3A_1063] : memref<32x1000000xf32, #tpu.memory_space<hbm>> -> memref<8x128xf32, #tpu.memory_space<hbm>>
    tpu.wait_dma2 semaphore(%arg24 : memref<!tpu.dma_semaphore, #tpu.memory_space<semaphore_mem>>) src(%dma_wait3A_1064 : memref<8x128xf32, #tpu.memory_space<hbm>>) dst(%dma_wait3A_1061 : memref<8x128xf32, #tpu.memory_space<vmem>>)
    %dma_wait3A_1065 = arith.constant 8 : i32
    %dma_wait3A_1066 = arith.constant 0 : i32
    %dma_wait3A_1067 = tpu.memref_slice %arg14[%dma_wait3A_1065, %dma_wait3A_1066] : memref<32x128xf32, #tpu.memory_space<vmem>> -> memref<8x128xf32, #tpu.memory_space<vmem>>
    %dma_wait3A_1068 = arith.constant 8 : i32
    %dma_wait3A_1069 = arith.constant 0 : i32
    %dma_wait3A_1070 = tpu.memref_slice %arg3[%dma_wait3A_1068, %dma_wait3A_1069] : memref<32x1000000xf32, #tpu.memory_space<hbm>> -> memref<8x128xf32, #tpu.memory_space<hbm>>
    %dma_wait3A_1071 = arith.constant 8 : i32
    %dma_wait3A_1072 = arith.constant 0 : i32
    %dma_wait3A_1073 = tpu.memref_slice %arg14[%dma_wait3A_1071, %dma_wait3A_1072] : memref<32x128xf32, #tpu.memory_space<vmem>> -> memref<8x128xf32, #tpu.memory_space<vmem>>
    %dma_wait3A_1074 = arith.constant 8 : i32
    %dma_wait3A_1075 = arith.constant 0 : i32
    %dma_wait3A_1076 = tpu.memref_slice %arg3[%dma_wait3A_1074, %dma_wait3A_1075] : memref<32x1000000xf32, #tpu.memory_space<hbm>> -> memref<8x128xf32, #tpu.memory_space<hbm>>
    tpu.wait_dma2 semaphore(%arg24 : memref<!tpu.dma_semaphore, #tpu.memory_space<semaphore_mem>>) src(%dma_wait3A_1076 : memref<8x128xf32, #tpu.memory_space<hbm>>) dst(%dma_wait3A_1073 : memref<8x128xf32, #tpu.memory_space<vmem>>)
    %dma_wait3A_1077 = arith.constant 16 : i32
    %dma_wait3A_1078 = arith.constant 0 : i32
    %dma_wait3A_1079 = tpu.memref_slice %arg14[%dma_wait3A_1077, %dma_wait3A_1078] : memref<32x128xf32, #tpu.memory_space<vmem>> -> memref<8x128xf32, #tpu.memory_space<vmem>>
    %dma_wait3A_1080 = arith.constant 16 : i32
    %dma_wait3A_1081 = arith.constant 0 : i32
    %dma_wait3A_1082 = tpu.memref_slice %arg3[%dma_wait3A_1080, %dma_wait3A_1081] : memref<32x1000000xf32, #tpu.memory_space<hbm>> -> memref<8x128xf32, #tpu.memory_space<hbm>>
    %dma_wait3A_1083 = arith.constant 16 : i32
    %dma_wait3A_1084 = arith.constant 0 : i32
    %dma_wait3A_1085 = tpu.memref_slice %arg14[%dma_wait3A_1083, %dma_wait3A_1084] : memref<32x128xf32, #tpu.memory_space<vmem>> -> memref<8x128xf32, #tpu.memory_space<vmem>>
    %dma_wait3A_1086 = arith.constant 16 : i32
    %dma_wait3A_1087 = arith.constant 0 : i32
    %dma_wait3A_1088 = tpu.memref_slice %arg3[%dma_wait3A_1086, %dma_wait3A_1087] : memref<32x1000000xf32, #tpu.memory_space<hbm>> -> memref<8x128xf32, #tpu.memory_space<hbm>>
    tpu.wait_dma2 semaphore(%arg24 : memref<!tpu.dma_semaphore, #tpu.memory_space<semaphore_mem>>) src(%dma_wait3A_1088 : memref<8x128xf32, #tpu.memory_space<hbm>>) dst(%dma_wait3A_1085 : memref<8x128xf32, #tpu.memory_space<vmem>>)
    %dma_wait3A_1089 = arith.constant 24 : i32
    %dma_wait3A_1090 = arith.constant 0 : i32
    %dma_wait3A_1091 = tpu.memref_slice %arg14[%dma_wait3A_1089, %dma_wait3A_1090] : memref<32x128xf32, #tpu.memory_space<vmem>> -> memref<8x128xf32, #tpu.memory_space<vmem>>
    %dma_wait3A_1092 = arith.constant 24 : i32
    %dma_wait3A_1093 = arith.constant 0 : i32
    %dma_wait3A_1094 = tpu.memref_slice %arg3[%dma_wait3A_1092, %dma_wait3A_1093] : memref<32x1000000xf32, #tpu.memory_space<hbm>> -> memref<8x128xf32, #tpu.memory_space<hbm>>
    %dma_wait3A_1095 = arith.constant 24 : i32
    %dma_wait3A_1096 = arith.constant 0 : i32
    %dma_wait3A_1097 = tpu.memref_slice %arg14[%dma_wait3A_1095, %dma_wait3A_1096] : memref<32x128xf32, #tpu.memory_space<vmem>> -> memref<8x128xf32, #tpu.memory_space<vmem>>
    %dma_wait3A_1098 = arith.constant 24 : i32
    %dma_wait3A_1099 = arith.constant 0 : i32
    %dma_wait3A_1100 = tpu.memref_slice %arg3[%dma_wait3A_1098, %dma_wait3A_1099] : memref<32x1000000xf32, #tpu.memory_space<hbm>> -> memref<8x128xf32, #tpu.memory_space<hbm>>
    tpu.wait_dma2 semaphore(%arg24 : memref<!tpu.dma_semaphore, #tpu.memory_space<semaphore_mem>>) src(%dma_wait3A_1100 : memref<8x128xf32, #tpu.memory_space<hbm>>) dst(%dma_wait3A_1097 : memref<8x128xf32, #tpu.memory_space<vmem>>)
    %dma_wait3A_1101 = arith.constant 0 : i32
    %dma_wait3A_1102 = arith.constant 0 : i32
    %dma_wait3A_1103 = tpu.memref_slice %arg15[%dma_wait3A_1101, %dma_wait3A_1102] : memref<32x128xf32, #tpu.memory_space<vmem>> -> memref<8x128xf32, #tpu.memory_space<vmem>>
    %dma_wait3A_1104 = arith.constant 0 : i32
    %dma_wait3A_1105 = arith.constant 0 : i32
    %dma_wait3A_1106 = tpu.memref_slice %arg3[%dma_wait3A_1104, %dma_wait3A_1105] : memref<32x1000000xf32, #tpu.memory_space<hbm>> -> memref<8x128xf32, #tpu.memory_space<hbm>>
    %dma_wait3A_1107 = arith.constant 0 : i32
    %dma_wait3A_1108 = arith.constant 0 : i32
    %dma_wait3A_1109 = tpu.memref_slice %arg15[%dma_wait3A_1107, %dma_wait3A_1108] : memref<32x128xf32, #tpu.memory_space<vmem>> -> memref<8x128xf32, #tpu.memory_space<vmem>>
    %dma_wait3A_1110 = arith.constant 0 : i32
    %dma_wait3A_1111 = arith.constant 0 : i32
    %dma_wait3A_1112 = tpu.memref_slice %arg3[%dma_wait3A_1110, %dma_wait3A_1111] : memref<32x1000000xf32, #tpu.memory_space<hbm>> -> memref<8x128xf32, #tpu.memory_space<hbm>>
    tpu.wait_dma2 semaphore(%arg24 : memref<!tpu.dma_semaphore, #tpu.memory_space<semaphore_mem>>) src(%dma_wait3A_1112 : memref<8x128xf32, #tpu.memory_space<hbm>>) dst(%dma_wait3A_1109 : memref<8x128xf32, #tpu.memory_space<vmem>>)
    %dma_wait3A_1113 = arith.constant 8 : i32
    %dma_wait3A_1114 = arith.constant 0 : i32
    %dma_wait3A_1115 = tpu.memref_slice %arg15[%dma_wait3A_1113, %dma_wait3A_1114] : memref<32x128xf32, #tpu.memory_space<vmem>> -> memref<8x128xf32, #tpu.memory_space<vmem>>
    %dma_wait3A_1116 = arith.constant 8 : i32
    %dma_wait3A_1117 = arith.constant 0 : i32
    %dma_wait3A_1118 = tpu.memref_slice %arg3[%dma_wait3A_1116, %dma_wait3A_1117] : memref<32x1000000xf32, #tpu.memory_space<hbm>> -> memref<8x128xf32, #tpu.memory_space<hbm>>
    %dma_wait3A_1119 = arith.constant 8 : i32
    %dma_wait3A_1120 = arith.constant 0 : i32
    %dma_wait3A_1121 = tpu.memref_slice %arg15[%dma_wait3A_1119, %dma_wait3A_1120] : memref<32x128xf32, #tpu.memory_space<vmem>> -> memref<8x128xf32, #tpu.memory_space<vmem>>
    %dma_wait3A_1122 = arith.constant 8 : i32
    %dma_wait3A_1123 = arith.constant 0 : i32
    %dma_wait3A_1124 = tpu.memref_slice %arg3[%dma_wait3A_1122, %dma_wait3A_1123] : memref<32x1000000xf32, #tpu.memory_space<hbm>> -> memref<8x128xf32, #tpu.memory_space<hbm>>
    tpu.wait_dma2 semaphore(%arg24 : memref<!tpu.dma_semaphore, #tpu.memory_space<semaphore_mem>>) src(%dma_wait3A_1124 : memref<8x128xf32, #tpu.memory_space<hbm>>) dst(%dma_wait3A_1121 : memref<8x128xf32, #tpu.memory_space<vmem>>)
    %dma_wait3A_1125 = arith.constant 16 : i32
    %dma_wait3A_1126 = arith.constant 0 : i32
    %dma_wait3A_1127 = tpu.memref_slice %arg15[%dma_wait3A_1125, %dma_wait3A_1126] : memref<32x128xf32, #tpu.memory_space<vmem>> -> memref<8x128xf32, #tpu.memory_space<vmem>>
    %dma_wait3A_1128 = arith.constant 16 : i32
    %dma_wait3A_1129 = arith.constant 0 : i32
    %dma_wait3A_1130 = tpu.memref_slice %arg3[%dma_wait3A_1128, %dma_wait3A_1129] : memref<32x1000000xf32, #tpu.memory_space<hbm>> -> memref<8x128xf32, #tpu.memory_space<hbm>>
    %dma_wait3A_1131 = arith.constant 16 : i32
    %dma_wait3A_1132 = arith.constant 0 : i32
    %dma_wait3A_1133 = tpu.memref_slice %arg15[%dma_wait3A_1131, %dma_wait3A_1132] : memref<32x128xf32, #tpu.memory_space<vmem>> -> memref<8x128xf32, #tpu.memory_space<vmem>>
    %dma_wait3A_1134 = arith.constant 16 : i32
    %dma_wait3A_1135 = arith.constant 0 : i32
    %dma_wait3A_1136 = tpu.memref_slice %arg3[%dma_wait3A_1134, %dma_wait3A_1135] : memref<32x1000000xf32, #tpu.memory_space<hbm>> -> memref<8x128xf32, #tpu.memory_space<hbm>>
    tpu.wait_dma2 semaphore(%arg24 : memref<!tpu.dma_semaphore, #tpu.memory_space<semaphore_mem>>) src(%dma_wait3A_1136 : memref<8x128xf32, #tpu.memory_space<hbm>>) dst(%dma_wait3A_1133 : memref<8x128xf32, #tpu.memory_space<vmem>>)
    %dma_wait3A_1137 = arith.constant 24 : i32
    %dma_wait3A_1138 = arith.constant 0 : i32
    %dma_wait3A_1139 = tpu.memref_slice %arg15[%dma_wait3A_1137, %dma_wait3A_1138] : memref<32x128xf32, #tpu.memory_space<vmem>> -> memref<8x128xf32, #tpu.memory_space<vmem>>
    %dma_wait3A_1140 = arith.constant 24 : i32
    %dma_wait3A_1141 = arith.constant 0 : i32
    %dma_wait3A_1142 = tpu.memref_slice %arg3[%dma_wait3A_1140, %dma_wait3A_1141] : memref<32x1000000xf32, #tpu.memory_space<hbm>> -> memref<8x128xf32, #tpu.memory_space<hbm>>
    %dma_wait3A_1143 = arith.constant 24 : i32
    %dma_wait3A_1144 = arith.constant 0 : i32
    %dma_wait3A_1145 = tpu.memref_slice %arg15[%dma_wait3A_1143, %dma_wait3A_1144] : memref<32x128xf32, #tpu.memory_space<vmem>> -> memref<8x128xf32, #tpu.memory_space<vmem>>
    %dma_wait3A_1146 = arith.constant 24 : i32
    %dma_wait3A_1147 = arith.constant 0 : i32
    %dma_wait3A_1148 = tpu.memref_slice %arg3[%dma_wait3A_1146, %dma_wait3A_1147] : memref<32x1000000xf32, #tpu.memory_space<hbm>> -> memref<8x128xf32, #tpu.memory_space<hbm>>
    tpu.wait_dma2 semaphore(%arg24 : memref<!tpu.dma_semaphore, #tpu.memory_space<semaphore_mem>>) src(%dma_wait3A_1148 : memref<8x128xf32, #tpu.memory_space<hbm>>) dst(%dma_wait3A_1145 : memref<8x128xf32, #tpu.memory_space<vmem>>)
    %dma_wait3A_1149 = arith.constant 0 : i32
    %dma_wait3A_1150 = arith.constant 0 : i32
    %dma_wait3A_1151 = tpu.memref_slice %arg16[%dma_wait3A_1149, %dma_wait3A_1150] : memref<32x128xf32, #tpu.memory_space<vmem>> -> memref<8x128xf32, #tpu.memory_space<vmem>>
    %dma_wait3A_1152 = arith.constant 0 : i32
    %dma_wait3A_1153 = arith.constant 0 : i32
    %dma_wait3A_1154 = tpu.memref_slice %arg3[%dma_wait3A_1152, %dma_wait3A_1153] : memref<32x1000000xf32, #tpu.memory_space<hbm>> -> memref<8x128xf32, #tpu.memory_space<hbm>>
    %dma_wait3A_1155 = arith.constant 0 : i32
    %dma_wait3A_1156 = arith.constant 0 : i32
    %dma_wait3A_1157 = tpu.memref_slice %arg16[%dma_wait3A_1155, %dma_wait3A_1156] : memref<32x128xf32, #tpu.memory_space<vmem>> -> memref<8x128xf32, #tpu.memory_space<vmem>>
    %dma_wait3A_1158 = arith.constant 0 : i32
    %dma_wait3A_1159 = arith.constant 0 : i32
    %dma_wait3A_1160 = tpu.memref_slice %arg3[%dma_wait3A_1158, %dma_wait3A_1159] : memref<32x1000000xf32, #tpu.memory_space<hbm>> -> memref<8x128xf32, #tpu.memory_space<hbm>>
    tpu.wait_dma2 semaphore(%arg25 : memref<!tpu.dma_semaphore, #tpu.memory_space<semaphore_mem>>) src(%dma_wait3A_1160 : memref<8x128xf32, #tpu.memory_space<hbm>>) dst(%dma_wait3A_1157 : memref<8x128xf32, #tpu.memory_space<vmem>>)
    %dma_wait3A_1161 = arith.constant 8 : i32
    %dma_wait3A_1162 = arith.constant 0 : i32
    %dma_wait3A_1163 = tpu.memref_slice %arg16[%dma_wait3A_1161, %dma_wait3A_1162] : memref<32x128xf32, #tpu.memory_space<vmem>> -> memref<8x128xf32, #tpu.memory_space<vmem>>
    %dma_wait3A_1164 = arith.constant 8 : i32
    %dma_wait3A_1165 = arith.constant 0 : i32
    %dma_wait3A_1166 = tpu.memref_slice %arg3[%dma_wait3A_1164, %dma_wait3A_1165] : memref<32x1000000xf32, #tpu.memory_space<hbm>> -> memref<8x128xf32, #tpu.memory_space<hbm>>
    %dma_wait3A_1167 = arith.constant 8 : i32
    %dma_wait3A_1168 = arith.constant 0 : i32
    %dma_wait3A_1169 = tpu.memref_slice %arg16[%dma_wait3A_1167, %dma_wait3A_1168] : memref<32x128xf32, #tpu.memory_space<vmem>> -> memref<8x128xf32, #tpu.memory_space<vmem>>
    %dma_wait3A_1170 = arith.constant 8 : i32
    %dma_wait3A_1171 = arith.constant 0 : i32
    %dma_wait3A_1172 = tpu.memref_slice %arg3[%dma_wait3A_1170, %dma_wait3A_1171] : memref<32x1000000xf32, #tpu.memory_space<hbm>> -> memref<8x128xf32, #tpu.memory_space<hbm>>
    tpu.wait_dma2 semaphore(%arg25 : memref<!tpu.dma_semaphore, #tpu.memory_space<semaphore_mem>>) src(%dma_wait3A_1172 : memref<8x128xf32, #tpu.memory_space<hbm>>) dst(%dma_wait3A_1169 : memref<8x128xf32, #tpu.memory_space<vmem>>)
    %dma_wait3A_1173 = arith.constant 16 : i32
    %dma_wait3A_1174 = arith.constant 0 : i32
    %dma_wait3A_1175 = tpu.memref_slice %arg16[%dma_wait3A_1173, %dma_wait3A_1174] : memref<32x128xf32, #tpu.memory_space<vmem>> -> memref<8x128xf32, #tpu.memory_space<vmem>>
    %dma_wait3A_1176 = arith.constant 16 : i32
    %dma_wait3A_1177 = arith.constant 0 : i32
    %dma_wait3A_1178 = tpu.memref_slice %arg3[%dma_wait3A_1176, %dma_wait3A_1177] : memref<32x1000000xf32, #tpu.memory_space<hbm>> -> memref<8x128xf32, #tpu.memory_space<hbm>>
    %dma_wait3A_1179 = arith.constant 16 : i32
    %dma_wait3A_1180 = arith.constant 0 : i32
    %dma_wait3A_1181 = tpu.memref_slice %arg16[%dma_wait3A_1179, %dma_wait3A_1180] : memref<32x128xf32, #tpu.memory_space<vmem>> -> memref<8x128xf32, #tpu.memory_space<vmem>>
    %dma_wait3A_1182 = arith.constant 16 : i32
    %dma_wait3A_1183 = arith.constant 0 : i32
    %dma_wait3A_1184 = tpu.memref_slice %arg3[%dma_wait3A_1182, %dma_wait3A_1183] : memref<32x1000000xf32, #tpu.memory_space<hbm>> -> memref<8x128xf32, #tpu.memory_space<hbm>>
    tpu.wait_dma2 semaphore(%arg25 : memref<!tpu.dma_semaphore, #tpu.memory_space<semaphore_mem>>) src(%dma_wait3A_1184 : memref<8x128xf32, #tpu.memory_space<hbm>>) dst(%dma_wait3A_1181 : memref<8x128xf32, #tpu.memory_space<vmem>>)
    %dma_wait3A_1185 = arith.constant 24 : i32
    %dma_wait3A_1186 = arith.constant 0 : i32
    %dma_wait3A_1187 = tpu.memref_slice %arg16[%dma_wait3A_1185, %dma_wait3A_1186] : memref<32x128xf32, #tpu.memory_space<vmem>> -> memref<8x128xf32, #tpu.memory_space<vmem>>
    %dma_wait3A_1188 = arith.constant 24 : i32
    %dma_wait3A_1189 = arith.constant 0 : i32
    %dma_wait3A_1190 = tpu.memref_slice %arg3[%dma_wait3A_1188, %dma_wait3A_1189] : memref<32x1000000xf32, #tpu.memory_space<hbm>> -> memref<8x128xf32, #tpu.memory_space<hbm>>
    %dma_wait3A_1191 = arith.constant 24 : i32
    %dma_wait3A_1192 = arith.constant 0 : i32
    %dma_wait3A_1193 = tpu.memref_slice %arg16[%dma_wait3A_1191, %dma_wait3A_1192] : memref<32x128xf32, #tpu.memory_space<vmem>> -> memref<8x128xf32, #tpu.memory_space<vmem>>
    %dma_wait3A_1194 = arith.constant 24 : i32
    %dma_wait3A_1195 = arith.constant 0 : i32
    %dma_wait3A_1196 = tpu.memref_slice %arg3[%dma_wait3A_1194, %dma_wait3A_1195] : memref<32x1000000xf32, #tpu.memory_space<hbm>> -> memref<8x128xf32, #tpu.memory_space<hbm>>
    tpu.wait_dma2 semaphore(%arg25 : memref<!tpu.dma_semaphore, #tpu.memory_space<semaphore_mem>>) src(%dma_wait3A_1196 : memref<8x128xf32, #tpu.memory_space<hbm>>) dst(%dma_wait3A_1193 : memref<8x128xf32, #tpu.memory_space<vmem>>)
    %dma_wait3A_1197 = arith.constant 0 : i32
    %dma_wait3A_1198 = arith.constant 0 : i32
    %dma_wait3A_1199 = tpu.memref_slice %arg17[%dma_wait3A_1197, %dma_wait3A_1198] : memref<32x128xf32, #tpu.memory_space<vmem>> -> memref<8x128xf32, #tpu.memory_space<vmem>>
    %dma_wait3A_1200 = arith.constant 0 : i32
    %dma_wait3A_1201 = arith.constant 0 : i32
    %dma_wait3A_1202 = tpu.memref_slice %arg3[%dma_wait3A_1200, %dma_wait3A_1201] : memref<32x1000000xf32, #tpu.memory_space<hbm>> -> memref<8x128xf32, #tpu.memory_space<hbm>>
    %dma_wait3A_1203 = arith.constant 0 : i32
    %dma_wait3A_1204 = arith.constant 0 : i32
    %dma_wait3A_1205 = tpu.memref_slice %arg17[%dma_wait3A_1203, %dma_wait3A_1204] : memref<32x128xf32, #tpu.memory_space<vmem>> -> memref<8x128xf32, #tpu.memory_space<vmem>>
    %dma_wait3A_1206 = arith.constant 0 : i32
    %dma_wait3A_1207 = arith.constant 0 : i32
    %dma_wait3A_1208 = tpu.memref_slice %arg3[%dma_wait3A_1206, %dma_wait3A_1207] : memref<32x1000000xf32, #tpu.memory_space<hbm>> -> memref<8x128xf32, #tpu.memory_space<hbm>>
    tpu.wait_dma2 semaphore(%arg25 : memref<!tpu.dma_semaphore, #tpu.memory_space<semaphore_mem>>) src(%dma_wait3A_1208 : memref<8x128xf32, #tpu.memory_space<hbm>>) dst(%dma_wait3A_1205 : memref<8x128xf32, #tpu.memory_space<vmem>>)
    %dma_wait3A_1209 = arith.constant 8 : i32
    %dma_wait3A_1210 = arith.constant 0 : i32
    %dma_wait3A_1211 = tpu.memref_slice %arg17[%dma_wait3A_1209, %dma_wait3A_1210] : memref<32x128xf32, #tpu.memory_space<vmem>> -> memref<8x128xf32, #tpu.memory_space<vmem>>
    %dma_wait3A_1212 = arith.constant 8 : i32
    %dma_wait3A_1213 = arith.constant 0 : i32
    %dma_wait3A_1214 = tpu.memref_slice %arg3[%dma_wait3A_1212, %dma_wait3A_1213] : memref<32x1000000xf32, #tpu.memory_space<hbm>> -> memref<8x128xf32, #tpu.memory_space<hbm>>
    %dma_wait3A_1215 = arith.constant 8 : i32
    %dma_wait3A_1216 = arith.constant 0 : i32
    %dma_wait3A_1217 = tpu.memref_slice %arg17[%dma_wait3A_1215, %dma_wait3A_1216] : memref<32x128xf32, #tpu.memory_space<vmem>> -> memref<8x128xf32, #tpu.memory_space<vmem>>
    %dma_wait3A_1218 = arith.constant 8 : i32
    %dma_wait3A_1219 = arith.constant 0 : i32
    %dma_wait3A_1220 = tpu.memref_slice %arg3[%dma_wait3A_1218, %dma_wait3A_1219] : memref<32x1000000xf32, #tpu.memory_space<hbm>> -> memref<8x128xf32, #tpu.memory_space<hbm>>
    tpu.wait_dma2 semaphore(%arg25 : memref<!tpu.dma_semaphore, #tpu.memory_space<semaphore_mem>>) src(%dma_wait3A_1220 : memref<8x128xf32, #tpu.memory_space<hbm>>) dst(%dma_wait3A_1217 : memref<8x128xf32, #tpu.memory_space<vmem>>)
    %dma_wait3A_1221 = arith.constant 16 : i32
    %dma_wait3A_1222 = arith.constant 0 : i32
    %dma_wait3A_1223 = tpu.memref_slice %arg17[%dma_wait3A_1221, %dma_wait3A_1222] : memref<32x128xf32, #tpu.memory_space<vmem>> -> memref<8x128xf32, #tpu.memory_space<vmem>>
    %dma_wait3A_1224 = arith.constant 16 : i32
    %dma_wait3A_1225 = arith.constant 0 : i32
    %dma_wait3A_1226 = tpu.memref_slice %arg3[%dma_wait3A_1224, %dma_wait3A_1225] : memref<32x1000000xf32, #tpu.memory_space<hbm>> -> memref<8x128xf32, #tpu.memory_space<hbm>>
    %dma_wait3A_1227 = arith.constant 16 : i32
    %dma_wait3A_1228 = arith.constant 0 : i32
    %dma_wait3A_1229 = tpu.memref_slice %arg17[%dma_wait3A_1227, %dma_wait3A_1228] : memref<32x128xf32, #tpu.memory_space<vmem>> -> memref<8x128xf32, #tpu.memory_space<vmem>>
    %dma_wait3A_1230 = arith.constant 16 : i32
    %dma_wait3A_1231 = arith.constant 0 : i32
    %dma_wait3A_1232 = tpu.memref_slice %arg3[%dma_wait3A_1230, %dma_wait3A_1231] : memref<32x1000000xf32, #tpu.memory_space<hbm>> -> memref<8x128xf32, #tpu.memory_space<hbm>>
    tpu.wait_dma2 semaphore(%arg25 : memref<!tpu.dma_semaphore, #tpu.memory_space<semaphore_mem>>) src(%dma_wait3A_1232 : memref<8x128xf32, #tpu.memory_space<hbm>>) dst(%dma_wait3A_1229 : memref<8x128xf32, #tpu.memory_space<vmem>>)
    %dma_wait3A_1233 = arith.constant 24 : i32
    %dma_wait3A_1234 = arith.constant 0 : i32
    %dma_wait3A_1235 = tpu.memref_slice %arg17[%dma_wait3A_1233, %dma_wait3A_1234] : memref<32x128xf32, #tpu.memory_space<vmem>> -> memref<8x128xf32, #tpu.memory_space<vmem>>
    %dma_wait3A_1236 = arith.constant 24 : i32
    %dma_wait3A_1237 = arith.constant 0 : i32
    %dma_wait3A_1238 = tpu.memref_slice %arg3[%dma_wait3A_1236, %dma_wait3A_1237] : memref<32x1000000xf32, #tpu.memory_space<hbm>> -> memref<8x128xf32, #tpu.memory_space<hbm>>
    %dma_wait3A_1239 = arith.constant 24 : i32
    %dma_wait3A_1240 = arith.constant 0 : i32
    %dma_wait3A_1241 = tpu.memref_slice %arg17[%dma_wait3A_1239, %dma_wait3A_1240] : memref<32x128xf32, #tpu.memory_space<vmem>> -> memref<8x128xf32, #tpu.memory_space<vmem>>
    %dma_wait3A_1242 = arith.constant 24 : i32
    %dma_wait3A_1243 = arith.constant 0 : i32
    %dma_wait3A_1244 = tpu.memref_slice %arg3[%dma_wait3A_1242, %dma_wait3A_1243] : memref<32x1000000xf32, #tpu.memory_space<hbm>> -> memref<8x128xf32, #tpu.memory_space<hbm>>
    tpu.wait_dma2 semaphore(%arg25 : memref<!tpu.dma_semaphore, #tpu.memory_space<semaphore_mem>>) src(%dma_wait3A_1244 : memref<8x128xf32, #tpu.memory_space<hbm>>) dst(%dma_wait3A_1241 : memref<8x128xf32, #tpu.memory_space<vmem>>)
    %dma_wait3A_1245 = arith.constant 0 : i32
    %dma_wait3A_1246 = arith.constant 0 : i32
    %dma_wait3A_1247 = tpu.memref_slice %arg18[%dma_wait3A_1245, %dma_wait3A_1246] : memref<32x128xf32, #tpu.memory_space<vmem>> -> memref<8x128xf32, #tpu.memory_space<vmem>>
    %dma_wait3A_1248 = arith.constant 0 : i32
    %dma_wait3A_1249 = arith.constant 0 : i32
    %dma_wait3A_1250 = tpu.memref_slice %arg3[%dma_wait3A_1248, %dma_wait3A_1249] : memref<32x1000000xf32, #tpu.memory_space<hbm>> -> memref<8x128xf32, #tpu.memory_space<hbm>>
    %dma_wait3A_1251 = arith.constant 0 : i32
    %dma_wait3A_1252 = arith.constant 0 : i32
    %dma_wait3A_1253 = tpu.memref_slice %arg18[%dma_wait3A_1251, %dma_wait3A_1252] : memref<32x128xf32, #tpu.memory_space<vmem>> -> memref<8x128xf32, #tpu.memory_space<vmem>>
    %dma_wait3A_1254 = arith.constant 0 : i32
    %dma_wait3A_1255 = arith.constant 0 : i32
    %dma_wait3A_1256 = tpu.memref_slice %arg3[%dma_wait3A_1254, %dma_wait3A_1255] : memref<32x1000000xf32, #tpu.memory_space<hbm>> -> memref<8x128xf32, #tpu.memory_space<hbm>>
    tpu.wait_dma2 semaphore(%arg25 : memref<!tpu.dma_semaphore, #tpu.memory_space<semaphore_mem>>) src(%dma_wait3A_1256 : memref<8x128xf32, #tpu.memory_space<hbm>>) dst(%dma_wait3A_1253 : memref<8x128xf32, #tpu.memory_space<vmem>>)
    %dma_wait3A_1257 = arith.constant 8 : i32
    %dma_wait3A_1258 = arith.constant 0 : i32
    %dma_wait3A_1259 = tpu.memref_slice %arg18[%dma_wait3A_1257, %dma_wait3A_1258] : memref<32x128xf32, #tpu.memory_space<vmem>> -> memref<8x128xf32, #tpu.memory_space<vmem>>
    %dma_wait3A_1260 = arith.constant 8 : i32
    %dma_wait3A_1261 = arith.constant 0 : i32
    %dma_wait3A_1262 = tpu.memref_slice %arg3[%dma_wait3A_1260, %dma_wait3A_1261] : memref<32x1000000xf32, #tpu.memory_space<hbm>> -> memref<8x128xf32, #tpu.memory_space<hbm>>
    %dma_wait3A_1263 = arith.constant 8 : i32
    %dma_wait3A_1264 = arith.constant 0 : i32
    %dma_wait3A_1265 = tpu.memref_slice %arg18[%dma_wait3A_1263, %dma_wait3A_1264] : memref<32x128xf32, #tpu.memory_space<vmem>> -> memref<8x128xf32, #tpu.memory_space<vmem>>
    %dma_wait3A_1266 = arith.constant 8 : i32
    %dma_wait3A_1267 = arith.constant 0 : i32
    %dma_wait3A_1268 = tpu.memref_slice %arg3[%dma_wait3A_1266, %dma_wait3A_1267] : memref<32x1000000xf32, #tpu.memory_space<hbm>> -> memref<8x128xf32, #tpu.memory_space<hbm>>
    tpu.wait_dma2 semaphore(%arg25 : memref<!tpu.dma_semaphore, #tpu.memory_space<semaphore_mem>>) src(%dma_wait3A_1268 : memref<8x128xf32, #tpu.memory_space<hbm>>) dst(%dma_wait3A_1265 : memref<8x128xf32, #tpu.memory_space<vmem>>)
    %dma_wait3A_1269 = arith.constant 16 : i32
    %dma_wait3A_1270 = arith.constant 0 : i32
    %dma_wait3A_1271 = tpu.memref_slice %arg18[%dma_wait3A_1269, %dma_wait3A_1270] : memref<32x128xf32, #tpu.memory_space<vmem>> -> memref<8x128xf32, #tpu.memory_space<vmem>>
    %dma_wait3A_1272 = arith.constant 16 : i32
    %dma_wait3A_1273 = arith.constant 0 : i32
    %dma_wait3A_1274 = tpu.memref_slice %arg3[%dma_wait3A_1272, %dma_wait3A_1273] : memref<32x1000000xf32, #tpu.memory_space<hbm>> -> memref<8x128xf32, #tpu.memory_space<hbm>>
    %dma_wait3A_1275 = arith.constant 16 : i32
    %dma_wait3A_1276 = arith.constant 0 : i32
    %dma_wait3A_1277 = tpu.memref_slice %arg18[%dma_wait3A_1275, %dma_wait3A_1276] : memref<32x128xf32, #tpu.memory_space<vmem>> -> memref<8x128xf32, #tpu.memory_space<vmem>>
    %dma_wait3A_1278 = arith.constant 16 : i32
    %dma_wait3A_1279 = arith.constant 0 : i32
    %dma_wait3A_1280 = tpu.memref_slice %arg3[%dma_wait3A_1278, %dma_wait3A_1279] : memref<32x1000000xf32, #tpu.memory_space<hbm>> -> memref<8x128xf32, #tpu.memory_space<hbm>>
    tpu.wait_dma2 semaphore(%arg25 : memref<!tpu.dma_semaphore, #tpu.memory_space<semaphore_mem>>) src(%dma_wait3A_1280 : memref<8x128xf32, #tpu.memory_space<hbm>>) dst(%dma_wait3A_1277 : memref<8x128xf32, #tpu.memory_space<vmem>>)
    %dma_wait3A_1281 = arith.constant 24 : i32
    %dma_wait3A_1282 = arith.constant 0 : i32
    %dma_wait3A_1283 = tpu.memref_slice %arg18[%dma_wait3A_1281, %dma_wait3A_1282] : memref<32x128xf32, #tpu.memory_space<vmem>> -> memref<8x128xf32, #tpu.memory_space<vmem>>
    %dma_wait3A_1284 = arith.constant 24 : i32
    %dma_wait3A_1285 = arith.constant 0 : i32
    %dma_wait3A_1286 = tpu.memref_slice %arg3[%dma_wait3A_1284, %dma_wait3A_1285] : memref<32x1000000xf32, #tpu.memory_space<hbm>> -> memref<8x128xf32, #tpu.memory_space<hbm>>
    %dma_wait3A_1287 = arith.constant 24 : i32
    %dma_wait3A_1288 = arith.constant 0 : i32
    %dma_wait3A_1289 = tpu.memref_slice %arg18[%dma_wait3A_1287, %dma_wait3A_1288] : memref<32x128xf32, #tpu.memory_space<vmem>> -> memref<8x128xf32, #tpu.memory_space<vmem>>
    %dma_wait3A_1290 = arith.constant 24 : i32
    %dma_wait3A_1291 = arith.constant 0 : i32
    %dma_wait3A_1292 = tpu.memref_slice %arg3[%dma_wait3A_1290, %dma_wait3A_1291] : memref<32x1000000xf32, #tpu.memory_space<hbm>> -> memref<8x128xf32, #tpu.memory_space<hbm>>
    tpu.wait_dma2 semaphore(%arg25 : memref<!tpu.dma_semaphore, #tpu.memory_space<semaphore_mem>>) src(%dma_wait3A_1292 : memref<8x128xf32, #tpu.memory_space<hbm>>) dst(%dma_wait3A_1289 : memref<8x128xf32, #tpu.memory_space<vmem>>)
    %dma_wait3A_1293 = arith.constant 0 : i32
    %dma_wait3A_1294 = arith.constant 0 : i32
    %dma_wait3A_1295 = tpu.memref_slice %arg19[%dma_wait3A_1293, %dma_wait3A_1294] : memref<32x128xf32, #tpu.memory_space<vmem>> -> memref<8x128xf32, #tpu.memory_space<vmem>>
    %dma_wait3A_1296 = arith.constant 0 : i32
    %dma_wait3A_1297 = arith.constant 0 : i32
    %dma_wait3A_1298 = tpu.memref_slice %arg3[%dma_wait3A_1296, %dma_wait3A_1297] : memref<32x1000000xf32, #tpu.memory_space<hbm>> -> memref<8x128xf32, #tpu.memory_space<hbm>>
    %dma_wait3A_1299 = arith.constant 0 : i32
    %dma_wait3A_1300 = arith.constant 0 : i32
    %dma_wait3A_1301 = tpu.memref_slice %arg19[%dma_wait3A_1299, %dma_wait3A_1300] : memref<32x128xf32, #tpu.memory_space<vmem>> -> memref<8x128xf32, #tpu.memory_space<vmem>>
    %dma_wait3A_1302 = arith.constant 0 : i32
    %dma_wait3A_1303 = arith.constant 0 : i32
    %dma_wait3A_1304 = tpu.memref_slice %arg3[%dma_wait3A_1302, %dma_wait3A_1303] : memref<32x1000000xf32, #tpu.memory_space<hbm>> -> memref<8x128xf32, #tpu.memory_space<hbm>>
    tpu.wait_dma2 semaphore(%arg25 : memref<!tpu.dma_semaphore, #tpu.memory_space<semaphore_mem>>) src(%dma_wait3A_1304 : memref<8x128xf32, #tpu.memory_space<hbm>>) dst(%dma_wait3A_1301 : memref<8x128xf32, #tpu.memory_space<vmem>>)
    %dma_wait3A_1305 = arith.constant 8 : i32
    %dma_wait3A_1306 = arith.constant 0 : i32
    %dma_wait3A_1307 = tpu.memref_slice %arg19[%dma_wait3A_1305, %dma_wait3A_1306] : memref<32x128xf32, #tpu.memory_space<vmem>> -> memref<8x128xf32, #tpu.memory_space<vmem>>
    %dma_wait3A_1308 = arith.constant 8 : i32
    %dma_wait3A_1309 = arith.constant 0 : i32
    %dma_wait3A_1310 = tpu.memref_slice %arg3[%dma_wait3A_1308, %dma_wait3A_1309] : memref<32x1000000xf32, #tpu.memory_space<hbm>> -> memref<8x128xf32, #tpu.memory_space<hbm>>
    %dma_wait3A_1311 = arith.constant 8 : i32
    %dma_wait3A_1312 = arith.constant 0 : i32
    %dma_wait3A_1313 = tpu.memref_slice %arg19[%dma_wait3A_1311, %dma_wait3A_1312] : memref<32x128xf32, #tpu.memory_space<vmem>> -> memref<8x128xf32, #tpu.memory_space<vmem>>
    %dma_wait3A_1314 = arith.constant 8 : i32
    %dma_wait3A_1315 = arith.constant 0 : i32
    %dma_wait3A_1316 = tpu.memref_slice %arg3[%dma_wait3A_1314, %dma_wait3A_1315] : memref<32x1000000xf32, #tpu.memory_space<hbm>> -> memref<8x128xf32, #tpu.memory_space<hbm>>
    tpu.wait_dma2 semaphore(%arg25 : memref<!tpu.dma_semaphore, #tpu.memory_space<semaphore_mem>>) src(%dma_wait3A_1316 : memref<8x128xf32, #tpu.memory_space<hbm>>) dst(%dma_wait3A_1313 : memref<8x128xf32, #tpu.memory_space<vmem>>)
    %dma_wait3A_1317 = arith.constant 16 : i32
    %dma_wait3A_1318 = arith.constant 0 : i32
    %dma_wait3A_1319 = tpu.memref_slice %arg19[%dma_wait3A_1317, %dma_wait3A_1318] : memref<32x128xf32, #tpu.memory_space<vmem>> -> memref<8x128xf32, #tpu.memory_space<vmem>>
    %dma_wait3A_1320 = arith.constant 16 : i32
    %dma_wait3A_1321 = arith.constant 0 : i32
    %dma_wait3A_1322 = tpu.memref_slice %arg3[%dma_wait3A_1320, %dma_wait3A_1321] : memref<32x1000000xf32, #tpu.memory_space<hbm>> -> memref<8x128xf32, #tpu.memory_space<hbm>>
    %dma_wait3A_1323 = arith.constant 16 : i32
    %dma_wait3A_1324 = arith.constant 0 : i32
    %dma_wait3A_1325 = tpu.memref_slice %arg19[%dma_wait3A_1323, %dma_wait3A_1324] : memref<32x128xf32, #tpu.memory_space<vmem>> -> memref<8x128xf32, #tpu.memory_space<vmem>>
    %dma_wait3A_1326 = arith.constant 16 : i32
    %dma_wait3A_1327 = arith.constant 0 : i32
    %dma_wait3A_1328 = tpu.memref_slice %arg3[%dma_wait3A_1326, %dma_wait3A_1327] : memref<32x1000000xf32, #tpu.memory_space<hbm>> -> memref<8x128xf32, #tpu.memory_space<hbm>>
    tpu.wait_dma2 semaphore(%arg25 : memref<!tpu.dma_semaphore, #tpu.memory_space<semaphore_mem>>) src(%dma_wait3A_1328 : memref<8x128xf32, #tpu.memory_space<hbm>>) dst(%dma_wait3A_1325 : memref<8x128xf32, #tpu.memory_space<vmem>>)
    %dma_wait3A_1329 = arith.constant 24 : i32
    %dma_wait3A_1330 = arith.constant 0 : i32
    %dma_wait3A_1331 = tpu.memref_slice %arg19[%dma_wait3A_1329, %dma_wait3A_1330] : memref<32x128xf32, #tpu.memory_space<vmem>> -> memref<8x128xf32, #tpu.memory_space<vmem>>
    %dma_wait3A_1332 = arith.constant 24 : i32
    %dma_wait3A_1333 = arith.constant 0 : i32
    %dma_wait3A_1334 = tpu.memref_slice %arg3[%dma_wait3A_1332, %dma_wait3A_1333] : memref<32x1000000xf32, #tpu.memory_space<hbm>> -> memref<8x128xf32, #tpu.memory_space<hbm>>
    %dma_wait3A_1335 = arith.constant 24 : i32
    %dma_wait3A_1336 = arith.constant 0 : i32
    %dma_wait3A_1337 = tpu.memref_slice %arg19[%dma_wait3A_1335, %dma_wait3A_1336] : memref<32x128xf32, #tpu.memory_space<vmem>> -> memref<8x128xf32, #tpu.memory_space<vmem>>
    %dma_wait3A_1338 = arith.constant 24 : i32
    %dma_wait3A_1339 = arith.constant 0 : i32
    %dma_wait3A_1340 = tpu.memref_slice %arg3[%dma_wait3A_1338, %dma_wait3A_1339] : memref<32x1000000xf32, #tpu.memory_space<hbm>> -> memref<8x128xf32, #tpu.memory_space<hbm>>
    tpu.wait_dma2 semaphore(%arg25 : memref<!tpu.dma_semaphore, #tpu.memory_space<semaphore_mem>>) src(%dma_wait3A_1340 : memref<8x128xf32, #tpu.memory_space<hbm>>) dst(%dma_wait3A_1337 : memref<8x128xf32, #tpu.memory_space<vmem>>)
    %dma_wait3A_1341 = arith.constant 0 : i32
    %dma_wait3A_1342 = arith.constant 0 : i32
    %dma_wait3A_1343 = tpu.memref_slice %arg20[%dma_wait3A_1341, %dma_wait3A_1342] : memref<32x128xf32, #tpu.memory_space<vmem>> -> memref<8x128xf32, #tpu.memory_space<vmem>>
    %dma_wait3A_1344 = arith.constant 0 : i32
    %dma_wait3A_1345 = arith.constant 0 : i32
    %dma_wait3A_1346 = tpu.memref_slice %arg3[%dma_wait3A_1344, %dma_wait3A_1345] : memref<32x1000000xf32, #tpu.memory_space<hbm>> -> memref<8x128xf32, #tpu.memory_space<hbm>>
    %dma_wait3A_1347 = arith.constant 0 : i32
    %dma_wait3A_1348 = arith.constant 0 : i32
    %dma_wait3A_1349 = tpu.memref_slice %arg20[%dma_wait3A_1347, %dma_wait3A_1348] : memref<32x128xf32, #tpu.memory_space<vmem>> -> memref<8x128xf32, #tpu.memory_space<vmem>>
    %dma_wait3A_1350 = arith.constant 0 : i32
    %dma_wait3A_1351 = arith.constant 0 : i32
    %dma_wait3A_1352 = tpu.memref_slice %arg3[%dma_wait3A_1350, %dma_wait3A_1351] : memref<32x1000000xf32, #tpu.memory_space<hbm>> -> memref<8x128xf32, #tpu.memory_space<hbm>>
    tpu.wait_dma2 semaphore(%arg25 : memref<!tpu.dma_semaphore, #tpu.memory_space<semaphore_mem>>) src(%dma_wait3A_1352 : memref<8x128xf32, #tpu.memory_space<hbm>>) dst(%dma_wait3A_1349 : memref<8x128xf32, #tpu.memory_space<vmem>>)
    %dma_wait3A_1353 = arith.constant 8 : i32
    %dma_wait3A_1354 = arith.constant 0 : i32
    %dma_wait3A_1355 = tpu.memref_slice %arg20[%dma_wait3A_1353, %dma_wait3A_1354] : memref<32x128xf32, #tpu.memory_space<vmem>> -> memref<8x128xf32, #tpu.memory_space<vmem>>
    %dma_wait3A_1356 = arith.constant 8 : i32
    %dma_wait3A_1357 = arith.constant 0 : i32
    %dma_wait3A_1358 = tpu.memref_slice %arg3[%dma_wait3A_1356, %dma_wait3A_1357] : memref<32x1000000xf32, #tpu.memory_space<hbm>> -> memref<8x128xf32, #tpu.memory_space<hbm>>
    %dma_wait3A_1359 = arith.constant 8 : i32
    %dma_wait3A_1360 = arith.constant 0 : i32
    %dma_wait3A_1361 = tpu.memref_slice %arg20[%dma_wait3A_1359, %dma_wait3A_1360] : memref<32x128xf32, #tpu.memory_space<vmem>> -> memref<8x128xf32, #tpu.memory_space<vmem>>
    %dma_wait3A_1362 = arith.constant 8 : i32
    %dma_wait3A_1363 = arith.constant 0 : i32
    %dma_wait3A_1364 = tpu.memref_slice %arg3[%dma_wait3A_1362, %dma_wait3A_1363] : memref<32x1000000xf32, #tpu.memory_space<hbm>> -> memref<8x128xf32, #tpu.memory_space<hbm>>
    tpu.wait_dma2 semaphore(%arg25 : memref<!tpu.dma_semaphore, #tpu.memory_space<semaphore_mem>>) src(%dma_wait3A_1364 : memref<8x128xf32, #tpu.memory_space<hbm>>) dst(%dma_wait3A_1361 : memref<8x128xf32, #tpu.memory_space<vmem>>)
    %dma_wait3A_1365 = arith.constant 16 : i32
    %dma_wait3A_1366 = arith.constant 0 : i32
    %dma_wait3A_1367 = tpu.memref_slice %arg20[%dma_wait3A_1365, %dma_wait3A_1366] : memref<32x128xf32, #tpu.memory_space<vmem>> -> memref<8x128xf32, #tpu.memory_space<vmem>>
    %dma_wait3A_1368 = arith.constant 16 : i32
    %dma_wait3A_1369 = arith.constant 0 : i32
    %dma_wait3A_1370 = tpu.memref_slice %arg3[%dma_wait3A_1368, %dma_wait3A_1369] : memref<32x1000000xf32, #tpu.memory_space<hbm>> -> memref<8x128xf32, #tpu.memory_space<hbm>>
    %dma_wait3A_1371 = arith.constant 16 : i32
    %dma_wait3A_1372 = arith.constant 0 : i32
    %dma_wait3A_1373 = tpu.memref_slice %arg20[%dma_wait3A_1371, %dma_wait3A_1372] : memref<32x128xf32, #tpu.memory_space<vmem>> -> memref<8x128xf32, #tpu.memory_space<vmem>>
    %dma_wait3A_1374 = arith.constant 16 : i32
    %dma_wait3A_1375 = arith.constant 0 : i32
    %dma_wait3A_1376 = tpu.memref_slice %arg3[%dma_wait3A_1374, %dma_wait3A_1375] : memref<32x1000000xf32, #tpu.memory_space<hbm>> -> memref<8x128xf32, #tpu.memory_space<hbm>>
    tpu.wait_dma2 semaphore(%arg25 : memref<!tpu.dma_semaphore, #tpu.memory_space<semaphore_mem>>) src(%dma_wait3A_1376 : memref<8x128xf32, #tpu.memory_space<hbm>>) dst(%dma_wait3A_1373 : memref<8x128xf32, #tpu.memory_space<vmem>>)
    %dma_wait3A_1377 = arith.constant 24 : i32
    %dma_wait3A_1378 = arith.constant 0 : i32
    %dma_wait3A_1379 = tpu.memref_slice %arg20[%dma_wait3A_1377, %dma_wait3A_1378] : memref<32x128xf32, #tpu.memory_space<vmem>> -> memref<8x128xf32, #tpu.memory_space<vmem>>
    %dma_wait3A_1380 = arith.constant 24 : i32
    %dma_wait3A_1381 = arith.constant 0 : i32
    %dma_wait3A_1382 = tpu.memref_slice %arg3[%dma_wait3A_1380, %dma_wait3A_1381] : memref<32x1000000xf32, #tpu.memory_space<hbm>> -> memref<8x128xf32, #tpu.memory_space<hbm>>
    %dma_wait3A_1383 = arith.constant 24 : i32
    %dma_wait3A_1384 = arith.constant 0 : i32
    %dma_wait3A_1385 = tpu.memref_slice %arg20[%dma_wait3A_1383, %dma_wait3A_1384] : memref<32x128xf32, #tpu.memory_space<vmem>> -> memref<8x128xf32, #tpu.memory_space<vmem>>
    %dma_wait3A_1386 = arith.constant 24 : i32
    %dma_wait3A_1387 = arith.constant 0 : i32
    %dma_wait3A_1388 = tpu.memref_slice %arg3[%dma_wait3A_1386, %dma_wait3A_1387] : memref<32x1000000xf32, #tpu.memory_space<hbm>> -> memref<8x128xf32, #tpu.memory_space<hbm>>
    tpu.wait_dma2 semaphore(%arg25 : memref<!tpu.dma_semaphore, #tpu.memory_space<semaphore_mem>>) src(%dma_wait3A_1388 : memref<8x128xf32, #tpu.memory_space<hbm>>) dst(%dma_wait3A_1385 : memref<8x128xf32, #tpu.memory_space<vmem>>)
    %dma_wait3A_1389 = arith.constant 0 : i32
    %dma_wait3A_1390 = arith.constant 0 : i32
    %dma_wait3A_1391 = tpu.memref_slice %arg21[%dma_wait3A_1389, %dma_wait3A_1390] : memref<32x128xf32, #tpu.memory_space<vmem>> -> memref<8x128xf32, #tpu.memory_space<vmem>>
    %dma_wait3A_1392 = arith.constant 0 : i32
    %dma_wait3A_1393 = arith.constant 0 : i32
    %dma_wait3A_1394 = tpu.memref_slice %arg3[%dma_wait3A_1392, %dma_wait3A_1393] : memref<32x1000000xf32, #tpu.memory_space<hbm>> -> memref<8x128xf32, #tpu.memory_space<hbm>>
    %dma_wait3A_1395 = arith.constant 0 : i32
    %dma_wait3A_1396 = arith.constant 0 : i32
    %dma_wait3A_1397 = tpu.memref_slice %arg21[%dma_wait3A_1395, %dma_wait3A_1396] : memref<32x128xf32, #tpu.memory_space<vmem>> -> memref<8x128xf32, #tpu.memory_space<vmem>>
    %dma_wait3A_1398 = arith.constant 0 : i32
    %dma_wait3A_1399 = arith.constant 0 : i32
    %dma_wait3A_1400 = tpu.memref_slice %arg3[%dma_wait3A_1398, %dma_wait3A_1399] : memref<32x1000000xf32, #tpu.memory_space<hbm>> -> memref<8x128xf32, #tpu.memory_space<hbm>>
    tpu.wait_dma2 semaphore(%arg25 : memref<!tpu.dma_semaphore, #tpu.memory_space<semaphore_mem>>) src(%dma_wait3A_1400 : memref<8x128xf32, #tpu.memory_space<hbm>>) dst(%dma_wait3A_1397 : memref<8x128xf32, #tpu.memory_space<vmem>>)
    %dma_wait3A_1401 = arith.constant 8 : i32
    %dma_wait3A_1402 = arith.constant 0 : i32
    %dma_wait3A_1403 = tpu.memref_slice %arg21[%dma_wait3A_1401, %dma_wait3A_1402] : memref<32x128xf32, #tpu.memory_space<vmem>> -> memref<8x128xf32, #tpu.memory_space<vmem>>
    %dma_wait3A_1404 = arith.constant 8 : i32
    %dma_wait3A_1405 = arith.constant 0 : i32
    %dma_wait3A_1406 = tpu.memref_slice %arg3[%dma_wait3A_1404, %dma_wait3A_1405] : memref<32x1000000xf32, #tpu.memory_space<hbm>> -> memref<8x128xf32, #tpu.memory_space<hbm>>
    %dma_wait3A_1407 = arith.constant 8 : i32
    %dma_wait3A_1408 = arith.constant 0 : i32
    %dma_wait3A_1409 = tpu.memref_slice %arg21[%dma_wait3A_1407, %dma_wait3A_1408] : memref<32x128xf32, #tpu.memory_space<vmem>> -> memref<8x128xf32, #tpu.memory_space<vmem>>
    %dma_wait3A_1410 = arith.constant 8 : i32
    %dma_wait3A_1411 = arith.constant 0 : i32
    %dma_wait3A_1412 = tpu.memref_slice %arg3[%dma_wait3A_1410, %dma_wait3A_1411] : memref<32x1000000xf32, #tpu.memory_space<hbm>> -> memref<8x128xf32, #tpu.memory_space<hbm>>
    tpu.wait_dma2 semaphore(%arg25 : memref<!tpu.dma_semaphore, #tpu.memory_space<semaphore_mem>>) src(%dma_wait3A_1412 : memref<8x128xf32, #tpu.memory_space<hbm>>) dst(%dma_wait3A_1409 : memref<8x128xf32, #tpu.memory_space<vmem>>)
    %dma_wait3A_1413 = arith.constant 16 : i32
    %dma_wait3A_1414 = arith.constant 0 : i32
    %dma_wait3A_1415 = tpu.memref_slice %arg21[%dma_wait3A_1413, %dma_wait3A_1414] : memref<32x128xf32, #tpu.memory_space<vmem>> -> memref<8x128xf32, #tpu.memory_space<vmem>>
    %dma_wait3A_1416 = arith.constant 16 : i32
    %dma_wait3A_1417 = arith.constant 0 : i32
    %dma_wait3A_1418 = tpu.memref_slice %arg3[%dma_wait3A_1416, %dma_wait3A_1417] : memref<32x1000000xf32, #tpu.memory_space<hbm>> -> memref<8x128xf32, #tpu.memory_space<hbm>>
    %dma_wait3A_1419 = arith.constant 16 : i32
    %dma_wait3A_1420 = arith.constant 0 : i32
    %dma_wait3A_1421 = tpu.memref_slice %arg21[%dma_wait3A_1419, %dma_wait3A_1420] : memref<32x128xf32, #tpu.memory_space<vmem>> -> memref<8x128xf32, #tpu.memory_space<vmem>>
    %dma_wait3A_1422 = arith.constant 16 : i32
    %dma_wait3A_1423 = arith.constant 0 : i32
    %dma_wait3A_1424 = tpu.memref_slice %arg3[%dma_wait3A_1422, %dma_wait3A_1423] : memref<32x1000000xf32, #tpu.memory_space<hbm>> -> memref<8x128xf32, #tpu.memory_space<hbm>>
    tpu.wait_dma2 semaphore(%arg25 : memref<!tpu.dma_semaphore, #tpu.memory_space<semaphore_mem>>) src(%dma_wait3A_1424 : memref<8x128xf32, #tpu.memory_space<hbm>>) dst(%dma_wait3A_1421 : memref<8x128xf32, #tpu.memory_space<vmem>>)
    %dma_wait3A_1425 = arith.constant 24 : i32
    %dma_wait3A_1426 = arith.constant 0 : i32
    %dma_wait3A_1427 = tpu.memref_slice %arg21[%dma_wait3A_1425, %dma_wait3A_1426] : memref<32x128xf32, #tpu.memory_space<vmem>> -> memref<8x128xf32, #tpu.memory_space<vmem>>
    %dma_wait3A_1428 = arith.constant 24 : i32
    %dma_wait3A_1429 = arith.constant 0 : i32
    %dma_wait3A_1430 = tpu.memref_slice %arg3[%dma_wait3A_1428, %dma_wait3A_1429] : memref<32x1000000xf32, #tpu.memory_space<hbm>> -> memref<8x128xf32, #tpu.memory_space<hbm>>
    %dma_wait3A_1431 = arith.constant 24 : i32
    %dma_wait3A_1432 = arith.constant 0 : i32
    %dma_wait3A_1433 = tpu.memref_slice %arg21[%dma_wait3A_1431, %dma_wait3A_1432] : memref<32x128xf32, #tpu.memory_space<vmem>> -> memref<8x128xf32, #tpu.memory_space<vmem>>
    %dma_wait3A_1434 = arith.constant 24 : i32
    %dma_wait3A_1435 = arith.constant 0 : i32
    %dma_wait3A_1436 = tpu.memref_slice %arg3[%dma_wait3A_1434, %dma_wait3A_1435] : memref<32x1000000xf32, #tpu.memory_space<hbm>> -> memref<8x128xf32, #tpu.memory_space<hbm>>
    tpu.wait_dma2 semaphore(%arg25 : memref<!tpu.dma_semaphore, #tpu.memory_space<semaphore_mem>>) src(%dma_wait3A_1436 : memref<8x128xf32, #tpu.memory_space<hbm>>) dst(%dma_wait3A_1433 : memref<8x128xf32, #tpu.memory_space<vmem>>)
    %dma_wait3A_1437 = arith.constant 0 : i32
    %dma_wait3A_1438 = arith.constant 0 : i32
    %dma_wait3A_1439 = tpu.memref_slice %arg22[%dma_wait3A_1437, %dma_wait3A_1438] : memref<32x128xf32, #tpu.memory_space<vmem>> -> memref<8x128xf32, #tpu.memory_space<vmem>>
    %dma_wait3A_1440 = arith.constant 0 : i32
    %dma_wait3A_1441 = arith.constant 0 : i32
    %dma_wait3A_1442 = tpu.memref_slice %arg3[%dma_wait3A_1440, %dma_wait3A_1441] : memref<32x1000000xf32, #tpu.memory_space<hbm>> -> memref<8x128xf32, #tpu.memory_space<hbm>>
    %dma_wait3A_1443 = arith.constant 0 : i32
    %dma_wait3A_1444 = arith.constant 0 : i32
    %dma_wait3A_1445 = tpu.memref_slice %arg22[%dma_wait3A_1443, %dma_wait3A_1444] : memref<32x128xf32, #tpu.memory_space<vmem>> -> memref<8x128xf32, #tpu.memory_space<vmem>>
    %dma_wait3A_1446 = arith.constant 0 : i32
    %dma_wait3A_1447 = arith.constant 0 : i32
    %dma_wait3A_1448 = tpu.memref_slice %arg3[%dma_wait3A_1446, %dma_wait3A_1447] : memref<32x1000000xf32, #tpu.memory_space<hbm>> -> memref<8x128xf32, #tpu.memory_space<hbm>>
    tpu.wait_dma2 semaphore(%arg25 : memref<!tpu.dma_semaphore, #tpu.memory_space<semaphore_mem>>) src(%dma_wait3A_1448 : memref<8x128xf32, #tpu.memory_space<hbm>>) dst(%dma_wait3A_1445 : memref<8x128xf32, #tpu.memory_space<vmem>>)
    %dma_wait3A_1449 = arith.constant 8 : i32
    %dma_wait3A_1450 = arith.constant 0 : i32
    %dma_wait3A_1451 = tpu.memref_slice %arg22[%dma_wait3A_1449, %dma_wait3A_1450] : memref<32x128xf32, #tpu.memory_space<vmem>> -> memref<8x128xf32, #tpu.memory_space<vmem>>
    %dma_wait3A_1452 = arith.constant 8 : i32
    %dma_wait3A_1453 = arith.constant 0 : i32
    %dma_wait3A_1454 = tpu.memref_slice %arg3[%dma_wait3A_1452, %dma_wait3A_1453] : memref<32x1000000xf32, #tpu.memory_space<hbm>> -> memref<8x128xf32, #tpu.memory_space<hbm>>
    %dma_wait3A_1455 = arith.constant 8 : i32
    %dma_wait3A_1456 = arith.constant 0 : i32
    %dma_wait3A_1457 = tpu.memref_slice %arg22[%dma_wait3A_1455, %dma_wait3A_1456] : memref<32x128xf32, #tpu.memory_space<vmem>> -> memref<8x128xf32, #tpu.memory_space<vmem>>
    %dma_wait3A_1458 = arith.constant 8 : i32
    %dma_wait3A_1459 = arith.constant 0 : i32
    %dma_wait3A_1460 = tpu.memref_slice %arg3[%dma_wait3A_1458, %dma_wait3A_1459] : memref<32x1000000xf32, #tpu.memory_space<hbm>> -> memref<8x128xf32, #tpu.memory_space<hbm>>
    tpu.wait_dma2 semaphore(%arg25 : memref<!tpu.dma_semaphore, #tpu.memory_space<semaphore_mem>>) src(%dma_wait3A_1460 : memref<8x128xf32, #tpu.memory_space<hbm>>) dst(%dma_wait3A_1457 : memref<8x128xf32, #tpu.memory_space<vmem>>)
    %dma_wait3A_1461 = arith.constant 16 : i32
    %dma_wait3A_1462 = arith.constant 0 : i32
    %dma_wait3A_1463 = tpu.memref_slice %arg22[%dma_wait3A_1461, %dma_wait3A_1462] : memref<32x128xf32, #tpu.memory_space<vmem>> -> memref<8x128xf32, #tpu.memory_space<vmem>>
    %dma_wait3A_1464 = arith.constant 16 : i32
    %dma_wait3A_1465 = arith.constant 0 : i32
    %dma_wait3A_1466 = tpu.memref_slice %arg3[%dma_wait3A_1464, %dma_wait3A_1465] : memref<32x1000000xf32, #tpu.memory_space<hbm>> -> memref<8x128xf32, #tpu.memory_space<hbm>>
    %dma_wait3A_1467 = arith.constant 16 : i32
    %dma_wait3A_1468 = arith.constant 0 : i32
    %dma_wait3A_1469 = tpu.memref_slice %arg22[%dma_wait3A_1467, %dma_wait3A_1468] : memref<32x128xf32, #tpu.memory_space<vmem>> -> memref<8x128xf32, #tpu.memory_space<vmem>>
    %dma_wait3A_1470 = arith.constant 16 : i32
    %dma_wait3A_1471 = arith.constant 0 : i32
    %dma_wait3A_1472 = tpu.memref_slice %arg3[%dma_wait3A_1470, %dma_wait3A_1471] : memref<32x1000000xf32, #tpu.memory_space<hbm>> -> memref<8x128xf32, #tpu.memory_space<hbm>>
    tpu.wait_dma2 semaphore(%arg25 : memref<!tpu.dma_semaphore, #tpu.memory_space<semaphore_mem>>) src(%dma_wait3A_1472 : memref<8x128xf32, #tpu.memory_space<hbm>>) dst(%dma_wait3A_1469 : memref<8x128xf32, #tpu.memory_space<vmem>>)
    %dma_wait3A_1473 = arith.constant 24 : i32
    %dma_wait3A_1474 = arith.constant 0 : i32
    %dma_wait3A_1475 = tpu.memref_slice %arg22[%dma_wait3A_1473, %dma_wait3A_1474] : memref<32x128xf32, #tpu.memory_space<vmem>> -> memref<8x128xf32, #tpu.memory_space<vmem>>
    %dma_wait3A_1476 = arith.constant 24 : i32
    %dma_wait3A_1477 = arith.constant 0 : i32
    %dma_wait3A_1478 = tpu.memref_slice %arg3[%dma_wait3A_1476, %dma_wait3A_1477] : memref<32x1000000xf32, #tpu.memory_space<hbm>> -> memref<8x128xf32, #tpu.memory_space<hbm>>
    %dma_wait3A_1479 = arith.constant 24 : i32
    %dma_wait3A_1480 = arith.constant 0 : i32
    %dma_wait3A_1481 = tpu.memref_slice %arg22[%dma_wait3A_1479, %dma_wait3A_1480] : memref<32x128xf32, #tpu.memory_space<vmem>> -> memref<8x128xf32, #tpu.memory_space<vmem>>
    %dma_wait3A_1482 = arith.constant 24 : i32
    %dma_wait3A_1483 = arith.constant 0 : i32
    %dma_wait3A_1484 = tpu.memref_slice %arg3[%dma_wait3A_1482, %dma_wait3A_1483] : memref<32x1000000xf32, #tpu.memory_space<hbm>> -> memref<8x128xf32, #tpu.memory_space<hbm>>
    tpu.wait_dma2 semaphore(%arg25 : memref<!tpu.dma_semaphore, #tpu.memory_space<semaphore_mem>>) src(%dma_wait3A_1484 : memref<8x128xf32, #tpu.memory_space<hbm>>) dst(%dma_wait3A_1481 : memref<8x128xf32, #tpu.memory_space<vmem>>)
    %dma_wait3A_1485 = arith.constant 0 : i32
    %dma_wait3A_1486 = arith.constant 0 : i32
    %dma_wait3A_1487 = tpu.memref_slice %arg23[%dma_wait3A_1485, %dma_wait3A_1486] : memref<32x128xf32, #tpu.memory_space<vmem>> -> memref<8x128xf32, #tpu.memory_space<vmem>>
    %dma_wait3A_1488 = arith.constant 0 : i32
    %dma_wait3A_1489 = arith.constant 0 : i32
    %dma_wait3A_1490 = tpu.memref_slice %arg3[%dma_wait3A_1488, %dma_wait3A_1489] : memref<32x1000000xf32, #tpu.memory_space<hbm>> -> memref<8x128xf32, #tpu.memory_space<hbm>>
    %dma_wait3A_1491 = arith.constant 0 : i32
    %dma_wait3A_1492 = arith.constant 0 : i32
    %dma_wait3A_1493 = tpu.memref_slice %arg23[%dma_wait3A_1491, %dma_wait3A_1492] : memref<32x128xf32, #tpu.memory_space<vmem>> -> memref<8x128xf32, #tpu.memory_space<vmem>>
    %dma_wait3A_1494 = arith.constant 0 : i32
    %dma_wait3A_1495 = arith.constant 0 : i32
    %dma_wait3A_1496 = tpu.memref_slice %arg3[%dma_wait3A_1494, %dma_wait3A_1495] : memref<32x1000000xf32, #tpu.memory_space<hbm>> -> memref<8x128xf32, #tpu.memory_space<hbm>>
    tpu.wait_dma2 semaphore(%arg25 : memref<!tpu.dma_semaphore, #tpu.memory_space<semaphore_mem>>) src(%dma_wait3A_1496 : memref<8x128xf32, #tpu.memory_space<hbm>>) dst(%dma_wait3A_1493 : memref<8x128xf32, #tpu.memory_space<vmem>>)
    %dma_wait3A_1497 = arith.constant 8 : i32
    %dma_wait3A_1498 = arith.constant 0 : i32
    %dma_wait3A_1499 = tpu.memref_slice %arg23[%dma_wait3A_1497, %dma_wait3A_1498] : memref<32x128xf32, #tpu.memory_space<vmem>> -> memref<8x128xf32, #tpu.memory_space<vmem>>
    %dma_wait3A_1500 = arith.constant 8 : i32
    %dma_wait3A_1501 = arith.constant 0 : i32
    %dma_wait3A_1502 = tpu.memref_slice %arg3[%dma_wait3A_1500, %dma_wait3A_1501] : memref<32x1000000xf32, #tpu.memory_space<hbm>> -> memref<8x128xf32, #tpu.memory_space<hbm>>
    %dma_wait3A_1503 = arith.constant 8 : i32
    %dma_wait3A_1504 = arith.constant 0 : i32
    %dma_wait3A_1505 = tpu.memref_slice %arg23[%dma_wait3A_1503, %dma_wait3A_1504] : memref<32x128xf32, #tpu.memory_space<vmem>> -> memref<8x128xf32, #tpu.memory_space<vmem>>
    %dma_wait3A_1506 = arith.constant 8 : i32
    %dma_wait3A_1507 = arith.constant 0 : i32
    %dma_wait3A_1508 = tpu.memref_slice %arg3[%dma_wait3A_1506, %dma_wait3A_1507] : memref<32x1000000xf32, #tpu.memory_space<hbm>> -> memref<8x128xf32, #tpu.memory_space<hbm>>
    tpu.wait_dma2 semaphore(%arg25 : memref<!tpu.dma_semaphore, #tpu.memory_space<semaphore_mem>>) src(%dma_wait3A_1508 : memref<8x128xf32, #tpu.memory_space<hbm>>) dst(%dma_wait3A_1505 : memref<8x128xf32, #tpu.memory_space<vmem>>)
    %dma_wait3A_1509 = arith.constant 16 : i32
    %dma_wait3A_1510 = arith.constant 0 : i32
    %dma_wait3A_1511 = tpu.memref_slice %arg23[%dma_wait3A_1509, %dma_wait3A_1510] : memref<32x128xf32, #tpu.memory_space<vmem>> -> memref<8x128xf32, #tpu.memory_space<vmem>>
    %dma_wait3A_1512 = arith.constant 16 : i32
    %dma_wait3A_1513 = arith.constant 0 : i32
    %dma_wait3A_1514 = tpu.memref_slice %arg3[%dma_wait3A_1512, %dma_wait3A_1513] : memref<32x1000000xf32, #tpu.memory_space<hbm>> -> memref<8x128xf32, #tpu.memory_space<hbm>>
    %dma_wait3A_1515 = arith.constant 16 : i32
    %dma_wait3A_1516 = arith.constant 0 : i32
    %dma_wait3A_1517 = tpu.memref_slice %arg23[%dma_wait3A_1515, %dma_wait3A_1516] : memref<32x128xf32, #tpu.memory_space<vmem>> -> memref<8x128xf32, #tpu.memory_space<vmem>>
    %dma_wait3A_1518 = arith.constant 16 : i32
    %dma_wait3A_1519 = arith.constant 0 : i32
    %dma_wait3A_1520 = tpu.memref_slice %arg3[%dma_wait3A_1518, %dma_wait3A_1519] : memref<32x1000000xf32, #tpu.memory_space<hbm>> -> memref<8x128xf32, #tpu.memory_space<hbm>>
    tpu.wait_dma2 semaphore(%arg25 : memref<!tpu.dma_semaphore, #tpu.memory_space<semaphore_mem>>) src(%dma_wait3A_1520 : memref<8x128xf32, #tpu.memory_space<hbm>>) dst(%dma_wait3A_1517 : memref<8x128xf32, #tpu.memory_space<vmem>>)
    %dma_wait3A_1521 = arith.constant 24 : i32
    %dma_wait3A_1522 = arith.constant 0 : i32
    %dma_wait3A_1523 = tpu.memref_slice %arg23[%dma_wait3A_1521, %dma_wait3A_1522] : memref<32x128xf32, #tpu.memory_space<vmem>> -> memref<8x128xf32, #tpu.memory_space<vmem>>
    %dma_wait3A_1524 = arith.constant 24 : i32
    %dma_wait3A_1525 = arith.constant 0 : i32
    %dma_wait3A_1526 = tpu.memref_slice %arg3[%dma_wait3A_1524, %dma_wait3A_1525] : memref<32x1000000xf32, #tpu.memory_space<hbm>> -> memref<8x128xf32, #tpu.memory_space<hbm>>
    %dma_wait3A_1527 = arith.constant 24 : i32
    %dma_wait3A_1528 = arith.constant 0 : i32
    %dma_wait3A_1529 = tpu.memref_slice %arg23[%dma_wait3A_1527, %dma_wait3A_1528] : memref<32x128xf32, #tpu.memory_space<vmem>> -> memref<8x128xf32, #tpu.memory_space<vmem>>
    %dma_wait3A_1530 = arith.constant 24 : i32
    %dma_wait3A_1531 = arith.constant 0 : i32
    %dma_wait3A_1532 = tpu.memref_slice %arg3[%dma_wait3A_1530, %dma_wait3A_1531] : memref<32x1000000xf32, #tpu.memory_space<hbm>> -> memref<8x128xf32, #tpu.memory_space<hbm>>
    tpu.wait_dma2 semaphore(%arg25 : memref<!tpu.dma_semaphore, #tpu.memory_space<semaphore_mem>>) src(%dma_wait3A_1532 : memref<8x128xf32, #tpu.memory_space<hbm>>) dst(%dma_wait3A_1529 : memref<8x128xf32, #tpu.memory_space<vmem>>)
    %dma_wait3A_1533 = arith.constant 0 : i32
    %dma_wait3A_1534 = tpu.memref_slice %arg4[%mul3A_2, %dma_wait3A_1533] : memref<16384x32xf32, #tpu.memory_space<hbm>> -> memref<8x32xf32, #tpu.memory_space<hbm>>
    %dma_wait3A_1535 = arith.constant 0 : i32
    %dma_wait3A_1536 = tpu.memref_slice %arg4[%mul3A_2, %dma_wait3A_1535] : memref<16384x32xf32, #tpu.memory_space<hbm>> -> memref<8x32xf32, #tpu.memory_space<hbm>>
    tpu.wait_dma2 semaphore(%arg26 : memref<!tpu.dma_semaphore, #tpu.memory_space<semaphore_mem>>) src(%arg6 : memref<8x32xf32, #tpu.memory_space<vmem>>) dst(%dma_wait3A_1536 : memref<8x32xf32, #tpu.memory_space<hbm>>)
    %dma_wait3A_1537 = arith.constant 0 : i32
    %dma_wait3A_1538 = tpu.memref_slice %arg4[%mul3A_2, %dma_wait3A_1537] : memref<16384x32xf32, #tpu.memory_space<hbm>> -> memref<8x32xf32, #tpu.memory_space<hbm>>
    %dma_wait3A_1539 = arith.constant 0 : i32
    %dma_wait3A_1540 = tpu.memref_slice %arg4[%mul3A_2, %dma_wait3A_1539] : memref<16384x32xf32, #tpu.memory_space<hbm>> -> memref<8x32xf32, #tpu.memory_space<hbm>>
    tpu.wait_dma2 semaphore(%arg27 : memref<!tpu.dma_semaphore, #tpu.memory_space<semaphore_mem>>) src(%arg7 : memref<8x32xf32, #tpu.memory_space<vmem>>) dst(%dma_wait3A_1540 : memref<8x32xf32, #tpu.memory_space<hbm>>)
    return
  }
}

</mosaic_0001>

<sc_bundles>
// kernel: kernel.3.cloned.1.call-start
scs
__scs_entry_jumppad:
0x0: {  	(pc) =	sbr.rel $0x88, $3  }
0x1: {  	(tag) =	ssettag $0x0;
	lr =	simm.s32 $0x1  }
0x2: {  	[smem:$0x3F9F] =	sst lr;
	_ =	strace $0xD0000000  }
0x3: {  	_ = 	snop  }
0x4: {  	_ = 	snop  }
0x5: {  	_ = 	snop  }
0x6: {  	_ = 	snop  }
0x7: {  	_ = 	snop  }
__scs_overlays_trampoline_lowered:
0x8: {  	[smem:$0x3FAE] =	sst s0  }
0x9: {  	[smem:$0x3FAF] =	sst s1  }
0xa: {  	[smem:$0x3FB0] =	sst s2  }
0xb: {  	[smem:$0x3FB1] =	sst s3  }
0xc: {  	[smem:$0x3FB2] =	sst s4  }
0xd: {  	[smem:$0x3FB3] =	sst s5  }
0xe: {  	[smem:$0x3FB4] =	sst s6  }
0xf: {  	[smem:$0x3FB5] =	sst s7  }
0x10: {  	[smem:$0x3FB6] =	sst s8  }
0x11: {  	[smem:$0x3FB7] =	sst s9;
	s0 =	simm.s32 @!p0 $0x0  }
0x12: {  	s1 =	sld [smem:$0x3F9D];
	s0 =	simm.s32 @p0 $0x1  }
0x13: {  	[smem:$0x3FB8] =	sst s0;
	s0 =	simm.s32 @!p1 $0x0  }
0x14: {  	s2 =	sld [smem:$0x3F9C];
	s0 =	simm.s32 @p1 $0x1  }
0x15: {  	[smem:$0x3FB9] =	sst s0;
	s0 =	simm.s32 @!p2 $0x0  }
0x16: {  	s3 =	sld [smem:$0x3FDB];
	s0 =	simm.s32 @p2 $0x1  }
0x17: {  	s4 =	simm.s32 $0x1BF5;
	[smem:$0x3FBB] =	sst s0  }
0x18: {  	s0 =	sld [smem:$0x3F9E];
	_ =	swait.ge [sflag:s4], $0x0  }
0x19: {  	s7 =	sld [smem:$0x3F9F]  }
0x1a: {  	s8 =	sadd.s32 $0xFFFFE003, lr  }
0x1b: {  	s9 =	sadd.s32 $0xFFFFFEF7, lr;
	s5 =	simm.s32 $0xFFFFFFFF;
	p2 =	slt.u32 s8, $0xFFFFF086  }
0x1c: {  	p1 =	slt.u32 s9, $0xF7A;
	s5 =	simm.s32 @!p2 $0x0  }
0x1d: {  	s5 =	simm.s32 @p1 $0x1;
	p0 =	seq.s32 s7, s2  }
0x1e: {  	s7 =	smul.u32 @!p0 $0xF7A, s2;
	p2 =	seq.s32 @!p0 s5, $0x0  }
0x1f: {  	s9 =	smul.u32 $0xF7A, s1;
	s8 =	simm.s32 @!p0 $0x1BF5;
	p2 =	por !p2, p0  }
0x20: {  	[sflag:s8] =	ssyncset.s32 @!p0 $0xFFFFF086;
	s6 =	sadd.s32 @!p0 s3, s7;
	s7 =	simm.s32 @!p0 $0x108  }
0x21: {  	s3 =	sadd.s32 s3, s9;
	s6 =	sadd.s32 @!p0 $0x88, s6;
	s7 =	simm.s32 @p2 $0x1082  }
0x22: {  	[simem:s7], [sflag:s8] =	dma.local @!p0 [hbm:s6], $0xF7A  }
0x23: {  	s9 =	sor.u32 $0xD0000000, s2;
	s6 =	simm.s32 $0x108;
	_ =	swait.ge @!p0 [sflag:s8], $0x0  }
0x24: {  	s3 =	sadd.s32 $0x88, s3;
	s6 =	simm.s32 @!p1 $0x1082;
	[sflag:s4] =	ssyncset.s32 $0xFFFFF086  }
0x25: {  	[simem:s6], [sflag:s4] =	dma.local [hbm:s3], $0xF7A  }
0x26: {  	[smem:$0x3F9F] =	sst s1;
	(tag) =	ssettag s2;
	_ =	strace s9  }
0x27: {  	s1 =	sld [smem:$0x3FAF]  }
0x28: {  	s2 =	sld [smem:$0x3FB0]  }
0x29: {  	s4 =	sld [smem:$0x3FB2]  }
0x2a: {  	p0 =	seq.s32 s5, $0x0;
	s5 =	sld [smem:$0x3FB3]  }
0x2b: {  	s6 =	sld [smem:$0x3FB4]  }
0x2c: {  	s7 =	sld [smem:$0x3FB5]  }
0x2d: {  	s3 =	simm.s32 $0x108;
	s8 =	sld [smem:$0x3FB6]  }
0x2e: {  	s3 =	simm.s32 @!p0 $0x1082;
	s9 =	sld [smem:$0x3FB7]  }
0x2f: {  	lr =	sadd.s32 s0, s3;
	s0 =	sld [smem:$0x3FAE]  }
0x30: {  	s3 =	sld [smem:$0x3FB1]  }
0x31: {  	[smem:$0x3FBA] =	sst s10  }
0x32: {  	s10 =	sld [smem:$0x3FB8];
	_ =	sdelay $0x3  }
0x33: {  	p0 =	seq.s32 s10, $0x1;
	s10 =	sld [smem:$0x3FBA];
	_ =	sdelay $0x3  }
0x34: {  	[smem:$0x3FBA] =	sst s10  }
0x35: {  	s10 =	sld [smem:$0x3FB9];
	_ =	sdelay $0x3  }
0x36: {  	p1 =	seq.s32 s10, $0x1;
	s10 =	sld [smem:$0x3FBA];
	_ =	sdelay $0x3  }
0x37: {  	[smem:$0x3FBA] =	sst s10  }
0x38: {  	s10 =	sld [smem:$0x3FBB]  }
0x39: {  	_ = 	snop;
	(pc) =	sbr.ind lr, $3  }
0x3a: {  	_ = 	snop  }
0x3b: {  	_ = 	snop  }
0x3c: {  	p2 =	seq.s32 s10, $0x1;
	s10 =	sld [smem:$0x3FBA]  }
0x3d: {  	_ =	shalt  }
0x3e: {  	_ =	shalt  }
0x3f: {  	_ =	shalt  }
0x40: {  	_ =	shalt  }
0x41: {  	_ =	shalt  }
0x42: {  	_ =	shalt  }
0x43: {  	_ =	shalt  }
0x44: {  	_ =	shalt  }
0x45: {  	_ =	shalt  }
0x46: {  	_ =	shalt  }
0x47: {  	_ =	shalt  }
0x48: {  	_ =	shalt  }
0x49: {  	_ =	shalt  }
0x4a: {  	_ =	shalt  }
0x4b: {  	_ =	shalt  }
0x4c: {  	_ =	shalt  }
0x4d: {  	_ =	shalt  }
0x4e: {  	_ =	shalt  }
0x4f: {  	_ =	shalt  }
0x50: {  	_ =	shalt  }
0x51: {  	_ =	shalt  }
0x52: {  	_ =	shalt  }
0x53: {  	_ =	shalt  }
0x54: {  	_ =	shalt  }
0x55: {  	_ =	shalt  }
0x56: {  	_ =	shalt  }
0x57: {  	_ =	shalt  }
0x58: {  	_ =	shalt  }
0x59: {  	_ =	shalt  }
0x5a: {  	_ =	shalt  }
0x5b: {  	_ =	shalt  }
0x5c: {  	_ =	shalt  }
0x5d: {  	_ =	shalt  }
0x5e: {  	_ =	shalt  }
0x5f: {  	_ =	shalt  }
0x60: {  	_ =	shalt  }
0x61: {  	_ =	shalt  }
0x62: {  	_ =	shalt  }
0x63: {  	_ =	shalt  }
0x64: {  	_ =	shalt  }
0x65: {  	_ =	shalt  }
0x66: {  	_ =	shalt  }
0x67: {  	_ =	shalt  }
0x68: {  	_ =	shalt  }
0x69: {  	_ =	shalt  }
0x6a: {  	_ =	shalt  }
0x6b: {  	_ =	shalt  }
0x6c: {  	_ =	shalt  }
0x6d: {  	_ =	shalt  }
0x6e: {  	_ =	shalt  }
0x6f: {  	_ =	shalt  }
0x70: {  	_ =	shalt  }
0x71: {  	_ =	shalt  }
0x72: {  	_ =	shalt  }
0x73: {  	_ =	shalt  }
0x74: {  	_ =	shalt  }
0x75: {  	_ =	shalt  }
0x76: {  	_ =	shalt  }
0x77: {  	_ =	shalt  }
0x78: {  	_ =	shalt  }
0x79: {  	_ =	shalt  }
0x7a: {  	_ =	shalt  }
0x7b: {  	_ =	shalt  }
0x7c: {  	_ =	shalt  }
0x7d: {  	_ =	shalt  }
0x7e: {  	_ =	shalt  }
0x7f: {  	_ =	shalt  }
0x80: {  	_ =	shalt  }
0x81: {  	_ =	shalt  }
0x82: {  	_ =	shalt  }
0x83: {  	_ =	shalt  }
0x84: {  	_ =	shalt  }
0x85: {  	_ =	shalt  }
0x86: {  	_ =	shalt  }
0x87: {  	_ =	shalt  }
.Lfunc_end0:
.L_simem_size_0:
called_computation_lowered:
.L_overlay_start_0:
0x88: {  	s2 =	sld [smem:$0x3FD9]  }
0x89: {  	s3 =	sld [smem:$0x3FFE];
	_ =	sdelay $0x1  }
0x8a: {  	s1 =	srdreg.scid  }
0x8b: {  	s0 =	sand.u32 $0x1, s1  }
0x8c: {  	s17 =	sshll.u32 s0, $0xA;
	s2 =	sadd.s32 s3, s2  }
0x8d: {  	s2 =	sadd.s32 s2, s17  }
0x8e: {  	[smem:$0x3FC6] =	sst s2  }
0x8f: {  	_ = 	snop  }
0x90: {  	s2 =	sld [smem:$0x3FC9]  }
0x91: {  	s18 =	sld [smem:$0x3FC8];
	(tm) =	ssettm $0x1  }
0x92: {  	s4 =	sld [smem:$0x3FFB];
	_ =	sdelay $0x3  }
0x93: {  	_ =	strace s4  }
0x94: {  	s4 =	sld [smem:$0x3FFC];
	_ =	sdelay $0x3  }
0x95: {  	_ =	strace s4  }
0x96: {  	s4 =	sld [smem:$0x3FFD];
	_ =	sdelay $0x3  }
0x97: {  	_ =	strace s4  }
0x98: {  	_ =	strace $0x8FFFFFFF  }
0x99: {  	s19 =	sld [smem:$0x3FDB];
	_ =	sdelay $0x1  }
0x9a: {  	s5 =	simm.s32 $_scs_section_size  }
0x9b: {  	s6 =	simm.s32 $_size__tile_overlayer_lowered;
	s7 =	simm.s32 $_tile_overlayer_lowered  }
0x9c: {  	s22 =	simm.s32 $0x1BFF;
	s21 =	sshll.u32 s7, $0x1;
	s4 =	sadd.s32 s5, s19  }
0x9d: {  	s8 =	simm.s32 $0x0;
	s20 =	sshll.u32 s6, $0x1;
	s6 =	sadd.s32 s21, s4  }
0x9e: {  	[timem:s8], [sflag:s22] =	dma.local [hbm:s6], s20  }
0x9f: {  	_ =	swait.ge [sflag:s22], s20  }
0xa0: {  	s5 =	ssub.s32 $0x0, s20;
	[sflag:s22] =	ssyncset.done $0x0  }
0xa1: {  	[sflag:s22] =	ssyncadd.s32 s5;
	_ =	sdelay $0x1  }
0xa2: {  	s23 =	simm.s32 $0x1B8B  }
0xa3: {  	_ =	swait.ge [sflag:s23], $0x1  }
0xa4: {  	[sflag:s23] =	ssyncset.done $0x0  }
0xa5: {  	s25 =	simm.s32 $0x1B8E;
	s24 =	sld [smem:$0x3FFE];
	[sflag:s23] =	ssyncadd.s32 $0xFFFFFFFF  }
0xa6: {  	s26 =	simm.s32 $execute0_lowered;
	[smem:$0x3FD2] =	sst s25  }
0xa7: {  	s6 =	sshll.u32 s26, $0x1;
	_ =	strace $0x80000046;
	[dreg:$0x1] =	wrdreg $0xFFFFFFFF  }
0xa8: {  	s28 =	simm.s32 $_size_execute0_lowered;
	s4 =	sadd.s32 s4, s6;
	[dreg:$0x0] =	wrdreg $0x0  }
0xa9: {  	s6 =	sshll.u32 s28, $0x1;
	[dreg:$0x2] =	wrdreg s4  }
0xaa: {  	[dreg:$0x3] =	wrdreg s6  }
0xab: {  	[dreg:$0x4] =	wrdreg $0xC0  }
0xac: {  	_ =	task [dreg:s8], $0x5FFFF  }
0xad: {  	[dreg:$0x1] =	wrdreg $0xFFFFFFFF  }
0xae: {  	[dreg:$0x0] =	wrdreg $0x60  }
0xaf: {  	[dreg:$0x2] =	wrdreg s2  }
0xb0: {  	[dreg:$0x3] =	wrdreg s18  }
0xb1: {  	[dreg:$0x4] =	wrdreg s24  }
0xb2: {  	[dreg:$0x5] =	wrdreg $0x9  }
0xb3: {  	_ =	task.clear_ibuf [dreg:s8], $0x6FFFF;
	_ =	strace $0x90000046  }
0xb4: {  	s29 =	simm.s32 $0x9;
	_ =	strace $0x80000048  }
0xb5: {  	_ =	swait.ge [sflag:s29], $0x1  }
0xb6: {  	[sflag:s29] =	ssyncadd.s32 $0xFFFFFFFF  }
0xb7: {  	_ =	strace $0x90000048  }
0xb8: {  	_ =	sfence  }
0xb9: {  	s30 =	sld [smem:$0x0];
	_ =	sdelay $0x2  }
0xba: {  	s31 =	sshll.u32 s1, $0xD;
	s1 =	sshrl.u32 s1, $0x2  }
0xbb: {  	s3 =	sand.u32 $0x4000, s31;
	s1 =	sadd.s32 s1, s30  }
0xbc: {  	s0 =	sor.u32 s3, s0;
	s1 =	sshll.u32 s1, $0x11  }
0xbd: {  	s0 =	sor.u32 s1, s0  }
0xbe: {  	s0 =	sadd.s32 $0x8F2B, s0  }
0xbf: {  	[sflag:s0] =	ssyncadd.remote.s32 $0x1  }
0xc0: {  	_ =	sfence.sel $0xFFFF  }
0xc1: {  	[dreg:$0x0] =	wrdreg $0xFFFFFFFF;
	(pc) =	sbr.abs _section_cstart, $3  }
0xc2: {  	[dreg:$0x1] =	wrdreg $0xFFFFFFFF  }
0xc3: {  	_ =	task.clear_ibuf [dreg:s8], $0x2FFFF;
	_ =	strace $0x9FFFFFFF  }
0xc4: {  	(tm) =	ssettm $0x7FFFFFFF  }
0xc5: {  	_ =	shalt  }
tec
execute0_lowered:
.L_overlay_start_1:
0x0: {  	(tag) =	ssettag $0x1  }
0x1: {  	s0 =	rddreg [dreg:$0x0]  }
0x2: {  	s2 =	rddreg [dreg:$0x1]  }
0x3: {  	s1 =	rddreg [dreg:$0x2];
	s3 =	simm.s32 $0x0  }
0x4: {  	s6 =	stileid.u32;
	s4 =	srdreg.scid;
	s16 =	simm.s32 $0xE80  }
0x5: {  	s20 =	simm.s32 $0x1280;
	s21 =	simm.s32 $0x1680;
	s11 =	simm.s32 $0x1A80  }
0x6: {  	s30 =	simm.s32 $0x2680;
	s15 =	simm.s32 $0x2A80;
	s31 =	simm.s32 $0x2E80  }
0x7: {  	s19 =	simm.s32 $0x3A80;
	s28 =	simm.s32 $0x5A80;
	s12 =	simm.s32 $0x8A80  }
0x8: {  	s17 =	simm.s32 $0x9A80;
	s22 =	simm.s32 $0xAA80;
	s29 =	simm.s32 $0xBA80  }
0x9: {  	s10 =	simm.s32 $0xDA80;
	s18 =	simm.s32 $0xEA80;
	s9 =	simm.s32 $0x680  }
0xa: {  	s13 =	simm.s32 $0x0;
	[smem:$0x7FF] =	sst s3;
	s5 =	sshll.u32 s6, $0xE  }
0xb: {  	s4 =	sand.u32 $0x1, s4;
	s6 =	sshll.u32 s6, $0xA;
	_ =	strace $0x80000047  }
0xc: {  	s1 =	sadd.s32 s5, s1;
	s23 =	ssub.s32 $0x2, s4;
	s7 =	sshll.u32 s4, $0x9  }
0xd: {  	s4 =	sshll.u32 s4, $0xD;
	s5 =	simm.s32 $0x280;
	[dreg:$0x7] =	wrdreg s13  }
0xe: {  	v0 =	vlaneseq.u32;
	s8 =	sshrl.u32 s23, $0x1;
	s6 =	sor.u32 s7, s6;
	s1 =	sadd.s32 s4, s1  }
0xf: {  	v2 =	vimm.s32 $0x0;
	v1 =	vmul.u32 $0x80, v0;
	v4 =	vor.u32 $0x10, v0;
	s7 =	simm.s32 $0xA80;
	s4 =	simm.s32 $0xCA80;
	s24 =	ssub.s32 s23, s8  }
0x10: {  	v5 =	vor.u32 $0x80, v0;
	v6 =	vor.u32 $0x90, v0;
	v7 =	vor.u32 $0x100, v0;
	s25 =	sshrl.u32 s6, $0x3;
	s1 =	sadd.s32 $0x400, s1;
	s23 =	simm.s32 $0x4A80  }
0x11: {  	v8 =	vor.u32 $0x110, v0;
	v9 =	vor.u32 $0x180, v0;
	v10 =	vor.u32 $0x190, v0;
	s6 =	simm.s32 $0x7A80;
	s8 =	simm.s32 $0x2;
	s0 =	sadd.s32 s0, s25  }
0x12: {  	v11 =	vor.u32 $0x200, v0;
	v12 =	vor.u32 $0x210, v0;
	v13 =	vor.u32 $0x280, v0;
	s26 =	smax.u32 s24, $0x1;
	[dreg:$0x4] =	wrdreg s1;
	s24 =	simm.s32 $0x1E80  }
0x13: {  	v14 =	vor.u32 $0x290, v0;
	v15 =	vor.u32 $0x300, v0;
	v16 =	vor.u32 $0x310, v0;
	s25 =	simm.s32 $0xFA80;
	s1 =	simm.s32 $0x1;
	[dreg:$0x5] =	wrdreg s0  }
0x14: {  	v17 =	vor.u32 $0x380, v0;
	v18 =	vor.u32 $0x390, v0;
	v3 =	vor.u32 $0x800, v1;
	[dreg:$0x6] =	wrdreg s26;
	s26 =	simm.s32 $0x2280;
	s0 =	simm.s32 $0x6A80  }
.LBB2_1:
0x15: {  	s13 =	rddreg [dreg:$0x5];
	s14 =	simm.s32 $0x5  }
0x16: {  	[tilespmem:s3], [sflag:$0x5] =	stream.linear.gather [hbm4b:s13+s3], $0x200, $0x38;
	[tilespmem:$0x10A80] =	vst v63  }
0x17: {  	_ =	swait.ge [sflag:s14], $0x200  }
0x18: {  	[sflag:s14] =	ssyncset.done $0x0  }
0x19: {  	[sflag:s14] =	ssyncadd.s32 $0xFFFFFE00  }
0x1a: {  	v19 =	vld [tilespmem:$0x0];
	_ =	sdelay $0x4  }
0x1b: {  	(v2sf) =	vpush v19, $0x0;
	_ =	sdelay $0x7  }
0x1c: {  	(v2sf) =	vpush v19, $0x1;
	_ =	sdelay $0x6  }
0x1d: {  	s14 =	spop (v2sf)  }
0x1e: {  	[tilespmem:$0x200] =	vst v2;
	s13 =	sand.u32 $0xFFFFF80, s14  }
0x1f: {  	[tilespmem:$0x210] =	vst v2;
	(v2sf) =	vpush v19, $0x2;
	s13 =	sadd.s32 s2, s13  }
0x20: {  	[tilespmem:s7], [sflag:$0x1] =	stream.linear.gather [hbm4b:s13+s3], $0x400, $0x38;
	[tilespmem:$0x10A80] =	vst v63  }
0x21: {  	s14 =	sadd.s32 $0xF4280, s13  }
0x22: {  	[tilespmem:s16], [sflag:$0x1] =	stream.linear.gather [hbm4b:s14+s3], $0x400, $0x38;
	[tilespmem:$0x10A80] =	vst v63  }
0x23: {  	s16 =	sadd.s32 $0x1E8500, s13  }
0x24: {  	[tilespmem:s20], [sflag:$0x1] =	stream.linear.gather [hbm4b:s16+s3], $0x400, $0x38;
	[tilespmem:$0x10A80] =	vst v63  }
0x25: {  	s13 =	sadd.s32 $0x2DC780, s13;
	s14 =	spop (v2sf)  }
0x26: {  	[tilespmem:s21], [sflag:$0x1] =	stream.linear.gather [hbm4b:s13+s3], $0x400, $0x38;
	[tilespmem:$0x10A80] =	vst v63  }
0x27: {  	s13 =	sand.u32 $0xFFFFF80, s14  }
0x28: {  	(v2sf) =	vpush v19, $0x3;
	s13 =	sadd.s32 s2, s13  }
0x29: {  	[tilespmem:s11], [sflag:$0x1] =	stream.linear.gather [hbm4b:s13+s3], $0x400, $0x38;
	[tilespmem:$0x10A80] =	vst v63  }
0x2a: {  	s16 =	sadd.s32 $0xF4280, s13  }
0x2b: {  	[tilespmem:s24], [sflag:$0x1] =	stream.linear.gather [hbm4b:s16+s3], $0x400, $0x38;
	[tilespmem:$0x10A80] =	vst v63  }
0x2c: {  	s20 =	sadd.s32 $0x1E8500, s13  }
0x2d: {  	[tilespmem:s26], [sflag:$0x1] =	stream.linear.gather [hbm4b:s20+s3], $0x400, $0x38;
	[tilespmem:$0x10A80] =	vst v63  }
0x2e: {  	s13 =	sadd.s32 $0x2DC780, s13;
	s21 =	spop (v2sf)  }
0x2f: {  	[tilespmem:s30], [sflag:$0x1] =	stream.linear.gather [hbm4b:s13+s3], $0x400, $0x38;
	[tilespmem:$0x10A80] =	vst v63  }
0x30: {  	s13 =	sand.u32 $0xFFFFF80, s21  }
0x31: {  	(v2sf) =	vpush v19, $0x4;
	s13 =	sadd.s32 s2, s13  }
0x32: {  	[tilespmem:s15], [sflag:$0x1] =	stream.linear.gather [hbm4b:s13+s3], $0x400, $0x38;
	[tilespmem:$0x10A80] =	vst v63  }
0x33: {  	s24 =	sadd.s32 $0xF4280, s13  }
0x34: {  	[tilespmem:s31], [sflag:$0x1] =	stream.linear.gather [hbm4b:s24+s3], $0x400, $0x38;
	[tilespmem:$0x10A80] =	vst v63  }
0x35: {  	s26 =	sadd.s32 $0x1E8500, s13;
	s31 =	simm.s32 $0x3280  }
0x36: {  	[tilespmem:s31], [sflag:$0x1] =	stream.linear.gather [hbm4b:s26+s3], $0x400, $0x38;
	[tilespmem:$0x10A80] =	vst v63  }
0x37: {  	s16 =	simm.s32 $0x3680;
	s13 =	sadd.s32 $0x2DC780, s13;
	s20 =	spop (v2sf)  }
0x38: {  	[tilespmem:s16], [sflag:$0x1] =	stream.linear.gather [hbm4b:s13+s3], $0x400, $0x38;
	[tilespmem:$0x10A80] =	vst v63  }
0x39: {  	s13 =	sand.u32 $0xFFFFF80, s20  }
0x3a: {  	(v2sf) =	vpush v19, $0x5;
	s13 =	sadd.s32 s2, s13  }
0x3b: {  	[tilespmem:s19], [sflag:$0x1] =	stream.linear.gather [hbm4b:s13+s3], $0x400, $0x38;
	[tilespmem:$0x10A80] =	vst v63  }
0x3c: {  	s24 =	simm.s32 $0x3E80;
	s21 =	sadd.s32 $0xF4280, s13  }
0x3d: {  	[tilespmem:s24], [sflag:$0x1] =	stream.linear.gather [hbm4b:s21+s3], $0x400, $0x38;
	[tilespmem:$0x10A80] =	vst v63  }
0x3e: {  	s31 =	simm.s32 $0x4280;
	s26 =	sadd.s32 $0x1E8500, s13  }
0x3f: {  	[tilespmem:s31], [sflag:$0x1] =	stream.linear.gather [hbm4b:s26+s3], $0x400, $0x38;
	[tilespmem:$0x10A80] =	vst v63  }
0x40: {  	s16 =	simm.s32 $0x4680;
	s13 =	sadd.s32 $0x2DC780, s13;
	s20 =	spop (v2sf)  }
0x41: {  	[tilespmem:s16], [sflag:$0x1] =	stream.linear.gather [hbm4b:s13+s3], $0x400, $0x38;
	[tilespmem:$0x10A80] =	vst v63  }
0x42: {  	s13 =	sand.u32 $0xFFFFF80, s20  }
0x43: {  	(v2sf) =	vpush v19, $0x6;
	s13 =	sadd.s32 s2, s13  }
0x44: {  	[tilespmem:s23], [sflag:$0x1] =	stream.linear.gather [hbm4b:s13+s3], $0x400, $0x38;
	[tilespmem:$0x10A80] =	vst v63  }
0x45: {  	s24 =	simm.s32 $0x4E80;
	s21 =	sadd.s32 $0xF4280, s13  }
0x46: {  	[tilespmem:s24], [sflag:$0x1] =	stream.linear.gather [hbm4b:s21+s3], $0x400, $0x38;
	[tilespmem:$0x10A80] =	vst v63  }
0x47: {  	s31 =	simm.s32 $0x5280;
	s26 =	sadd.s32 $0x1E8500, s13  }
0x48: {  	[tilespmem:s31], [sflag:$0x1] =	stream.linear.gather [hbm4b:s26+s3], $0x400, $0x38;
	[tilespmem:$0x10A80] =	vst v63  }
0x49: {  	s16 =	simm.s32 $0x5680;
	s13 =	sadd.s32 $0x2DC780, s13;
	s20 =	spop (v2sf)  }
0x4a: {  	[tilespmem:s16], [sflag:$0x1] =	stream.linear.gather [hbm4b:s13+s3], $0x400, $0x38;
	[tilespmem:$0x10A80] =	vst v63  }
0x4b: {  	s13 =	sand.u32 $0xFFFFF80, s20  }
0x4c: {  	(v2sf) =	vpush v19, $0x7;
	s13 =	sadd.s32 s2, s13  }
0x4d: {  	[tilespmem:s28], [sflag:$0x1] =	stream.linear.gather [hbm4b:s13+s3], $0x400, $0x38;
	[tilespmem:$0x10A80] =	vst v63  }
0x4e: {  	s24 =	simm.s32 $0x5E80;
	s21 =	sadd.s32 $0xF4280, s13  }
0x4f: {  	[tilespmem:s24], [sflag:$0x1] =	stream.linear.gather [hbm4b:s21+s3], $0x400, $0x38;
	[tilespmem:$0x10A80] =	vst v63  }
0x50: {  	s31 =	simm.s32 $0x6280;
	s26 =	sadd.s32 $0x1E8500, s13  }
0x51: {  	[tilespmem:s31], [sflag:$0x1] =	stream.linear.gather [hbm4b:s26+s3], $0x400, $0x38;
	[tilespmem:$0x10A80] =	vst v63  }
0x52: {  	s16 =	simm.s32 $0x6680;
	s13 =	sadd.s32 $0x2DC780, s13;
	s20 =	spop (v2sf)  }
0x53: {  	[tilespmem:s16], [sflag:$0x1] =	stream.linear.gather [hbm4b:s13+s3], $0x400, $0x38;
	[tilespmem:$0x10A80] =	vst v63  }
0x54: {  	s13 =	sand.u32 $0xFFFFF80, s20  }
0x55: {  	s13 =	sadd.s32 s2, s13  }
0x56: {  	[tilespmem:s0], [sflag:$0x1] =	stream.linear.gather [hbm4b:s13+s3], $0x400, $0x38;
	[tilespmem:$0x10A80] =	vst v63  }
0x57: {  	s24 =	simm.s32 $0x6E80;
	s21 =	sadd.s32 $0xF4280, s13  }
0x58: {  	[tilespmem:s24], [sflag:$0x1] =	stream.linear.gather [hbm4b:s21+s3], $0x400, $0x38;
	[tilespmem:$0x10A80] =	vst v63  }
0x59: {  	s31 =	simm.s32 $0x7280;
	s26 =	sadd.s32 $0x1E8500, s13  }
0x5a: {  	[tilespmem:s31], [sflag:$0x1] =	stream.linear.gather [hbm4b:s26+s3], $0x400, $0x38;
	[tilespmem:$0x10A80] =	vst v63  }
0x5b: {  	s16 =	simm.s32 $0x7680;
	s20 =	spop (v2sf);
	s13 =	sadd.s32 $0x2DC780, s13  }
0x5c: {  	[tilespmem:s16], [sflag:$0x1] =	stream.linear.gather [hbm4b:s13+s3], $0x400, $0x38;
	[tilespmem:$0x10A80] =	vst v63  }
0x5d: {  	s13 =	sand.u32 $0xFFFFF80, s20  }
0x5e: {  	s13 =	sadd.s32 s2, s13  }
0x5f: {  	[tilespmem:s6], [sflag:$0x1] =	stream.linear.gather [hbm4b:s13+s3], $0x400, $0x38;
	[tilespmem:$0x10A80] =	vst v63  }
0x60: {  	s24 =	simm.s32 $0x7E80;
	s21 =	sadd.s32 $0xF4280, s13  }
0x61: {  	[tilespmem:s24], [sflag:$0x1] =	stream.linear.gather [hbm4b:s21+s3], $0x400, $0x38;
	[tilespmem:$0x10A80] =	vst v63  }
0x62: {  	s31 =	simm.s32 $0x8280;
	s26 =	sadd.s32 $0x1E8500, s13  }
0x63: {  	[tilespmem:s31], [sflag:$0x1] =	stream.linear.gather [hbm4b:s26+s3], $0x400, $0x38;
	[tilespmem:$0x10A80] =	vst v63  }
0x64: {  	s16 =	simm.s32 $0x8680;
	s13 =	sadd.s32 $0x2DC780, s13  }
0x65: {  	[tilespmem:s16], [sflag:$0x1] =	stream.linear.gather [hbm4b:s13+s3], $0x400, $0x38;
	[tilespmem:$0x10A80] =	vst v63  }
0x66: {  	v19 =	vld [tilespmem:$0x8];
	_ =	sdelay $0x4  }
0x67: {  	(v2sf) =	vpush v19, $0x0;
	_ =	sdelay $0x7  }
0x68: {  	(v2sf) =	vpush v19, $0x1;
	_ =	sdelay $0x6  }
0x69: {  	s20 =	spop (v2sf)  }
0x6a: {  	s13 =	sand.u32 $0xFFFFF80, s20  }
0x6b: {  	(v2sf) =	vpush v19, $0x2;
	s13 =	sadd.s32 s2, s13  }
0x6c: {  	[tilespmem:s12], [sflag:$0x2] =	stream.linear.gather [hbm4b:s13+s3], $0x400, $0x38;
	[tilespmem:$0x10A80] =	vst v63  }
0x6d: {  	s24 =	simm.s32 $0x8E80;
	s21 =	sadd.s32 $0xF4280, s13  }
0x6e: {  	[tilespmem:s24], [sflag:$0x2] =	stream.linear.gather [hbm4b:s21+s3], $0x400, $0x38;
	[tilespmem:$0x10A80] =	vst v63  }
0x6f: {  	s31 =	simm.s32 $0x9280;
	s26 =	sadd.s32 $0x1E8500, s13  }
0x70: {  	[tilespmem:s31], [sflag:$0x2] =	stream.linear.gather [hbm4b:s26+s3], $0x400, $0x38;
	[tilespmem:$0x10A80] =	vst v63  }
0x71: {  	s16 =	simm.s32 $0x9680;
	s20 =	spop (v2sf);
	s13 =	sadd.s32 $0x2DC780, s13  }
0x72: {  	[tilespmem:s16], [sflag:$0x2] =	stream.linear.gather [hbm4b:s13+s3], $0x400, $0x38;
	[tilespmem:$0x10A80] =	vst v63  }
0x73: {  	s13 =	sand.u32 $0xFFFFF80, s20  }
0x74: {  	(v2sf) =	vpush v19, $0x3;
	s13 =	sadd.s32 s2, s13  }
0x75: {  	[tilespmem:s17], [sflag:$0x2] =	stream.linear.gather [hbm4b:s13+s3], $0x400, $0x38;
	[tilespmem:$0x10A80] =	vst v63  }
0x76: {  	s24 =	simm.s32 $0x9E80;
	s21 =	sadd.s32 $0xF4280, s13  }
0x77: {  	[tilespmem:s24], [sflag:$0x2] =	stream.linear.gather [hbm4b:s21+s3], $0x400, $0x38;
	[tilespmem:$0x10A80] =	vst v63  }
0x78: {  	s31 =	simm.s32 $0xA280;
	s26 =	sadd.s32 $0x1E8500, s13  }
0x79: {  	[tilespmem:s31], [sflag:$0x2] =	stream.linear.gather [hbm4b:s26+s3], $0x400, $0x38;
	[tilespmem:$0x10A80] =	vst v63  }
0x7a: {  	s16 =	simm.s32 $0xA680;
	s13 =	sadd.s32 $0x2DC780, s13;
	s20 =	spop (v2sf)  }
0x7b: {  	[tilespmem:s16], [sflag:$0x2] =	stream.linear.gather [hbm4b:s13+s3], $0x400, $0x38;
	[tilespmem:$0x10A80] =	vst v63  }
0x7c: {  	s13 =	sand.u32 $0xFFFFF80, s20  }
0x7d: {  	(v2sf) =	vpush v19, $0x4;
	s13 =	sadd.s32 s2, s13  }
0x7e: {  	[tilespmem:s22], [sflag:$0x2] =	stream.linear.gather [hbm4b:s13+s3], $0x400, $0x38;
	[tilespmem:$0x10A80] =	vst v63  }
0x7f: {  	s24 =	simm.s32 $0xAE80;
	s21 =	sadd.s32 $0xF4280, s13  }
0x80: {  	[tilespmem:s24], [sflag:$0x2] =	stream.linear.gather [hbm4b:s21+s3], $0x400, $0x38;
	[tilespmem:$0x10A80] =	vst v63  }
0x81: {  	s31 =	simm.s32 $0xB280;
	s26 =	sadd.s32 $0x1E8500, s13  }
0x82: {  	[tilespmem:s31], [sflag:$0x2] =	stream.linear.gather [hbm4b:s26+s3], $0x400, $0x38;
	[tilespmem:$0x10A80] =	vst v63  }
0x83: {  	s16 =	simm.s32 $0xB680;
	s20 =	spop (v2sf);
	s13 =	sadd.s32 $0x2DC780, s13  }
0x84: {  	[tilespmem:s16], [sflag:$0x2] =	stream.linear.gather [hbm4b:s13+s3], $0x400, $0x38;
	[tilespmem:$0x10A80] =	vst v63  }
0x85: {  	s13 =	sand.u32 $0xFFFFF80, s20  }
0x86: {  	(v2sf) =	vpush v19, $0x5;
	s13 =	sadd.s32 s2, s13  }
0x87: {  	[tilespmem:s29], [sflag:$0x2] =	stream.linear.gather [hbm4b:s13+s3], $0x400, $0x38;
	[tilespmem:$0x10A80] =	vst v63  }
0x88: {  	s24 =	simm.s32 $0xBE80;
	s21 =	sadd.s32 $0xF4280, s13  }
0x89: {  	[tilespmem:s24], [sflag:$0x2] =	stream.linear.gather [hbm4b:s21+s3], $0x400, $0x38;
	[tilespmem:$0x10A80] =	vst v63  }
0x8a: {  	s31 =	simm.s32 $0xC280;
	s26 =	sadd.s32 $0x1E8500, s13  }
0x8b: {  	[tilespmem:s31], [sflag:$0x2] =	stream.linear.gather [hbm4b:s26+s3], $0x400, $0x38;
	[tilespmem:$0x10A80] =	vst v63  }
0x8c: {  	s16 =	simm.s32 $0xC680;
	s13 =	sadd.s32 $0x2DC780, s13;
	s20 =	spop (v2sf)  }
0x8d: {  	(v2sf) =	vpush v19, $0x6;
	[tilespmem:s16], [sflag:$0x2] =	stream.linear.gather [hbm4b:s13+s3], $0x400, $0x38;
	[tilespmem:$0x10A80] =	vst v63  }
0x8e: {  	s13 =	sand.u32 $0xFFFFF80, s20  }
0x8f: {  	s13 =	sadd.s32 s2, s13  }
0x90: {  	[tilespmem:s4], [sflag:$0x2] =	stream.linear.gather [hbm4b:s13+s3], $0x400, $0x38;
	[tilespmem:$0x10A80] =	vst v63  }
0x91: {  	s24 =	simm.s32 $0xCE80;
	s21 =	sadd.s32 $0xF4280, s13  }
0x92: {  	[tilespmem:s24], [sflag:$0x2] =	stream.linear.gather [hbm4b:s21+s3], $0x400, $0x38;
	[tilespmem:$0x10A80] =	vst v63  }
0x93: {  	s31 =	simm.s32 $0xD280;
	s26 =	sadd.s32 $0x1E8500, s13  }
0x94: {  	[tilespmem:s31], [sflag:$0x2] =	stream.linear.gather [hbm4b:s26+s3], $0x400, $0x38;
	[tilespmem:$0x10A80] =	vst v63  }
0x95: {  	s16 =	simm.s32 $0xD680;
	s20 =	spop (v2sf);
	s13 =	sadd.s32 $0x2DC780, s13  }
0x96: {  	[tilespmem:s16], [sflag:$0x2] =	stream.linear.gather [hbm4b:s13+s3], $0x400, $0x38;
	[tilespmem:$0x10A80] =	vst v63  }
0x97: {  	(v2sf) =	vpush v19, $0x7;
	s13 =	sand.u32 $0xFFFFF80, s20  }
0x98: {  	s13 =	sadd.s32 s2, s13  }
0x99: {  	[tilespmem:s10], [sflag:$0x2] =	stream.linear.gather [hbm4b:s13+s3], $0x400, $0x38;
	[tilespmem:$0x10A80] =	vst v63  }
0x9a: {  	s24 =	simm.s32 $0xDE80;
	s31 =	simm.s32 $0xE280;
	s21 =	sadd.s32 $0xF4280, s13  }
0x9b: {  	[tilespmem:s24], [sflag:$0x2] =	stream.linear.gather [hbm4b:s21+s3], $0x400, $0x38;
	[tilespmem:$0x10A80] =	vst v63  }
0x9c: {  	s26 =	sadd.s32 $0x1E8500, s13;
	s13 =	sadd.s32 $0x2DC780, s13;
	s20 =	spop (v2sf)  }
0x9d: {  	[tilespmem:s31], [sflag:$0x2] =	stream.linear.gather [hbm4b:s26+s3], $0x400, $0x38;
	[tilespmem:$0x10A80] =	vst v63  }
0x9e: {  	s21 =	simm.s32 $0xE680;
	s24 =	sand.u32 $0xFFFFF80, s20  }
0x9f: {  	[tilespmem:s21], [sflag:$0x2] =	stream.linear.gather [hbm4b:s13+s3], $0x400, $0x38;
	[tilespmem:$0x10A80] =	vst v63  }
0xa0: {  	s13 =	sadd.s32 s2, s24  }
0xa1: {  	[tilespmem:s18], [sflag:$0x2] =	stream.linear.gather [hbm4b:s13+s3], $0x400, $0x38;
	[tilespmem:$0x10A80] =	vst v63  }
0xa2: {  	s31 =	simm.s32 $0xEE80;
	s26 =	sadd.s32 $0xF4280, s13  }
0xa3: {  	[tilespmem:s31], [sflag:$0x2] =	stream.linear.gather [hbm4b:s26+s3], $0x400, $0x38;
	[tilespmem:$0x10A80] =	vst v63  }
0xa4: {  	s20 =	simm.s32 $0xF280;
	s16 =	sadd.s32 $0x1E8500, s13  }
0xa5: {  	[tilespmem:s20], [sflag:$0x2] =	stream.linear.gather [hbm4b:s16+s3], $0x400, $0x38;
	[tilespmem:$0x10A80] =	vst v63  }
0xa6: {  	s21 =	simm.s32 $0xF680;
	s24 =	spop (v2sf);
	s13 =	sadd.s32 $0x2DC780, s13  }
0xa7: {  	[tilespmem:s21], [sflag:$0x2] =	stream.linear.gather [hbm4b:s13+s3], $0x400, $0x38;
	[tilespmem:$0x10A80] =	vst v63  }
0xa8: {  	s13 =	sand.u32 $0xFFFFF80, s24  }
0xa9: {  	s13 =	sadd.s32 s2, s13  }
0xaa: {  	[tilespmem:s25], [sflag:$0x2] =	stream.linear.gather [hbm4b:s13+s3], $0x400, $0x38;
	[tilespmem:$0x10A80] =	vst v63  }
0xab: {  	s30 =	simm.s32 $0xFE80;
	s26 =	sadd.s32 $0xF4280, s13  }
0xac: {  	[tilespmem:s30], [sflag:$0x2] =	stream.linear.gather [hbm4b:s26+s3], $0x400, $0x38;
	[tilespmem:$0x10A80] =	vst v63  }
0xad: {  	s31 =	sadd.s32 $0x1E8500, s13;
	s26 =	simm.s32 $0x10280  }
0xae: {  	[tilespmem:s26], [sflag:$0x2] =	stream.linear.gather [hbm4b:s31+s3], $0x400, $0x38;
	[tilespmem:$0x10A80] =	vst v63  }
0xaf: {  	s24 =	simm.s32 $0x10680;
	s13 =	sadd.s32 $0x2DC780, s13  }
0xb0: {  	[tilespmem:s24], [sflag:$0x2] =	stream.linear.gather [hbm4b:s13+s3], $0x400, $0x38;
	[tilespmem:$0x10A80] =	vst v63  }
0xb1: {  	p0 =	por $0x1, $0x1;
	s14 =	simm.s32 $0x0;
	s13 =	simm.s32 $0x10  }
.LBB2_2:
0xb2: {  	_ =	swait.ge [sflag:s1], $0x400  }
0xb3: {  	[sflag:s1] =	ssyncset.done $0x0  }
0xb4: {  	[sflag:s1] =	ssyncadd.s32 $0xFFFFFC00  }
0xb5: {  	_ =	swait.ge [sflag:s1], $0x400  }
0xb6: {  	[sflag:s1] =	ssyncset.done $0x0  }
0xb7: {  	[sflag:s1] =	ssyncadd.s32 $0xFFFFFC00  }
0xb8: {  	_ =	swait.ge [sflag:s1], $0x400  }
0xb9: {  	[sflag:s1] =	ssyncset.done $0x0  }
0xba: {  	[sflag:s1] =	ssyncadd.s32 $0xFFFFFC00  }
0xbb: {  	_ =	swait.ge [sflag:s1], $0x400  }
0xbc: {  	[sflag:s1] =	ssyncset.done $0x0  }
0xbd: {  	[sflag:s1] =	ssyncadd.s32 $0xFFFFFC00  }
0xbe: {  	_ =	swait.ge [sflag:s1], $0x400  }
0xbf: {  	[sflag:s1] =	ssyncset.done $0x0  }
0xc0: {  	[sflag:s1] =	ssyncadd.s32 $0xFFFFFC00  }
0xc1: {  	_ =	swait.ge [sflag:s1], $0x400  }
0xc2: {  	[sflag:s1] =	ssyncset.done $0x0  }
0xc3: {  	[sflag:s1] =	ssyncadd.s32 $0xFFFFFC00  }
0xc4: {  	_ =	swait.ge [sflag:s1], $0x400  }
0xc5: {  	[sflag:s1] =	ssyncset.done $0x0  }
0xc6: {  	[sflag:s1] =	ssyncadd.s32 $0xFFFFFC00  }
0xc7: {  	_ =	swait.ge [sflag:s1], $0x400  }
0xc8: {  	[sflag:s1] =	ssyncset.done $0x0  }
0xc9: {  	[sflag:s1] =	ssyncadd.s32 $0xFFFFFC00  }
0xca: {  	_ =	swait.ge [sflag:s1], $0x400  }
0xcb: {  	[sflag:s1] =	ssyncset.done $0x0  }
0xcc: {  	[sflag:s1] =	ssyncadd.s32 $0xFFFFFC00  }
0xcd: {  	_ =	swait.ge [sflag:s1], $0x400  }
0xce: {  	[sflag:s1] =	ssyncset.done $0x0  }
0xcf: {  	[sflag:s1] =	ssyncadd.s32 $0xFFFFFC00  }
0xd0: {  	_ =	swait.ge [sflag:s1], $0x400  }
0xd1: {  	[sflag:s1] =	ssyncset.done $0x0  }
0xd2: {  	[sflag:s1] =	ssyncadd.s32 $0xFFFFFC00  }
0xd3: {  	_ =	swait.ge [sflag:s1], $0x400  }
0xd4: {  	[sflag:s1] =	ssyncset.done $0x0  }
0xd5: {  	[sflag:s1] =	ssyncadd.s32 $0xFFFFFC00  }
0xd6: {  	_ =	swait.ge [sflag:s1], $0x400  }
0xd7: {  	[sflag:s1] =	ssyncset.done $0x0  }
0xd8: {  	[sflag:s1] =	ssyncadd.s32 $0xFFFFFC00  }
0xd9: {  	_ =	swait.ge [sflag:s1], $0x400  }
0xda: {  	[sflag:s1] =	ssyncset.done $0x0  }
0xdb: {  	[sflag:s1] =	ssyncadd.s32 $0xFFFFFC00  }
0xdc: {  	_ =	swait.ge [sflag:s1], $0x400  }
0xdd: {  	[sflag:s1] =	ssyncset.done $0x0  }
0xde: {  	[sflag:s1] =	ssyncadd.s32 $0xFFFFFC00  }
0xdf: {  	_ =	swait.ge [sflag:s1], $0x400  }
0xe0: {  	[sflag:s1] =	ssyncset.done $0x0  }
0xe1: {  	[sflag:s1] =	ssyncadd.s32 $0xFFFFFC00  }
0xe2: {  	_ =	swait.ge [sflag:s1], $0x400  }
0xe3: {  	[sflag:s1] =	ssyncset.done $0x0  }
0xe4: {  	[sflag:s1] =	ssyncadd.s32 $0xFFFFFC00  }
0xe5: {  	_ =	swait.ge [sflag:s1], $0x400  }
0xe6: {  	[sflag:s1] =	ssyncset.done $0x0  }
0xe7: {  	[sflag:s1] =	ssyncadd.s32 $0xFFFFFC00  }
0xe8: {  	_ =	swait.ge [sflag:s1], $0x400  }
0xe9: {  	[sflag:s1] =	ssyncset.done $0x0  }
0xea: {  	[sflag:s1] =	ssyncadd.s32 $0xFFFFFC00  }
0xeb: {  	_ =	swait.ge [sflag:s1], $0x400  }
0xec: {  	[sflag:s1] =	ssyncset.done $0x0  }
0xed: {  	[sflag:s1] =	ssyncadd.s32 $0xFFFFFC00  }
0xee: {  	_ =	swait.ge [sflag:s1], $0x400  }
0xef: {  	[sflag:s1] =	ssyncset.done $0x0  }
0xf0: {  	[sflag:s1] =	ssyncadd.s32 $0xFFFFFC00  }
0xf1: {  	_ =	swait.ge [sflag:s1], $0x400  }
0xf2: {  	[sflag:s1] =	ssyncset.done $0x0  }
0xf3: {  	[sflag:s1] =	ssyncadd.s32 $0xFFFFFC00  }
0xf4: {  	_ =	swait.ge [sflag:s1], $0x400  }
0xf5: {  	[sflag:s1] =	ssyncset.done $0x0  }
0xf6: {  	[sflag:s1] =	ssyncadd.s32 $0xFFFFFC00  }
0xf7: {  	_ =	swait.ge [sflag:s1], $0x400  }
0xf8: {  	[sflag:s1] =	ssyncset.done $0x0  }
0xf9: {  	[sflag:s1] =	ssyncadd.s32 $0xFFFFFC00  }
0xfa: {  	_ =	swait.ge [sflag:s1], $0x400  }
0xfb: {  	[sflag:s1] =	ssyncset.done $0x0  }
0xfc: {  	[sflag:s1] =	ssyncadd.s32 $0xFFFFFC00  }
0xfd: {  	_ =	swait.ge [sflag:s1], $0x400  }
0xfe: {  	[sflag:s1] =	ssyncset.done $0x0  }
0xff: {  	[sflag:s1] =	ssyncadd.s32 $0xFFFFFC00  }
0x100: {  	_ =	swait.ge [sflag:s1], $0x400  }
0x101: {  	[sflag:s1] =	ssyncset.done $0x0  }
0x102: {  	[sflag:s1] =	ssyncadd.s32 $0xFFFFFC00  }
0x103: {  	_ =	swait.ge [sflag:s1], $0x400  }
0x104: {  	[sflag:s1] =	ssyncset.done $0x0  }
0x105: {  	[sflag:s1] =	ssyncadd.s32 $0xFFFFFC00  }
0x106: {  	_ =	swait.ge [sflag:s1], $0x400  }
0x107: {  	[sflag:s1] =	ssyncset.done $0x0  }
0x108: {  	[sflag:s1] =	ssyncadd.s32 $0xFFFFFC00  }
0x109: {  	_ =	swait.ge [sflag:s1], $0x400  }
0x10a: {  	[sflag:s1] =	ssyncset.done $0x0  }
0x10b: {  	[sflag:s1] =	ssyncadd.s32 $0xFFFFFC00  }
0x10c: {  	_ =	swait.ge [sflag:s1], $0x400  }
0x10d: {  	[sflag:s1] =	ssyncset.done $0x0  }
0x10e: {  	[sflag:s1] =	ssyncadd.s32 $0xFFFFFC00  }
0x10f: {  	_ =	swait.ge [sflag:s1], $0x400  }
0x110: {  	[sflag:s1] =	ssyncset.done $0x0  }
0x111: {  	s16 =	simm.s32 @!p0 $0x3;
	[sflag:s1] =	ssyncadd.s32 $0xFFFFFC00  }
0x112: {  	_ =	swait.ge @!p0 [sflag:s16], $0x400  }
0x113: {  	[sflag:s16] =	ssyncset.done @!p0 $0x0  }
0x114: {  	[sflag:s16] =	ssyncadd.s32 @!p0 $0xFFFFFC00  }
0x115: {  	v19 =	vld [tilespmem:s13+$0xFFFFFFF0];
	_ =	sdelay $0x4  }
0x116: {  	(v2sf) =	vpush v19, $0x0;
	_ =	sdelay $0xb  }
0x117: {  	(v2sf) =	vpush v19, $0x1;
	_ =	sdelay $0x2  }
0x118: {  	s31 =	spop (v2sf)  }
0x119: {  	s16 =	sand.u32 $0x7F, s31  }
0x11a: {  	v20 =	vor.u32 s16, v1;
	_ =	sdelay $0x4  }
0x11b: {  	v20 =	vld.idx.msk [tilespmem:v20+s7+$0x0], $0xffff  }
0x11c: {  	v21 =	vor.u32 s16, v3  }
0x11d: {  	(v2sf) =	vpush v19, $0x2;
	_ =	sdelay $0x2  }
0x11e: {  	s20 =	spop (v2sf);
	[tilespmem:v0+s5+$0x0] =	vst.idx.msk $0xffff, v20  }
0x11f: {  	s16 =	sand.u32 $0x7F, s20;
	v20 =	vld.idx.msk [tilespmem:v21+s7+$0x0], $0xffff  }
0x120: {  	v43 =	vor.u32 s16, v1;
	_ =	sdelay $0x3  }
0x121: {  	[tilespmem:v4+s5+$0x0] =	vst.idx.msk $0xffff, v20  }
0x122: {  	v20 =	vld.idx.msk [tilespmem:v43+s11+$0x0], $0xffff  }
0x123: {  	v44 =	vor.u32 s16, v3  }
0x124: {  	(v2sf) =	vpush v19, $0x3;
	_ =	sdelay $0x2  }
0x125: {  	s21 =	spop (v2sf);
	[tilespmem:v5+s5+$0x0] =	vst.idx.msk $0xffff, v20  }
0x126: {  	s16 =	sand.u32 $0x7F, s21;
	v20 =	vld.idx.msk [tilespmem:v44+s11+$0x0], $0xffff  }
0x127: {  	v45 =	vor.u32 s16, v1;
	_ =	sdelay $0x3  }
0x128: {  	[tilespmem:v6+s5+$0x0] =	vst.idx.msk $0xffff, v20  }
0x129: {  	v20 =	vld.idx.msk [tilespmem:v45+s15+$0x0], $0xffff  }
0x12a: {  	v46 =	vor.u32 s16, v3  }
0x12b: {  	(v2sf) =	vpush v19, $0x4;
	_ =	sdelay $0x2  }
0x12c: {  	s31 =	spop (v2sf);
	[tilespmem:v7+s5+$0x0] =	vst.idx.msk $0xffff, v20  }
0x12d: {  	s16 =	sand.u32 $0x7F, s31;
	v20 =	vld.idx.msk [tilespmem:v46+s15+$0x0], $0xffff  }
0x12e: {  	v47 =	vor.u32 s16, v1;
	_ =	sdelay $0x3  }
0x12f: {  	[tilespmem:v8+s5+$0x0] =	vst.idx.msk $0xffff, v20  }
0x130: {  	v20 =	vld.idx.msk [tilespmem:v47+s19+$0x0], $0xffff  }
0x131: {  	v48 =	vor.u32 s16, v3  }
0x132: {  	(v2sf) =	vpush v19, $0x5;
	_ =	sdelay $0x2  }
0x133: {  	s20 =	spop (v2sf);
	[tilespmem:v9+s5+$0x0] =	vst.idx.msk $0xffff, v20  }
0x134: {  	s16 =	sand.u32 $0x7F, s20;
	v20 =	vld.idx.msk [tilespmem:v48+s19+$0x0], $0xffff  }
0x135: {  	v49 =	vor.u32 s16, v1;
	_ =	sdelay $0x3  }
0x136: {  	[tilespmem:v10+s5+$0x0] =	vst.idx.msk $0xffff, v20  }
0x137: {  	v20 =	vld.idx.msk [tilespmem:v49+s23+$0x0], $0xffff  }
0x138: {  	v50 =	vor.u32 s16, v3  }
0x139: {  	(v2sf) =	vpush v19, $0x6;
	_ =	sdelay $0x2  }
0x13a: {  	s21 =	spop (v2sf);
	[tilespmem:v11+s5+$0x0] =	vst.idx.msk $0xffff, v20  }
0x13b: {  	s16 =	sand.u32 $0x7F, s21;
	v20 =	vld.idx.msk [tilespmem:v50+s23+$0x0], $0xffff  }
0x13c: {  	v51 =	vor.u32 s16, v1;
	_ =	sdelay $0x3  }
0x13d: {  	[tilespmem:v12+s5+$0x0] =	vst.idx.msk $0xffff, v20  }
0x13e: {  	v20 =	vld.idx.msk [tilespmem:v51+s28+$0x0], $0xffff  }
0x13f: {  	v52 =	vor.u32 s16, v3  }
0x140: {  	(v2sf) =	vpush v19, $0x7;
	_ =	sdelay $0x2  }
0x141: {  	s31 =	spop (v2sf);
	[tilespmem:v13+s5+$0x0] =	vst.idx.msk $0xffff, v20  }
0x142: {  	s16 =	sand.u32 $0x7F, s31;
	v19 =	vld.idx.msk [tilespmem:v52+s28+$0x0], $0xffff  }
0x143: {  	v20 =	vor.u32 s16, v1;
	_ =	sdelay $0x3  }
0x144: {  	[tilespmem:v14+s5+$0x0] =	vst.idx.msk $0xffff, v19  }
0x145: {  	v19 =	vld.idx.msk [tilespmem:v20+s0+$0x0], $0xffff  }
0x146: {  	v20 =	vor.u32 s16, v3;
	_ =	sdelay $0x3  }
0x147: {  	s20 =	spop (v2sf);
	[tilespmem:v15+s5+$0x0] =	vst.idx.msk $0xffff, v19  }
0x148: {  	s16 =	sand.u32 $0x7F, s20;
	v19 =	vld.idx.msk [tilespmem:v20+s0+$0x0], $0xffff  }
0x149: {  	v20 =	vor.u32 s16, v1;
	_ =	sdelay $0x3  }
0x14a: {  	[tilespmem:v16+s5+$0x0] =	vst.idx.msk $0xffff, v19  }
0x14b: {  	v19 =	vld.idx.msk [tilespmem:v20+s6+$0x0], $0xffff  }
0x14c: {  	v20 =	vor.u32 s16, v3;
	_ =	sdelay $0x3  }
0x14d: {  	[tilespmem:v17+s5+$0x0] =	vst.idx.msk $0xffff, v19  }
0x14e: {  	v19 =	vld.idx.msk [tilespmem:v20+s6+$0x0], $0xffff;
	_ =	sdelay $0x3  }
0x14f: {  	s21 =	rddreg [dreg:$0x4]  }
0x150: {  	s16 =	sadd.s32 s14, s21;
	[tilespmem:v18+s5+$0x0] =	vst.idx.msk $0xffff, v19  }
0x151: {  	[hbm4b:s16+s3] =	stream.linear.scatter [tilespmem:s5], [sflag:$0x3], $0x400, $0x38;
	[tilespmem:$0x10A80] =	vst v63  }
0x152: {  	v19 =	vld [tilespmem:s13+$0x0];
	_ =	sdelay $0x4  }
0x153: {  	(v2sf) =	vpush v19, $0x0;
	_ =	sdelay $0x7  }
0x154: {  	(v2sf) =	vpush v19, $0x1;
	_ =	sdelay $0x6  }
0x155: {  	s20 =	spop (v2sf)  }
0x156: {  	s20 =	sand.u32 $0xFFFFF80, s20  }
0x157: {  	(v2sf) =	vpush v19, $0x2;
	s20 =	sadd.s32 s2, s20  }
0x158: {  	[tilespmem:s7], [sflag:$0x1] =	stream.linear.gather [hbm4b:s20+s3], $0x400, $0x38;
	[tilespmem:$0x10A80] =	vst v63  }
0x159: {  	s31 =	simm.s32 $0xE80;
	s21 =	sadd.s32 $0xF4280, s20  }
0x15a: {  	[tilespmem:s31], [sflag:$0x1] =	stream.linear.gather [hbm4b:s21+s3], $0x400, $0x38;
	[tilespmem:$0x10A80] =	vst v63  }
0x15b: {  	s21 =	sadd.s32 $0x1E8500, s20;
	s31 =	simm.s32 $0x1280  }
0x15c: {  	[tilespmem:s31], [sflag:$0x1] =	stream.linear.gather [hbm4b:s21+s3], $0x400, $0x38;
	[tilespmem:$0x10A80] =	vst v63  }
0x15d: {  	s20 =	sadd.s32 $0x2DC780, s20;
	s31 =	simm.s32 $0x1680;
	s21 =	spop (v2sf)  }
0x15e: {  	[tilespmem:s31], [sflag:$0x1] =	stream.linear.gather [hbm4b:s20+s3], $0x400, $0x38;
	[tilespmem:$0x10A80] =	vst v63  }
0x15f: {  	s20 =	sand.u32 $0xFFFFF80, s21  }
0x160: {  	(v2sf) =	vpush v19, $0x3;
	s20 =	sadd.s32 s2, s20  }
0x161: {  	[tilespmem:s11], [sflag:$0x1] =	stream.linear.gather [hbm4b:s20+s3], $0x400, $0x38;
	[tilespmem:$0x10A80] =	vst v63  }
0x162: {  	s31 =	simm.s32 $0x1E80;
	s21 =	sadd.s32 $0xF4280, s20  }
0x163: {  	[tilespmem:s31], [sflag:$0x1] =	stream.linear.gather [hbm4b:s21+s3], $0x400, $0x38;
	[tilespmem:$0x10A80] =	vst v63  }
0x164: {  	s21 =	sadd.s32 $0x1E8500, s20;
	s31 =	simm.s32 $0x2280  }
0x165: {  	[tilespmem:s31], [sflag:$0x1] =	stream.linear.gather [hbm4b:s21+s3], $0x400, $0x38;
	[tilespmem:$0x10A80] =	vst v63  }
0x166: {  	s20 =	sadd.s32 $0x2DC780, s20;
	s31 =	simm.s32 $0x2680;
	s21 =	spop (v2sf)  }
0x167: {  	[tilespmem:s31], [sflag:$0x1] =	stream.linear.gather [hbm4b:s20+s3], $0x400, $0x38;
	[tilespmem:$0x10A80] =	vst v63  }
0x168: {  	s20 =	sand.u32 $0xFFFFF80, s21  }
0x169: {  	(v2sf) =	vpush v19, $0x4;
	s20 =	sadd.s32 s2, s20  }
0x16a: {  	[tilespmem:s15], [sflag:$0x1] =	stream.linear.gather [hbm4b:s20+s3], $0x400, $0x38;
	[tilespmem:$0x10A80] =	vst v63  }
0x16b: {  	s31 =	simm.s32 $0x2E80;
	s21 =	sadd.s32 $0xF4280, s20  }
0x16c: {  	[tilespmem:s31], [sflag:$0x1] =	stream.linear.gather [hbm4b:s21+s3], $0x400, $0x38;
	[tilespmem:$0x10A80] =	vst v63  }
0x16d: {  	s21 =	sadd.s32 $0x1E8500, s20;
	s31 =	simm.s32 $0x3280  }
0x16e: {  	[tilespmem:s31], [sflag:$0x1] =	stream.linear.gather [hbm4b:s21+s3], $0x400, $0x38;
	[tilespmem:$0x10A80] =	vst v63  }
0x16f: {  	s20 =	sadd.s32 $0x2DC780, s20;
	s31 =	simm.s32 $0x3680;
	s21 =	spop (v2sf)  }
0x170: {  	[tilespmem:s31], [sflag:$0x1] =	stream.linear.gather [hbm4b:s20+s3], $0x400, $0x38;
	[tilespmem:$0x10A80] =	vst v63  }
0x171: {  	s20 =	sand.u32 $0xFFFFF80, s21  }
0x172: {  	(v2sf) =	vpush v19, $0x5;
	s20 =	sadd.s32 s2, s20  }
0x173: {  	[tilespmem:s19], [sflag:$0x1] =	stream.linear.gather [hbm4b:s20+s3], $0x400, $0x38;
	[tilespmem:$0x10A80] =	vst v63  }
0x174: {  	s31 =	simm.s32 $0x3E80;
	s21 =	sadd.s32 $0xF4280, s20  }
0x175: {  	[tilespmem:s31], [sflag:$0x1] =	stream.linear.gather [hbm4b:s21+s3], $0x400, $0x38;
	[tilespmem:$0x10A80] =	vst v63  }
0x176: {  	s21 =	sadd.s32 $0x1E8500, s20;
	s31 =	simm.s32 $0x4280  }
0x177: {  	[tilespmem:s31], [sflag:$0x1] =	stream.linear.gather [hbm4b:s21+s3], $0x400, $0x38;
	[tilespmem:$0x10A80] =	vst v63  }
0x178: {  	s20 =	sadd.s32 $0x2DC780, s20;
	s31 =	simm.s32 $0x4680;
	s21 =	spop (v2sf)  }
0x179: {  	[tilespmem:s31], [sflag:$0x1] =	stream.linear.gather [hbm4b:s20+s3], $0x400, $0x38;
	[tilespmem:$0x10A80] =	vst v63  }
0x17a: {  	s20 =	sand.u32 $0xFFFFF80, s21  }
0x17b: {  	(v2sf) =	vpush v19, $0x6;
	s20 =	sadd.s32 s2, s20  }
0x17c: {  	[tilespmem:s23], [sflag:$0x1] =	stream.linear.gather [hbm4b:s20+s3], $0x400, $0x38;
	[tilespmem:$0x10A80] =	vst v63  }
0x17d: {  	s31 =	simm.s32 $0x4E80;
	s21 =	sadd.s32 $0xF4280, s20  }
0x17e: {  	[tilespmem:s31], [sflag:$0x1] =	stream.linear.gather [hbm4b:s21+s3], $0x400, $0x38;
	[tilespmem:$0x10A80] =	vst v63  }
0x17f: {  	s21 =	sadd.s32 $0x1E8500, s20;
	s31 =	simm.s32 $0x5280  }
0x180: {  	[tilespmem:s31], [sflag:$0x1] =	stream.linear.gather [hbm4b:s21+s3], $0x400, $0x38;
	[tilespmem:$0x10A80] =	vst v63  }
0x181: {  	s20 =	sadd.s32 $0x2DC780, s20;
	s31 =	simm.s32 $0x5680;
	s21 =	spop (v2sf)  }
0x182: {  	[tilespmem:s31], [sflag:$0x1] =	stream.linear.gather [hbm4b:s20+s3], $0x400, $0x38;
	[tilespmem:$0x10A80] =	vst v63  }
0x183: {  	s20 =	sand.u32 $0xFFFFF80, s21  }
0x184: {  	(v2sf) =	vpush v19, $0x7;
	s20 =	sadd.s32 s2, s20  }
0x185: {  	[tilespmem:s28], [sflag:$0x1] =	stream.linear.gather [hbm4b:s20+s3], $0x400, $0x38;
	[tilespmem:$0x10A80] =	vst v63  }
0x186: {  	s31 =	simm.s32 $0x5E80;
	s21 =	sadd.s32 $0xF4280, s20  }
0x187: {  	[tilespmem:s31], [sflag:$0x1] =	stream.linear.gather [hbm4b:s21+s3], $0x400, $0x38;
	[tilespmem:$0x10A80] =	vst v63  }
0x188: {  	s21 =	sadd.s32 $0x1E8500, s20;
	s31 =	simm.s32 $0x6280  }
0x189: {  	[tilespmem:s31], [sflag:$0x1] =	stream.linear.gather [hbm4b:s21+s3], $0x400, $0x38;
	[tilespmem:$0x10A80] =	vst v63  }
0x18a: {  	s20 =	sadd.s32 $0x2DC780, s20;
	s31 =	simm.s32 $0x6680;
	s21 =	spop (v2sf)  }
0x18b: {  	[tilespmem:s31], [sflag:$0x1] =	stream.linear.gather [hbm4b:s20+s3], $0x400, $0x38;
	[tilespmem:$0x10A80] =	vst v63  }
0x18c: {  	s20 =	sand.u32 $0xFFFFF80, s21  }
0x18d: {  	s20 =	sadd.s32 s2, s20  }
0x18e: {  	[tilespmem:s0], [sflag:$0x1] =	stream.linear.gather [hbm4b:s20+s3], $0x400, $0x38;
	[tilespmem:$0x10A80] =	vst v63  }
0x18f: {  	s31 =	simm.s32 $0x6E80;
	s21 =	sadd.s32 $0xF4280, s20  }
0x190: {  	[tilespmem:s31], [sflag:$0x1] =	stream.linear.gather [hbm4b:s21+s3], $0x400, $0x38;
	[tilespmem:$0x10A80] =	vst v63  }
0x191: {  	s21 =	sadd.s32 $0x1E8500, s20;
	s31 =	simm.s32 $0x7280  }
0x192: {  	[tilespmem:s31], [sflag:$0x1] =	stream.linear.gather [hbm4b:s21+s3], $0x400, $0x38;
	[tilespmem:$0x10A80] =	vst v63  }
0x193: {  	s20 =	sadd.s32 $0x2DC780, s20;
	s31 =	simm.s32 $0x7680;
	s21 =	spop (v2sf)  }
0x194: {  	[tilespmem:s31], [sflag:$0x1] =	stream.linear.gather [hbm4b:s20+s3], $0x400, $0x38;
	[tilespmem:$0x10A80] =	vst v63  }
0x195: {  	s20 =	sand.u32 $0xFFFFF80, s21  }
0x196: {  	s20 =	sadd.s32 s2, s20  }
0x197: {  	[tilespmem:s6], [sflag:$0x1] =	stream.linear.gather [hbm4b:s20+s3], $0x400, $0x38;
	[tilespmem:$0x10A80] =	vst v63  }
0x198: {  	s31 =	simm.s32 $0x7E80;
	s21 =	sadd.s32 $0xF4280, s20  }
0x199: {  	[tilespmem:s31], [sflag:$0x1] =	stream.linear.gather [hbm4b:s21+s3], $0x400, $0x38;
	[tilespmem:$0x10A80] =	vst v63  }
0x19a: {  	s21 =	sadd.s32 $0x1E8500, s20;
	s31 =	simm.s32 $0x8280  }
0x19b: {  	[tilespmem:s31], [sflag:$0x1] =	stream.linear.gather [hbm4b:s21+s3], $0x400, $0x38;
	[tilespmem:$0x10A80] =	vst v63  }
0x19c: {  	s20 =	sadd.s32 $0x2DC780, s20;
	s31 =	simm.s32 $0x8680  }
0x19d: {  	[tilespmem:s31], [sflag:$0x1] =	stream.linear.gather [hbm4b:s20+s3], $0x400, $0x38;
	[tilespmem:$0x10A80] =	vst v63  }
0x19e: {  	_ =	swait.ge [sflag:s8], $0x400  }
0x19f: {  	[sflag:s8] =	ssyncset.done $0x0  }
0x1a0: {  	[sflag:s8] =	ssyncadd.s32 $0xFFFFFC00  }
0x1a1: {  	_ =	swait.ge [sflag:s8], $0x400  }
0x1a2: {  	[sflag:s8] =	ssyncset.done $0x0  }
0x1a3: {  	[sflag:s8] =	ssyncadd.s32 $0xFFFFFC00  }
0x1a4: {  	_ =	swait.ge [sflag:s8], $0x400  }
0x1a5: {  	[sflag:s8] =	ssyncset.done $0x0  }
0x1a6: {  	[sflag:s8] =	ssyncadd.s32 $0xFFFFFC00  }
0x1a7: {  	_ =	swait.ge [sflag:s8], $0x400  }
0x1a8: {  	[sflag:s8] =	ssyncset.done $0x0  }
0x1a9: {  	[sflag:s8] =	ssyncadd.s32 $0xFFFFFC00  }
0x1aa: {  	_ =	swait.ge [sflag:s8], $0x400  }
0x1ab: {  	[sflag:s8] =	ssyncset.done $0x0  }
0x1ac: {  	[sflag:s8] =	ssyncadd.s32 $0xFFFFFC00  }
0x1ad: {  	_ =	swait.ge [sflag:s8], $0x400  }
0x1ae: {  	[sflag:s8] =	ssyncset.done $0x0  }
0x1af: {  	[sflag:s8] =	ssyncadd.s32 $0xFFFFFC00  }
0x1b0: {  	_ =	swait.ge [sflag:s8], $0x400  }
0x1b1: {  	[sflag:s8] =	ssyncset.done $0x0  }
0x1b2: {  	[sflag:s8] =	ssyncadd.s32 $0xFFFFFC00  }
0x1b3: {  	_ =	swait.ge [sflag:s8], $0x400  }
0x1b4: {  	[sflag:s8] =	ssyncset.done $0x0  }
0x1b5: {  	[sflag:s8] =	ssyncadd.s32 $0xFFFFFC00  }
0x1b6: {  	_ =	swait.ge [sflag:s8], $0x400  }
0x1b7: {  	[sflag:s8] =	ssyncset.done $0x0  }
0x1b8: {  	[sflag:s8] =	ssyncadd.s32 $0xFFFFFC00  }
0x1b9: {  	_ =	swait.ge [sflag:s8], $0x400  }
0x1ba: {  	[sflag:s8] =	ssyncset.done $0x0  }
0x1bb: {  	[sflag:s8] =	ssyncadd.s32 $0xFFFFFC00  }
0x1bc: {  	_ =	swait.ge [sflag:s8], $0x400  }
0x1bd: {  	[sflag:s8] =	ssyncset.done $0x0  }
0x1be: {  	[sflag:s8] =	ssyncadd.s32 $0xFFFFFC00  }
0x1bf: {  	_ =	swait.ge [sflag:s8], $0x400  }
0x1c0: {  	[sflag:s8] =	ssyncset.done $0x0  }
0x1c1: {  	[sflag:s8] =	ssyncadd.s32 $0xFFFFFC00  }
0x1c2: {  	_ =	swait.ge [sflag:s8], $0x400  }
0x1c3: {  	[sflag:s8] =	ssyncset.done $0x0  }
0x1c4: {  	[sflag:s8] =	ssyncadd.s32 $0xFFFFFC00  }
0x1c5: {  	_ =	swait.ge [sflag:s8], $0x400  }
0x1c6: {  	[sflag:s8] =	ssyncset.done $0x0  }
0x1c7: {  	[sflag:s8] =	ssyncadd.s32 $0xFFFFFC00  }
0x1c8: {  	_ =	swait.ge [sflag:s8], $0x400  }
0x1c9: {  	[sflag:s8] =	ssyncset.done $0x0  }
0x1ca: {  	[sflag:s8] =	ssyncadd.s32 $0xFFFFFC00  }
0x1cb: {  	_ =	swait.ge [sflag:s8], $0x400  }
0x1cc: {  	[sflag:s8] =	ssyncset.done $0x0  }
0x1cd: {  	[sflag:s8] =	ssyncadd.s32 $0xFFFFFC00  }
0x1ce: {  	_ =	swait.ge [sflag:s8], $0x400  }
0x1cf: {  	[sflag:s8] =	ssyncset.done $0x0  }
0x1d0: {  	[sflag:s8] =	ssyncadd.s32 $0xFFFFFC00  }
0x1d1: {  	_ =	swait.ge [sflag:s8], $0x400  }
0x1d2: {  	[sflag:s8] =	ssyncset.done $0x0  }
0x1d3: {  	[sflag:s8] =	ssyncadd.s32 $0xFFFFFC00  }
0x1d4: {  	_ =	swait.ge [sflag:s8], $0x400  }
0x1d5: {  	[sflag:s8] =	ssyncset.done $0x0  }
0x1d6: {  	[sflag:s8] =	ssyncadd.s32 $0xFFFFFC00  }
0x1d7: {  	_ =	swait.ge [sflag:s8], $0x400  }
0x1d8: {  	[sflag:s8] =	ssyncset.done $0x0  }
0x1d9: {  	[sflag:s8] =	ssyncadd.s32 $0xFFFFFC00  }
0x1da: {  	_ =	swait.ge [sflag:s8], $0x400  }
0x1db: {  	[sflag:s8] =	ssyncset.done $0x0  }
0x1dc: {  	[sflag:s8] =	ssyncadd.s32 $0xFFFFFC00  }
0x1dd: {  	_ =	swait.ge [sflag:s8], $0x400  }
0x1de: {  	[sflag:s8] =	ssyncset.done $0x0  }
0x1df: {  	[sflag:s8] =	ssyncadd.s32 $0xFFFFFC00  }
0x1e0: {  	_ =	swait.ge [sflag:s8], $0x400  }
0x1e1: {  	[sflag:s8] =	ssyncset.done $0x0  }
0x1e2: {  	[sflag:s8] =	ssyncadd.s32 $0xFFFFFC00  }
0x1e3: {  	_ =	swait.ge [sflag:s8], $0x400  }
0x1e4: {  	[sflag:s8] =	ssyncset.done $0x0  }
0x1e5: {  	[sflag:s8] =	ssyncadd.s32 $0xFFFFFC00  }
0x1e6: {  	_ =	swait.ge [sflag:s8], $0x400  }
0x1e7: {  	[sflag:s8] =	ssyncset.done $0x0  }
0x1e8: {  	[sflag:s8] =	ssyncadd.s32 $0xFFFFFC00  }
0x1e9: {  	_ =	swait.ge [sflag:s8], $0x400  }
0x1ea: {  	[sflag:s8] =	ssyncset.done $0x0  }
0x1eb: {  	[sflag:s8] =	ssyncadd.s32 $0xFFFFFC00  }
0x1ec: {  	_ =	swait.ge [sflag:s8], $0x400  }
0x1ed: {  	[sflag:s8] =	ssyncset.done $0x0  }
0x1ee: {  	[sflag:s8] =	ssyncadd.s32 $0xFFFFFC00  }
0x1ef: {  	_ =	swait.ge [sflag:s8], $0x400  }
0x1f0: {  	[sflag:s8] =	ssyncset.done $0x0  }
0x1f1: {  	[sflag:s8] =	ssyncadd.s32 $0xFFFFFC00  }
0x1f2: {  	_ =	swait.ge [sflag:s8], $0x400  }
0x1f3: {  	[sflag:s8] =	ssyncset.done $0x0  }
0x1f4: {  	[sflag:s8] =	ssyncadd.s32 $0xFFFFFC00  }
0x1f5: {  	_ =	swait.ge [sflag:s8], $0x400  }
0x1f6: {  	[sflag:s8] =	ssyncset.done $0x0  }
0x1f7: {  	[sflag:s8] =	ssyncadd.s32 $0xFFFFFC00  }
0x1f8: {  	_ =	swait.ge [sflag:s8], $0x400  }
0x1f9: {  	[sflag:s8] =	ssyncset.done $0x0  }
0x1fa: {  	[sflag:s8] =	ssyncadd.s32 $0xFFFFFC00  }
0x1fb: {  	_ =	swait.ge [sflag:s8], $0x400  }
0x1fc: {  	[sflag:s8] =	ssyncset.done $0x0  }
0x1fd: {  	s20 =	simm.s32 @!p0 $0x4;
	[sflag:s8] =	ssyncadd.s32 $0xFFFFFC00  }
0x1fe: {  	_ =	swait.ge @!p0 [sflag:s20], $0x400  }
0x1ff: {  	[sflag:s20] =	ssyncset.done @!p0 $0x0  }
0x200: {  	[sflag:s20] =	ssyncadd.s32 @!p0 $0xFFFFFC00  }
0x201: {  	v19 =	vld [tilespmem:s13+$0xFFFFFFF8];
	_ =	sdelay $0x4  }
0x202: {  	(v2sf) =	vpush v19, $0x0;
	_ =	sdelay $0xb  }
0x203: {  	(v2sf) =	vpush v19, $0x1;
	_ =	sdelay $0x2  }
0x204: {  	s21 =	spop (v2sf)  }
0x205: {  	s20 =	sand.u32 $0x7F, s21  }
0x206: {  	v20 =	vor.u32 s20, v1;
	_ =	sdelay $0x4  }
0x207: {  	v20 =	vld.idx.msk [tilespmem:v20+s12+$0x0], $0xffff  }
0x208: {  	v53 =	vor.u32 s20, v3  }
0x209: {  	(v2sf) =	vpush v19, $0x2;
	_ =	sdelay $0x2  }
0x20a: {  	s31 =	spop (v2sf);
	[tilespmem:v0+s9+$0x0] =	vst.idx.msk $0xffff, v20  }
0x20b: {  	s20 =	sand.u32 $0x7F, s31;
	v20 =	vld.idx.msk [tilespmem:v53+s12+$0x0], $0xffff  }
0x20c: {  	v54 =	vor.u32 s20, v1;
	_ =	sdelay $0x3  }
0x20d: {  	[tilespmem:v4+s9+$0x0] =	vst.idx.msk $0xffff, v20  }
0x20e: {  	v20 =	vld.idx.msk [tilespmem:v54+s17+$0x0], $0xffff  }
0x20f: {  	v55 =	vor.u32 s20, v3  }
0x210: {  	(v2sf) =	vpush v19, $0x3;
	_ =	sdelay $0x2  }
0x211: {  	s21 =	spop (v2sf);
	[tilespmem:v5+s9+$0x0] =	vst.idx.msk $0xffff, v20  }
0x212: {  	s20 =	sand.u32 $0x7F, s21;
	v20 =	vld.idx.msk [tilespmem:v55+s17+$0x0], $0xffff  }
0x213: {  	v56 =	vor.u32 s20, v1;
	_ =	sdelay $0x3  }
0x214: {  	[tilespmem:v6+s9+$0x0] =	vst.idx.msk $0xffff, v20  }
0x215: {  	v20 =	vld.idx.msk [tilespmem:v56+s22+$0x0], $0xffff  }
0x216: {  	v57 =	vor.u32 s20, v3  }
0x217: {  	(v2sf) =	vpush v19, $0x4;
	_ =	sdelay $0x2  }
0x218: {  	s31 =	spop (v2sf);
	[tilespmem:v7+s9+$0x0] =	vst.idx.msk $0xffff, v20  }
0x219: {  	s20 =	sand.u32 $0x7F, s31;
	v20 =	vld.idx.msk [tilespmem:v57+s22+$0x0], $0xffff  }
0x21a: {  	v58 =	vor.u32 s20, v1;
	_ =	sdelay $0x3  }
0x21b: {  	[tilespmem:v8+s9+$0x0] =	vst.idx.msk $0xffff, v20  }
0x21c: {  	v20 =	vld.idx.msk [tilespmem:v58+s29+$0x0], $0xffff  }
0x21d: {  	v59 =	vor.u32 s20, v3  }
0x21e: {  	(v2sf) =	vpush v19, $0x5;
	_ =	sdelay $0x2  }
0x21f: {  	s21 =	spop (v2sf);
	[tilespmem:v9+s9+$0x0] =	vst.idx.msk $0xffff, v20  }
0x220: {  	s20 =	sand.u32 $0x7F, s21;
	v20 =	vld.idx.msk [tilespmem:v59+s29+$0x0], $0xffff  }
0x221: {  	v60 =	vor.u32 s20, v1;
	_ =	sdelay $0x3  }
0x222: {  	[tilespmem:v10+s9+$0x0] =	vst.idx.msk $0xffff, v20  }
0x223: {  	v20 =	vld.idx.msk [tilespmem:v60+s4+$0x0], $0xffff  }
0x224: {  	v61 =	vor.u32 s20, v3  }
0x225: {  	(v2sf) =	vpush v19, $0x6;
	_ =	sdelay $0x2  }
0x226: {  	s31 =	spop (v2sf);
	[tilespmem:v11+s9+$0x0] =	vst.idx.msk $0xffff, v20  }
0x227: {  	s20 =	sand.u32 $0x7F, s31;
	v20 =	vld.idx.msk [tilespmem:v61+s4+$0x0], $0xffff  }
0x228: {  	v62 =	vor.u32 s20, v1;
	_ =	sdelay $0x3  }
0x229: {  	[tilespmem:v12+s9+$0x0] =	vst.idx.msk $0xffff, v20  }
0x22a: {  	v20 =	vld.idx.msk [tilespmem:v62+s10+$0x0], $0xffff  }
0x22b: {  	v63 =	vor.u32 s20, v3  }
0x22c: {  	(v2sf) =	vpush v19, $0x7;
	_ =	sdelay $0x2  }
0x22d: {  	s21 =	spop (v2sf);
	[tilespmem:v13+s9+$0x0] =	vst.idx.msk $0xffff, v20  }
0x22e: {  	s20 =	sand.u32 $0x7F, s21;
	v19 =	vld.idx.msk [tilespmem:v63+s10+$0x0], $0xffff  }
0x22f: {  	v20 =	vor.u32 s20, v1;
	_ =	sdelay $0x3  }
0x230: {  	[tilespmem:v14+s9+$0x0] =	vst.idx.msk $0xffff, v19  }
0x231: {  	v19 =	vld.idx.msk [tilespmem:v20+s18+$0x0], $0xffff  }
0x232: {  	v20 =	vor.u32 s20, v3;
	_ =	sdelay $0x3  }
0x233: {  	s31 =	spop (v2sf);
	[tilespmem:v15+s9+$0x0] =	vst.idx.msk $0xffff, v19  }
0x234: {  	s20 =	sand.u32 $0x7F, s31;
	v19 =	vld.idx.msk [tilespmem:v20+s18+$0x0], $0xffff  }
0x235: {  	v20 =	vor.u32 s20, v1;
	_ =	sdelay $0x3  }
0x236: {  	[tilespmem:v16+s9+$0x0] =	vst.idx.msk $0xffff, v19  }
0x237: {  	v19 =	vld.idx.msk [tilespmem:v20+s25+$0x0], $0xffff  }
0x238: {  	v20 =	vor.u32 s20, v3;
	_ =	sdelay $0x3  }
0x239: {  	[tilespmem:v17+s9+$0x0] =	vst.idx.msk $0xffff, v19  }
0x23a: {  	v19 =	vld.idx.msk [tilespmem:v20+s25+$0x0], $0xffff;
	_ =	sdelay $0x4  }
0x23b: {  	s16 =	sadd.s32 $0x80, s16;
	[tilespmem:v18+s9+$0x0] =	vst.idx.msk $0xffff, v19  }
0x23c: {  	[hbm4b:s16+s3] =	stream.linear.scatter [tilespmem:s9], [sflag:$0x4], $0x400, $0x38;
	[tilespmem:$0x10A80] =	vst v63  }
0x23d: {  	v19 =	vld [tilespmem:s13+$0x8];
	_ =	sdelay $0x4  }
0x23e: {  	(v2sf) =	vpush v19, $0x0;
	_ =	sdelay $0x7  }
0x23f: {  	(v2sf) =	vpush v19, $0x1;
	_ =	sdelay $0x6  }
0x240: {  	s20 =	spop (v2sf)  }
0x241: {  	s16 =	sand.u32 $0xFFFFF80, s20  }
0x242: {  	(v2sf) =	vpush v19, $0x2;
	s16 =	sadd.s32 s2, s16  }
0x243: {  	[tilespmem:s12], [sflag:$0x2] =	stream.linear.gather [hbm4b:s16+s3], $0x400, $0x38;
	[tilespmem:$0x10A80] =	vst v63  }
0x244: {  	s31 =	simm.s32 $0x8E80;
	s21 =	sadd.s32 $0xF4280, s16  }
0x245: {  	[tilespmem:s31], [sflag:$0x2] =	stream.linear.gather [hbm4b:s21+s3], $0x400, $0x38;
	[tilespmem:$0x10A80] =	vst v63  }
0x246: {  	s21 =	sadd.s32 $0x1E8500, s16;
	s31 =	simm.s32 $0x9280  }
0x247: {  	[tilespmem:s31], [sflag:$0x2] =	stream.linear.gather [hbm4b:s21+s3], $0x400, $0x38;
	[tilespmem:$0x10A80] =	vst v63  }
0x248: {  	s20 =	spop (v2sf);
	s16 =	sadd.s32 $0x2DC780, s16;
	s31 =	simm.s32 $0x9680  }
0x249: {  	[tilespmem:s31], [sflag:$0x2] =	stream.linear.gather [hbm4b:s16+s3], $0x400, $0x38;
	[tilespmem:$0x10A80] =	vst v63  }
0x24a: {  	s16 =	sand.u32 $0xFFFFF80, s20  }
0x24b: {  	(v2sf) =	vpush v19, $0x3;
	s16 =	sadd.s32 s2, s16  }
0x24c: {  	[tilespmem:s17], [sflag:$0x2] =	stream.linear.gather [hbm4b:s16+s3], $0x400, $0x38;
	[tilespmem:$0x10A80] =	vst v63  }
0x24d: {  	s31 =	simm.s32 $0x9E80;
	s21 =	sadd.s32 $0xF4280, s16  }
0x24e: {  	[tilespmem:s31], [sflag:$0x2] =	stream.linear.gather [hbm4b:s21+s3], $0x400, $0x38;
	[tilespmem:$0x10A80] =	vst v63  }
0x24f: {  	s21 =	sadd.s32 $0x1E8500, s16;
	s31 =	simm.s32 $0xA280  }
0x250: {  	[tilespmem:s31], [sflag:$0x2] =	stream.linear.gather [hbm4b:s21+s3], $0x400, $0x38;
	[tilespmem:$0x10A80] =	vst v63  }
0x251: {  	s16 =	sadd.s32 $0x2DC780, s16;
	s31 =	simm.s32 $0xA680;
	s20 =	spop (v2sf)  }
0x252: {  	[tilespmem:s31], [sflag:$0x2] =	stream.linear.gather [hbm4b:s16+s3], $0x400, $0x38;
	[tilespmem:$0x10A80] =	vst v63  }
0x253: {  	s16 =	sand.u32 $0xFFFFF80, s20  }
0x254: {  	(v2sf) =	vpush v19, $0x4;
	s16 =	sadd.s32 s2, s16  }
0x255: {  	[tilespmem:s22], [sflag:$0x2] =	stream.linear.gather [hbm4b:s16+s3], $0x400, $0x38;
	[tilespmem:$0x10A80] =	vst v63  }
0x256: {  	s31 =	simm.s32 $0xAE80;
	s21 =	sadd.s32 $0xF4280, s16  }
0x257: {  	[tilespmem:s31], [sflag:$0x2] =	stream.linear.gather [hbm4b:s21+s3], $0x400, $0x38;
	[tilespmem:$0x10A80] =	vst v63  }
0x258: {  	s21 =	sadd.s32 $0x1E8500, s16;
	s31 =	simm.s32 $0xB280  }
0x259: {  	[tilespmem:s31], [sflag:$0x2] =	stream.linear.gather [hbm4b:s21+s3], $0x400, $0x38;
	[tilespmem:$0x10A80] =	vst v63  }
0x25a: {  	s20 =	spop (v2sf);
	s16 =	sadd.s32 $0x2DC780, s16;
	s31 =	simm.s32 $0xB680  }
0x25b: {  	[tilespmem:s31], [sflag:$0x2] =	stream.linear.gather [hbm4b:s16+s3], $0x400, $0x38;
	[tilespmem:$0x10A80] =	vst v63  }
0x25c: {  	s16 =	sand.u32 $0xFFFFF80, s20  }
0x25d: {  	(v2sf) =	vpush v19, $0x5;
	s16 =	sadd.s32 s2, s16  }
0x25e: {  	[tilespmem:s29], [sflag:$0x2] =	stream.linear.gather [hbm4b:s16+s3], $0x400, $0x38;
	[tilespmem:$0x10A80] =	vst v63  }
0x25f: {  	s31 =	simm.s32 $0xBE80;
	s21 =	sadd.s32 $0xF4280, s16  }
0x260: {  	[tilespmem:s31], [sflag:$0x2] =	stream.linear.gather [hbm4b:s21+s3], $0x400, $0x38;
	[tilespmem:$0x10A80] =	vst v63  }
0x261: {  	s21 =	sadd.s32 $0x1E8500, s16;
	s31 =	simm.s32 $0xC280  }
0x262: {  	[tilespmem:s31], [sflag:$0x2] =	stream.linear.gather [hbm4b:s21+s3], $0x400, $0x38;
	[tilespmem:$0x10A80] =	vst v63  }
0x263: {  	s16 =	sadd.s32 $0x2DC780, s16;
	s20 =	spop (v2sf);
	s31 =	simm.s32 $0xC680  }
0x264: {  	[tilespmem:s31], [sflag:$0x2] =	stream.linear.gather [hbm4b:s16+s3], $0x400, $0x38;
	[tilespmem:$0x10A80] =	vst v63  }
0x265: {  	(v2sf) =	vpush v19, $0x6;
	s16 =	sand.u32 $0xFFFFF80, s20  }
0x266: {  	s16 =	sadd.s32 s2, s16  }
0x267: {  	[tilespmem:s4], [sflag:$0x2] =	stream.linear.gather [hbm4b:s16+s3], $0x400, $0x38;
	[tilespmem:$0x10A80] =	vst v63  }
0x268: {  	s31 =	simm.s32 $0xCE80;
	s21 =	sadd.s32 $0xF4280, s16  }
0x269: {  	[tilespmem:s31], [sflag:$0x2] =	stream.linear.gather [hbm4b:s21+s3], $0x400, $0x38;
	[tilespmem:$0x10A80] =	vst v63  }
0x26a: {  	s21 =	sadd.s32 $0x1E8500, s16;
	s31 =	simm.s32 $0xD280  }
0x26b: {  	[tilespmem:s31], [sflag:$0x2] =	stream.linear.gather [hbm4b:s21+s3], $0x400, $0x38;
	[tilespmem:$0x10A80] =	vst v63  }
0x26c: {  	s20 =	spop (v2sf);
	s16 =	sadd.s32 $0x2DC780, s16;
	s31 =	simm.s32 $0xD680  }
0x26d: {  	[tilespmem:s31], [sflag:$0x2] =	stream.linear.gather [hbm4b:s16+s3], $0x400, $0x38;
	[tilespmem:$0x10A80] =	vst v63  }
0x26e: {  	s16 =	sand.u32 $0xFFFFF80, s20  }
0x26f: {  	(v2sf) =	vpush v19, $0x7;
	s16 =	sadd.s32 s2, s16  }
0x270: {  	[tilespmem:s10], [sflag:$0x2] =	stream.linear.gather [hbm4b:s16+s3], $0x400, $0x38;
	[tilespmem:$0x10A80] =	vst v63  }
0x271: {  	s31 =	simm.s32 $0xDE80;
	s21 =	sadd.s32 $0xF4280, s16  }
0x272: {  	[tilespmem:s31], [sflag:$0x2] =	stream.linear.gather [hbm4b:s21+s3], $0x400, $0x38;
	[tilespmem:$0x10A80] =	vst v63  }
0x273: {  	s21 =	sadd.s32 $0x1E8500, s16  }
0x274: {  	s31 =	simm.s32 $0xE280;
	s20 =	spop (v2sf);
	s16 =	sadd.s32 $0x2DC780, s16  }
0x275: {  	[tilespmem:s31], [sflag:$0x2] =	stream.linear.gather [hbm4b:s21+s3], $0x400, $0x38;
	[tilespmem:$0x10A80] =	vst v63  }
0x276: {  	s20 =	sand.u32 $0xFFFFF80, s20;
	s31 =	simm.s32 $0xE680  }
0x277: {  	[tilespmem:s31], [sflag:$0x2] =	stream.linear.gather [hbm4b:s16+s3], $0x400, $0x38;
	[tilespmem:$0x10A80] =	vst v63  }
0x278: {  	s16 =	sadd.s32 s2, s20  }
0x279: {  	[tilespmem:s18], [sflag:$0x2] =	stream.linear.gather [hbm4b:s16+s3], $0x400, $0x38;
	[tilespmem:$0x10A80] =	vst v63  }
0x27a: {  	s31 =	simm.s32 $0xEE80;
	s21 =	sadd.s32 $0xF4280, s16  }
0x27b: {  	[tilespmem:s31], [sflag:$0x2] =	stream.linear.gather [hbm4b:s21+s3], $0x400, $0x38;
	[tilespmem:$0x10A80] =	vst v63  }
0x27c: {  	s21 =	sadd.s32 $0x1E8500, s16;
	s31 =	simm.s32 $0xF280  }
0x27d: {  	[tilespmem:s31], [sflag:$0x2] =	stream.linear.gather [hbm4b:s21+s3], $0x400, $0x38;
	[tilespmem:$0x10A80] =	vst v63  }
0x27e: {  	s20 =	spop (v2sf);
	s16 =	sadd.s32 $0x2DC780, s16;
	s31 =	simm.s32 $0xF680  }
0x27f: {  	[tilespmem:s31], [sflag:$0x2] =	stream.linear.gather [hbm4b:s16+s3], $0x400, $0x38;
	[tilespmem:$0x10A80] =	vst v63  }
0x280: {  	s16 =	sand.u32 $0xFFFFF80, s20  }
0x281: {  	s14 =	sadd.s32 $0x100, s14;
	s16 =	sadd.s32 s2, s16  }
0x282: {  	[tilespmem:s25], [sflag:$0x2] =	stream.linear.gather [hbm4b:s16+s3], $0x400, $0x38;
	[tilespmem:$0x10A80] =	vst v63  }
0x283: {  	p1 =	sne.s32 s14, $0x2000;
	s21 =	sadd.s32 $0xF4280, s16  }
0x284: {  	[tilespmem:s30], [sflag:$0x2] =	stream.linear.gather [hbm4b:s21+s3], $0x400, $0x38;
	[tilespmem:$0x10A80] =	vst v63  }
.Ltmp0:
0x285: {  	_ = 	snop;
	(pc) =	sbr.rel @p1 .LBB2_2-.Ltmp0, $4  }
0x286: {  	s31 =	sadd.s32 $0x1E8500, s16  }
0x287: {  	[tilespmem:s26], [sflag:$0x2] =	stream.linear.gather [hbm4b:s31+s3], $0x400, $0x38;
	[tilespmem:$0x10A80] =	vst v63  }
0x288: {  	p0 =	por $0x0, $0x0;
	s13 =	sadd.s32 $0x10, s13;
	s16 =	sadd.s32 $0x2DC780, s16  }
0x289: {  	[tilespmem:s24], [sflag:$0x2] =	stream.linear.gather [hbm4b:s16+s3], $0x400, $0x38;
	[tilespmem:$0x10A80] =	vst v63  }
0x28a: {  	_ =	swait.ge [sflag:s1], $0x400  }
0x28b: {  	[sflag:s1] =	ssyncset.done $0x0  }
0x28c: {  	[sflag:s1] =	ssyncadd.s32 $0xFFFFFC00  }
0x28d: {  	_ =	swait.ge [sflag:s1], $0x400  }
0x28e: {  	[sflag:s1] =	ssyncset.done $0x0  }
0x28f: {  	[sflag:s1] =	ssyncadd.s32 $0xFFFFFC00  }
0x290: {  	_ =	swait.ge [sflag:s1], $0x400  }
0x291: {  	[sflag:s1] =	ssyncset.done $0x0  }
0x292: {  	[sflag:s1] =	ssyncadd.s32 $0xFFFFFC00  }
0x293: {  	_ =	swait.ge [sflag:s1], $0x400  }
0x294: {  	[sflag:s1] =	ssyncset.done $0x0  }
0x295: {  	[sflag:s1] =	ssyncadd.s32 $0xFFFFFC00  }
0x296: {  	_ =	swait.ge [sflag:s1], $0x400  }
0x297: {  	[sflag:s1] =	ssyncset.done $0x0  }
0x298: {  	[sflag:s1] =	ssyncadd.s32 $0xFFFFFC00  }
0x299: {  	_ =	swait.ge [sflag:s1], $0x400  }
0x29a: {  	[sflag:s1] =	ssyncset.done $0x0  }
0x29b: {  	[sflag:s1] =	ssyncadd.s32 $0xFFFFFC00  }
0x29c: {  	_ =	swait.ge [sflag:s1], $0x400  }
0x29d: {  	[sflag:s1] =	ssyncset.done $0x0  }
0x29e: {  	[sflag:s1] =	ssyncadd.s32 $0xFFFFFC00  }
0x29f: {  	_ =	swait.ge [sflag:s1], $0x400  }
0x2a0: {  	[sflag:s1] =	ssyncset.done $0x0  }
0x2a1: {  	[sflag:s1] =	ssyncadd.s32 $0xFFFFFC00  }
0x2a2: {  	_ =	swait.ge [sflag:s1], $0x400  }
0x2a3: {  	[sflag:s1] =	ssyncset.done $0x0  }
0x2a4: {  	[sflag:s1] =	ssyncadd.s32 $0xFFFFFC00  }
0x2a5: {  	_ =	swait.ge [sflag:s1], $0x400  }
0x2a6: {  	[sflag:s1] =	ssyncset.done $0x0  }
0x2a7: {  	[sflag:s1] =	ssyncadd.s32 $0xFFFFFC00  }
0x2a8: {  	_ =	swait.ge [sflag:s1], $0x400  }
0x2a9: {  	[sflag:s1] =	ssyncset.done $0x0  }
0x2aa: {  	[sflag:s1] =	ssyncadd.s32 $0xFFFFFC00  }
0x2ab: {  	_ =	swait.ge [sflag:s1], $0x400  }
0x2ac: {  	[sflag:s1] =	ssyncset.done $0x0  }
0x2ad: {  	[sflag:s1] =	ssyncadd.s32 $0xFFFFFC00  }
0x2ae: {  	_ =	swait.ge [sflag:s1], $0x400  }
0x2af: {  	[sflag:s1] =	ssyncset.done $0x0  }
0x2b0: {  	[sflag:s1] =	ssyncadd.s32 $0xFFFFFC00  }
0x2b1: {  	_ =	swait.ge [sflag:s1], $0x400  }
0x2b2: {  	[sflag:s1] =	ssyncset.done $0x0  }
0x2b3: {  	[sflag:s1] =	ssyncadd.s32 $0xFFFFFC00  }
0x2b4: {  	_ =	swait.ge [sflag:s1], $0x400  }
0x2b5: {  	[sflag:s1] =	ssyncset.done $0x0  }
0x2b6: {  	[sflag:s1] =	ssyncadd.s32 $0xFFFFFC00  }
0x2b7: {  	_ =	swait.ge [sflag:s1], $0x400  }
0x2b8: {  	[sflag:s1] =	ssyncset.done $0x0  }
0x2b9: {  	[sflag:s1] =	ssyncadd.s32 $0xFFFFFC00  }
0x2ba: {  	_ =	swait.ge [sflag:s1], $0x400  }
0x2bb: {  	[sflag:s1] =	ssyncset.done $0x0  }
0x2bc: {  	[sflag:s1] =	ssyncadd.s32 $0xFFFFFC00  }
0x2bd: {  	_ =	swait.ge [sflag:s1], $0x400  }
0x2be: {  	[sflag:s1] =	ssyncset.done $0x0  }
0x2bf: {  	[sflag:s1] =	ssyncadd.s32 $0xFFFFFC00  }
0x2c0: {  	_ =	swait.ge [sflag:s1], $0x400  }
0x2c1: {  	[sflag:s1] =	ssyncset.done $0x0  }
0x2c2: {  	[sflag:s1] =	ssyncadd.s32 $0xFFFFFC00  }
0x2c3: {  	_ =	swait.ge [sflag:s1], $0x400  }
0x2c4: {  	[sflag:s1] =	ssyncset.done $0x0  }
0x2c5: {  	[sflag:s1] =	ssyncadd.s32 $0xFFFFFC00  }
0x2c6: {  	_ =	swait.ge [sflag:s1], $0x400  }
0x2c7: {  	[sflag:s1] =	ssyncset.done $0x0  }
0x2c8: {  	[sflag:s1] =	ssyncadd.s32 $0xFFFFFC00  }
0x2c9: {  	_ =	swait.ge [sflag:s1], $0x400  }
0x2ca: {  	[sflag:s1] =	ssyncset.done $0x0  }
0x2cb: {  	[sflag:s1] =	ssyncadd.s32 $0xFFFFFC00  }
0x2cc: {  	_ =	swait.ge [sflag:s1], $0x400  }
0x2cd: {  	[sflag:s1] =	ssyncset.done $0x0  }
0x2ce: {  	[sflag:s1] =	ssyncadd.s32 $0xFFFFFC00  }
0x2cf: {  	_ =	swait.ge [sflag:s1], $0x400  }
0x2d0: {  	[sflag:s1] =	ssyncset.done $0x0  }
0x2d1: {  	[sflag:s1] =	ssyncadd.s32 $0xFFFFFC00  }
0x2d2: {  	_ =	swait.ge [sflag:s1], $0x400  }
0x2d3: {  	[sflag:s1] =	ssyncset.done $0x0  }
0x2d4: {  	[sflag:s1] =	ssyncadd.s32 $0xFFFFFC00  }
0x2d5: {  	_ =	swait.ge [sflag:s1], $0x400  }
0x2d6: {  	[sflag:s1] =	ssyncset.done $0x0  }
0x2d7: {  	[sflag:s1] =	ssyncadd.s32 $0xFFFFFC00  }
0x2d8: {  	_ =	swait.ge [sflag:s1], $0x400  }
0x2d9: {  	[sflag:s1] =	ssyncset.done $0x0  }
0x2da: {  	[sflag:s1] =	ssyncadd.s32 $0xFFFFFC00  }
0x2db: {  	_ =	swait.ge [sflag:s1], $0x400  }
0x2dc: {  	[sflag:s1] =	ssyncset.done $0x0  }
0x2dd: {  	[sflag:s1] =	ssyncadd.s32 $0xFFFFFC00  }
0x2de: {  	_ =	swait.ge [sflag:s1], $0x400  }
0x2df: {  	[sflag:s1] =	ssyncset.done $0x0  }
0x2e0: {  	[sflag:s1] =	ssyncadd.s32 $0xFFFFFC00  }
0x2e1: {  	_ =	swait.ge [sflag:s1], $0x400  }
0x2e2: {  	[sflag:s1] =	ssyncset.done $0x0  }
0x2e3: {  	[sflag:s1] =	ssyncadd.s32 $0xFFFFFC00  }
0x2e4: {  	_ =	swait.ge [sflag:s1], $0x400  }
0x2e5: {  	[sflag:s1] =	ssyncset.done $0x0  }
0x2e6: {  	[sflag:s1] =	ssyncadd.s32 $0xFFFFFC00  }
0x2e7: {  	_ =	swait.ge [sflag:s1], $0x400  }
0x2e8: {  	[sflag:s1] =	ssyncset.done $0x0  }
0x2e9: {  	[sflag:s1] =	ssyncadd.s32 $0xFFFFFC00  }
0x2ea: {  	_ =	swait.ge [sflag:s8], $0x400  }
0x2eb: {  	[sflag:s8] =	ssyncset.done $0x0  }
0x2ec: {  	[sflag:s8] =	ssyncadd.s32 $0xFFFFFC00  }
0x2ed: {  	_ =	swait.ge [sflag:s8], $0x400  }
0x2ee: {  	[sflag:s8] =	ssyncset.done $0x0  }
0x2ef: {  	[sflag:s8] =	ssyncadd.s32 $0xFFFFFC00  }
0x2f0: {  	_ =	swait.ge [sflag:s8], $0x400  }
0x2f1: {  	[sflag:s8] =	ssyncset.done $0x0  }
0x2f2: {  	[sflag:s8] =	ssyncadd.s32 $0xFFFFFC00  }
0x2f3: {  	_ =	swait.ge [sflag:s8], $0x400  }
0x2f4: {  	[sflag:s8] =	ssyncset.done $0x0  }
0x2f5: {  	[sflag:s8] =	ssyncadd.s32 $0xFFFFFC00  }
0x2f6: {  	_ =	swait.ge [sflag:s8], $0x400  }
0x2f7: {  	[sflag:s8] =	ssyncset.done $0x0  }
0x2f8: {  	[sflag:s8] =	ssyncadd.s32 $0xFFFFFC00  }
0x2f9: {  	_ =	swait.ge [sflag:s8], $0x400  }
0x2fa: {  	[sflag:s8] =	ssyncset.done $0x0  }
0x2fb: {  	[sflag:s8] =	ssyncadd.s32 $0xFFFFFC00  }
0x2fc: {  	_ =	swait.ge [sflag:s8], $0x400  }
0x2fd: {  	[sflag:s8] =	ssyncset.done $0x0  }
0x2fe: {  	[sflag:s8] =	ssyncadd.s32 $0xFFFFFC00  }
0x2ff: {  	_ =	swait.ge [sflag:s8], $0x400  }
0x300: {  	[sflag:s8] =	ssyncset.done $0x0  }
0x301: {  	[sflag:s8] =	ssyncadd.s32 $0xFFFFFC00  }
0x302: {  	_ =	swait.ge [sflag:s8], $0x400  }
0x303: {  	[sflag:s8] =	ssyncset.done $0x0  }
0x304: {  	[sflag:s8] =	ssyncadd.s32 $0xFFFFFC00  }
0x305: {  	_ =	swait.ge [sflag:s8], $0x400  }
0x306: {  	[sflag:s8] =	ssyncset.done $0x0  }
0x307: {  	[sflag:s8] =	ssyncadd.s32 $0xFFFFFC00  }
0x308: {  	_ =	swait.ge [sflag:s8], $0x400  }
0x309: {  	[sflag:s8] =	ssyncset.done $0x0  }
0x30a: {  	[sflag:s8] =	ssyncadd.s32 $0xFFFFFC00  }
0x30b: {  	_ =	swait.ge [sflag:s8], $0x400  }
0x30c: {  	[sflag:s8] =	ssyncset.done $0x0  }
0x30d: {  	[sflag:s8] =	ssyncadd.s32 $0xFFFFFC00  }
0x30e: {  	_ =	swait.ge [sflag:s8], $0x400  }
0x30f: {  	[sflag:s8] =	ssyncset.done $0x0  }
0x310: {  	[sflag:s8] =	ssyncadd.s32 $0xFFFFFC00  }
0x311: {  	_ =	swait.ge [sflag:s8], $0x400  }
0x312: {  	[sflag:s8] =	ssyncset.done $0x0  }
0x313: {  	[sflag:s8] =	ssyncadd.s32 $0xFFFFFC00  }
0x314: {  	_ =	swait.ge [sflag:s8], $0x400  }
0x315: {  	[sflag:s8] =	ssyncset.done $0x0  }
0x316: {  	[sflag:s8] =	ssyncadd.s32 $0xFFFFFC00  }
0x317: {  	_ =	swait.ge [sflag:s8], $0x400  }
0x318: {  	[sflag:s8] =	ssyncset.done $0x0  }
0x319: {  	[sflag:s8] =	ssyncadd.s32 $0xFFFFFC00  }
0x31a: {  	_ =	swait.ge [sflag:s8], $0x400  }
0x31b: {  	[sflag:s8] =	ssyncset.done $0x0  }
0x31c: {  	[sflag:s8] =	ssyncadd.s32 $0xFFFFFC00  }
0x31d: {  	_ =	swait.ge [sflag:s8], $0x400  }
0x31e: {  	[sflag:s8] =	ssyncset.done $0x0  }
0x31f: {  	[sflag:s8] =	ssyncadd.s32 $0xFFFFFC00  }
0x320: {  	_ =	swait.ge [sflag:s8], $0x400  }
0x321: {  	[sflag:s8] =	ssyncset.done $0x0  }
0x322: {  	[sflag:s8] =	ssyncadd.s32 $0xFFFFFC00  }
0x323: {  	_ =	swait.ge [sflag:s8], $0x400  }
0x324: {  	[sflag:s8] =	ssyncset.done $0x0  }
0x325: {  	[sflag:s8] =	ssyncadd.s32 $0xFFFFFC00  }
0x326: {  	_ =	swait.ge [sflag:s8], $0x400  }
0x327: {  	[sflag:s8] =	ssyncset.done $0x0  }
0x328: {  	[sflag:s8] =	ssyncadd.s32 $0xFFFFFC00  }
0x329: {  	_ =	swait.ge [sflag:s8], $0x400  }
0x32a: {  	[sflag:s8] =	ssyncset.done $0x0  }
0x32b: {  	[sflag:s8] =	ssyncadd.s32 $0xFFFFFC00  }
0x32c: {  	_ =	swait.ge [sflag:s8], $0x400  }
0x32d: {  	[sflag:s8] =	ssyncset.done $0x0  }
0x32e: {  	[sflag:s8] =	ssyncadd.s32 $0xFFFFFC00  }
0x32f: {  	_ =	swait.ge [sflag:s8], $0x400  }
0x330: {  	[sflag:s8] =	ssyncset.done $0x0  }
0x331: {  	[sflag:s8] =	ssyncadd.s32 $0xFFFFFC00  }
0x332: {  	_ =	swait.ge [sflag:s8], $0x400  }
0x333: {  	[sflag:s8] =	ssyncset.done $0x0  }
0x334: {  	[sflag:s8] =	ssyncadd.s32 $0xFFFFFC00  }
0x335: {  	_ =	swait.ge [sflag:s8], $0x400  }
0x336: {  	[sflag:s8] =	ssyncset.done $0x0  }
0x337: {  	[sflag:s8] =	ssyncadd.s32 $0xFFFFFC00  }
0x338: {  	_ =	swait.ge [sflag:s8], $0x400  }
0x339: {  	[sflag:s8] =	ssyncset.done $0x0  }
0x33a: {  	[sflag:s8] =	ssyncadd.s32 $0xFFFFFC00  }
0x33b: {  	_ =	swait.ge [sflag:s8], $0x400  }
0x33c: {  	[sflag:s8] =	ssyncset.done $0x0  }
0x33d: {  	[sflag:s8] =	ssyncadd.s32 $0xFFFFFC00  }
0x33e: {  	_ =	swait.ge [sflag:s8], $0x400  }
0x33f: {  	[sflag:s8] =	ssyncset.done $0x0  }
0x340: {  	[sflag:s8] =	ssyncadd.s32 $0xFFFFFC00  }
0x341: {  	_ =	swait.ge [sflag:s8], $0x400  }
0x342: {  	[sflag:s8] =	ssyncset.done $0x0  }
0x343: {  	[sflag:s8] =	ssyncadd.s32 $0xFFFFFC00  }
0x344: {  	_ =	swait.ge [sflag:s8], $0x400  }
0x345: {  	[sflag:s8] =	ssyncset.done $0x0  }
0x346: {  	[sflag:s8] =	ssyncadd.s32 $0xFFFFFC00  }
0x347: {  	_ =	swait.ge [sflag:s8], $0x400  }
0x348: {  	[sflag:s8] =	ssyncset.done $0x0  }
0x349: {  	s13 =	simm.s32 $0x3;
	[sflag:s8] =	ssyncadd.s32 $0xFFFFFC00  }
0x34a: {  	_ =	swait.ge [sflag:s13], $0x400  }
0x34b: {  	[sflag:s13] =	ssyncset.done $0x0  }
0x34c: {  	s14 =	simm.s32 $0x4;
	[sflag:s13] =	ssyncadd.s32 $0xFFFFFC00  }
0x34d: {  	_ =	swait.ge [sflag:s14], $0x400  }
0x34e: {  	s16 =	rddreg [dreg:$0x7]  }
0x34f: {  	s26 =	rddreg [dreg:$0x6];
	s16 =	sadd.s32 $0x1, s16  }
0x350: {  	p0 =	sne.s32 s16, s26  }
.Ltmp1:
0x351: {  	_ = 	snop;
	(pc) =	sbr.rel @p0 .LBB2_1-.Ltmp1, $4  }
0x352: {  	s20 =	simm.s32 $0x1280  }
0x353: {  	s21 =	simm.s32 $0x1680;
	s24 =	simm.s32 $0x1E80;
	[sflag:s14] =	ssyncset.done $0x0  }
0x354: {  	s30 =	simm.s32 $0x2680;
	s31 =	simm.s32 $0x2E80;
	[sflag:s14] =	ssyncadd.s32 $0xFFFFFC00  }
0x355: {  	[dreg:$0x7] =	wrdreg s16;
	s16 =	simm.s32 $0xE80;
	s26 =	simm.s32 $0x2280  }
0x356: {  	_ =	sfence.sel $0x180000  }
0x357: {  	[bflag:$0x0] =	sbarrier.arrive $0xFFFF  }
0x358: {  	_ =	strace $0x90000047  }
0x359: {  	s0 =	stileid.u32;
	[bflag:$0x2] =	sbarrier.arrive $0xFFFF  }
0x35a: {  	p0 =	sne.s32 s0, $0x0;
	s0 =	rddreg [dreg:$0x3]  }
0x35b: {  	s0 =	sadd.s32 @!p0 $0x100000, s0  }
0x35c: {  	[sflag:s0] =	ssyncadd.tile.s32 @!p0 $0x1;
	_ =	shalt  }
.Lfunc_end2:
_tile_overlayer_lowered:
.L_overlay_start_2:
0x35d: {  	(tag) =	ssettag $0x2  }
0x35e: {  	s0 =	rddreg [dreg:$0x0];
	s2 =	stileid.u32  }
0x35f: {  	s1 =	rddreg [dreg:$0x1];
	p0 =	sne.s32 s2, $0x0  }
0x360: {  	s3 =	rddreg [dreg:$0x2];
	[bflag:$0x3] =	sbarrier.arrive $0xFFFF;
	s2 =	simm.s32 @!p0 $0x1C05  }
0x361: {  	[timem:s3], [sflag:s2] =	dma.local @!p0 [hbm:s0], s1  }
0x362: {  	s0 =	simm.s32 @!p0 $0x5  }
0x363: {  	_ =	swait.ge @!p0 [sflag:s0], s1  }
0x364: {  	s1 =	ssub.s32 @!p0 $0x0, s1;
	[sflag:s0] =	ssyncset.done @!p0 $0x0  }
0x365: {  	[sflag:s0] =	ssyncadd.s32 @!p0 s1  }
0x366: {  	[bflag:$0x3] =	sbarrier.arrive $0xFFFF  }
0x367: {  	_ =	shalt  }

</sc_bundles>
